<compile_context>
chip_gen: v7x
topology: tpu7x:2x2x1
jax: 0.10.2.dev20260603
libtpu: 0.0.44.dev20260713+nightly
codegen_flags: <defaults>
</compile_context>

<pallas_src>
import functools

import jax
import jax.numpy as jnp
from jax import lax
from jax.experimental import pallas as pl
from jax.experimental.pallas import tpu as pltpu
from jax.experimental.pallas import tpu_sc as plsc

DIM = 32
GRP = 128
TPAD = 131
NBUF = 2

_info = plsc.get_sparse_core_info()
_NC, _NS = _info.num_cores, _info.num_subcores
_NW = _NC * _NS


@functools.partial(jax.jit, static_argnums=(2, 3))
def _sc_gather(ids_lin, table_lin, seq, nb):
    n_groups = seq * nb
    per_w = n_groups // _NW
    mesh = plsc.VectorSubcoreMesh(core_axis_name="c", subcore_axis_name="s")

    @functools.partial(
        pl.kernel,
        out_type=jax.ShapeDtypeStruct((seq, DIM // 8, nb, 8, GRP), jnp.float32),
        mesh=mesh,
        scratch_types=(
            [pltpu.VMEM((per_w * GRP,), jnp.int32)]
            + [pltpu.VMEM((GRP, DIM), jnp.float32) for _ in range(NBUF)]
            + [pltpu.VMEM((DIM, TPAD), jnp.float32) for _ in range(NBUF)]
            + [pltpu.SemaphoreType.DMA for _ in range(2 * NBUF)]
        ),
        compiler_params=pltpu.CompilerParams(
            use_tc_tiling_on_sc=False, needs_layout_passes=False),
    )
    def k(ids_hbm, tab_hbm, out_hbm, idx_v, *rest):
        rows = rest[:NBUF]
        tiles = rest[NBUF:2 * NBUF]
        gsems = rest[2 * NBUF:3 * NBUF]
        ssems = rest[3 * NBUF:]
        wid = lax.axis_index("s") * _NC + lax.axis_index("c")
        gbase = wid * per_w
        pltpu.sync_copy(ids_hbm.at[pl.ds(gbase * GRP, per_w * GRP)], idx_v)

        iota16 = lax.broadcasted_iota(jnp.int32, (16,), 0)
        dvec = [iota16 + 16 * h for h in range(2)]
        zero16 = jnp.zeros((16,), jnp.int32)

        def gather(g, q):
            pltpu.async_copy(
                tab_hbm.at[idx_v.at[pl.ds(g * GRP, GRP)]], rows[q], gsems[q])

        def gather_wait(q):
            pltpu.make_async_copy(
                tab_hbm.at[pl.ds(0, GRP)], rows[q], gsems[q]).wait()

        def transpose(q, p):
            rv, tv = rows[q], tiles[p]
            for b in range(GRP):
                bidx = zero16 + b
                for h in range(2):
                    v = rv[b, pl.ds(16 * h, 16)]
                    plsc.store_scatter(tv, [dvec[h], bidx], v)

        def store(g, p):
            s = (gbase + g) // nb
            b = (gbase + g) % nb
            for j in range(DIM // 8):
                pltpu.async_copy(
                    tiles[p].at[pl.ds(8 * j, 8), pl.ds(0, GRP)],
                    out_hbm.at[s, j, b], ssems[p])

        def store_wait(p):
            for j in range(DIM // 8):
                pltpu.make_async_copy(
                    tiles[p].at[pl.ds(8 * j, 8), pl.ds(0, GRP)],
                    out_hbm.at[0, j, 0], ssems[p]).wait()

        for q in range(NBUF):
            gather(q, q)

        def body(i, carry):
            for u in range(NBUF):
                g = NBUF * i + u
                q = p = u
                gather_wait(q)

                @pl.when(g >= NBUF)
                def _():
                    store_wait(p)

                transpose(q, p)

                @pl.when(g + NBUF < per_w)
                def _():
                    gather(g + NBUF, q)

                store(g, p)
            return carry

        lax.fori_loop(0, per_w // NBUF, body, 0)
        for p in range(NBUF):
            store_wait(p)

    return k(ids_lin, table_lin)


def kernel(input_ids, table):
    bsz, seq = input_ids.shape
    nb = bsz // GRP
    ids_lin = (input_ids * 4).T.reshape(-1)
    padded = jnp.pad(table, ((0, 0), (0, GRP - DIM)))
    table_lin = padded.reshape(-1, DIM)
    arr = _sc_gather(ids_lin, table_lin, seq, nb)
    out = arr.transpose(2, 4, 0, 1, 3).reshape(bsz, seq, DIM)
    return out

# --- scband reference (transcript-rebuilt; emitter-appended) ---
"""Pipeline reference for scband-token-basic-embedding-59639915872499 (READ-ONLY COPY).

The authoritative reference and input builder live on the scoring server;
editing this copy changes nothing except your own understanding.
"""

import jax, jax.numpy as jnp
import numpy as np

VOCAB = 1000000
DIM = 32
BATCH = 4096
SEQ = 200


def setup_inputs(seed: int = 0) -> dict:
    key = jax.random.key(seed)
    k_ids, k_tab = jax.random.split(key)
    input_ids = jax.random.randint(k_ids, (BATCH, SEQ), 0, VOCAB, dtype=jnp.int64 if jax.config.jax_enable_x64 else jnp.int32)
    table = jax.random.normal(k_tab, (VOCAB, DIM), dtype=jnp.float32) * 0.02
    return {"input_ids": input_ids, "table": table}


def reference(input_ids, table):
    # TokenBasicEmbedding with no act/norm/dropout/pos configured:
    # just an embedding gather.
    embeddings = jnp.take(table, input_ids, axis=0)
    return embeddings

if __name__ == "__main__":
    import jax
    _d = setup_inputs()
    print(jax.jit(kernel)(*tuple(_d.values())))

</pallas_src>

<mosaic_0001>
#map = affine_map<(d0, d1) -> (0)>
#map1 = affine_map<(d0, d1) -> (0, 0)>
#map2 = affine_map<(d0, d1) -> (0, 0, 0, 0, 0)>
module attributes {stable_mosaic.version = 14 : i64} {
  func.func @k(%arg0: i32, %arg1: i32, %arg2: memref<819200xi32, #tpu.memory_space<hbm>>, %arg3: memref<4000000x32xf32, #tpu.memory_space<hbm>>, %arg4: memref<200x4x32x8x128xf32, #tpu.memory_space<hbm>>, %arg5: memref<25600xi32, #tpu.memory_space<vmem>>, %arg6: memref<128x32xf32, #tpu.memory_space<vmem>>, %arg7: memref<128x32xf32, #tpu.memory_space<vmem>>, %arg8: memref<32x131xf32, #tpu.memory_space<vmem>>, %arg9: memref<32x131xf32, #tpu.memory_space<vmem>>, %arg10: memref<!tpu.dma_semaphore, #tpu.memory_space<semaphore_mem>>, %arg11: memref<!tpu.dma_semaphore, #tpu.memory_space<semaphore_mem>>, %arg12: memref<!tpu.dma_semaphore, #tpu.memory_space<semaphore_mem>>, %arg13: memref<!tpu.dma_semaphore, #tpu.memory_space<semaphore_mem>>) attributes {dimension_semantics = [#tpu.dimension_semantics<core_parallel>, #tpu.dimension_semantics<subcore_parallel>], iteration_bounds = array<i64: 2, 16>, scalar_prefetch = 0 : i64, scratch_operands = 9 : i64, tpu.core_type = #tpu.core_type<sc_vector_subcore>, window_params = [{transform_indices = #map}, {transform_indices = #map1}, {transform_indices = #map2}]} {
    %mul3A = arith.constant 2 : i32
    %mul3A_0 = arith.muli %arg1, %mul3A : i32
    %add3A = arith.addi %mul3A_0, %arg0 : i32
    %mul3A_1 = arith.constant 200 : i32
    %mul3A_2 = arith.muli %add3A, %mul3A_1 : i32
    %mul3A_3 = arith.constant 128 : i32
    %mul3A_4 = arith.muli %mul3A_2, %mul3A_3 : i32
    "tpu.region"() ({
      %run_scoped3A = tpu.sem_alloc : memref<!tpu.dma_semaphore, #tpu.memory_space<semaphore_mem>>
      %dma_start3A_161 = tpu.memref_slice %arg2[%mul3A_4] : memref<819200xi32, #tpu.memory_space<hbm>> -> memref<25600xi32, #tpu.memory_space<hbm>>
      %dma_start3A_162 = tpu.memref_slice %arg2[%mul3A_4] : memref<819200xi32, #tpu.memory_space<hbm>> -> memref<25600xi32, #tpu.memory_space<hbm>>
      tpu.enqueue_dma source(%dma_start3A_162 : memref<25600xi32, #tpu.memory_space<hbm>>) target(%arg5 : memref<25600xi32, #tpu.memory_space<vmem>>) target_semaphore(%run_scoped3A : memref<!tpu.dma_semaphore, #tpu.memory_space<semaphore_mem>>)
      %dma_wait3A_163 = tpu.memref_slice %arg2[%mul3A_4] : memref<819200xi32, #tpu.memory_space<hbm>> -> memref<25600xi32, #tpu.memory_space<hbm>>
      %dma_wait3A_164 = tpu.memref_slice %arg2[%mul3A_4] : memref<819200xi32, #tpu.memory_space<hbm>> -> memref<25600xi32, #tpu.memory_space<hbm>>
      tpu.wait_dma2 semaphore(%run_scoped3A : memref<!tpu.dma_semaphore, #tpu.memory_space<semaphore_mem>>) src(%dma_wait3A_164 : memref<25600xi32, #tpu.memory_space<hbm>>) dst(%arg5 : memref<25600xi32, #tpu.memory_space<vmem>>)
      tpu.yield
    }) : () -> ()
    %iota3A = tpu.iota {dimensions = array<i32: 0>} : vector<16xi32>
    %add3A_5 = arith.constant 0 : i32
    %add3A_6 = vector.broadcast %add3A_5 : i32 to vector<16xi32>
    %add3A_7 = arith.addi %iota3A, %add3A_6 : vector<16xi32>
    %add3A_8 = arith.constant 16 : i32
    %add3A_9 = vector.broadcast %add3A_8 : i32 to vector<16xi32>
    %add3A_10 = arith.addi %iota3A, %add3A_9 : vector<16xi32>
    %broadcast_in_dim3A = arith.constant 0 : i32
    %broadcast_in_dim3A_11 = vector.broadcast %broadcast_in_dim3A : i32 to vector<16xi32>
    %dma_start3A = arith.constant 0 : i32
    %dma_start3A_12 = tpu.memref_slice %arg5[%dma_start3A] : memref<25600xi32, #tpu.memory_space<vmem>> -> memref<128xi32, #tpu.memory_space<vmem>>
    %dma_start3A_13 = arith.constant 0 : i32
    %dma_start3A_14 = arith.constant 0 : i32
    %dma_start3A_15 = tpu.memref_slice %arg3[%dma_start3A_13, %dma_start3A_14] : memref<4000000x32xf32, #tpu.memory_space<hbm>> -> memref<4000000x32xf32, #tpu.memory_space<hbm>>
    tpu.enqueue_indirect_dma source(%dma_start3A_15 : memref<4000000x32xf32, #tpu.memory_space<hbm>>) target(%arg6 : memref<128x32xf32, #tpu.memory_space<vmem>>) offsets(%dma_start3A_12 : memref<128xi32, #tpu.memory_space<vmem>>) semaphore(%arg10 : memref<!tpu.dma_semaphore, #tpu.memory_space<semaphore_mem>>)
    %dma_start3A_16 = arith.constant 128 : i32
    %dma_start3A_17 = tpu.memref_slice %arg5[%dma_start3A_16] : memref<25600xi32, #tpu.memory_space<vmem>> -> memref<128xi32, #tpu.memory_space<vmem>>
    %dma_start3A_18 = arith.constant 0 : i32
    %dma_start3A_19 = arith.constant 0 : i32
    %dma_start3A_20 = tpu.memref_slice %arg3[%dma_start3A_18, %dma_start3A_19] : memref<4000000x32xf32, #tpu.memory_space<hbm>> -> memref<4000000x32xf32, #tpu.memory_space<hbm>>
    tpu.enqueue_indirect_dma source(%dma_start3A_20 : memref<4000000x32xf32, #tpu.memory_space<hbm>>) target(%arg7 : memref<128x32xf32, #tpu.memory_space<vmem>>) offsets(%dma_start3A_17 : memref<128xi32, #tpu.memory_space<vmem>>) semaphore(%arg11 : memref<!tpu.dma_semaphore, #tpu.memory_space<semaphore_mem>>)
    %scan3A = arith.constant 0 : i32
    %scan3A_21 = arith.constant 0 : i32
    %scan3A_22 = arith.constant 100 : i32
    %scan3A_23 = arith.addi %scan3A_21, %scan3A_22 : i32
    %scan3A_24 = arith.constant 1 : i32
    scf.for %scan3A_161 = %scan3A_21 to %scan3A_23 step %scan3A_24  : i32 {
      %mul3A_162 = arith.constant 2 : i32
      %mul3A_163 = arith.muli %mul3A_162, %scan3A_161 : i32
      %add3A_164 = arith.constant 0 : i32
      %add3A_165 = arith.addi %mul3A_163, %add3A_164 : i32
      %dma_wait3A_166 = arith.constant 0 : i32
      %dma_wait3A_167 = arith.constant 0 : i32
      %dma_wait3A_168 = tpu.memref_slice %arg3[%dma_wait3A_166, %dma_wait3A_167] : memref<4000000x32xf32, #tpu.memory_space<hbm>> -> memref<128x32xf32, #tpu.memory_space<hbm>>
      %dma_wait3A_169 = arith.constant 0 : i32
      %dma_wait3A_170 = arith.constant 0 : i32
      %dma_wait3A_171 = tpu.memref_slice %arg3[%dma_wait3A_169, %dma_wait3A_170] : memref<4000000x32xf32, #tpu.memory_space<hbm>> -> memref<128x32xf32, #tpu.memory_space<hbm>>
      tpu.wait_dma2 semaphore(%arg10 : memref<!tpu.dma_semaphore, #tpu.memory_space<semaphore_mem>>) src(%dma_wait3A_171 : memref<128x32xf32, #tpu.memory_space<hbm>>) dst(%arg6 : memref<128x32xf32, #tpu.memory_space<vmem>>)
      %ge3A = arith.constant 2 : i32
      %ge3A_172 = arith.cmpi sge, %add3A_165, %ge3A : i32
      %convert_element_type3A = arith.extui %ge3A_172 : i1 to i32
      %cond3A = arith.constant 0 : i32
      %cond3A_173 = arith.cmpi ne, %convert_element_type3A, %cond3A : i32
      scf.if %cond3A_173 {
        %dma_wait3A_3212 = arith.constant 0 : i32
        %dma_wait3A_3213 = arith.constant 0 : i32
        %dma_wait3A_3214 = arith.constant 0 : i32
        %dma_wait3A_3215 = arith.constant 0 : i32
        %dma_wait3A_3216 = arith.constant 0 : i32
        %dma_wait3A_3217 = tpu.memref_slice %arg8[%dma_wait3A_3215, %dma_wait3A_3216] : memref<32x131xf32, #tpu.memory_space<vmem>> -> memref<8x128xf32, #tpu.memory_space<vmem>>
        %dma_wait3A_3218 = arith.constant 0 : i32
        %dma_wait3A_3219 = arith.constant 0 : i32
        %dma_wait3A_3220 = tpu.memref_slice %arg4[%dma_wait3A_3212, %dma_wait3A_3213, %dma_wait3A_3214, %dma_wait3A_3218, %dma_wait3A_3219] : memref<200x4x32x8x128xf32, #tpu.memory_space<hbm>> -> memref<1x1x1x8x128xf32, #tpu.memory_space<hbm>>
        %dma_wait3A_3221 = tpu.memref_squeeze %dma_wait3A_3220 : memref<1x1x1x8x128xf32, #tpu.memory_space<hbm>> -> memref<8x128xf32, #tpu.memory_space<hbm>>
        %dma_wait3A_3222 = arith.constant 0 : i32
        %dma_wait3A_3223 = arith.constant 0 : i32
        %dma_wait3A_3224 = tpu.memref_slice %arg4[%dma_wait3A_3212, %dma_wait3A_3213, %dma_wait3A_3214, %dma_wait3A_3222, %dma_wait3A_3223] : memref<200x4x32x8x128xf32, #tpu.memory_space<hbm>> -> memref<1x1x1x8x128xf32, #tpu.memory_space<hbm>>
        %dma_wait3A_3225 = tpu.memref_squeeze %dma_wait3A_3224 : memref<1x1x1x8x128xf32, #tpu.memory_space<hbm>> -> memref<8x128xf32, #tpu.memory_space<hbm>>
        %dma_wait3A_3226 = arith.constant 0 : i32
        %dma_wait3A_3227 = arith.constant 0 : i32
        %dma_wait3A_3228 = tpu.memref_slice %arg8[%dma_wait3A_3226, %dma_wait3A_3227] : memref<32x131xf32, #tpu.memory_space<vmem>> -> memref<8x128xf32, #tpu.memory_space<vmem>>
        tpu.wait_dma2 semaphore(%arg12 : memref<!tpu.dma_semaphore, #tpu.memory_space<semaphore_mem>>) src(%dma_wait3A_3228 : memref<8x128xf32, #tpu.memory_space<vmem>>) dst(%dma_wait3A_3225 : memref<8x128xf32, #tpu.memory_space<hbm>>)
        %dma_wait3A_3229 = arith.constant 0 : i32
        %dma_wait3A_3230 = arith.constant 1 : i32
        %dma_wait3A_3231 = arith.constant 0 : i32
        %dma_wait3A_3232 = arith.constant 8 : i32
        %dma_wait3A_3233 = arith.constant 0 : i32
        %dma_wait3A_3234 = tpu.memref_slice %arg8[%dma_wait3A_3232, %dma_wait3A_3233] : memref<32x131xf32, #tpu.memory_space<vmem>> -> memref<8x128xf32, #tpu.memory_space<vmem>>
        %dma_wait3A_3235 = arith.constant 0 : i32
        %dma_wait3A_3236 = arith.constant 0 : i32
        %dma_wait3A_3237 = tpu.memref_slice %arg4[%dma_wait3A_3229, %dma_wait3A_3230, %dma_wait3A_3231, %dma_wait3A_3235, %dma_wait3A_3236] : memref<200x4x32x8x128xf32, #tpu.memory_space<hbm>> -> memref<1x1x1x8x128xf32, #tpu.memory_space<hbm>>
        %dma_wait3A_3238 = tpu.memref_squeeze %dma_wait3A_3237 : memref<1x1x1x8x128xf32, #tpu.memory_space<hbm>> -> memref<8x128xf32, #tpu.memory_space<hbm>>
        %dma_wait3A_3239 = arith.constant 0 : i32
        %dma_wait3A_3240 = arith.constant 0 : i32
        %dma_wait3A_3241 = tpu.memref_slice %arg4[%dma_wait3A_3229, %dma_wait3A_3230, %dma_wait3A_3231, %dma_wait3A_3239, %dma_wait3A_3240] : memref<200x4x32x8x128xf32, #tpu.memory_space<hbm>> -> memref<1x1x1x8x128xf32, #tpu.memory_space<hbm>>
        %dma_wait3A_3242 = tpu.memref_squeeze %dma_wait3A_3241 : memref<1x1x1x8x128xf32, #tpu.memory_space<hbm>> -> memref<8x128xf32, #tpu.memory_space<hbm>>
        %dma_wait3A_3243 = arith.constant 8 : i32
        %dma_wait3A_3244 = arith.constant 0 : i32
        %dma_wait3A_3245 = tpu.memref_slice %arg8[%dma_wait3A_3243, %dma_wait3A_3244] : memref<32x131xf32, #tpu.memory_space<vmem>> -> memref<8x128xf32, #tpu.memory_space<vmem>>
        tpu.wait_dma2 semaphore(%arg12 : memref<!tpu.dma_semaphore, #tpu.memory_space<semaphore_mem>>) src(%dma_wait3A_3245 : memref<8x128xf32, #tpu.memory_space<vmem>>) dst(%dma_wait3A_3242 : memref<8x128xf32, #tpu.memory_space<hbm>>)
        %dma_wait3A_3246 = arith.constant 0 : i32
        %dma_wait3A_3247 = arith.constant 2 : i32
        %dma_wait3A_3248 = arith.constant 0 : i32
        %dma_wait3A_3249 = arith.constant 16 : i32
        %dma_wait3A_3250 = arith.constant 0 : i32
        %dma_wait3A_3251 = tpu.memref_slice %arg8[%dma_wait3A_3249, %dma_wait3A_3250] : memref<32x131xf32, #tpu.memory_space<vmem>> -> memref<8x128xf32, #tpu.memory_space<vmem>>
        %dma_wait3A_3252 = arith.constant 0 : i32
        %dma_wait3A_3253 = arith.constant 0 : i32
        %dma_wait3A_3254 = tpu.memref_slice %arg4[%dma_wait3A_3246, %dma_wait3A_3247, %dma_wait3A_3248, %dma_wait3A_3252, %dma_wait3A_3253] : memref<200x4x32x8x128xf32, #tpu.memory_space<hbm>> -> memref<1x1x1x8x128xf32, #tpu.memory_space<hbm>>
        %dma_wait3A_3255 = tpu.memref_squeeze %dma_wait3A_3254 : memref<1x1x1x8x128xf32, #tpu.memory_space<hbm>> -> memref<8x128xf32, #tpu.memory_space<hbm>>
        %dma_wait3A_3256 = arith.constant 0 : i32
        %dma_wait3A_3257 = arith.constant 0 : i32
        %dma_wait3A_3258 = tpu.memref_slice %arg4[%dma_wait3A_3246, %dma_wait3A_3247, %dma_wait3A_3248, %dma_wait3A_3256, %dma_wait3A_3257] : memref<200x4x32x8x128xf32, #tpu.memory_space<hbm>> -> memref<1x1x1x8x128xf32, #tpu.memory_space<hbm>>
        %dma_wait3A_3259 = tpu.memref_squeeze %dma_wait3A_3258 : memref<1x1x1x8x128xf32, #tpu.memory_space<hbm>> -> memref<8x128xf32, #tpu.memory_space<hbm>>
        %dma_wait3A_3260 = arith.constant 16 : i32
        %dma_wait3A_3261 = arith.constant 0 : i32
        %dma_wait3A_3262 = tpu.memref_slice %arg8[%dma_wait3A_3260, %dma_wait3A_3261] : memref<32x131xf32, #tpu.memory_space<vmem>> -> memref<8x128xf32, #tpu.memory_space<vmem>>
        tpu.wait_dma2 semaphore(%arg12 : memref<!tpu.dma_semaphore, #tpu.memory_space<semaphore_mem>>) src(%dma_wait3A_3262 : memref<8x128xf32, #tpu.memory_space<vmem>>) dst(%dma_wait3A_3259 : memref<8x128xf32, #tpu.memory_space<hbm>>)
        %dma_wait3A_3263 = arith.constant 0 : i32
        %dma_wait3A_3264 = arith.constant 3 : i32
        %dma_wait3A_3265 = arith.constant 0 : i32
        %dma_wait3A_3266 = arith.constant 24 : i32
        %dma_wait3A_3267 = arith.constant 0 : i32
        %dma_wait3A_3268 = tpu.memref_slice %arg8[%dma_wait3A_3266, %dma_wait3A_3267] : memref<32x131xf32, #tpu.memory_space<vmem>> -> memref<8x128xf32, #tpu.memory_space<vmem>>
        %dma_wait3A_3269 = arith.constant 0 : i32
        %dma_wait3A_3270 = arith.constant 0 : i32
        %dma_wait3A_3271 = tpu.memref_slice %arg4[%dma_wait3A_3263, %dma_wait3A_3264, %dma_wait3A_3265, %dma_wait3A_3269, %dma_wait3A_3270] : memref<200x4x32x8x128xf32, #tpu.memory_space<hbm>> -> memref<1x1x1x8x128xf32, #tpu.memory_space<hbm>>
        %dma_wait3A_3272 = tpu.memref_squeeze %dma_wait3A_3271 : memref<1x1x1x8x128xf32, #tpu.memory_space<hbm>> -> memref<8x128xf32, #tpu.memory_space<hbm>>
        %dma_wait3A_3273 = arith.constant 0 : i32
        %dma_wait3A_3274 = arith.constant 0 : i32
        %dma_wait3A_3275 = tpu.memref_slice %arg4[%dma_wait3A_3263, %dma_wait3A_3264, %dma_wait3A_3265, %dma_wait3A_3273, %dma_wait3A_3274] : memref<200x4x32x8x128xf32, #tpu.memory_space<hbm>> -> memref<1x1x1x8x128xf32, #tpu.memory_space<hbm>>
        %dma_wait3A_3276 = tpu.memref_squeeze %dma_wait3A_3275 : memref<1x1x1x8x128xf32, #tpu.memory_space<hbm>> -> memref<8x128xf32, #tpu.memory_space<hbm>>
        %dma_wait3A_3277 = arith.constant 24 : i32
        %dma_wait3A_3278 = arith.constant 0 : i32
        %dma_wait3A_3279 = tpu.memref_slice %arg8[%dma_wait3A_3277, %dma_wait3A_3278] : memref<32x131xf32, #tpu.memory_space<vmem>> -> memref<8x128xf32, #tpu.memory_space<vmem>>
        tpu.wait_dma2 semaphore(%arg12 : memref<!tpu.dma_semaphore, #tpu.memory_space<semaphore_mem>>) src(%dma_wait3A_3279 : memref<8x128xf32, #tpu.memory_space<vmem>>) dst(%dma_wait3A_3276 : memref<8x128xf32, #tpu.memory_space<hbm>>)
      } else {
      }
      %add3A_174 = arith.constant 0 : i32
      %add3A_175 = vector.broadcast %add3A_174 : i32 to vector<16xi32>
      %add3A_176 = arith.addi %broadcast_in_dim3A_11, %add3A_175 : vector<16xi32>
      %get3A = arith.constant 0 : i32
      %get3A_177 = arith.index_cast %get3A : i32 to index
      %get3A_178 = arith.constant 0 : index
      %get3A_179 = tpu.vector_load %arg6[%get3A_177, %get3A_178] {strides = array<i32>} : memref<128x32xf32, #tpu.memory_space<vmem>>, vector<16xf32>,
      tpu.vector_store_idx %arg8[%add3A_7, %add3A_176], %get3A_179 : memref<32x131xf32, #tpu.memory_space<vmem>>[vector<16xi32>, vector<16xi32>], vector<16xf32>,
      %get3A_180 = arith.constant 0 : i32
      %get3A_181 = arith.index_cast %get3A_180 : i32 to index
      %get3A_182 = arith.constant 16 : index
      %get3A_183 = tpu.vector_load %arg6[%get3A_181, %get3A_182] {strides = array<i32>} : memref<128x32xf32, #tpu.memory_space<vmem>>, vector<16xf32>,
      tpu.vector_store_idx %arg8[%add3A_10, %add3A_176], %get3A_183 : memref<32x131xf32, #tpu.memory_space<vmem>>[vector<16xi32>, vector<16xi32>], vector<16xf32>,
      %add3A_184 = arith.constant 1 : i32
      %add3A_185 = vector.broadcast %add3A_184 : i32 to vector<16xi32>
      %add3A_186 = arith.addi %broadcast_in_dim3A_11, %add3A_185 : vector<16xi32>
      %get3A_187 = arith.constant 1 : i32
      %get3A_188 = arith.index_cast %get3A_187 : i32 to index
      %get3A_189 = arith.constant 0 : index
      %get3A_190 = tpu.vector_load %arg6[%get3A_188, %get3A_189] {strides = array<i32>} : memref<128x32xf32, #tpu.memory_space<vmem>>, vector<16xf32>,
      tpu.vector_store_idx %arg8[%add3A_7, %add3A_186], %get3A_190 : memref<32x131xf32, #tpu.memory_space<vmem>>[vector<16xi32>, vector<16xi32>], vector<16xf32>,
      %get3A_191 = arith.constant 1 : i32
      %get3A_192 = arith.index_cast %get3A_191 : i32 to index
      %get3A_193 = arith.constant 16 : index
      %get3A_194 = tpu.vector_load %arg6[%get3A_192, %get3A_193] {strides = array<i32>} : memref<128x32xf32, #tpu.memory_space<vmem>>, vector<16xf32>,
      tpu.vector_store_idx %arg8[%add3A_10, %add3A_186], %get3A_194 : memref<32x131xf32, #tpu.memory_space<vmem>>[vector<16xi32>, vector<16xi32>], vector<16xf32>,
      %add3A_195 = arith.constant 2 : i32
      %add3A_196 = vector.broadcast %add3A_195 : i32 to vector<16xi32>
      %add3A_197 = arith.addi %broadcast_in_dim3A_11, %add3A_196 : vector<16xi32>
      %get3A_198 = arith.constant 2 : i32
      %get3A_199 = arith.index_cast %get3A_198 : i32 to index
      %get3A_200 = arith.constant 0 : index
      %get3A_201 = tpu.vector_load %arg6[%get3A_199, %get3A_200] {strides = array<i32>} : memref<128x32xf32, #tpu.memory_space<vmem>>, vector<16xf32>,
      tpu.vector_store_idx %arg8[%add3A_7, %add3A_197], %get3A_201 : memref<32x131xf32, #tpu.memory_space<vmem>>[vector<16xi32>, vector<16xi32>], vector<16xf32>,
      %get3A_202 = arith.constant 2 : i32
      %get3A_203 = arith.index_cast %get3A_202 : i32 to index
      %get3A_204 = arith.constant 16 : index
      %get3A_205 = tpu.vector_load %arg6[%get3A_203, %get3A_204] {strides = array<i32>} : memref<128x32xf32, #tpu.memory_space<vmem>>, vector<16xf32>,
      tpu.vector_store_idx %arg8[%add3A_10, %add3A_197], %get3A_205 : memref<32x131xf32, #tpu.memory_space<vmem>>[vector<16xi32>, vector<16xi32>], vector<16xf32>,
      %add3A_206 = arith.constant 3 : i32
      %add3A_207 = vector.broadcast %add3A_206 : i32 to vector<16xi32>
      %add3A_208 = arith.addi %broadcast_in_dim3A_11, %add3A_207 : vector<16xi32>
      %get3A_209 = arith.constant 3 : i32
      %get3A_210 = arith.index_cast %get3A_209 : i32 to index
      %get3A_211 = arith.constant 0 : index
      %get3A_212 = tpu.vector_load %arg6[%get3A_210, %get3A_211] {strides = array<i32>} : memref<128x32xf32, #tpu.memory_space<vmem>>, vector<16xf32>,
      tpu.vector_store_idx %arg8[%add3A_7, %add3A_208], %get3A_212 : memref<32x131xf32, #tpu.memory_space<vmem>>[vector<16xi32>, vector<16xi32>], vector<16xf32>,
      %get3A_213 = arith.constant 3 : i32
      %get3A_214 = arith.index_cast %get3A_213 : i32 to index
      %get3A_215 = arith.constant 16 : index
      %get3A_216 = tpu.vector_load %arg6[%get3A_214, %get3A_215] {strides = array<i32>} : memref<128x32xf32, #tpu.memory_space<vmem>>, vector<16xf32>,
      tpu.vector_store_idx %arg8[%add3A_10, %add3A_208], %get3A_216 : memref<32x131xf32, #tpu.memory_space<vmem>>[vector<16xi32>, vector<16xi32>], vector<16xf32>,
      %add3A_217 = arith.constant 4 : i32
      %add3A_218 = vector.broadcast %add3A_217 : i32 to vector<16xi32>
      %add3A_219 = arith.addi %broadcast_in_dim3A_11, %add3A_218 : vector<16xi32>
      %get3A_220 = arith.constant 4 : i32
      %get3A_221 = arith.index_cast %get3A_220 : i32 to index
      %get3A_222 = arith.constant 0 : index
      %get3A_223 = tpu.vector_load %arg6[%get3A_221, %get3A_222] {strides = array<i32>} : memref<128x32xf32, #tpu.memory_space<vmem>>, vector<16xf32>,
      tpu.vector_store_idx %arg8[%add3A_7, %add3A_219], %get3A_223 : memref<32x131xf32, #tpu.memory_space<vmem>>[vector<16xi32>, vector<16xi32>], vector<16xf32>,
      %get3A_224 = arith.constant 4 : i32
      %get3A_225 = arith.index_cast %get3A_224 : i32 to index
      %get3A_226 = arith.constant 16 : index
      %get3A_227 = tpu.vector_load %arg6[%get3A_225, %get3A_226] {strides = array<i32>} : memref<128x32xf32, #tpu.memory_space<vmem>>, vector<16xf32>,
      tpu.vector_store_idx %arg8[%add3A_10, %add3A_219], %get3A_227 : memref<32x131xf32, #tpu.memory_space<vmem>>[vector<16xi32>, vector<16xi32>], vector<16xf32>,
      %add3A_228 = arith.constant 5 : i32
      %add3A_229 = vector.broadcast %add3A_228 : i32 to vector<16xi32>
      %add3A_230 = arith.addi %broadcast_in_dim3A_11, %add3A_229 : vector<16xi32>
      %get3A_231 = arith.constant 5 : i32
      %get3A_232 = arith.index_cast %get3A_231 : i32 to index
      %get3A_233 = arith.constant 0 : index
      %get3A_234 = tpu.vector_load %arg6[%get3A_232, %get3A_233] {strides = array<i32>} : memref<128x32xf32, #tpu.memory_space<vmem>>, vector<16xf32>,
      tpu.vector_store_idx %arg8[%add3A_7, %add3A_230], %get3A_234 : memref<32x131xf32, #tpu.memory_space<vmem>>[vector<16xi32>, vector<16xi32>], vector<16xf32>,
      %get3A_235 = arith.constant 5 : i32
      %get3A_236 = arith.index_cast %get3A_235 : i32 to index
      %get3A_237 = arith.constant 16 : index
      %get3A_238 = tpu.vector_load %arg6[%get3A_236, %get3A_237] {strides = array<i32>} : memref<128x32xf32, #tpu.memory_space<vmem>>, vector<16xf32>,
      tpu.vector_store_idx %arg8[%add3A_10, %add3A_230], %get3A_238 : memref<32x131xf32, #tpu.memory_space<vmem>>[vector<16xi32>, vector<16xi32>], vector<16xf32>,
      %add3A_239 = arith.constant 6 : i32
      %add3A_240 = vector.broadcast %add3A_239 : i32 to vector<16xi32>
      %add3A_241 = arith.addi %broadcast_in_dim3A_11, %add3A_240 : vector<16xi32>
      %get3A_242 = arith.constant 6 : i32
      %get3A_243 = arith.index_cast %get3A_242 : i32 to index
      %get3A_244 = arith.constant 0 : index
      %get3A_245 = tpu.vector_load %arg6[%get3A_243, %get3A_244] {strides = array<i32>} : memref<128x32xf32, #tpu.memory_space<vmem>>, vector<16xf32>,
      tpu.vector_store_idx %arg8[%add3A_7, %add3A_241], %get3A_245 : memref<32x131xf32, #tpu.memory_space<vmem>>[vector<16xi32>, vector<16xi32>], vector<16xf32>,
      %get3A_246 = arith.constant 6 : i32
      %get3A_247 = arith.index_cast %get3A_246 : i32 to index
      %get3A_248 = arith.constant 16 : index
      %get3A_249 = tpu.vector_load %arg6[%get3A_247, %get3A_248] {strides = array<i32>} : memref<128x32xf32, #tpu.memory_space<vmem>>, vector<16xf32>,
      tpu.vector_store_idx %arg8[%add3A_10, %add3A_241], %get3A_249 : memref<32x131xf32, #tpu.memory_space<vmem>>[vector<16xi32>, vector<16xi32>], vector<16xf32>,
      %add3A_250 = arith.constant 7 : i32
      %add3A_251 = vector.broadcast %add3A_250 : i32 to vector<16xi32>
      %add3A_252 = arith.addi %broadcast_in_dim3A_11, %add3A_251 : vector<16xi32>
      %get3A_253 = arith.constant 7 : i32
      %get3A_254 = arith.index_cast %get3A_253 : i32 to index
      %get3A_255 = arith.constant 0 : index
      %get3A_256 = tpu.vector_load %arg6[%get3A_254, %get3A_255] {strides = array<i32>} : memref<128x32xf32, #tpu.memory_space<vmem>>, vector<16xf32>,
      tpu.vector_store_idx %arg8[%add3A_7, %add3A_252], %get3A_256 : memref<32x131xf32, #tpu.memory_space<vmem>>[vector<16xi32>, vector<16xi32>], vector<16xf32>,
      %get3A_257 = arith.constant 7 : i32
      %get3A_258 = arith.index_cast %get3A_257 : i32 to index
      %get3A_259 = arith.constant 16 : index
      %get3A_260 = tpu.vector_load %arg6[%get3A_258, %get3A_259] {strides = array<i32>} : memref<128x32xf32, #tpu.memory_space<vmem>>, vector<16xf32>,
      tpu.vector_store_idx %arg8[%add3A_10, %add3A_252], %get3A_260 : memref<32x131xf32, #tpu.memory_space<vmem>>[vector<16xi32>, vector<16xi32>], vector<16xf32>,
      %add3A_261 = arith.constant 8 : i32
      %add3A_262 = vector.broadcast %add3A_261 : i32 to vector<16xi32>
      %add3A_263 = arith.addi %broadcast_in_dim3A_11, %add3A_262 : vector<16xi32>
      %get3A_264 = arith.constant 8 : i32
      %get3A_265 = arith.index_cast %get3A_264 : i32 to index
      %get3A_266 = arith.constant 0 : index
      %get3A_267 = tpu.vector_load %arg6[%get3A_265, %get3A_266] {strides = array<i32>} : memref<128x32xf32, #tpu.memory_space<vmem>>, vector<16xf32>,
      tpu.vector_store_idx %arg8[%add3A_7, %add3A_263], %get3A_267 : memref<32x131xf32, #tpu.memory_space<vmem>>[vector<16xi32>, vector<16xi32>], vector<16xf32>,
      %get3A_268 = arith.constant 8 : i32
      %get3A_269 = arith.index_cast %get3A_268 : i32 to index
      %get3A_270 = arith.constant 16 : index
      %get3A_271 = tpu.vector_load %arg6[%get3A_269, %get3A_270] {strides = array<i32>} : memref<128x32xf32, #tpu.memory_space<vmem>>, vector<16xf32>,
      tpu.vector_store_idx %arg8[%add3A_10, %add3A_263], %get3A_271 : memref<32x131xf32, #tpu.memory_space<vmem>>[vector<16xi32>, vector<16xi32>], vector<16xf32>,
      %add3A_272 = arith.constant 9 : i32
      %add3A_273 = vector.broadcast %add3A_272 : i32 to vector<16xi32>
      %add3A_274 = arith.addi %broadcast_in_dim3A_11, %add3A_273 : vector<16xi32>
      %get3A_275 = arith.constant 9 : i32
      %get3A_276 = arith.index_cast %get3A_275 : i32 to index
      %get3A_277 = arith.constant 0 : index
      %get3A_278 = tpu.vector_load %arg6[%get3A_276, %get3A_277] {strides = array<i32>} : memref<128x32xf32, #tpu.memory_space<vmem>>, vector<16xf32>,
      tpu.vector_store_idx %arg8[%add3A_7, %add3A_274], %get3A_278 : memref<32x131xf32, #tpu.memory_space<vmem>>[vector<16xi32>, vector<16xi32>], vector<16xf32>,
      %get3A_279 = arith.constant 9 : i32
      %get3A_280 = arith.index_cast %get3A_279 : i32 to index
      %get3A_281 = arith.constant 16 : index
      %get3A_282 = tpu.vector_load %arg6[%get3A_280, %get3A_281] {strides = array<i32>} : memref<128x32xf32, #tpu.memory_space<vmem>>, vector<16xf32>,
      tpu.vector_store_idx %arg8[%add3A_10, %add3A_274], %get3A_282 : memref<32x131xf32, #tpu.memory_space<vmem>>[vector<16xi32>, vector<16xi32>], vector<16xf32>,
      %add3A_283 = arith.constant 10 : i32
      %add3A_284 = vector.broadcast %add3A_283 : i32 to vector<16xi32>
      %add3A_285 = arith.addi %broadcast_in_dim3A_11, %add3A_284 : vector<16xi32>
      %get3A_286 = arith.constant 10 : i32
      %get3A_287 = arith.index_cast %get3A_286 : i32 to index
      %get3A_288 = arith.constant 0 : index
      %get3A_289 = tpu.vector_load %arg6[%get3A_287, %get3A_288] {strides = array<i32>} : memref<128x32xf32, #tpu.memory_space<vmem>>, vector<16xf32>,
      tpu.vector_store_idx %arg8[%add3A_7, %add3A_285], %get3A_289 : memref<32x131xf32, #tpu.memory_space<vmem>>[vector<16xi32>, vector<16xi32>], vector<16xf32>,
      %get3A_290 = arith.constant 10 : i32
      %get3A_291 = arith.index_cast %get3A_290 : i32 to index
      %get3A_292 = arith.constant 16 : index
      %get3A_293 = tpu.vector_load %arg6[%get3A_291, %get3A_292] {strides = array<i32>} : memref<128x32xf32, #tpu.memory_space<vmem>>, vector<16xf32>,
      tpu.vector_store_idx %arg8[%add3A_10, %add3A_285], %get3A_293 : memref<32x131xf32, #tpu.memory_space<vmem>>[vector<16xi32>, vector<16xi32>], vector<16xf32>,
      %add3A_294 = arith.constant 11 : i32
      %add3A_295 = vector.broadcast %add3A_294 : i32 to vector<16xi32>
      %add3A_296 = arith.addi %broadcast_in_dim3A_11, %add3A_295 : vector<16xi32>
      %get3A_297 = arith.constant 11 : i32
      %get3A_298 = arith.index_cast %get3A_297 : i32 to index
      %get3A_299 = arith.constant 0 : index
      %get3A_300 = tpu.vector_load %arg6[%get3A_298, %get3A_299] {strides = array<i32>} : memref<128x32xf32, #tpu.memory_space<vmem>>, vector<16xf32>,
      tpu.vector_store_idx %arg8[%add3A_7, %add3A_296], %get3A_300 : memref<32x131xf32, #tpu.memory_space<vmem>>[vector<16xi32>, vector<16xi32>], vector<16xf32>,
      %get3A_301 = arith.constant 11 : i32
      %get3A_302 = arith.index_cast %get3A_301 : i32 to index
      %get3A_303 = arith.constant 16 : index
      %get3A_304 = tpu.vector_load %arg6[%get3A_302, %get3A_303] {strides = array<i32>} : memref<128x32xf32, #tpu.memory_space<vmem>>, vector<16xf32>,
      tpu.vector_store_idx %arg8[%add3A_10, %add3A_296], %get3A_304 : memref<32x131xf32, #tpu.memory_space<vmem>>[vector<16xi32>, vector<16xi32>], vector<16xf32>,
      %add3A_305 = arith.constant 12 : i32
      %add3A_306 = vector.broadcast %add3A_305 : i32 to vector<16xi32>
      %add3A_307 = arith.addi %broadcast_in_dim3A_11, %add3A_306 : vector<16xi32>
      %get3A_308 = arith.constant 12 : i32
      %get3A_309 = arith.index_cast %get3A_308 : i32 to index
      %get3A_310 = arith.constant 0 : index
      %get3A_311 = tpu.vector_load %arg6[%get3A_309, %get3A_310] {strides = array<i32>} : memref<128x32xf32, #tpu.memory_space<vmem>>, vector<16xf32>,
      tpu.vector_store_idx %arg8[%add3A_7, %add3A_307], %get3A_311 : memref<32x131xf32, #tpu.memory_space<vmem>>[vector<16xi32>, vector<16xi32>], vector<16xf32>,
      %get3A_312 = arith.constant 12 : i32
      %get3A_313 = arith.index_cast %get3A_312 : i32 to index
      %get3A_314 = arith.constant 16 : index
      %get3A_315 = tpu.vector_load %arg6[%get3A_313, %get3A_314] {strides = array<i32>} : memref<128x32xf32, #tpu.memory_space<vmem>>, vector<16xf32>,
      tpu.vector_store_idx %arg8[%add3A_10, %add3A_307], %get3A_315 : memref<32x131xf32, #tpu.memory_space<vmem>>[vector<16xi32>, vector<16xi32>], vector<16xf32>,
      %add3A_316 = arith.constant 13 : i32
      %add3A_317 = vector.broadcast %add3A_316 : i32 to vector<16xi32>
      %add3A_318 = arith.addi %broadcast_in_dim3A_11, %add3A_317 : vector<16xi32>
      %get3A_319 = arith.constant 13 : i32
      %get3A_320 = arith.index_cast %get3A_319 : i32 to index
      %get3A_321 = arith.constant 0 : index
      %get3A_322 = tpu.vector_load %arg6[%get3A_320, %get3A_321] {strides = array<i32>} : memref<128x32xf32, #tpu.memory_space<vmem>>, vector<16xf32>,
      tpu.vector_store_idx %arg8[%add3A_7, %add3A_318], %get3A_322 : memref<32x131xf32, #tpu.memory_space<vmem>>[vector<16xi32>, vector<16xi32>], vector<16xf32>,
      %get3A_323 = arith.constant 13 : i32
      %get3A_324 = arith.index_cast %get3A_323 : i32 to index
      %get3A_325 = arith.constant 16 : index
      %get3A_326 = tpu.vector_load %arg6[%get3A_324, %get3A_325] {strides = array<i32>} : memref<128x32xf32, #tpu.memory_space<vmem>>, vector<16xf32>,
      tpu.vector_store_idx %arg8[%add3A_10, %add3A_318], %get3A_326 : memref<32x131xf32, #tpu.memory_space<vmem>>[vector<16xi32>, vector<16xi32>], vector<16xf32>,
      %add3A_327 = arith.constant 14 : i32
      %add3A_328 = vector.broadcast %add3A_327 : i32 to vector<16xi32>
      %add3A_329 = arith.addi %broadcast_in_dim3A_11, %add3A_328 : vector<16xi32>
      %get3A_330 = arith.constant 14 : i32
      %get3A_331 = arith.index_cast %get3A_330 : i32 to index
      %get3A_332 = arith.constant 0 : index
      %get3A_333 = tpu.vector_load %arg6[%get3A_331, %get3A_332] {strides = array<i32>} : memref<128x32xf32, #tpu.memory_space<vmem>>, vector<16xf32>,
      tpu.vector_store_idx %arg8[%add3A_7, %add3A_329], %get3A_333 : memref<32x131xf32, #tpu.memory_space<vmem>>[vector<16xi32>, vector<16xi32>], vector<16xf32>,
      %get3A_334 = arith.constant 14 : i32
      %get3A_335 = arith.index_cast %get3A_334 : i32 to index
      %get3A_336 = arith.constant 16 : index
      %get3A_337 = tpu.vector_load %arg6[%get3A_335, %get3A_336] {strides = array<i32>} : memref<128x32xf32, #tpu.memory_space<vmem>>, vector<16xf32>,
      tpu.vector_store_idx %arg8[%add3A_10, %add3A_329], %get3A_337 : memref<32x131xf32, #tpu.memory_space<vmem>>[vector<16xi32>, vector<16xi32>], vector<16xf32>,
      %add3A_338 = arith.constant 15 : i32
      %add3A_339 = vector.broadcast %add3A_338 : i32 to vector<16xi32>
      %add3A_340 = arith.addi %broadcast_in_dim3A_11, %add3A_339 : vector<16xi32>
      %get3A_341 = arith.constant 15 : i32
      %get3A_342 = arith.index_cast %get3A_341 : i32 to index
      %get3A_343 = arith.constant 0 : index
      %get3A_344 = tpu.vector_load %arg6[%get3A_342, %get3A_343] {strides = array<i32>} : memref<128x32xf32, #tpu.memory_space<vmem>>, vector<16xf32>,
      tpu.vector_store_idx %arg8[%add3A_7, %add3A_340], %get3A_344 : memref<32x131xf32, #tpu.memory_space<vmem>>[vector<16xi32>, vector<16xi32>], vector<16xf32>,
      %get3A_345 = arith.constant 15 : i32
      %get3A_346 = arith.index_cast %get3A_345 : i32 to index
      %get3A_347 = arith.constant 16 : index
      %get3A_348 = tpu.vector_load %arg6[%get3A_346, %get3A_347] {strides = array<i32>} : memref<128x32xf32, #tpu.memory_space<vmem>>, vector<16xf32>,
      tpu.vector_store_idx %arg8[%add3A_10, %add3A_340], %get3A_348 : memref<32x131xf32, #tpu.memory_space<vmem>>[vector<16xi32>, vector<16xi32>], vector<16xf32>,
      %add3A_349 = arith.constant 16 : i32
      %add3A_350 = vector.broadcast %add3A_349 : i32 to vector<16xi32>
      %add3A_351 = arith.addi %broadcast_in_dim3A_11, %add3A_350 : vector<16xi32>
      %get3A_352 = arith.constant 16 : i32
      %get3A_353 = arith.index_cast %get3A_352 : i32 to index
      %get3A_354 = arith.constant 0 : index
      %get3A_355 = tpu.vector_load %arg6[%get3A_353, %get3A_354] {strides = array<i32>} : memref<128x32xf32, #tpu.memory_space<vmem>>, vector<16xf32>,
      tpu.vector_store_idx %arg8[%add3A_7, %add3A_351], %get3A_355 : memref<32x131xf32, #tpu.memory_space<vmem>>[vector<16xi32>, vector<16xi32>], vector<16xf32>,
      %get3A_356 = arith.constant 16 : i32
      %get3A_357 = arith.index_cast %get3A_356 : i32 to index
      %get3A_358 = arith.constant 16 : index
      %get3A_359 = tpu.vector_load %arg6[%get3A_357, %get3A_358] {strides = array<i32>} : memref<128x32xf32, #tpu.memory_space<vmem>>, vector<16xf32>,
      tpu.vector_store_idx %arg8[%add3A_10, %add3A_351], %get3A_359 : memref<32x131xf32, #tpu.memory_space<vmem>>[vector<16xi32>, vector<16xi32>], vector<16xf32>,
      %add3A_360 = arith.constant 17 : i32
      %add3A_361 = vector.broadcast %add3A_360 : i32 to vector<16xi32>
      %add3A_362 = arith.addi %broadcast_in_dim3A_11, %add3A_361 : vector<16xi32>
      %get3A_363 = arith.constant 17 : i32
      %get3A_364 = arith.index_cast %get3A_363 : i32 to index
      %get3A_365 = arith.constant 0 : index
      %get3A_366 = tpu.vector_load %arg6[%get3A_364, %get3A_365] {strides = array<i32>} : memref<128x32xf32, #tpu.memory_space<vmem>>, vector<16xf32>,
      tpu.vector_store_idx %arg8[%add3A_7, %add3A_362], %get3A_366 : memref<32x131xf32, #tpu.memory_space<vmem>>[vector<16xi32>, vector<16xi32>], vector<16xf32>,
      %get3A_367 = arith.constant 17 : i32
      %get3A_368 = arith.index_cast %get3A_367 : i32 to index
      %get3A_369 = arith.constant 16 : index
      %get3A_370 = tpu.vector_load %arg6[%get3A_368, %get3A_369] {strides = array<i32>} : memref<128x32xf32, #tpu.memory_space<vmem>>, vector<16xf32>,
      tpu.vector_store_idx %arg8[%add3A_10, %add3A_362], %get3A_370 : memref<32x131xf32, #tpu.memory_space<vmem>>[vector<16xi32>, vector<16xi32>], vector<16xf32>,
      %add3A_371 = arith.constant 18 : i32
      %add3A_372 = vector.broadcast %add3A_371 : i32 to vector<16xi32>
      %add3A_373 = arith.addi %broadcast_in_dim3A_11, %add3A_372 : vector<16xi32>
      %get3A_374 = arith.constant 18 : i32
      %get3A_375 = arith.index_cast %get3A_374 : i32 to index
      %get3A_376 = arith.constant 0 : index
      %get3A_377 = tpu.vector_load %arg6[%get3A_375, %get3A_376] {strides = array<i32>} : memref<128x32xf32, #tpu.memory_space<vmem>>, vector<16xf32>,
      tpu.vector_store_idx %arg8[%add3A_7, %add3A_373], %get3A_377 : memref<32x131xf32, #tpu.memory_space<vmem>>[vector<16xi32>, vector<16xi32>], vector<16xf32>,
      %get3A_378 = arith.constant 18 : i32
      %get3A_379 = arith.index_cast %get3A_378 : i32 to index
      %get3A_380 = arith.constant 16 : index
      %get3A_381 = tpu.vector_load %arg6[%get3A_379, %get3A_380] {strides = array<i32>} : memref<128x32xf32, #tpu.memory_space<vmem>>, vector<16xf32>,
      tpu.vector_store_idx %arg8[%add3A_10, %add3A_373], %get3A_381 : memref<32x131xf32, #tpu.memory_space<vmem>>[vector<16xi32>, vector<16xi32>], vector<16xf32>,
      %add3A_382 = arith.constant 19 : i32
      %add3A_383 = vector.broadcast %add3A_382 : i32 to vector<16xi32>
      %add3A_384 = arith.addi %broadcast_in_dim3A_11, %add3A_383 : vector<16xi32>
      %get3A_385 = arith.constant 19 : i32
      %get3A_386 = arith.index_cast %get3A_385 : i32 to index
      %get3A_387 = arith.constant 0 : index
      %get3A_388 = tpu.vector_load %arg6[%get3A_386, %get3A_387] {strides = array<i32>} : memref<128x32xf32, #tpu.memory_space<vmem>>, vector<16xf32>,
      tpu.vector_store_idx %arg8[%add3A_7, %add3A_384], %get3A_388 : memref<32x131xf32, #tpu.memory_space<vmem>>[vector<16xi32>, vector<16xi32>], vector<16xf32>,
      %get3A_389 = arith.constant 19 : i32
      %get3A_390 = arith.index_cast %get3A_389 : i32 to index
      %get3A_391 = arith.constant 16 : index
      %get3A_392 = tpu.vector_load %arg6[%get3A_390, %get3A_391] {strides = array<i32>} : memref<128x32xf32, #tpu.memory_space<vmem>>, vector<16xf32>,
      tpu.vector_store_idx %arg8[%add3A_10, %add3A_384], %get3A_392 : memref<32x131xf32, #tpu.memory_space<vmem>>[vector<16xi32>, vector<16xi32>], vector<16xf32>,
      %add3A_393 = arith.constant 20 : i32
      %add3A_394 = vector.broadcast %add3A_393 : i32 to vector<16xi32>
      %add3A_395 = arith.addi %broadcast_in_dim3A_11, %add3A_394 : vector<16xi32>
      %get3A_396 = arith.constant 20 : i32
      %get3A_397 = arith.index_cast %get3A_396 : i32 to index
      %get3A_398 = arith.constant 0 : index
      %get3A_399 = tpu.vector_load %arg6[%get3A_397, %get3A_398] {strides = array<i32>} : memref<128x32xf32, #tpu.memory_space<vmem>>, vector<16xf32>,
      tpu.vector_store_idx %arg8[%add3A_7, %add3A_395], %get3A_399 : memref<32x131xf32, #tpu.memory_space<vmem>>[vector<16xi32>, vector<16xi32>], vector<16xf32>,
      %get3A_400 = arith.constant 20 : i32
      %get3A_401 = arith.index_cast %get3A_400 : i32 to index
      %get3A_402 = arith.constant 16 : index
      %get3A_403 = tpu.vector_load %arg6[%get3A_401, %get3A_402] {strides = array<i32>} : memref<128x32xf32, #tpu.memory_space<vmem>>, vector<16xf32>,
      tpu.vector_store_idx %arg8[%add3A_10, %add3A_395], %get3A_403 : memref<32x131xf32, #tpu.memory_space<vmem>>[vector<16xi32>, vector<16xi32>], vector<16xf32>,
      %add3A_404 = arith.constant 21 : i32
      %add3A_405 = vector.broadcast %add3A_404 : i32 to vector<16xi32>
      %add3A_406 = arith.addi %broadcast_in_dim3A_11, %add3A_405 : vector<16xi32>
      %get3A_407 = arith.constant 21 : i32
      %get3A_408 = arith.index_cast %get3A_407 : i32 to index
      %get3A_409 = arith.constant 0 : index
      %get3A_410 = tpu.vector_load %arg6[%get3A_408, %get3A_409] {strides = array<i32>} : memref<128x32xf32, #tpu.memory_space<vmem>>, vector<16xf32>,
      tpu.vector_store_idx %arg8[%add3A_7, %add3A_406], %get3A_410 : memref<32x131xf32, #tpu.memory_space<vmem>>[vector<16xi32>, vector<16xi32>], vector<16xf32>,
      %get3A_411 = arith.constant 21 : i32
      %get3A_412 = arith.index_cast %get3A_411 : i32 to index
      %get3A_413 = arith.constant 16 : index
      %get3A_414 = tpu.vector_load %arg6[%get3A_412, %get3A_413] {strides = array<i32>} : memref<128x32xf32, #tpu.memory_space<vmem>>, vector<16xf32>,
      tpu.vector_store_idx %arg8[%add3A_10, %add3A_406], %get3A_414 : memref<32x131xf32, #tpu.memory_space<vmem>>[vector<16xi32>, vector<16xi32>], vector<16xf32>,
      %add3A_415 = arith.constant 22 : i32
      %add3A_416 = vector.broadcast %add3A_415 : i32 to vector<16xi32>
      %add3A_417 = arith.addi %broadcast_in_dim3A_11, %add3A_416 : vector<16xi32>
      %get3A_418 = arith.constant 22 : i32
      %get3A_419 = arith.index_cast %get3A_418 : i32 to index
      %get3A_420 = arith.constant 0 : index
      %get3A_421 = tpu.vector_load %arg6[%get3A_419, %get3A_420] {strides = array<i32>} : memref<128x32xf32, #tpu.memory_space<vmem>>, vector<16xf32>,
      tpu.vector_store_idx %arg8[%add3A_7, %add3A_417], %get3A_421 : memref<32x131xf32, #tpu.memory_space<vmem>>[vector<16xi32>, vector<16xi32>], vector<16xf32>,
      %get3A_422 = arith.constant 22 : i32
      %get3A_423 = arith.index_cast %get3A_422 : i32 to index
      %get3A_424 = arith.constant 16 : index
      %get3A_425 = tpu.vector_load %arg6[%get3A_423, %get3A_424] {strides = array<i32>} : memref<128x32xf32, #tpu.memory_space<vmem>>, vector<16xf32>,
      tpu.vector_store_idx %arg8[%add3A_10, %add3A_417], %get3A_425 : memref<32x131xf32, #tpu.memory_space<vmem>>[vector<16xi32>, vector<16xi32>], vector<16xf32>,
      %add3A_426 = arith.constant 23 : i32
      %add3A_427 = vector.broadcast %add3A_426 : i32 to vector<16xi32>
      %add3A_428 = arith.addi %broadcast_in_dim3A_11, %add3A_427 : vector<16xi32>
      %get3A_429 = arith.constant 23 : i32
      %get3A_430 = arith.index_cast %get3A_429 : i32 to index
      %get3A_431 = arith.constant 0 : index
      %get3A_432 = tpu.vector_load %arg6[%get3A_430, %get3A_431] {strides = array<i32>} : memref<128x32xf32, #tpu.memory_space<vmem>>, vector<16xf32>,
      tpu.vector_store_idx %arg8[%add3A_7, %add3A_428], %get3A_432 : memref<32x131xf32, #tpu.memory_space<vmem>>[vector<16xi32>, vector<16xi32>], vector<16xf32>,
      %get3A_433 = arith.constant 23 : i32
      %get3A_434 = arith.index_cast %get3A_433 : i32 to index
      %get3A_435 = arith.constant 16 : index
      %get3A_436 = tpu.vector_load %arg6[%get3A_434, %get3A_435] {strides = array<i32>} : memref<128x32xf32, #tpu.memory_space<vmem>>, vector<16xf32>,
      tpu.vector_store_idx %arg8[%add3A_10, %add3A_428], %get3A_436 : memref<32x131xf32, #tpu.memory_space<vmem>>[vector<16xi32>, vector<16xi32>], vector<16xf32>,
      %add3A_437 = arith.constant 24 : i32
      %add3A_438 = vector.broadcast %add3A_437 : i32 to vector<16xi32>
      %add3A_439 = arith.addi %broadcast_in_dim3A_11, %add3A_438 : vector<16xi32>
      %get3A_440 = arith.constant 24 : i32
      %get3A_441 = arith.index_cast %get3A_440 : i32 to index
      %get3A_442 = arith.constant 0 : index
      %get3A_443 = tpu.vector_load %arg6[%get3A_441, %get3A_442] {strides = array<i32>} : memref<128x32xf32, #tpu.memory_space<vmem>>, vector<16xf32>,
      tpu.vector_store_idx %arg8[%add3A_7, %add3A_439], %get3A_443 : memref<32x131xf32, #tpu.memory_space<vmem>>[vector<16xi32>, vector<16xi32>], vector<16xf32>,
      %get3A_444 = arith.constant 24 : i32
      %get3A_445 = arith.index_cast %get3A_444 : i32 to index
      %get3A_446 = arith.constant 16 : index
      %get3A_447 = tpu.vector_load %arg6[%get3A_445, %get3A_446] {strides = array<i32>} : memref<128x32xf32, #tpu.memory_space<vmem>>, vector<16xf32>,
      tpu.vector_store_idx %arg8[%add3A_10, %add3A_439], %get3A_447 : memref<32x131xf32, #tpu.memory_space<vmem>>[vector<16xi32>, vector<16xi32>], vector<16xf32>,
      %add3A_448 = arith.constant 25 : i32
      %add3A_449 = vector.broadcast %add3A_448 : i32 to vector<16xi32>
      %add3A_450 = arith.addi %broadcast_in_dim3A_11, %add3A_449 : vector<16xi32>
      %get3A_451 = arith.constant 25 : i32
      %get3A_452 = arith.index_cast %get3A_451 : i32 to index
      %get3A_453 = arith.constant 0 : index
      %get3A_454 = tpu.vector_load %arg6[%get3A_452, %get3A_453] {strides = array<i32>} : memref<128x32xf32, #tpu.memory_space<vmem>>, vector<16xf32>,
      tpu.vector_store_idx %arg8[%add3A_7, %add3A_450], %get3A_454 : memref<32x131xf32, #tpu.memory_space<vmem>>[vector<16xi32>, vector<16xi32>], vector<16xf32>,
      %get3A_455 = arith.constant 25 : i32
      %get3A_456 = arith.index_cast %get3A_455 : i32 to index
      %get3A_457 = arith.constant 16 : index
      %get3A_458 = tpu.vector_load %arg6[%get3A_456, %get3A_457] {strides = array<i32>} : memref<128x32xf32, #tpu.memory_space<vmem>>, vector<16xf32>,
      tpu.vector_store_idx %arg8[%add3A_10, %add3A_450], %get3A_458 : memref<32x131xf32, #tpu.memory_space<vmem>>[vector<16xi32>, vector<16xi32>], vector<16xf32>,
      %add3A_459 = arith.constant 26 : i32
      %add3A_460 = vector.broadcast %add3A_459 : i32 to vector<16xi32>
      %add3A_461 = arith.addi %broadcast_in_dim3A_11, %add3A_460 : vector<16xi32>
      %get3A_462 = arith.constant 26 : i32
      %get3A_463 = arith.index_cast %get3A_462 : i32 to index
      %get3A_464 = arith.constant 0 : index
      %get3A_465 = tpu.vector_load %arg6[%get3A_463, %get3A_464] {strides = array<i32>} : memref<128x32xf32, #tpu.memory_space<vmem>>, vector<16xf32>,
      tpu.vector_store_idx %arg8[%add3A_7, %add3A_461], %get3A_465 : memref<32x131xf32, #tpu.memory_space<vmem>>[vector<16xi32>, vector<16xi32>], vector<16xf32>,
      %get3A_466 = arith.constant 26 : i32
      %get3A_467 = arith.index_cast %get3A_466 : i32 to index
      %get3A_468 = arith.constant 16 : index
      %get3A_469 = tpu.vector_load %arg6[%get3A_467, %get3A_468] {strides = array<i32>} : memref<128x32xf32, #tpu.memory_space<vmem>>, vector<16xf32>,
      tpu.vector_store_idx %arg8[%add3A_10, %add3A_461], %get3A_469 : memref<32x131xf32, #tpu.memory_space<vmem>>[vector<16xi32>, vector<16xi32>], vector<16xf32>,
      %add3A_470 = arith.constant 27 : i32
      %add3A_471 = vector.broadcast %add3A_470 : i32 to vector<16xi32>
      %add3A_472 = arith.addi %broadcast_in_dim3A_11, %add3A_471 : vector<16xi32>
      %get3A_473 = arith.constant 27 : i32
      %get3A_474 = arith.index_cast %get3A_473 : i32 to index
      %get3A_475 = arith.constant 0 : index
      %get3A_476 = tpu.vector_load %arg6[%get3A_474, %get3A_475] {strides = array<i32>} : memref<128x32xf32, #tpu.memory_space<vmem>>, vector<16xf32>,
      tpu.vector_store_idx %arg8[%add3A_7, %add3A_472], %get3A_476 : memref<32x131xf32, #tpu.memory_space<vmem>>[vector<16xi32>, vector<16xi32>], vector<16xf32>,
      %get3A_477 = arith.constant 27 : i32
      %get3A_478 = arith.index_cast %get3A_477 : i32 to index
      %get3A_479 = arith.constant 16 : index
      %get3A_480 = tpu.vector_load %arg6[%get3A_478, %get3A_479] {strides = array<i32>} : memref<128x32xf32, #tpu.memory_space<vmem>>, vector<16xf32>,
      tpu.vector_store_idx %arg8[%add3A_10, %add3A_472], %get3A_480 : memref<32x131xf32, #tpu.memory_space<vmem>>[vector<16xi32>, vector<16xi32>], vector<16xf32>,
      %add3A_481 = arith.constant 28 : i32
      %add3A_482 = vector.broadcast %add3A_481 : i32 to vector<16xi32>
      %add3A_483 = arith.addi %broadcast_in_dim3A_11, %add3A_482 : vector<16xi32>
      %get3A_484 = arith.constant 28 : i32
      %get3A_485 = arith.index_cast %get3A_484 : i32 to index
      %get3A_486 = arith.constant 0 : index
      %get3A_487 = tpu.vector_load %arg6[%get3A_485, %get3A_486] {strides = array<i32>} : memref<128x32xf32, #tpu.memory_space<vmem>>, vector<16xf32>,
      tpu.vector_store_idx %arg8[%add3A_7, %add3A_483], %get3A_487 : memref<32x131xf32, #tpu.memory_space<vmem>>[vector<16xi32>, vector<16xi32>], vector<16xf32>,
      %get3A_488 = arith.constant 28 : i32
      %get3A_489 = arith.index_cast %get3A_488 : i32 to index
      %get3A_490 = arith.constant 16 : index
      %get3A_491 = tpu.vector_load %arg6[%get3A_489, %get3A_490] {strides = array<i32>} : memref<128x32xf32, #tpu.memory_space<vmem>>, vector<16xf32>,
      tpu.vector_store_idx %arg8[%add3A_10, %add3A_483], %get3A_491 : memref<32x131xf32, #tpu.memory_space<vmem>>[vector<16xi32>, vector<16xi32>], vector<16xf32>,
      %add3A_492 = arith.constant 29 : i32
      %add3A_493 = vector.broadcast %add3A_492 : i32 to vector<16xi32>
      %add3A_494 = arith.addi %broadcast_in_dim3A_11, %add3A_493 : vector<16xi32>
      %get3A_495 = arith.constant 29 : i32
      %get3A_496 = arith.index_cast %get3A_495 : i32 to index
      %get3A_497 = arith.constant 0 : index
      %get3A_498 = tpu.vector_load %arg6[%get3A_496, %get3A_497] {strides = array<i32>} : memref<128x32xf32, #tpu.memory_space<vmem>>, vector<16xf32>,
      tpu.vector_store_idx %arg8[%add3A_7, %add3A_494], %get3A_498 : memref<32x131xf32, #tpu.memory_space<vmem>>[vector<16xi32>, vector<16xi32>], vector<16xf32>,
      %get3A_499 = arith.constant 29 : i32
      %get3A_500 = arith.index_cast %get3A_499 : i32 to index
      %get3A_501 = arith.constant 16 : index
      %get3A_502 = tpu.vector_load %arg6[%get3A_500, %get3A_501] {strides = array<i32>} : memref<128x32xf32, #tpu.memory_space<vmem>>, vector<16xf32>,
      tpu.vector_store_idx %arg8[%add3A_10, %add3A_494], %get3A_502 : memref<32x131xf32, #tpu.memory_space<vmem>>[vector<16xi32>, vector<16xi32>], vector<16xf32>,
      %add3A_503 = arith.constant 30 : i32
      %add3A_504 = vector.broadcast %add3A_503 : i32 to vector<16xi32>
      %add3A_505 = arith.addi %broadcast_in_dim3A_11, %add3A_504 : vector<16xi32>
      %get3A_506 = arith.constant 30 : i32
      %get3A_507 = arith.index_cast %get3A_506 : i32 to index
      %get3A_508 = arith.constant 0 : index
      %get3A_509 = tpu.vector_load %arg6[%get3A_507, %get3A_508] {strides = array<i32>} : memref<128x32xf32, #tpu.memory_space<vmem>>, vector<16xf32>,
      tpu.vector_store_idx %arg8[%add3A_7, %add3A_505], %get3A_509 : memref<32x131xf32, #tpu.memory_space<vmem>>[vector<16xi32>, vector<16xi32>], vector<16xf32>,
      %get3A_510 = arith.constant 30 : i32
      %get3A_511 = arith.index_cast %get3A_510 : i32 to index
      %get3A_512 = arith.constant 16 : index
      %get3A_513 = tpu.vector_load %arg6[%get3A_511, %get3A_512] {strides = array<i32>} : memref<128x32xf32, #tpu.memory_space<vmem>>, vector<16xf32>,
      tpu.vector_store_idx %arg8[%add3A_10, %add3A_505], %get3A_513 : memref<32x131xf32, #tpu.memory_space<vmem>>[vector<16xi32>, vector<16xi32>], vector<16xf32>,
      %add3A_514 = arith.constant 31 : i32
      %add3A_515 = vector.broadcast %add3A_514 : i32 to vector<16xi32>
      %add3A_516 = arith.addi %broadcast_in_dim3A_11, %add3A_515 : vector<16xi32>
      %get3A_517 = arith.constant 31 : i32
      %get3A_518 = arith.index_cast %get3A_517 : i32 to index
      %get3A_519 = arith.constant 0 : index
      %get3A_520 = tpu.vector_load %arg6[%get3A_518, %get3A_519] {strides = array<i32>} : memref<128x32xf32, #tpu.memory_space<vmem>>, vector<16xf32>,
      tpu.vector_store_idx %arg8[%add3A_7, %add3A_516], %get3A_520 : memref<32x131xf32, #tpu.memory_space<vmem>>[vector<16xi32>, vector<16xi32>], vector<16xf32>,
      %get3A_521 = arith.constant 31 : i32
      %get3A_522 = arith.index_cast %get3A_521 : i32 to index
      %get3A_523 = arith.constant 16 : index
      %get3A_524 = tpu.vector_load %arg6[%get3A_522, %get3A_523] {strides = array<i32>} : memref<128x32xf32, #tpu.memory_space<vmem>>, vector<16xf32>,
      tpu.vector_store_idx %arg8[%add3A_10, %add3A_516], %get3A_524 : memref<32x131xf32, #tpu.memory_space<vmem>>[vector<16xi32>, vector<16xi32>], vector<16xf32>,
      %add3A_525 = arith.constant 32 : i32
      %add3A_526 = vector.broadcast %add3A_525 : i32 to vector<16xi32>
      %add3A_527 = arith.addi %broadcast_in_dim3A_11, %add3A_526 : vector<16xi32>
      %get3A_528 = arith.constant 32 : i32
      %get3A_529 = arith.index_cast %get3A_528 : i32 to index
      %get3A_530 = arith.constant 0 : index
      %get3A_531 = tpu.vector_load %arg6[%get3A_529, %get3A_530] {strides = array<i32>} : memref<128x32xf32, #tpu.memory_space<vmem>>, vector<16xf32>,
      tpu.vector_store_idx %arg8[%add3A_7, %add3A_527], %get3A_531 : memref<32x131xf32, #tpu.memory_space<vmem>>[vector<16xi32>, vector<16xi32>], vector<16xf32>,
      %get3A_532 = arith.constant 32 : i32
      %get3A_533 = arith.index_cast %get3A_532 : i32 to index
      %get3A_534 = arith.constant 16 : index
      %get3A_535 = tpu.vector_load %arg6[%get3A_533, %get3A_534] {strides = array<i32>} : memref<128x32xf32, #tpu.memory_space<vmem>>, vector<16xf32>,
      tpu.vector_store_idx %arg8[%add3A_10, %add3A_527], %get3A_535 : memref<32x131xf32, #tpu.memory_space<vmem>>[vector<16xi32>, vector<16xi32>], vector<16xf32>,
      %add3A_536 = arith.constant 33 : i32
      %add3A_537 = vector.broadcast %add3A_536 : i32 to vector<16xi32>
      %add3A_538 = arith.addi %broadcast_in_dim3A_11, %add3A_537 : vector<16xi32>
      %get3A_539 = arith.constant 33 : i32
      %get3A_540 = arith.index_cast %get3A_539 : i32 to index
      %get3A_541 = arith.constant 0 : index
      %get3A_542 = tpu.vector_load %arg6[%get3A_540, %get3A_541] {strides = array<i32>} : memref<128x32xf32, #tpu.memory_space<vmem>>, vector<16xf32>,
      tpu.vector_store_idx %arg8[%add3A_7, %add3A_538], %get3A_542 : memref<32x131xf32, #tpu.memory_space<vmem>>[vector<16xi32>, vector<16xi32>], vector<16xf32>,
      %get3A_543 = arith.constant 33 : i32
      %get3A_544 = arith.index_cast %get3A_543 : i32 to index
      %get3A_545 = arith.constant 16 : index
      %get3A_546 = tpu.vector_load %arg6[%get3A_544, %get3A_545] {strides = array<i32>} : memref<128x32xf32, #tpu.memory_space<vmem>>, vector<16xf32>,
      tpu.vector_store_idx %arg8[%add3A_10, %add3A_538], %get3A_546 : memref<32x131xf32, #tpu.memory_space<vmem>>[vector<16xi32>, vector<16xi32>], vector<16xf32>,
      %add3A_547 = arith.constant 34 : i32
      %add3A_548 = vector.broadcast %add3A_547 : i32 to vector<16xi32>
      %add3A_549 = arith.addi %broadcast_in_dim3A_11, %add3A_548 : vector<16xi32>
      %get3A_550 = arith.constant 34 : i32
      %get3A_551 = arith.index_cast %get3A_550 : i32 to index
      %get3A_552 = arith.constant 0 : index
      %get3A_553 = tpu.vector_load %arg6[%get3A_551, %get3A_552] {strides = array<i32>} : memref<128x32xf32, #tpu.memory_space<vmem>>, vector<16xf32>,
      tpu.vector_store_idx %arg8[%add3A_7, %add3A_549], %get3A_553 : memref<32x131xf32, #tpu.memory_space<vmem>>[vector<16xi32>, vector<16xi32>], vector<16xf32>,
      %get3A_554 = arith.constant 34 : i32
      %get3A_555 = arith.index_cast %get3A_554 : i32 to index
      %get3A_556 = arith.constant 16 : index
      %get3A_557 = tpu.vector_load %arg6[%get3A_555, %get3A_556] {strides = array<i32>} : memref<128x32xf32, #tpu.memory_space<vmem>>, vector<16xf32>,
      tpu.vector_store_idx %arg8[%add3A_10, %add3A_549], %get3A_557 : memref<32x131xf32, #tpu.memory_space<vmem>>[vector<16xi32>, vector<16xi32>], vector<16xf32>,
      %add3A_558 = arith.constant 35 : i32
      %add3A_559 = vector.broadcast %add3A_558 : i32 to vector<16xi32>
      %add3A_560 = arith.addi %broadcast_in_dim3A_11, %add3A_559 : vector<16xi32>
      %get3A_561 = arith.constant 35 : i32
      %get3A_562 = arith.index_cast %get3A_561 : i32 to index
      %get3A_563 = arith.constant 0 : index
      %get3A_564 = tpu.vector_load %arg6[%get3A_562, %get3A_563] {strides = array<i32>} : memref<128x32xf32, #tpu.memory_space<vmem>>, vector<16xf32>,
      tpu.vector_store_idx %arg8[%add3A_7, %add3A_560], %get3A_564 : memref<32x131xf32, #tpu.memory_space<vmem>>[vector<16xi32>, vector<16xi32>], vector<16xf32>,
      %get3A_565 = arith.constant 35 : i32
      %get3A_566 = arith.index_cast %get3A_565 : i32 to index
      %get3A_567 = arith.constant 16 : index
      %get3A_568 = tpu.vector_load %arg6[%get3A_566, %get3A_567] {strides = array<i32>} : memref<128x32xf32, #tpu.memory_space<vmem>>, vector<16xf32>,
      tpu.vector_store_idx %arg8[%add3A_10, %add3A_560], %get3A_568 : memref<32x131xf32, #tpu.memory_space<vmem>>[vector<16xi32>, vector<16xi32>], vector<16xf32>,
      %add3A_569 = arith.constant 36 : i32
      %add3A_570 = vector.broadcast %add3A_569 : i32 to vector<16xi32>
      %add3A_571 = arith.addi %broadcast_in_dim3A_11, %add3A_570 : vector<16xi32>
      %get3A_572 = arith.constant 36 : i32
      %get3A_573 = arith.index_cast %get3A_572 : i32 to index
      %get3A_574 = arith.constant 0 : index
      %get3A_575 = tpu.vector_load %arg6[%get3A_573, %get3A_574] {strides = array<i32>} : memref<128x32xf32, #tpu.memory_space<vmem>>, vector<16xf32>,
      tpu.vector_store_idx %arg8[%add3A_7, %add3A_571], %get3A_575 : memref<32x131xf32, #tpu.memory_space<vmem>>[vector<16xi32>, vector<16xi32>], vector<16xf32>,
      %get3A_576 = arith.constant 36 : i32
      %get3A_577 = arith.index_cast %get3A_576 : i32 to index
      %get3A_578 = arith.constant 16 : index
      %get3A_579 = tpu.vector_load %arg6[%get3A_577, %get3A_578] {strides = array<i32>} : memref<128x32xf32, #tpu.memory_space<vmem>>, vector<16xf32>,
      tpu.vector_store_idx %arg8[%add3A_10, %add3A_571], %get3A_579 : memref<32x131xf32, #tpu.memory_space<vmem>>[vector<16xi32>, vector<16xi32>], vector<16xf32>,
      %add3A_580 = arith.constant 37 : i32
      %add3A_581 = vector.broadcast %add3A_580 : i32 to vector<16xi32>
      %add3A_582 = arith.addi %broadcast_in_dim3A_11, %add3A_581 : vector<16xi32>
      %get3A_583 = arith.constant 37 : i32
      %get3A_584 = arith.index_cast %get3A_583 : i32 to index
      %get3A_585 = arith.constant 0 : index
      %get3A_586 = tpu.vector_load %arg6[%get3A_584, %get3A_585] {strides = array<i32>} : memref<128x32xf32, #tpu.memory_space<vmem>>, vector<16xf32>,
      tpu.vector_store_idx %arg8[%add3A_7, %add3A_582], %get3A_586 : memref<32x131xf32, #tpu.memory_space<vmem>>[vector<16xi32>, vector<16xi32>], vector<16xf32>,
      %get3A_587 = arith.constant 37 : i32
      %get3A_588 = arith.index_cast %get3A_587 : i32 to index
      %get3A_589 = arith.constant 16 : index
      %get3A_590 = tpu.vector_load %arg6[%get3A_588, %get3A_589] {strides = array<i32>} : memref<128x32xf32, #tpu.memory_space<vmem>>, vector<16xf32>,
      tpu.vector_store_idx %arg8[%add3A_10, %add3A_582], %get3A_590 : memref<32x131xf32, #tpu.memory_space<vmem>>[vector<16xi32>, vector<16xi32>], vector<16xf32>,
      %add3A_591 = arith.constant 38 : i32
      %add3A_592 = vector.broadcast %add3A_591 : i32 to vector<16xi32>
      %add3A_593 = arith.addi %broadcast_in_dim3A_11, %add3A_592 : vector<16xi32>
      %get3A_594 = arith.constant 38 : i32
      %get3A_595 = arith.index_cast %get3A_594 : i32 to index
      %get3A_596 = arith.constant 0 : index
      %get3A_597 = tpu.vector_load %arg6[%get3A_595, %get3A_596] {strides = array<i32>} : memref<128x32xf32, #tpu.memory_space<vmem>>, vector<16xf32>,
      tpu.vector_store_idx %arg8[%add3A_7, %add3A_593], %get3A_597 : memref<32x131xf32, #tpu.memory_space<vmem>>[vector<16xi32>, vector<16xi32>], vector<16xf32>,
      %get3A_598 = arith.constant 38 : i32
      %get3A_599 = arith.index_cast %get3A_598 : i32 to index
      %get3A_600 = arith.constant 16 : index
      %get3A_601 = tpu.vector_load %arg6[%get3A_599, %get3A_600] {strides = array<i32>} : memref<128x32xf32, #tpu.memory_space<vmem>>, vector<16xf32>,
      tpu.vector_store_idx %arg8[%add3A_10, %add3A_593], %get3A_601 : memref<32x131xf32, #tpu.memory_space<vmem>>[vector<16xi32>, vector<16xi32>], vector<16xf32>,
      %add3A_602 = arith.constant 39 : i32
      %add3A_603 = vector.broadcast %add3A_602 : i32 to vector<16xi32>
      %add3A_604 = arith.addi %broadcast_in_dim3A_11, %add3A_603 : vector<16xi32>
      %get3A_605 = arith.constant 39 : i32
      %get3A_606 = arith.index_cast %get3A_605 : i32 to index
      %get3A_607 = arith.constant 0 : index
      %get3A_608 = tpu.vector_load %arg6[%get3A_606, %get3A_607] {strides = array<i32>} : memref<128x32xf32, #tpu.memory_space<vmem>>, vector<16xf32>,
      tpu.vector_store_idx %arg8[%add3A_7, %add3A_604], %get3A_608 : memref<32x131xf32, #tpu.memory_space<vmem>>[vector<16xi32>, vector<16xi32>], vector<16xf32>,
      %get3A_609 = arith.constant 39 : i32
      %get3A_610 = arith.index_cast %get3A_609 : i32 to index
      %get3A_611 = arith.constant 16 : index
      %get3A_612 = tpu.vector_load %arg6[%get3A_610, %get3A_611] {strides = array<i32>} : memref<128x32xf32, #tpu.memory_space<vmem>>, vector<16xf32>,
      tpu.vector_store_idx %arg8[%add3A_10, %add3A_604], %get3A_612 : memref<32x131xf32, #tpu.memory_space<vmem>>[vector<16xi32>, vector<16xi32>], vector<16xf32>,
      %add3A_613 = arith.constant 40 : i32
      %add3A_614 = vector.broadcast %add3A_613 : i32 to vector<16xi32>
      %add3A_615 = arith.addi %broadcast_in_dim3A_11, %add3A_614 : vector<16xi32>
      %get3A_616 = arith.constant 40 : i32
      %get3A_617 = arith.index_cast %get3A_616 : i32 to index
      %get3A_618 = arith.constant 0 : index
      %get3A_619 = tpu.vector_load %arg6[%get3A_617, %get3A_618] {strides = array<i32>} : memref<128x32xf32, #tpu.memory_space<vmem>>, vector<16xf32>,
      tpu.vector_store_idx %arg8[%add3A_7, %add3A_615], %get3A_619 : memref<32x131xf32, #tpu.memory_space<vmem>>[vector<16xi32>, vector<16xi32>], vector<16xf32>,
      %get3A_620 = arith.constant 40 : i32
      %get3A_621 = arith.index_cast %get3A_620 : i32 to index
      %get3A_622 = arith.constant 16 : index
      %get3A_623 = tpu.vector_load %arg6[%get3A_621, %get3A_622] {strides = array<i32>} : memref<128x32xf32, #tpu.memory_space<vmem>>, vector<16xf32>,
      tpu.vector_store_idx %arg8[%add3A_10, %add3A_615], %get3A_623 : memref<32x131xf32, #tpu.memory_space<vmem>>[vector<16xi32>, vector<16xi32>], vector<16xf32>,
      %add3A_624 = arith.constant 41 : i32
      %add3A_625 = vector.broadcast %add3A_624 : i32 to vector<16xi32>
      %add3A_626 = arith.addi %broadcast_in_dim3A_11, %add3A_625 : vector<16xi32>
      %get3A_627 = arith.constant 41 : i32
      %get3A_628 = arith.index_cast %get3A_627 : i32 to index
      %get3A_629 = arith.constant 0 : index
      %get3A_630 = tpu.vector_load %arg6[%get3A_628, %get3A_629] {strides = array<i32>} : memref<128x32xf32, #tpu.memory_space<vmem>>, vector<16xf32>,
      tpu.vector_store_idx %arg8[%add3A_7, %add3A_626], %get3A_630 : memref<32x131xf32, #tpu.memory_space<vmem>>[vector<16xi32>, vector<16xi32>], vector<16xf32>,
      %get3A_631 = arith.constant 41 : i32
      %get3A_632 = arith.index_cast %get3A_631 : i32 to index
      %get3A_633 = arith.constant 16 : index
      %get3A_634 = tpu.vector_load %arg6[%get3A_632, %get3A_633] {strides = array<i32>} : memref<128x32xf32, #tpu.memory_space<vmem>>, vector<16xf32>,
      tpu.vector_store_idx %arg8[%add3A_10, %add3A_626], %get3A_634 : memref<32x131xf32, #tpu.memory_space<vmem>>[vector<16xi32>, vector<16xi32>], vector<16xf32>,
      %add3A_635 = arith.constant 42 : i32
      %add3A_636 = vector.broadcast %add3A_635 : i32 to vector<16xi32>
      %add3A_637 = arith.addi %broadcast_in_dim3A_11, %add3A_636 : vector<16xi32>
      %get3A_638 = arith.constant 42 : i32
      %get3A_639 = arith.index_cast %get3A_638 : i32 to index
      %get3A_640 = arith.constant 0 : index
      %get3A_641 = tpu.vector_load %arg6[%get3A_639, %get3A_640] {strides = array<i32>} : memref<128x32xf32, #tpu.memory_space<vmem>>, vector<16xf32>,
      tpu.vector_store_idx %arg8[%add3A_7, %add3A_637], %get3A_641 : memref<32x131xf32, #tpu.memory_space<vmem>>[vector<16xi32>, vector<16xi32>], vector<16xf32>,
      %get3A_642 = arith.constant 42 : i32
      %get3A_643 = arith.index_cast %get3A_642 : i32 to index
      %get3A_644 = arith.constant 16 : index
      %get3A_645 = tpu.vector_load %arg6[%get3A_643, %get3A_644] {strides = array<i32>} : memref<128x32xf32, #tpu.memory_space<vmem>>, vector<16xf32>,
      tpu.vector_store_idx %arg8[%add3A_10, %add3A_637], %get3A_645 : memref<32x131xf32, #tpu.memory_space<vmem>>[vector<16xi32>, vector<16xi32>], vector<16xf32>,
      %add3A_646 = arith.constant 43 : i32
      %add3A_647 = vector.broadcast %add3A_646 : i32 to vector<16xi32>
      %add3A_648 = arith.addi %broadcast_in_dim3A_11, %add3A_647 : vector<16xi32>
      %get3A_649 = arith.constant 43 : i32
      %get3A_650 = arith.index_cast %get3A_649 : i32 to index
      %get3A_651 = arith.constant 0 : index
      %get3A_652 = tpu.vector_load %arg6[%get3A_650, %get3A_651] {strides = array<i32>} : memref<128x32xf32, #tpu.memory_space<vmem>>, vector<16xf32>,
      tpu.vector_store_idx %arg8[%add3A_7, %add3A_648], %get3A_652 : memref<32x131xf32, #tpu.memory_space<vmem>>[vector<16xi32>, vector<16xi32>], vector<16xf32>,
      %get3A_653 = arith.constant 43 : i32
      %get3A_654 = arith.index_cast %get3A_653 : i32 to index
      %get3A_655 = arith.constant 16 : index
      %get3A_656 = tpu.vector_load %arg6[%get3A_654, %get3A_655] {strides = array<i32>} : memref<128x32xf32, #tpu.memory_space<vmem>>, vector<16xf32>,
      tpu.vector_store_idx %arg8[%add3A_10, %add3A_648], %get3A_656 : memref<32x131xf32, #tpu.memory_space<vmem>>[vector<16xi32>, vector<16xi32>], vector<16xf32>,
      %add3A_657 = arith.constant 44 : i32
      %add3A_658 = vector.broadcast %add3A_657 : i32 to vector<16xi32>
      %add3A_659 = arith.addi %broadcast_in_dim3A_11, %add3A_658 : vector<16xi32>
      %get3A_660 = arith.constant 44 : i32
      %get3A_661 = arith.index_cast %get3A_660 : i32 to index
      %get3A_662 = arith.constant 0 : index
      %get3A_663 = tpu.vector_load %arg6[%get3A_661, %get3A_662] {strides = array<i32>} : memref<128x32xf32, #tpu.memory_space<vmem>>, vector<16xf32>,
      tpu.vector_store_idx %arg8[%add3A_7, %add3A_659], %get3A_663 : memref<32x131xf32, #tpu.memory_space<vmem>>[vector<16xi32>, vector<16xi32>], vector<16xf32>,
      %get3A_664 = arith.constant 44 : i32
      %get3A_665 = arith.index_cast %get3A_664 : i32 to index
      %get3A_666 = arith.constant 16 : index
      %get3A_667 = tpu.vector_load %arg6[%get3A_665, %get3A_666] {strides = array<i32>} : memref<128x32xf32, #tpu.memory_space<vmem>>, vector<16xf32>,
      tpu.vector_store_idx %arg8[%add3A_10, %add3A_659], %get3A_667 : memref<32x131xf32, #tpu.memory_space<vmem>>[vector<16xi32>, vector<16xi32>], vector<16xf32>,
      %add3A_668 = arith.constant 45 : i32
      %add3A_669 = vector.broadcast %add3A_668 : i32 to vector<16xi32>
      %add3A_670 = arith.addi %broadcast_in_dim3A_11, %add3A_669 : vector<16xi32>
      %get3A_671 = arith.constant 45 : i32
      %get3A_672 = arith.index_cast %get3A_671 : i32 to index
      %get3A_673 = arith.constant 0 : index
      %get3A_674 = tpu.vector_load %arg6[%get3A_672, %get3A_673] {strides = array<i32>} : memref<128x32xf32, #tpu.memory_space<vmem>>, vector<16xf32>,
      tpu.vector_store_idx %arg8[%add3A_7, %add3A_670], %get3A_674 : memref<32x131xf32, #tpu.memory_space<vmem>>[vector<16xi32>, vector<16xi32>], vector<16xf32>,
      %get3A_675 = arith.constant 45 : i32
      %get3A_676 = arith.index_cast %get3A_675 : i32 to index
      %get3A_677 = arith.constant 16 : index
      %get3A_678 = tpu.vector_load %arg6[%get3A_676, %get3A_677] {strides = array<i32>} : memref<128x32xf32, #tpu.memory_space<vmem>>, vector<16xf32>,
      tpu.vector_store_idx %arg8[%add3A_10, %add3A_670], %get3A_678 : memref<32x131xf32, #tpu.memory_space<vmem>>[vector<16xi32>, vector<16xi32>], vector<16xf32>,
      %add3A_679 = arith.constant 46 : i32
      %add3A_680 = vector.broadcast %add3A_679 : i32 to vector<16xi32>
      %add3A_681 = arith.addi %broadcast_in_dim3A_11, %add3A_680 : vector<16xi32>
      %get3A_682 = arith.constant 46 : i32
      %get3A_683 = arith.index_cast %get3A_682 : i32 to index
      %get3A_684 = arith.constant 0 : index
      %get3A_685 = tpu.vector_load %arg6[%get3A_683, %get3A_684] {strides = array<i32>} : memref<128x32xf32, #tpu.memory_space<vmem>>, vector<16xf32>,
      tpu.vector_store_idx %arg8[%add3A_7, %add3A_681], %get3A_685 : memref<32x131xf32, #tpu.memory_space<vmem>>[vector<16xi32>, vector<16xi32>], vector<16xf32>,
      %get3A_686 = arith.constant 46 : i32
      %get3A_687 = arith.index_cast %get3A_686 : i32 to index
      %get3A_688 = arith.constant 16 : index
      %get3A_689 = tpu.vector_load %arg6[%get3A_687, %get3A_688] {strides = array<i32>} : memref<128x32xf32, #tpu.memory_space<vmem>>, vector<16xf32>,
      tpu.vector_store_idx %arg8[%add3A_10, %add3A_681], %get3A_689 : memref<32x131xf32, #tpu.memory_space<vmem>>[vector<16xi32>, vector<16xi32>], vector<16xf32>,
      %add3A_690 = arith.constant 47 : i32
      %add3A_691 = vector.broadcast %add3A_690 : i32 to vector<16xi32>
      %add3A_692 = arith.addi %broadcast_in_dim3A_11, %add3A_691 : vector<16xi32>
      %get3A_693 = arith.constant 47 : i32
      %get3A_694 = arith.index_cast %get3A_693 : i32 to index
      %get3A_695 = arith.constant 0 : index
      %get3A_696 = tpu.vector_load %arg6[%get3A_694, %get3A_695] {strides = array<i32>} : memref<128x32xf32, #tpu.memory_space<vmem>>, vector<16xf32>,
      tpu.vector_store_idx %arg8[%add3A_7, %add3A_692], %get3A_696 : memref<32x131xf32, #tpu.memory_space<vmem>>[vector<16xi32>, vector<16xi32>], vector<16xf32>,
      %get3A_697 = arith.constant 47 : i32
      %get3A_698 = arith.index_cast %get3A_697 : i32 to index
      %get3A_699 = arith.constant 16 : index
      %get3A_700 = tpu.vector_load %arg6[%get3A_698, %get3A_699] {strides = array<i32>} : memref<128x32xf32, #tpu.memory_space<vmem>>, vector<16xf32>,
      tpu.vector_store_idx %arg8[%add3A_10, %add3A_692], %get3A_700 : memref<32x131xf32, #tpu.memory_space<vmem>>[vector<16xi32>, vector<16xi32>], vector<16xf32>,
      %add3A_701 = arith.constant 48 : i32
      %add3A_702 = vector.broadcast %add3A_701 : i32 to vector<16xi32>
      %add3A_703 = arith.addi %broadcast_in_dim3A_11, %add3A_702 : vector<16xi32>
      %get3A_704 = arith.constant 48 : i32
      %get3A_705 = arith.index_cast %get3A_704 : i32 to index
      %get3A_706 = arith.constant 0 : index
      %get3A_707 = tpu.vector_load %arg6[%get3A_705, %get3A_706] {strides = array<i32>} : memref<128x32xf32, #tpu.memory_space<vmem>>, vector<16xf32>,
      tpu.vector_store_idx %arg8[%add3A_7, %add3A_703], %get3A_707 : memref<32x131xf32, #tpu.memory_space<vmem>>[vector<16xi32>, vector<16xi32>], vector<16xf32>,
      %get3A_708 = arith.constant 48 : i32
      %get3A_709 = arith.index_cast %get3A_708 : i32 to index
      %get3A_710 = arith.constant 16 : index
      %get3A_711 = tpu.vector_load %arg6[%get3A_709, %get3A_710] {strides = array<i32>} : memref<128x32xf32, #tpu.memory_space<vmem>>, vector<16xf32>,
      tpu.vector_store_idx %arg8[%add3A_10, %add3A_703], %get3A_711 : memref<32x131xf32, #tpu.memory_space<vmem>>[vector<16xi32>, vector<16xi32>], vector<16xf32>,
      %add3A_712 = arith.constant 49 : i32
      %add3A_713 = vector.broadcast %add3A_712 : i32 to vector<16xi32>
      %add3A_714 = arith.addi %broadcast_in_dim3A_11, %add3A_713 : vector<16xi32>
      %get3A_715 = arith.constant 49 : i32
      %get3A_716 = arith.index_cast %get3A_715 : i32 to index
      %get3A_717 = arith.constant 0 : index
      %get3A_718 = tpu.vector_load %arg6[%get3A_716, %get3A_717] {strides = array<i32>} : memref<128x32xf32, #tpu.memory_space<vmem>>, vector<16xf32>,
      tpu.vector_store_idx %arg8[%add3A_7, %add3A_714], %get3A_718 : memref<32x131xf32, #tpu.memory_space<vmem>>[vector<16xi32>, vector<16xi32>], vector<16xf32>,
      %get3A_719 = arith.constant 49 : i32
      %get3A_720 = arith.index_cast %get3A_719 : i32 to index
      %get3A_721 = arith.constant 16 : index
      %get3A_722 = tpu.vector_load %arg6[%get3A_720, %get3A_721] {strides = array<i32>} : memref<128x32xf32, #tpu.memory_space<vmem>>, vector<16xf32>,
      tpu.vector_store_idx %arg8[%add3A_10, %add3A_714], %get3A_722 : memref<32x131xf32, #tpu.memory_space<vmem>>[vector<16xi32>, vector<16xi32>], vector<16xf32>,
      %add3A_723 = arith.constant 50 : i32
      %add3A_724 = vector.broadcast %add3A_723 : i32 to vector<16xi32>
      %add3A_725 = arith.addi %broadcast_in_dim3A_11, %add3A_724 : vector<16xi32>
      %get3A_726 = arith.constant 50 : i32
      %get3A_727 = arith.index_cast %get3A_726 : i32 to index
      %get3A_728 = arith.constant 0 : index
      %get3A_729 = tpu.vector_load %arg6[%get3A_727, %get3A_728] {strides = array<i32>} : memref<128x32xf32, #tpu.memory_space<vmem>>, vector<16xf32>,
      tpu.vector_store_idx %arg8[%add3A_7, %add3A_725], %get3A_729 : memref<32x131xf32, #tpu.memory_space<vmem>>[vector<16xi32>, vector<16xi32>], vector<16xf32>,
      %get3A_730 = arith.constant 50 : i32
      %get3A_731 = arith.index_cast %get3A_730 : i32 to index
      %get3A_732 = arith.constant 16 : index
      %get3A_733 = tpu.vector_load %arg6[%get3A_731, %get3A_732] {strides = array<i32>} : memref<128x32xf32, #tpu.memory_space<vmem>>, vector<16xf32>,
      tpu.vector_store_idx %arg8[%add3A_10, %add3A_725], %get3A_733 : memref<32x131xf32, #tpu.memory_space<vmem>>[vector<16xi32>, vector<16xi32>], vector<16xf32>,
      %add3A_734 = arith.constant 51 : i32
      %add3A_735 = vector.broadcast %add3A_734 : i32 to vector<16xi32>
      %add3A_736 = arith.addi %broadcast_in_dim3A_11, %add3A_735 : vector<16xi32>
      %get3A_737 = arith.constant 51 : i32
      %get3A_738 = arith.index_cast %get3A_737 : i32 to index
      %get3A_739 = arith.constant 0 : index
      %get3A_740 = tpu.vector_load %arg6[%get3A_738, %get3A_739] {strides = array<i32>} : memref<128x32xf32, #tpu.memory_space<vmem>>, vector<16xf32>,
      tpu.vector_store_idx %arg8[%add3A_7, %add3A_736], %get3A_740 : memref<32x131xf32, #tpu.memory_space<vmem>>[vector<16xi32>, vector<16xi32>], vector<16xf32>,
      %get3A_741 = arith.constant 51 : i32
      %get3A_742 = arith.index_cast %get3A_741 : i32 to index
      %get3A_743 = arith.constant 16 : index
      %get3A_744 = tpu.vector_load %arg6[%get3A_742, %get3A_743] {strides = array<i32>} : memref<128x32xf32, #tpu.memory_space<vmem>>, vector<16xf32>,
      tpu.vector_store_idx %arg8[%add3A_10, %add3A_736], %get3A_744 : memref<32x131xf32, #tpu.memory_space<vmem>>[vector<16xi32>, vector<16xi32>], vector<16xf32>,
      %add3A_745 = arith.constant 52 : i32
      %add3A_746 = vector.broadcast %add3A_745 : i32 to vector<16xi32>
      %add3A_747 = arith.addi %broadcast_in_dim3A_11, %add3A_746 : vector<16xi32>
      %get3A_748 = arith.constant 52 : i32
      %get3A_749 = arith.index_cast %get3A_748 : i32 to index
      %get3A_750 = arith.constant 0 : index
      %get3A_751 = tpu.vector_load %arg6[%get3A_749, %get3A_750] {strides = array<i32>} : memref<128x32xf32, #tpu.memory_space<vmem>>, vector<16xf32>,
      tpu.vector_store_idx %arg8[%add3A_7, %add3A_747], %get3A_751 : memref<32x131xf32, #tpu.memory_space<vmem>>[vector<16xi32>, vector<16xi32>], vector<16xf32>,
      %get3A_752 = arith.constant 52 : i32
      %get3A_753 = arith.index_cast %get3A_752 : i32 to index
      %get3A_754 = arith.constant 16 : index
      %get3A_755 = tpu.vector_load %arg6[%get3A_753, %get3A_754] {strides = array<i32>} : memref<128x32xf32, #tpu.memory_space<vmem>>, vector<16xf32>,
      tpu.vector_store_idx %arg8[%add3A_10, %add3A_747], %get3A_755 : memref<32x131xf32, #tpu.memory_space<vmem>>[vector<16xi32>, vector<16xi32>], vector<16xf32>,
      %add3A_756 = arith.constant 53 : i32
      %add3A_757 = vector.broadcast %add3A_756 : i32 to vector<16xi32>
      %add3A_758 = arith.addi %broadcast_in_dim3A_11, %add3A_757 : vector<16xi32>
      %get3A_759 = arith.constant 53 : i32
      %get3A_760 = arith.index_cast %get3A_759 : i32 to index
      %get3A_761 = arith.constant 0 : index
      %get3A_762 = tpu.vector_load %arg6[%get3A_760, %get3A_761] {strides = array<i32>} : memref<128x32xf32, #tpu.memory_space<vmem>>, vector<16xf32>,
      tpu.vector_store_idx %arg8[%add3A_7, %add3A_758], %get3A_762 : memref<32x131xf32, #tpu.memory_space<vmem>>[vector<16xi32>, vector<16xi32>], vector<16xf32>,
      %get3A_763 = arith.constant 53 : i32
      %get3A_764 = arith.index_cast %get3A_763 : i32 to index
      %get3A_765 = arith.constant 16 : index
      %get3A_766 = tpu.vector_load %arg6[%get3A_764, %get3A_765] {strides = array<i32>} : memref<128x32xf32, #tpu.memory_space<vmem>>, vector<16xf32>,
      tpu.vector_store_idx %arg8[%add3A_10, %add3A_758], %get3A_766 : memref<32x131xf32, #tpu.memory_space<vmem>>[vector<16xi32>, vector<16xi32>], vector<16xf32>,
      %add3A_767 = arith.constant 54 : i32
      %add3A_768 = vector.broadcast %add3A_767 : i32 to vector<16xi32>
      %add3A_769 = arith.addi %broadcast_in_dim3A_11, %add3A_768 : vector<16xi32>
      %get3A_770 = arith.constant 54 : i32
      %get3A_771 = arith.index_cast %get3A_770 : i32 to index
      %get3A_772 = arith.constant 0 : index
      %get3A_773 = tpu.vector_load %arg6[%get3A_771, %get3A_772] {strides = array<i32>} : memref<128x32xf32, #tpu.memory_space<vmem>>, vector<16xf32>,
      tpu.vector_store_idx %arg8[%add3A_7, %add3A_769], %get3A_773 : memref<32x131xf32, #tpu.memory_space<vmem>>[vector<16xi32>, vector<16xi32>], vector<16xf32>,
      %get3A_774 = arith.constant 54 : i32
      %get3A_775 = arith.index_cast %get3A_774 : i32 to index
      %get3A_776 = arith.constant 16 : index
      %get3A_777 = tpu.vector_load %arg6[%get3A_775, %get3A_776] {strides = array<i32>} : memref<128x32xf32, #tpu.memory_space<vmem>>, vector<16xf32>,
      tpu.vector_store_idx %arg8[%add3A_10, %add3A_769], %get3A_777 : memref<32x131xf32, #tpu.memory_space<vmem>>[vector<16xi32>, vector<16xi32>], vector<16xf32>,
      %add3A_778 = arith.constant 55 : i32
      %add3A_779 = vector.broadcast %add3A_778 : i32 to vector<16xi32>
      %add3A_780 = arith.addi %broadcast_in_dim3A_11, %add3A_779 : vector<16xi32>
      %get3A_781 = arith.constant 55 : i32
      %get3A_782 = arith.index_cast %get3A_781 : i32 to index
      %get3A_783 = arith.constant 0 : index
      %get3A_784 = tpu.vector_load %arg6[%get3A_782, %get3A_783] {strides = array<i32>} : memref<128x32xf32, #tpu.memory_space<vmem>>, vector<16xf32>,
      tpu.vector_store_idx %arg8[%add3A_7, %add3A_780], %get3A_784 : memref<32x131xf32, #tpu.memory_space<vmem>>[vector<16xi32>, vector<16xi32>], vector<16xf32>,
      %get3A_785 = arith.constant 55 : i32
      %get3A_786 = arith.index_cast %get3A_785 : i32 to index
      %get3A_787 = arith.constant 16 : index
      %get3A_788 = tpu.vector_load %arg6[%get3A_786, %get3A_787] {strides = array<i32>} : memref<128x32xf32, #tpu.memory_space<vmem>>, vector<16xf32>,
      tpu.vector_store_idx %arg8[%add3A_10, %add3A_780], %get3A_788 : memref<32x131xf32, #tpu.memory_space<vmem>>[vector<16xi32>, vector<16xi32>], vector<16xf32>,
      %add3A_789 = arith.constant 56 : i32
      %add3A_790 = vector.broadcast %add3A_789 : i32 to vector<16xi32>
      %add3A_791 = arith.addi %broadcast_in_dim3A_11, %add3A_790 : vector<16xi32>
      %get3A_792 = arith.constant 56 : i32
      %get3A_793 = arith.index_cast %get3A_792 : i32 to index
      %get3A_794 = arith.constant 0 : index
      %get3A_795 = tpu.vector_load %arg6[%get3A_793, %get3A_794] {strides = array<i32>} : memref<128x32xf32, #tpu.memory_space<vmem>>, vector<16xf32>,
      tpu.vector_store_idx %arg8[%add3A_7, %add3A_791], %get3A_795 : memref<32x131xf32, #tpu.memory_space<vmem>>[vector<16xi32>, vector<16xi32>], vector<16xf32>,
      %get3A_796 = arith.constant 56 : i32
      %get3A_797 = arith.index_cast %get3A_796 : i32 to index
      %get3A_798 = arith.constant 16 : index
      %get3A_799 = tpu.vector_load %arg6[%get3A_797, %get3A_798] {strides = array<i32>} : memref<128x32xf32, #tpu.memory_space<vmem>>, vector<16xf32>,
      tpu.vector_store_idx %arg8[%add3A_10, %add3A_791], %get3A_799 : memref<32x131xf32, #tpu.memory_space<vmem>>[vector<16xi32>, vector<16xi32>], vector<16xf32>,
      %add3A_800 = arith.constant 57 : i32
      %add3A_801 = vector.broadcast %add3A_800 : i32 to vector<16xi32>
      %add3A_802 = arith.addi %broadcast_in_dim3A_11, %add3A_801 : vector<16xi32>
      %get3A_803 = arith.constant 57 : i32
      %get3A_804 = arith.index_cast %get3A_803 : i32 to index
      %get3A_805 = arith.constant 0 : index
      %get3A_806 = tpu.vector_load %arg6[%get3A_804, %get3A_805] {strides = array<i32>} : memref<128x32xf32, #tpu.memory_space<vmem>>, vector<16xf32>,
      tpu.vector_store_idx %arg8[%add3A_7, %add3A_802], %get3A_806 : memref<32x131xf32, #tpu.memory_space<vmem>>[vector<16xi32>, vector<16xi32>], vector<16xf32>,
      %get3A_807 = arith.constant 57 : i32
      %get3A_808 = arith.index_cast %get3A_807 : i32 to index
      %get3A_809 = arith.constant 16 : index
      %get3A_810 = tpu.vector_load %arg6[%get3A_808, %get3A_809] {strides = array<i32>} : memref<128x32xf32, #tpu.memory_space<vmem>>, vector<16xf32>,
      tpu.vector_store_idx %arg8[%add3A_10, %add3A_802], %get3A_810 : memref<32x131xf32, #tpu.memory_space<vmem>>[vector<16xi32>, vector<16xi32>], vector<16xf32>,
      %add3A_811 = arith.constant 58 : i32
      %add3A_812 = vector.broadcast %add3A_811 : i32 to vector<16xi32>
      %add3A_813 = arith.addi %broadcast_in_dim3A_11, %add3A_812 : vector<16xi32>
      %get3A_814 = arith.constant 58 : i32
      %get3A_815 = arith.index_cast %get3A_814 : i32 to index
      %get3A_816 = arith.constant 0 : index
      %get3A_817 = tpu.vector_load %arg6[%get3A_815, %get3A_816] {strides = array<i32>} : memref<128x32xf32, #tpu.memory_space<vmem>>, vector<16xf32>,
      tpu.vector_store_idx %arg8[%add3A_7, %add3A_813], %get3A_817 : memref<32x131xf32, #tpu.memory_space<vmem>>[vector<16xi32>, vector<16xi32>], vector<16xf32>,
      %get3A_818 = arith.constant 58 : i32
      %get3A_819 = arith.index_cast %get3A_818 : i32 to index
      %get3A_820 = arith.constant 16 : index
      %get3A_821 = tpu.vector_load %arg6[%get3A_819, %get3A_820] {strides = array<i32>} : memref<128x32xf32, #tpu.memory_space<vmem>>, vector<16xf32>,
      tpu.vector_store_idx %arg8[%add3A_10, %add3A_813], %get3A_821 : memref<32x131xf32, #tpu.memory_space<vmem>>[vector<16xi32>, vector<16xi32>], vector<16xf32>,
      %add3A_822 = arith.constant 59 : i32
      %add3A_823 = vector.broadcast %add3A_822 : i32 to vector<16xi32>
      %add3A_824 = arith.addi %broadcast_in_dim3A_11, %add3A_823 : vector<16xi32>
      %get3A_825 = arith.constant 59 : i32
      %get3A_826 = arith.index_cast %get3A_825 : i32 to index
      %get3A_827 = arith.constant 0 : index
      %get3A_828 = tpu.vector_load %arg6[%get3A_826, %get3A_827] {strides = array<i32>} : memref<128x32xf32, #tpu.memory_space<vmem>>, vector<16xf32>,
      tpu.vector_store_idx %arg8[%add3A_7, %add3A_824], %get3A_828 : memref<32x131xf32, #tpu.memory_space<vmem>>[vector<16xi32>, vector<16xi32>], vector<16xf32>,
      %get3A_829 = arith.constant 59 : i32
      %get3A_830 = arith.index_cast %get3A_829 : i32 to index
      %get3A_831 = arith.constant 16 : index
      %get3A_832 = tpu.vector_load %arg6[%get3A_830, %get3A_831] {strides = array<i32>} : memref<128x32xf32, #tpu.memory_space<vmem>>, vector<16xf32>,
      tpu.vector_store_idx %arg8[%add3A_10, %add3A_824], %get3A_832 : memref<32x131xf32, #tpu.memory_space<vmem>>[vector<16xi32>, vector<16xi32>], vector<16xf32>,
      %add3A_833 = arith.constant 60 : i32
      %add3A_834 = vector.broadcast %add3A_833 : i32 to vector<16xi32>
      %add3A_835 = arith.addi %broadcast_in_dim3A_11, %add3A_834 : vector<16xi32>
      %get3A_836 = arith.constant 60 : i32
      %get3A_837 = arith.index_cast %get3A_836 : i32 to index
      %get3A_838 = arith.constant 0 : index
      %get3A_839 = tpu.vector_load %arg6[%get3A_837, %get3A_838] {strides = array<i32>} : memref<128x32xf32, #tpu.memory_space<vmem>>, vector<16xf32>,
      tpu.vector_store_idx %arg8[%add3A_7, %add3A_835], %get3A_839 : memref<32x131xf32, #tpu.memory_space<vmem>>[vector<16xi32>, vector<16xi32>], vector<16xf32>,
      %get3A_840 = arith.constant 60 : i32
      %get3A_841 = arith.index_cast %get3A_840 : i32 to index
      %get3A_842 = arith.constant 16 : index
      %get3A_843 = tpu.vector_load %arg6[%get3A_841, %get3A_842] {strides = array<i32>} : memref<128x32xf32, #tpu.memory_space<vmem>>, vector<16xf32>,
      tpu.vector_store_idx %arg8[%add3A_10, %add3A_835], %get3A_843 : memref<32x131xf32, #tpu.memory_space<vmem>>[vector<16xi32>, vector<16xi32>], vector<16xf32>,
      %add3A_844 = arith.constant 61 : i32
      %add3A_845 = vector.broadcast %add3A_844 : i32 to vector<16xi32>
      %add3A_846 = arith.addi %broadcast_in_dim3A_11, %add3A_845 : vector<16xi32>
      %get3A_847 = arith.constant 61 : i32
      %get3A_848 = arith.index_cast %get3A_847 : i32 to index
      %get3A_849 = arith.constant 0 : index
      %get3A_850 = tpu.vector_load %arg6[%get3A_848, %get3A_849] {strides = array<i32>} : memref<128x32xf32, #tpu.memory_space<vmem>>, vector<16xf32>,
      tpu.vector_store_idx %arg8[%add3A_7, %add3A_846], %get3A_850 : memref<32x131xf32, #tpu.memory_space<vmem>>[vector<16xi32>, vector<16xi32>], vector<16xf32>,
      %get3A_851 = arith.constant 61 : i32
      %get3A_852 = arith.index_cast %get3A_851 : i32 to index
      %get3A_853 = arith.constant 16 : index
      %get3A_854 = tpu.vector_load %arg6[%get3A_852, %get3A_853] {strides = array<i32>} : memref<128x32xf32, #tpu.memory_space<vmem>>, vector<16xf32>,
      tpu.vector_store_idx %arg8[%add3A_10, %add3A_846], %get3A_854 : memref<32x131xf32, #tpu.memory_space<vmem>>[vector<16xi32>, vector<16xi32>], vector<16xf32>,
      %add3A_855 = arith.constant 62 : i32
      %add3A_856 = vector.broadcast %add3A_855 : i32 to vector<16xi32>
      %add3A_857 = arith.addi %broadcast_in_dim3A_11, %add3A_856 : vector<16xi32>
      %get3A_858 = arith.constant 62 : i32
      %get3A_859 = arith.index_cast %get3A_858 : i32 to index
      %get3A_860 = arith.constant 0 : index
      %get3A_861 = tpu.vector_load %arg6[%get3A_859, %get3A_860] {strides = array<i32>} : memref<128x32xf32, #tpu.memory_space<vmem>>, vector<16xf32>,
      tpu.vector_store_idx %arg8[%add3A_7, %add3A_857], %get3A_861 : memref<32x131xf32, #tpu.memory_space<vmem>>[vector<16xi32>, vector<16xi32>], vector<16xf32>,
      %get3A_862 = arith.constant 62 : i32
      %get3A_863 = arith.index_cast %get3A_862 : i32 to index
      %get3A_864 = arith.constant 16 : index
      %get3A_865 = tpu.vector_load %arg6[%get3A_863, %get3A_864] {strides = array<i32>} : memref<128x32xf32, #tpu.memory_space<vmem>>, vector<16xf32>,
      tpu.vector_store_idx %arg8[%add3A_10, %add3A_857], %get3A_865 : memref<32x131xf32, #tpu.memory_space<vmem>>[vector<16xi32>, vector<16xi32>], vector<16xf32>,
      %add3A_866 = arith.constant 63 : i32
      %add3A_867 = vector.broadcast %add3A_866 : i32 to vector<16xi32>
      %add3A_868 = arith.addi %broadcast_in_dim3A_11, %add3A_867 : vector<16xi32>
      %get3A_869 = arith.constant 63 : i32
      %get3A_870 = arith.index_cast %get3A_869 : i32 to index
      %get3A_871 = arith.constant 0 : index
      %get3A_872 = tpu.vector_load %arg6[%get3A_870, %get3A_871] {strides = array<i32>} : memref<128x32xf32, #tpu.memory_space<vmem>>, vector<16xf32>,
      tpu.vector_store_idx %arg8[%add3A_7, %add3A_868], %get3A_872 : memref<32x131xf32, #tpu.memory_space<vmem>>[vector<16xi32>, vector<16xi32>], vector<16xf32>,
      %get3A_873 = arith.constant 63 : i32
      %get3A_874 = arith.index_cast %get3A_873 : i32 to index
      %get3A_875 = arith.constant 16 : index
      %get3A_876 = tpu.vector_load %arg6[%get3A_874, %get3A_875] {strides = array<i32>} : memref<128x32xf32, #tpu.memory_space<vmem>>, vector<16xf32>,
      tpu.vector_store_idx %arg8[%add3A_10, %add3A_868], %get3A_876 : memref<32x131xf32, #tpu.memory_space<vmem>>[vector<16xi32>, vector<16xi32>], vector<16xf32>,
      %add3A_877 = arith.constant 64 : i32
      %add3A_878 = vector.broadcast %add3A_877 : i32 to vector<16xi32>
      %add3A_879 = arith.addi %broadcast_in_dim3A_11, %add3A_878 : vector<16xi32>
      %get3A_880 = arith.constant 64 : i32
      %get3A_881 = arith.index_cast %get3A_880 : i32 to index
      %get3A_882 = arith.constant 0 : index
      %get3A_883 = tpu.vector_load %arg6[%get3A_881, %get3A_882] {strides = array<i32>} : memref<128x32xf32, #tpu.memory_space<vmem>>, vector<16xf32>,
      tpu.vector_store_idx %arg8[%add3A_7, %add3A_879], %get3A_883 : memref<32x131xf32, #tpu.memory_space<vmem>>[vector<16xi32>, vector<16xi32>], vector<16xf32>,
      %get3A_884 = arith.constant 64 : i32
      %get3A_885 = arith.index_cast %get3A_884 : i32 to index
      %get3A_886 = arith.constant 16 : index
      %get3A_887 = tpu.vector_load %arg6[%get3A_885, %get3A_886] {strides = array<i32>} : memref<128x32xf32, #tpu.memory_space<vmem>>, vector<16xf32>,
      tpu.vector_store_idx %arg8[%add3A_10, %add3A_879], %get3A_887 : memref<32x131xf32, #tpu.memory_space<vmem>>[vector<16xi32>, vector<16xi32>], vector<16xf32>,
      %add3A_888 = arith.constant 65 : i32
      %add3A_889 = vector.broadcast %add3A_888 : i32 to vector<16xi32>
      %add3A_890 = arith.addi %broadcast_in_dim3A_11, %add3A_889 : vector<16xi32>
      %get3A_891 = arith.constant 65 : i32
      %get3A_892 = arith.index_cast %get3A_891 : i32 to index
      %get3A_893 = arith.constant 0 : index
      %get3A_894 = tpu.vector_load %arg6[%get3A_892, %get3A_893] {strides = array<i32>} : memref<128x32xf32, #tpu.memory_space<vmem>>, vector<16xf32>,
      tpu.vector_store_idx %arg8[%add3A_7, %add3A_890], %get3A_894 : memref<32x131xf32, #tpu.memory_space<vmem>>[vector<16xi32>, vector<16xi32>], vector<16xf32>,
      %get3A_895 = arith.constant 65 : i32
      %get3A_896 = arith.index_cast %get3A_895 : i32 to index
      %get3A_897 = arith.constant 16 : index
      %get3A_898 = tpu.vector_load %arg6[%get3A_896, %get3A_897] {strides = array<i32>} : memref<128x32xf32, #tpu.memory_space<vmem>>, vector<16xf32>,
      tpu.vector_store_idx %arg8[%add3A_10, %add3A_890], %get3A_898 : memref<32x131xf32, #tpu.memory_space<vmem>>[vector<16xi32>, vector<16xi32>], vector<16xf32>,
      %add3A_899 = arith.constant 66 : i32
      %add3A_900 = vector.broadcast %add3A_899 : i32 to vector<16xi32>
      %add3A_901 = arith.addi %broadcast_in_dim3A_11, %add3A_900 : vector<16xi32>
      %get3A_902 = arith.constant 66 : i32
      %get3A_903 = arith.index_cast %get3A_902 : i32 to index
      %get3A_904 = arith.constant 0 : index
      %get3A_905 = tpu.vector_load %arg6[%get3A_903, %get3A_904] {strides = array<i32>} : memref<128x32xf32, #tpu.memory_space<vmem>>, vector<16xf32>,
      tpu.vector_store_idx %arg8[%add3A_7, %add3A_901], %get3A_905 : memref<32x131xf32, #tpu.memory_space<vmem>>[vector<16xi32>, vector<16xi32>], vector<16xf32>,
      %get3A_906 = arith.constant 66 : i32
      %get3A_907 = arith.index_cast %get3A_906 : i32 to index
      %get3A_908 = arith.constant 16 : index
      %get3A_909 = tpu.vector_load %arg6[%get3A_907, %get3A_908] {strides = array<i32>} : memref<128x32xf32, #tpu.memory_space<vmem>>, vector<16xf32>,
      tpu.vector_store_idx %arg8[%add3A_10, %add3A_901], %get3A_909 : memref<32x131xf32, #tpu.memory_space<vmem>>[vector<16xi32>, vector<16xi32>], vector<16xf32>,
      %add3A_910 = arith.constant 67 : i32
      %add3A_911 = vector.broadcast %add3A_910 : i32 to vector<16xi32>
      %add3A_912 = arith.addi %broadcast_in_dim3A_11, %add3A_911 : vector<16xi32>
      %get3A_913 = arith.constant 67 : i32
      %get3A_914 = arith.index_cast %get3A_913 : i32 to index
      %get3A_915 = arith.constant 0 : index
      %get3A_916 = tpu.vector_load %arg6[%get3A_914, %get3A_915] {strides = array<i32>} : memref<128x32xf32, #tpu.memory_space<vmem>>, vector<16xf32>,
      tpu.vector_store_idx %arg8[%add3A_7, %add3A_912], %get3A_916 : memref<32x131xf32, #tpu.memory_space<vmem>>[vector<16xi32>, vector<16xi32>], vector<16xf32>,
      %get3A_917 = arith.constant 67 : i32
      %get3A_918 = arith.index_cast %get3A_917 : i32 to index
      %get3A_919 = arith.constant 16 : index
      %get3A_920 = tpu.vector_load %arg6[%get3A_918, %get3A_919] {strides = array<i32>} : memref<128x32xf32, #tpu.memory_space<vmem>>, vector<16xf32>,
      tpu.vector_store_idx %arg8[%add3A_10, %add3A_912], %get3A_920 : memref<32x131xf32, #tpu.memory_space<vmem>>[vector<16xi32>, vector<16xi32>], vector<16xf32>,
      %add3A_921 = arith.constant 68 : i32
      %add3A_922 = vector.broadcast %add3A_921 : i32 to vector<16xi32>
      %add3A_923 = arith.addi %broadcast_in_dim3A_11, %add3A_922 : vector<16xi32>
      %get3A_924 = arith.constant 68 : i32
      %get3A_925 = arith.index_cast %get3A_924 : i32 to index
      %get3A_926 = arith.constant 0 : index
      %get3A_927 = tpu.vector_load %arg6[%get3A_925, %get3A_926] {strides = array<i32>} : memref<128x32xf32, #tpu.memory_space<vmem>>, vector<16xf32>,
      tpu.vector_store_idx %arg8[%add3A_7, %add3A_923], %get3A_927 : memref<32x131xf32, #tpu.memory_space<vmem>>[vector<16xi32>, vector<16xi32>], vector<16xf32>,
      %get3A_928 = arith.constant 68 : i32
      %get3A_929 = arith.index_cast %get3A_928 : i32 to index
      %get3A_930 = arith.constant 16 : index
      %get3A_931 = tpu.vector_load %arg6[%get3A_929, %get3A_930] {strides = array<i32>} : memref<128x32xf32, #tpu.memory_space<vmem>>, vector<16xf32>,
      tpu.vector_store_idx %arg8[%add3A_10, %add3A_923], %get3A_931 : memref<32x131xf32, #tpu.memory_space<vmem>>[vector<16xi32>, vector<16xi32>], vector<16xf32>,
      %add3A_932 = arith.constant 69 : i32
      %add3A_933 = vector.broadcast %add3A_932 : i32 to vector<16xi32>
      %add3A_934 = arith.addi %broadcast_in_dim3A_11, %add3A_933 : vector<16xi32>
      %get3A_935 = arith.constant 69 : i32
      %get3A_936 = arith.index_cast %get3A_935 : i32 to index
      %get3A_937 = arith.constant 0 : index
      %get3A_938 = tpu.vector_load %arg6[%get3A_936, %get3A_937] {strides = array<i32>} : memref<128x32xf32, #tpu.memory_space<vmem>>, vector<16xf32>,
      tpu.vector_store_idx %arg8[%add3A_7, %add3A_934], %get3A_938 : memref<32x131xf32, #tpu.memory_space<vmem>>[vector<16xi32>, vector<16xi32>], vector<16xf32>,
      %get3A_939 = arith.constant 69 : i32
      %get3A_940 = arith.index_cast %get3A_939 : i32 to index
      %get3A_941 = arith.constant 16 : index
      %get3A_942 = tpu.vector_load %arg6[%get3A_940, %get3A_941] {strides = array<i32>} : memref<128x32xf32, #tpu.memory_space<vmem>>, vector<16xf32>,
      tpu.vector_store_idx %arg8[%add3A_10, %add3A_934], %get3A_942 : memref<32x131xf32, #tpu.memory_space<vmem>>[vector<16xi32>, vector<16xi32>], vector<16xf32>,
      %add3A_943 = arith.constant 70 : i32
      %add3A_944 = vector.broadcast %add3A_943 : i32 to vector<16xi32>
      %add3A_945 = arith.addi %broadcast_in_dim3A_11, %add3A_944 : vector<16xi32>
      %get3A_946 = arith.constant 70 : i32
      %get3A_947 = arith.index_cast %get3A_946 : i32 to index
      %get3A_948 = arith.constant 0 : index
      %get3A_949 = tpu.vector_load %arg6[%get3A_947, %get3A_948] {strides = array<i32>} : memref<128x32xf32, #tpu.memory_space<vmem>>, vector<16xf32>,
      tpu.vector_store_idx %arg8[%add3A_7, %add3A_945], %get3A_949 : memref<32x131xf32, #tpu.memory_space<vmem>>[vector<16xi32>, vector<16xi32>], vector<16xf32>,
      %get3A_950 = arith.constant 70 : i32
      %get3A_951 = arith.index_cast %get3A_950 : i32 to index
      %get3A_952 = arith.constant 16 : index
      %get3A_953 = tpu.vector_load %arg6[%get3A_951, %get3A_952] {strides = array<i32>} : memref<128x32xf32, #tpu.memory_space<vmem>>, vector<16xf32>,
      tpu.vector_store_idx %arg8[%add3A_10, %add3A_945], %get3A_953 : memref<32x131xf32, #tpu.memory_space<vmem>>[vector<16xi32>, vector<16xi32>], vector<16xf32>,
      %add3A_954 = arith.constant 71 : i32
      %add3A_955 = vector.broadcast %add3A_954 : i32 to vector<16xi32>
      %add3A_956 = arith.addi %broadcast_in_dim3A_11, %add3A_955 : vector<16xi32>
      %get3A_957 = arith.constant 71 : i32
      %get3A_958 = arith.index_cast %get3A_957 : i32 to index
      %get3A_959 = arith.constant 0 : index
      %get3A_960 = tpu.vector_load %arg6[%get3A_958, %get3A_959] {strides = array<i32>} : memref<128x32xf32, #tpu.memory_space<vmem>>, vector<16xf32>,
      tpu.vector_store_idx %arg8[%add3A_7, %add3A_956], %get3A_960 : memref<32x131xf32, #tpu.memory_space<vmem>>[vector<16xi32>, vector<16xi32>], vector<16xf32>,
      %get3A_961 = arith.constant 71 : i32
      %get3A_962 = arith.index_cast %get3A_961 : i32 to index
      %get3A_963 = arith.constant 16 : index
      %get3A_964 = tpu.vector_load %arg6[%get3A_962, %get3A_963] {strides = array<i32>} : memref<128x32xf32, #tpu.memory_space<vmem>>, vector<16xf32>,
      tpu.vector_store_idx %arg8[%add3A_10, %add3A_956], %get3A_964 : memref<32x131xf32, #tpu.memory_space<vmem>>[vector<16xi32>, vector<16xi32>], vector<16xf32>,
      %add3A_965 = arith.constant 72 : i32
      %add3A_966 = vector.broadcast %add3A_965 : i32 to vector<16xi32>
      %add3A_967 = arith.addi %broadcast_in_dim3A_11, %add3A_966 : vector<16xi32>
      %get3A_968 = arith.constant 72 : i32
      %get3A_969 = arith.index_cast %get3A_968 : i32 to index
      %get3A_970 = arith.constant 0 : index
      %get3A_971 = tpu.vector_load %arg6[%get3A_969, %get3A_970] {strides = array<i32>} : memref<128x32xf32, #tpu.memory_space<vmem>>, vector<16xf32>,
      tpu.vector_store_idx %arg8[%add3A_7, %add3A_967], %get3A_971 : memref<32x131xf32, #tpu.memory_space<vmem>>[vector<16xi32>, vector<16xi32>], vector<16xf32>,
      %get3A_972 = arith.constant 72 : i32
      %get3A_973 = arith.index_cast %get3A_972 : i32 to index
      %get3A_974 = arith.constant 16 : index
      %get3A_975 = tpu.vector_load %arg6[%get3A_973, %get3A_974] {strides = array<i32>} : memref<128x32xf32, #tpu.memory_space<vmem>>, vector<16xf32>,
      tpu.vector_store_idx %arg8[%add3A_10, %add3A_967], %get3A_975 : memref<32x131xf32, #tpu.memory_space<vmem>>[vector<16xi32>, vector<16xi32>], vector<16xf32>,
      %add3A_976 = arith.constant 73 : i32
      %add3A_977 = vector.broadcast %add3A_976 : i32 to vector<16xi32>
      %add3A_978 = arith.addi %broadcast_in_dim3A_11, %add3A_977 : vector<16xi32>
      %get3A_979 = arith.constant 73 : i32
      %get3A_980 = arith.index_cast %get3A_979 : i32 to index
      %get3A_981 = arith.constant 0 : index
      %get3A_982 = tpu.vector_load %arg6[%get3A_980, %get3A_981] {strides = array<i32>} : memref<128x32xf32, #tpu.memory_space<vmem>>, vector<16xf32>,
      tpu.vector_store_idx %arg8[%add3A_7, %add3A_978], %get3A_982 : memref<32x131xf32, #tpu.memory_space<vmem>>[vector<16xi32>, vector<16xi32>], vector<16xf32>,
      %get3A_983 = arith.constant 73 : i32
      %get3A_984 = arith.index_cast %get3A_983 : i32 to index
      %get3A_985 = arith.constant 16 : index
      %get3A_986 = tpu.vector_load %arg6[%get3A_984, %get3A_985] {strides = array<i32>} : memref<128x32xf32, #tpu.memory_space<vmem>>, vector<16xf32>,
      tpu.vector_store_idx %arg8[%add3A_10, %add3A_978], %get3A_986 : memref<32x131xf32, #tpu.memory_space<vmem>>[vector<16xi32>, vector<16xi32>], vector<16xf32>,
      %add3A_987 = arith.constant 74 : i32
      %add3A_988 = vector.broadcast %add3A_987 : i32 to vector<16xi32>
      %add3A_989 = arith.addi %broadcast_in_dim3A_11, %add3A_988 : vector<16xi32>
      %get3A_990 = arith.constant 74 : i32
      %get3A_991 = arith.index_cast %get3A_990 : i32 to index
      %get3A_992 = arith.constant 0 : index
      %get3A_993 = tpu.vector_load %arg6[%get3A_991, %get3A_992] {strides = array<i32>} : memref<128x32xf32, #tpu.memory_space<vmem>>, vector<16xf32>,
      tpu.vector_store_idx %arg8[%add3A_7, %add3A_989], %get3A_993 : memref<32x131xf32, #tpu.memory_space<vmem>>[vector<16xi32>, vector<16xi32>], vector<16xf32>,
      %get3A_994 = arith.constant 74 : i32
      %get3A_995 = arith.index_cast %get3A_994 : i32 to index
      %get3A_996 = arith.constant 16 : index
      %get3A_997 = tpu.vector_load %arg6[%get3A_995, %get3A_996] {strides = array<i32>} : memref<128x32xf32, #tpu.memory_space<vmem>>, vector<16xf32>,
      tpu.vector_store_idx %arg8[%add3A_10, %add3A_989], %get3A_997 : memref<32x131xf32, #tpu.memory_space<vmem>>[vector<16xi32>, vector<16xi32>], vector<16xf32>,
      %add3A_998 = arith.constant 75 : i32
      %add3A_999 = vector.broadcast %add3A_998 : i32 to vector<16xi32>
      %add3A_1000 = arith.addi %broadcast_in_dim3A_11, %add3A_999 : vector<16xi32>
      %get3A_1001 = arith.constant 75 : i32
      %get3A_1002 = arith.index_cast %get3A_1001 : i32 to index
      %get3A_1003 = arith.constant 0 : index
      %get3A_1004 = tpu.vector_load %arg6[%get3A_1002, %get3A_1003] {strides = array<i32>} : memref<128x32xf32, #tpu.memory_space<vmem>>, vector<16xf32>,
      tpu.vector_store_idx %arg8[%add3A_7, %add3A_1000], %get3A_1004 : memref<32x131xf32, #tpu.memory_space<vmem>>[vector<16xi32>, vector<16xi32>], vector<16xf32>,
      %get3A_1005 = arith.constant 75 : i32
      %get3A_1006 = arith.index_cast %get3A_1005 : i32 to index
      %get3A_1007 = arith.constant 16 : index
      %get3A_1008 = tpu.vector_load %arg6[%get3A_1006, %get3A_1007] {strides = array<i32>} : memref<128x32xf32, #tpu.memory_space<vmem>>, vector<16xf32>,
      tpu.vector_store_idx %arg8[%add3A_10, %add3A_1000], %get3A_1008 : memref<32x131xf32, #tpu.memory_space<vmem>>[vector<16xi32>, vector<16xi32>], vector<16xf32>,
      %add3A_1009 = arith.constant 76 : i32
      %add3A_1010 = vector.broadcast %add3A_1009 : i32 to vector<16xi32>
      %add3A_1011 = arith.addi %broadcast_in_dim3A_11, %add3A_1010 : vector<16xi32>
      %get3A_1012 = arith.constant 76 : i32
      %get3A_1013 = arith.index_cast %get3A_1012 : i32 to index
      %get3A_1014 = arith.constant 0 : index
      %get3A_1015 = tpu.vector_load %arg6[%get3A_1013, %get3A_1014] {strides = array<i32>} : memref<128x32xf32, #tpu.memory_space<vmem>>, vector<16xf32>,
      tpu.vector_store_idx %arg8[%add3A_7, %add3A_1011], %get3A_1015 : memref<32x131xf32, #tpu.memory_space<vmem>>[vector<16xi32>, vector<16xi32>], vector<16xf32>,
      %get3A_1016 = arith.constant 76 : i32
      %get3A_1017 = arith.index_cast %get3A_1016 : i32 to index
      %get3A_1018 = arith.constant 16 : index
      %get3A_1019 = tpu.vector_load %arg6[%get3A_1017, %get3A_1018] {strides = array<i32>} : memref<128x32xf32, #tpu.memory_space<vmem>>, vector<16xf32>,
      tpu.vector_store_idx %arg8[%add3A_10, %add3A_1011], %get3A_1019 : memref<32x131xf32, #tpu.memory_space<vmem>>[vector<16xi32>, vector<16xi32>], vector<16xf32>,
      %add3A_1020 = arith.constant 77 : i32
      %add3A_1021 = vector.broadcast %add3A_1020 : i32 to vector<16xi32>
      %add3A_1022 = arith.addi %broadcast_in_dim3A_11, %add3A_1021 : vector<16xi32>
      %get3A_1023 = arith.constant 77 : i32
      %get3A_1024 = arith.index_cast %get3A_1023 : i32 to index
      %get3A_1025 = arith.constant 0 : index
      %get3A_1026 = tpu.vector_load %arg6[%get3A_1024, %get3A_1025] {strides = array<i32>} : memref<128x32xf32, #tpu.memory_space<vmem>>, vector<16xf32>,
      tpu.vector_store_idx %arg8[%add3A_7, %add3A_1022], %get3A_1026 : memref<32x131xf32, #tpu.memory_space<vmem>>[vector<16xi32>, vector<16xi32>], vector<16xf32>,
      %get3A_1027 = arith.constant 77 : i32
      %get3A_1028 = arith.index_cast %get3A_1027 : i32 to index
      %get3A_1029 = arith.constant 16 : index
      %get3A_1030 = tpu.vector_load %arg6[%get3A_1028, %get3A_1029] {strides = array<i32>} : memref<128x32xf32, #tpu.memory_space<vmem>>, vector<16xf32>,
      tpu.vector_store_idx %arg8[%add3A_10, %add3A_1022], %get3A_1030 : memref<32x131xf32, #tpu.memory_space<vmem>>[vector<16xi32>, vector<16xi32>], vector<16xf32>,
      %add3A_1031 = arith.constant 78 : i32
      %add3A_1032 = vector.broadcast %add3A_1031 : i32 to vector<16xi32>
      %add3A_1033 = arith.addi %broadcast_in_dim3A_11, %add3A_1032 : vector<16xi32>
      %get3A_1034 = arith.constant 78 : i32
      %get3A_1035 = arith.index_cast %get3A_1034 : i32 to index
      %get3A_1036 = arith.constant 0 : index
      %get3A_1037 = tpu.vector_load %arg6[%get3A_1035, %get3A_1036] {strides = array<i32>} : memref<128x32xf32, #tpu.memory_space<vmem>>, vector<16xf32>,
      tpu.vector_store_idx %arg8[%add3A_7, %add3A_1033], %get3A_1037 : memref<32x131xf32, #tpu.memory_space<vmem>>[vector<16xi32>, vector<16xi32>], vector<16xf32>,
      %get3A_1038 = arith.constant 78 : i32
      %get3A_1039 = arith.index_cast %get3A_1038 : i32 to index
      %get3A_1040 = arith.constant 16 : index
      %get3A_1041 = tpu.vector_load %arg6[%get3A_1039, %get3A_1040] {strides = array<i32>} : memref<128x32xf32, #tpu.memory_space<vmem>>, vector<16xf32>,
      tpu.vector_store_idx %arg8[%add3A_10, %add3A_1033], %get3A_1041 : memref<32x131xf32, #tpu.memory_space<vmem>>[vector<16xi32>, vector<16xi32>], vector<16xf32>,
      %add3A_1042 = arith.constant 79 : i32
      %add3A_1043 = vector.broadcast %add3A_1042 : i32 to vector<16xi32>
      %add3A_1044 = arith.addi %broadcast_in_dim3A_11, %add3A_1043 : vector<16xi32>
      %get3A_1045 = arith.constant 79 : i32
      %get3A_1046 = arith.index_cast %get3A_1045 : i32 to index
      %get3A_1047 = arith.constant 0 : index
      %get3A_1048 = tpu.vector_load %arg6[%get3A_1046, %get3A_1047] {strides = array<i32>} : memref<128x32xf32, #tpu.memory_space<vmem>>, vector<16xf32>,
      tpu.vector_store_idx %arg8[%add3A_7, %add3A_1044], %get3A_1048 : memref<32x131xf32, #tpu.memory_space<vmem>>[vector<16xi32>, vector<16xi32>], vector<16xf32>,
      %get3A_1049 = arith.constant 79 : i32
      %get3A_1050 = arith.index_cast %get3A_1049 : i32 to index
      %get3A_1051 = arith.constant 16 : index
      %get3A_1052 = tpu.vector_load %arg6[%get3A_1050, %get3A_1051] {strides = array<i32>} : memref<128x32xf32, #tpu.memory_space<vmem>>, vector<16xf32>,
      tpu.vector_store_idx %arg8[%add3A_10, %add3A_1044], %get3A_1052 : memref<32x131xf32, #tpu.memory_space<vmem>>[vector<16xi32>, vector<16xi32>], vector<16xf32>,
      %add3A_1053 = arith.constant 80 : i32
      %add3A_1054 = vector.broadcast %add3A_1053 : i32 to vector<16xi32>
      %add3A_1055 = arith.addi %broadcast_in_dim3A_11, %add3A_1054 : vector<16xi32>
      %get3A_1056 = arith.constant 80 : i32
      %get3A_1057 = arith.index_cast %get3A_1056 : i32 to index
      %get3A_1058 = arith.constant 0 : index
      %get3A_1059 = tpu.vector_load %arg6[%get3A_1057, %get3A_1058] {strides = array<i32>} : memref<128x32xf32, #tpu.memory_space<vmem>>, vector<16xf32>,
      tpu.vector_store_idx %arg8[%add3A_7, %add3A_1055], %get3A_1059 : memref<32x131xf32, #tpu.memory_space<vmem>>[vector<16xi32>, vector<16xi32>], vector<16xf32>,
      %get3A_1060 = arith.constant 80 : i32
      %get3A_1061 = arith.index_cast %get3A_1060 : i32 to index
      %get3A_1062 = arith.constant 16 : index
      %get3A_1063 = tpu.vector_load %arg6[%get3A_1061, %get3A_1062] {strides = array<i32>} : memref<128x32xf32, #tpu.memory_space<vmem>>, vector<16xf32>,
      tpu.vector_store_idx %arg8[%add3A_10, %add3A_1055], %get3A_1063 : memref<32x131xf32, #tpu.memory_space<vmem>>[vector<16xi32>, vector<16xi32>], vector<16xf32>,
      %add3A_1064 = arith.constant 81 : i32
      %add3A_1065 = vector.broadcast %add3A_1064 : i32 to vector<16xi32>
      %add3A_1066 = arith.addi %broadcast_in_dim3A_11, %add3A_1065 : vector<16xi32>
      %get3A_1067 = arith.constant 81 : i32
      %get3A_1068 = arith.index_cast %get3A_1067 : i32 to index
      %get3A_1069 = arith.constant 0 : index
      %get3A_1070 = tpu.vector_load %arg6[%get3A_1068, %get3A_1069] {strides = array<i32>} : memref<128x32xf32, #tpu.memory_space<vmem>>, vector<16xf32>,
      tpu.vector_store_idx %arg8[%add3A_7, %add3A_1066], %get3A_1070 : memref<32x131xf32, #tpu.memory_space<vmem>>[vector<16xi32>, vector<16xi32>], vector<16xf32>,
      %get3A_1071 = arith.constant 81 : i32
      %get3A_1072 = arith.index_cast %get3A_1071 : i32 to index
      %get3A_1073 = arith.constant 16 : index
      %get3A_1074 = tpu.vector_load %arg6[%get3A_1072, %get3A_1073] {strides = array<i32>} : memref<128x32xf32, #tpu.memory_space<vmem>>, vector<16xf32>,
      tpu.vector_store_idx %arg8[%add3A_10, %add3A_1066], %get3A_1074 : memref<32x131xf32, #tpu.memory_space<vmem>>[vector<16xi32>, vector<16xi32>], vector<16xf32>,
      %add3A_1075 = arith.constant 82 : i32
      %add3A_1076 = vector.broadcast %add3A_1075 : i32 to vector<16xi32>
      %add3A_1077 = arith.addi %broadcast_in_dim3A_11, %add3A_1076 : vector<16xi32>
      %get3A_1078 = arith.constant 82 : i32
      %get3A_1079 = arith.index_cast %get3A_1078 : i32 to index
      %get3A_1080 = arith.constant 0 : index
      %get3A_1081 = tpu.vector_load %arg6[%get3A_1079, %get3A_1080] {strides = array<i32>} : memref<128x32xf32, #tpu.memory_space<vmem>>, vector<16xf32>,
      tpu.vector_store_idx %arg8[%add3A_7, %add3A_1077], %get3A_1081 : memref<32x131xf32, #tpu.memory_space<vmem>>[vector<16xi32>, vector<16xi32>], vector<16xf32>,
      %get3A_1082 = arith.constant 82 : i32
      %get3A_1083 = arith.index_cast %get3A_1082 : i32 to index
      %get3A_1084 = arith.constant 16 : index
      %get3A_1085 = tpu.vector_load %arg6[%get3A_1083, %get3A_1084] {strides = array<i32>} : memref<128x32xf32, #tpu.memory_space<vmem>>, vector<16xf32>,
      tpu.vector_store_idx %arg8[%add3A_10, %add3A_1077], %get3A_1085 : memref<32x131xf32, #tpu.memory_space<vmem>>[vector<16xi32>, vector<16xi32>], vector<16xf32>,
      %add3A_1086 = arith.constant 83 : i32
      %add3A_1087 = vector.broadcast %add3A_1086 : i32 to vector<16xi32>
      %add3A_1088 = arith.addi %broadcast_in_dim3A_11, %add3A_1087 : vector<16xi32>
      %get3A_1089 = arith.constant 83 : i32
      %get3A_1090 = arith.index_cast %get3A_1089 : i32 to index
      %get3A_1091 = arith.constant 0 : index
      %get3A_1092 = tpu.vector_load %arg6[%get3A_1090, %get3A_1091] {strides = array<i32>} : memref<128x32xf32, #tpu.memory_space<vmem>>, vector<16xf32>,
      tpu.vector_store_idx %arg8[%add3A_7, %add3A_1088], %get3A_1092 : memref<32x131xf32, #tpu.memory_space<vmem>>[vector<16xi32>, vector<16xi32>], vector<16xf32>,
      %get3A_1093 = arith.constant 83 : i32
      %get3A_1094 = arith.index_cast %get3A_1093 : i32 to index
      %get3A_1095 = arith.constant 16 : index
      %get3A_1096 = tpu.vector_load %arg6[%get3A_1094, %get3A_1095] {strides = array<i32>} : memref<128x32xf32, #tpu.memory_space<vmem>>, vector<16xf32>,
      tpu.vector_store_idx %arg8[%add3A_10, %add3A_1088], %get3A_1096 : memref<32x131xf32, #tpu.memory_space<vmem>>[vector<16xi32>, vector<16xi32>], vector<16xf32>,
      %add3A_1097 = arith.constant 84 : i32
      %add3A_1098 = vector.broadcast %add3A_1097 : i32 to vector<16xi32>
      %add3A_1099 = arith.addi %broadcast_in_dim3A_11, %add3A_1098 : vector<16xi32>
      %get3A_1100 = arith.constant 84 : i32
      %get3A_1101 = arith.index_cast %get3A_1100 : i32 to index
      %get3A_1102 = arith.constant 0 : index
      %get3A_1103 = tpu.vector_load %arg6[%get3A_1101, %get3A_1102] {strides = array<i32>} : memref<128x32xf32, #tpu.memory_space<vmem>>, vector<16xf32>,
      tpu.vector_store_idx %arg8[%add3A_7, %add3A_1099], %get3A_1103 : memref<32x131xf32, #tpu.memory_space<vmem>>[vector<16xi32>, vector<16xi32>], vector<16xf32>,
      %get3A_1104 = arith.constant 84 : i32
      %get3A_1105 = arith.index_cast %get3A_1104 : i32 to index
      %get3A_1106 = arith.constant 16 : index
      %get3A_1107 = tpu.vector_load %arg6[%get3A_1105, %get3A_1106] {strides = array<i32>} : memref<128x32xf32, #tpu.memory_space<vmem>>, vector<16xf32>,
      tpu.vector_store_idx %arg8[%add3A_10, %add3A_1099], %get3A_1107 : memref<32x131xf32, #tpu.memory_space<vmem>>[vector<16xi32>, vector<16xi32>], vector<16xf32>,
      %add3A_1108 = arith.constant 85 : i32
      %add3A_1109 = vector.broadcast %add3A_1108 : i32 to vector<16xi32>
      %add3A_1110 = arith.addi %broadcast_in_dim3A_11, %add3A_1109 : vector<16xi32>
      %get3A_1111 = arith.constant 85 : i32
      %get3A_1112 = arith.index_cast %get3A_1111 : i32 to index
      %get3A_1113 = arith.constant 0 : index
      %get3A_1114 = tpu.vector_load %arg6[%get3A_1112, %get3A_1113] {strides = array<i32>} : memref<128x32xf32, #tpu.memory_space<vmem>>, vector<16xf32>,
      tpu.vector_store_idx %arg8[%add3A_7, %add3A_1110], %get3A_1114 : memref<32x131xf32, #tpu.memory_space<vmem>>[vector<16xi32>, vector<16xi32>], vector<16xf32>,
      %get3A_1115 = arith.constant 85 : i32
      %get3A_1116 = arith.index_cast %get3A_1115 : i32 to index
      %get3A_1117 = arith.constant 16 : index
      %get3A_1118 = tpu.vector_load %arg6[%get3A_1116, %get3A_1117] {strides = array<i32>} : memref<128x32xf32, #tpu.memory_space<vmem>>, vector<16xf32>,
      tpu.vector_store_idx %arg8[%add3A_10, %add3A_1110], %get3A_1118 : memref<32x131xf32, #tpu.memory_space<vmem>>[vector<16xi32>, vector<16xi32>], vector<16xf32>,
      %add3A_1119 = arith.constant 86 : i32
      %add3A_1120 = vector.broadcast %add3A_1119 : i32 to vector<16xi32>
      %add3A_1121 = arith.addi %broadcast_in_dim3A_11, %add3A_1120 : vector<16xi32>
      %get3A_1122 = arith.constant 86 : i32
      %get3A_1123 = arith.index_cast %get3A_1122 : i32 to index
      %get3A_1124 = arith.constant 0 : index
      %get3A_1125 = tpu.vector_load %arg6[%get3A_1123, %get3A_1124] {strides = array<i32>} : memref<128x32xf32, #tpu.memory_space<vmem>>, vector<16xf32>,
      tpu.vector_store_idx %arg8[%add3A_7, %add3A_1121], %get3A_1125 : memref<32x131xf32, #tpu.memory_space<vmem>>[vector<16xi32>, vector<16xi32>], vector<16xf32>,
      %get3A_1126 = arith.constant 86 : i32
      %get3A_1127 = arith.index_cast %get3A_1126 : i32 to index
      %get3A_1128 = arith.constant 16 : index
      %get3A_1129 = tpu.vector_load %arg6[%get3A_1127, %get3A_1128] {strides = array<i32>} : memref<128x32xf32, #tpu.memory_space<vmem>>, vector<16xf32>,
      tpu.vector_store_idx %arg8[%add3A_10, %add3A_1121], %get3A_1129 : memref<32x131xf32, #tpu.memory_space<vmem>>[vector<16xi32>, vector<16xi32>], vector<16xf32>,
      %add3A_1130 = arith.constant 87 : i32
      %add3A_1131 = vector.broadcast %add3A_1130 : i32 to vector<16xi32>
      %add3A_1132 = arith.addi %broadcast_in_dim3A_11, %add3A_1131 : vector<16xi32>
      %get3A_1133 = arith.constant 87 : i32
      %get3A_1134 = arith.index_cast %get3A_1133 : i32 to index
      %get3A_1135 = arith.constant 0 : index
      %get3A_1136 = tpu.vector_load %arg6[%get3A_1134, %get3A_1135] {strides = array<i32>} : memref<128x32xf32, #tpu.memory_space<vmem>>, vector<16xf32>,
      tpu.vector_store_idx %arg8[%add3A_7, %add3A_1132], %get3A_1136 : memref<32x131xf32, #tpu.memory_space<vmem>>[vector<16xi32>, vector<16xi32>], vector<16xf32>,
      %get3A_1137 = arith.constant 87 : i32
      %get3A_1138 = arith.index_cast %get3A_1137 : i32 to index
      %get3A_1139 = arith.constant 16 : index
      %get3A_1140 = tpu.vector_load %arg6[%get3A_1138, %get3A_1139] {strides = array<i32>} : memref<128x32xf32, #tpu.memory_space<vmem>>, vector<16xf32>,
      tpu.vector_store_idx %arg8[%add3A_10, %add3A_1132], %get3A_1140 : memref<32x131xf32, #tpu.memory_space<vmem>>[vector<16xi32>, vector<16xi32>], vector<16xf32>,
      %add3A_1141 = arith.constant 88 : i32
      %add3A_1142 = vector.broadcast %add3A_1141 : i32 to vector<16xi32>
      %add3A_1143 = arith.addi %broadcast_in_dim3A_11, %add3A_1142 : vector<16xi32>
      %get3A_1144 = arith.constant 88 : i32
      %get3A_1145 = arith.index_cast %get3A_1144 : i32 to index
      %get3A_1146 = arith.constant 0 : index
      %get3A_1147 = tpu.vector_load %arg6[%get3A_1145, %get3A_1146] {strides = array<i32>} : memref<128x32xf32, #tpu.memory_space<vmem>>, vector<16xf32>,
      tpu.vector_store_idx %arg8[%add3A_7, %add3A_1143], %get3A_1147 : memref<32x131xf32, #tpu.memory_space<vmem>>[vector<16xi32>, vector<16xi32>], vector<16xf32>,
      %get3A_1148 = arith.constant 88 : i32
      %get3A_1149 = arith.index_cast %get3A_1148 : i32 to index
      %get3A_1150 = arith.constant 16 : index
      %get3A_1151 = tpu.vector_load %arg6[%get3A_1149, %get3A_1150] {strides = array<i32>} : memref<128x32xf32, #tpu.memory_space<vmem>>, vector<16xf32>,
      tpu.vector_store_idx %arg8[%add3A_10, %add3A_1143], %get3A_1151 : memref<32x131xf32, #tpu.memory_space<vmem>>[vector<16xi32>, vector<16xi32>], vector<16xf32>,
      %add3A_1152 = arith.constant 89 : i32
      %add3A_1153 = vector.broadcast %add3A_1152 : i32 to vector<16xi32>
      %add3A_1154 = arith.addi %broadcast_in_dim3A_11, %add3A_1153 : vector<16xi32>
      %get3A_1155 = arith.constant 89 : i32
      %get3A_1156 = arith.index_cast %get3A_1155 : i32 to index
      %get3A_1157 = arith.constant 0 : index
      %get3A_1158 = tpu.vector_load %arg6[%get3A_1156, %get3A_1157] {strides = array<i32>} : memref<128x32xf32, #tpu.memory_space<vmem>>, vector<16xf32>,
      tpu.vector_store_idx %arg8[%add3A_7, %add3A_1154], %get3A_1158 : memref<32x131xf32, #tpu.memory_space<vmem>>[vector<16xi32>, vector<16xi32>], vector<16xf32>,
      %get3A_1159 = arith.constant 89 : i32
      %get3A_1160 = arith.index_cast %get3A_1159 : i32 to index
      %get3A_1161 = arith.constant 16 : index
      %get3A_1162 = tpu.vector_load %arg6[%get3A_1160, %get3A_1161] {strides = array<i32>} : memref<128x32xf32, #tpu.memory_space<vmem>>, vector<16xf32>,
      tpu.vector_store_idx %arg8[%add3A_10, %add3A_1154], %get3A_1162 : memref<32x131xf32, #tpu.memory_space<vmem>>[vector<16xi32>, vector<16xi32>], vector<16xf32>,
      %add3A_1163 = arith.constant 90 : i32
      %add3A_1164 = vector.broadcast %add3A_1163 : i32 to vector<16xi32>
      %add3A_1165 = arith.addi %broadcast_in_dim3A_11, %add3A_1164 : vector<16xi32>
      %get3A_1166 = arith.constant 90 : i32
      %get3A_1167 = arith.index_cast %get3A_1166 : i32 to index
      %get3A_1168 = arith.constant 0 : index
      %get3A_1169 = tpu.vector_load %arg6[%get3A_1167, %get3A_1168] {strides = array<i32>} : memref<128x32xf32, #tpu.memory_space<vmem>>, vector<16xf32>,
      tpu.vector_store_idx %arg8[%add3A_7, %add3A_1165], %get3A_1169 : memref<32x131xf32, #tpu.memory_space<vmem>>[vector<16xi32>, vector<16xi32>], vector<16xf32>,
      %get3A_1170 = arith.constant 90 : i32
      %get3A_1171 = arith.index_cast %get3A_1170 : i32 to index
      %get3A_1172 = arith.constant 16 : index
      %get3A_1173 = tpu.vector_load %arg6[%get3A_1171, %get3A_1172] {strides = array<i32>} : memref<128x32xf32, #tpu.memory_space<vmem>>, vector<16xf32>,
      tpu.vector_store_idx %arg8[%add3A_10, %add3A_1165], %get3A_1173 : memref<32x131xf32, #tpu.memory_space<vmem>>[vector<16xi32>, vector<16xi32>], vector<16xf32>,
      %add3A_1174 = arith.constant 91 : i32
      %add3A_1175 = vector.broadcast %add3A_1174 : i32 to vector<16xi32>
      %add3A_1176 = arith.addi %broadcast_in_dim3A_11, %add3A_1175 : vector<16xi32>
      %get3A_1177 = arith.constant 91 : i32
      %get3A_1178 = arith.index_cast %get3A_1177 : i32 to index
      %get3A_1179 = arith.constant 0 : index
      %get3A_1180 = tpu.vector_load %arg6[%get3A_1178, %get3A_1179] {strides = array<i32>} : memref<128x32xf32, #tpu.memory_space<vmem>>, vector<16xf32>,
      tpu.vector_store_idx %arg8[%add3A_7, %add3A_1176], %get3A_1180 : memref<32x131xf32, #tpu.memory_space<vmem>>[vector<16xi32>, vector<16xi32>], vector<16xf32>,
      %get3A_1181 = arith.constant 91 : i32
      %get3A_1182 = arith.index_cast %get3A_1181 : i32 to index
      %get3A_1183 = arith.constant 16 : index
      %get3A_1184 = tpu.vector_load %arg6[%get3A_1182, %get3A_1183] {strides = array<i32>} : memref<128x32xf32, #tpu.memory_space<vmem>>, vector<16xf32>,
      tpu.vector_store_idx %arg8[%add3A_10, %add3A_1176], %get3A_1184 : memref<32x131xf32, #tpu.memory_space<vmem>>[vector<16xi32>, vector<16xi32>], vector<16xf32>,
      %add3A_1185 = arith.constant 92 : i32
      %add3A_1186 = vector.broadcast %add3A_1185 : i32 to vector<16xi32>
      %add3A_1187 = arith.addi %broadcast_in_dim3A_11, %add3A_1186 : vector<16xi32>
      %get3A_1188 = arith.constant 92 : i32
      %get3A_1189 = arith.index_cast %get3A_1188 : i32 to index
      %get3A_1190 = arith.constant 0 : index
      %get3A_1191 = tpu.vector_load %arg6[%get3A_1189, %get3A_1190] {strides = array<i32>} : memref<128x32xf32, #tpu.memory_space<vmem>>, vector<16xf32>,
      tpu.vector_store_idx %arg8[%add3A_7, %add3A_1187], %get3A_1191 : memref<32x131xf32, #tpu.memory_space<vmem>>[vector<16xi32>, vector<16xi32>], vector<16xf32>,
      %get3A_1192 = arith.constant 92 : i32
      %get3A_1193 = arith.index_cast %get3A_1192 : i32 to index
      %get3A_1194 = arith.constant 16 : index
      %get3A_1195 = tpu.vector_load %arg6[%get3A_1193, %get3A_1194] {strides = array<i32>} : memref<128x32xf32, #tpu.memory_space<vmem>>, vector<16xf32>,
      tpu.vector_store_idx %arg8[%add3A_10, %add3A_1187], %get3A_1195 : memref<32x131xf32, #tpu.memory_space<vmem>>[vector<16xi32>, vector<16xi32>], vector<16xf32>,
      %add3A_1196 = arith.constant 93 : i32
      %add3A_1197 = vector.broadcast %add3A_1196 : i32 to vector<16xi32>
      %add3A_1198 = arith.addi %broadcast_in_dim3A_11, %add3A_1197 : vector<16xi32>
      %get3A_1199 = arith.constant 93 : i32
      %get3A_1200 = arith.index_cast %get3A_1199 : i32 to index
      %get3A_1201 = arith.constant 0 : index
      %get3A_1202 = tpu.vector_load %arg6[%get3A_1200, %get3A_1201] {strides = array<i32>} : memref<128x32xf32, #tpu.memory_space<vmem>>, vector<16xf32>,
      tpu.vector_store_idx %arg8[%add3A_7, %add3A_1198], %get3A_1202 : memref<32x131xf32, #tpu.memory_space<vmem>>[vector<16xi32>, vector<16xi32>], vector<16xf32>,
      %get3A_1203 = arith.constant 93 : i32
      %get3A_1204 = arith.index_cast %get3A_1203 : i32 to index
      %get3A_1205 = arith.constant 16 : index
      %get3A_1206 = tpu.vector_load %arg6[%get3A_1204, %get3A_1205] {strides = array<i32>} : memref<128x32xf32, #tpu.memory_space<vmem>>, vector<16xf32>,
      tpu.vector_store_idx %arg8[%add3A_10, %add3A_1198], %get3A_1206 : memref<32x131xf32, #tpu.memory_space<vmem>>[vector<16xi32>, vector<16xi32>], vector<16xf32>,
      %add3A_1207 = arith.constant 94 : i32
      %add3A_1208 = vector.broadcast %add3A_1207 : i32 to vector<16xi32>
      %add3A_1209 = arith.addi %broadcast_in_dim3A_11, %add3A_1208 : vector<16xi32>
      %get3A_1210 = arith.constant 94 : i32
      %get3A_1211 = arith.index_cast %get3A_1210 : i32 to index
      %get3A_1212 = arith.constant 0 : index
      %get3A_1213 = tpu.vector_load %arg6[%get3A_1211, %get3A_1212] {strides = array<i32>} : memref<128x32xf32, #tpu.memory_space<vmem>>, vector<16xf32>,
      tpu.vector_store_idx %arg8[%add3A_7, %add3A_1209], %get3A_1213 : memref<32x131xf32, #tpu.memory_space<vmem>>[vector<16xi32>, vector<16xi32>], vector<16xf32>,
      %get3A_1214 = arith.constant 94 : i32
      %get3A_1215 = arith.index_cast %get3A_1214 : i32 to index
      %get3A_1216 = arith.constant 16 : index
      %get3A_1217 = tpu.vector_load %arg6[%get3A_1215, %get3A_1216] {strides = array<i32>} : memref<128x32xf32, #tpu.memory_space<vmem>>, vector<16xf32>,
      tpu.vector_store_idx %arg8[%add3A_10, %add3A_1209], %get3A_1217 : memref<32x131xf32, #tpu.memory_space<vmem>>[vector<16xi32>, vector<16xi32>], vector<16xf32>,
      %add3A_1218 = arith.constant 95 : i32
      %add3A_1219 = vector.broadcast %add3A_1218 : i32 to vector<16xi32>
      %add3A_1220 = arith.addi %broadcast_in_dim3A_11, %add3A_1219 : vector<16xi32>
      %get3A_1221 = arith.constant 95 : i32
      %get3A_1222 = arith.index_cast %get3A_1221 : i32 to index
      %get3A_1223 = arith.constant 0 : index
      %get3A_1224 = tpu.vector_load %arg6[%get3A_1222, %get3A_1223] {strides = array<i32>} : memref<128x32xf32, #tpu.memory_space<vmem>>, vector<16xf32>,
      tpu.vector_store_idx %arg8[%add3A_7, %add3A_1220], %get3A_1224 : memref<32x131xf32, #tpu.memory_space<vmem>>[vector<16xi32>, vector<16xi32>], vector<16xf32>,
      %get3A_1225 = arith.constant 95 : i32
      %get3A_1226 = arith.index_cast %get3A_1225 : i32 to index
      %get3A_1227 = arith.constant 16 : index
      %get3A_1228 = tpu.vector_load %arg6[%get3A_1226, %get3A_1227] {strides = array<i32>} : memref<128x32xf32, #tpu.memory_space<vmem>>, vector<16xf32>,
      tpu.vector_store_idx %arg8[%add3A_10, %add3A_1220], %get3A_1228 : memref<32x131xf32, #tpu.memory_space<vmem>>[vector<16xi32>, vector<16xi32>], vector<16xf32>,
      %add3A_1229 = arith.constant 96 : i32
      %add3A_1230 = vector.broadcast %add3A_1229 : i32 to vector<16xi32>
      %add3A_1231 = arith.addi %broadcast_in_dim3A_11, %add3A_1230 : vector<16xi32>
      %get3A_1232 = arith.constant 96 : i32
      %get3A_1233 = arith.index_cast %get3A_1232 : i32 to index
      %get3A_1234 = arith.constant 0 : index
      %get3A_1235 = tpu.vector_load %arg6[%get3A_1233, %get3A_1234] {strides = array<i32>} : memref<128x32xf32, #tpu.memory_space<vmem>>, vector<16xf32>,
      tpu.vector_store_idx %arg8[%add3A_7, %add3A_1231], %get3A_1235 : memref<32x131xf32, #tpu.memory_space<vmem>>[vector<16xi32>, vector<16xi32>], vector<16xf32>,
      %get3A_1236 = arith.constant 96 : i32
      %get3A_1237 = arith.index_cast %get3A_1236 : i32 to index
      %get3A_1238 = arith.constant 16 : index
      %get3A_1239 = tpu.vector_load %arg6[%get3A_1237, %get3A_1238] {strides = array<i32>} : memref<128x32xf32, #tpu.memory_space<vmem>>, vector<16xf32>,
      tpu.vector_store_idx %arg8[%add3A_10, %add3A_1231], %get3A_1239 : memref<32x131xf32, #tpu.memory_space<vmem>>[vector<16xi32>, vector<16xi32>], vector<16xf32>,
      %add3A_1240 = arith.constant 97 : i32
      %add3A_1241 = vector.broadcast %add3A_1240 : i32 to vector<16xi32>
      %add3A_1242 = arith.addi %broadcast_in_dim3A_11, %add3A_1241 : vector<16xi32>
      %get3A_1243 = arith.constant 97 : i32
      %get3A_1244 = arith.index_cast %get3A_1243 : i32 to index
      %get3A_1245 = arith.constant 0 : index
      %get3A_1246 = tpu.vector_load %arg6[%get3A_1244, %get3A_1245] {strides = array<i32>} : memref<128x32xf32, #tpu.memory_space<vmem>>, vector<16xf32>,
      tpu.vector_store_idx %arg8[%add3A_7, %add3A_1242], %get3A_1246 : memref<32x131xf32, #tpu.memory_space<vmem>>[vector<16xi32>, vector<16xi32>], vector<16xf32>,
      %get3A_1247 = arith.constant 97 : i32
      %get3A_1248 = arith.index_cast %get3A_1247 : i32 to index
      %get3A_1249 = arith.constant 16 : index
      %get3A_1250 = tpu.vector_load %arg6[%get3A_1248, %get3A_1249] {strides = array<i32>} : memref<128x32xf32, #tpu.memory_space<vmem>>, vector<16xf32>,
      tpu.vector_store_idx %arg8[%add3A_10, %add3A_1242], %get3A_1250 : memref<32x131xf32, #tpu.memory_space<vmem>>[vector<16xi32>, vector<16xi32>], vector<16xf32>,
      %add3A_1251 = arith.constant 98 : i32
      %add3A_1252 = vector.broadcast %add3A_1251 : i32 to vector<16xi32>
      %add3A_1253 = arith.addi %broadcast_in_dim3A_11, %add3A_1252 : vector<16xi32>
      %get3A_1254 = arith.constant 98 : i32
      %get3A_1255 = arith.index_cast %get3A_1254 : i32 to index
      %get3A_1256 = arith.constant 0 : index
      %get3A_1257 = tpu.vector_load %arg6[%get3A_1255, %get3A_1256] {strides = array<i32>} : memref<128x32xf32, #tpu.memory_space<vmem>>, vector<16xf32>,
      tpu.vector_store_idx %arg8[%add3A_7, %add3A_1253], %get3A_1257 : memref<32x131xf32, #tpu.memory_space<vmem>>[vector<16xi32>, vector<16xi32>], vector<16xf32>,
      %get3A_1258 = arith.constant 98 : i32
      %get3A_1259 = arith.index_cast %get3A_1258 : i32 to index
      %get3A_1260 = arith.constant 16 : index
      %get3A_1261 = tpu.vector_load %arg6[%get3A_1259, %get3A_1260] {strides = array<i32>} : memref<128x32xf32, #tpu.memory_space<vmem>>, vector<16xf32>,
      tpu.vector_store_idx %arg8[%add3A_10, %add3A_1253], %get3A_1261 : memref<32x131xf32, #tpu.memory_space<vmem>>[vector<16xi32>, vector<16xi32>], vector<16xf32>,
      %add3A_1262 = arith.constant 99 : i32
      %add3A_1263 = vector.broadcast %add3A_1262 : i32 to vector<16xi32>
      %add3A_1264 = arith.addi %broadcast_in_dim3A_11, %add3A_1263 : vector<16xi32>
      %get3A_1265 = arith.constant 99 : i32
      %get3A_1266 = arith.index_cast %get3A_1265 : i32 to index
      %get3A_1267 = arith.constant 0 : index
      %get3A_1268 = tpu.vector_load %arg6[%get3A_1266, %get3A_1267] {strides = array<i32>} : memref<128x32xf32, #tpu.memory_space<vmem>>, vector<16xf32>,
      tpu.vector_store_idx %arg8[%add3A_7, %add3A_1264], %get3A_1268 : memref<32x131xf32, #tpu.memory_space<vmem>>[vector<16xi32>, vector<16xi32>], vector<16xf32>,
      %get3A_1269 = arith.constant 99 : i32
      %get3A_1270 = arith.index_cast %get3A_1269 : i32 to index
      %get3A_1271 = arith.constant 16 : index
      %get3A_1272 = tpu.vector_load %arg6[%get3A_1270, %get3A_1271] {strides = array<i32>} : memref<128x32xf32, #tpu.memory_space<vmem>>, vector<16xf32>,
      tpu.vector_store_idx %arg8[%add3A_10, %add3A_1264], %get3A_1272 : memref<32x131xf32, #tpu.memory_space<vmem>>[vector<16xi32>, vector<16xi32>], vector<16xf32>,
      %add3A_1273 = arith.constant 100 : i32
      %add3A_1274 = vector.broadcast %add3A_1273 : i32 to vector<16xi32>
      %add3A_1275 = arith.addi %broadcast_in_dim3A_11, %add3A_1274 : vector<16xi32>
      %get3A_1276 = arith.constant 100 : i32
      %get3A_1277 = arith.index_cast %get3A_1276 : i32 to index
      %get3A_1278 = arith.constant 0 : index
      %get3A_1279 = tpu.vector_load %arg6[%get3A_1277, %get3A_1278] {strides = array<i32>} : memref<128x32xf32, #tpu.memory_space<vmem>>, vector<16xf32>,
      tpu.vector_store_idx %arg8[%add3A_7, %add3A_1275], %get3A_1279 : memref<32x131xf32, #tpu.memory_space<vmem>>[vector<16xi32>, vector<16xi32>], vector<16xf32>,
      %get3A_1280 = arith.constant 100 : i32
      %get3A_1281 = arith.index_cast %get3A_1280 : i32 to index
      %get3A_1282 = arith.constant 16 : index
      %get3A_1283 = tpu.vector_load %arg6[%get3A_1281, %get3A_1282] {strides = array<i32>} : memref<128x32xf32, #tpu.memory_space<vmem>>, vector<16xf32>,
      tpu.vector_store_idx %arg8[%add3A_10, %add3A_1275], %get3A_1283 : memref<32x131xf32, #tpu.memory_space<vmem>>[vector<16xi32>, vector<16xi32>], vector<16xf32>,
      %add3A_1284 = arith.constant 101 : i32
      %add3A_1285 = vector.broadcast %add3A_1284 : i32 to vector<16xi32>
      %add3A_1286 = arith.addi %broadcast_in_dim3A_11, %add3A_1285 : vector<16xi32>
      %get3A_1287 = arith.constant 101 : i32
      %get3A_1288 = arith.index_cast %get3A_1287 : i32 to index
      %get3A_1289 = arith.constant 0 : index
      %get3A_1290 = tpu.vector_load %arg6[%get3A_1288, %get3A_1289] {strides = array<i32>} : memref<128x32xf32, #tpu.memory_space<vmem>>, vector<16xf32>,
      tpu.vector_store_idx %arg8[%add3A_7, %add3A_1286], %get3A_1290 : memref<32x131xf32, #tpu.memory_space<vmem>>[vector<16xi32>, vector<16xi32>], vector<16xf32>,
      %get3A_1291 = arith.constant 101 : i32
      %get3A_1292 = arith.index_cast %get3A_1291 : i32 to index
      %get3A_1293 = arith.constant 16 : index
      %get3A_1294 = tpu.vector_load %arg6[%get3A_1292, %get3A_1293] {strides = array<i32>} : memref<128x32xf32, #tpu.memory_space<vmem>>, vector<16xf32>,
      tpu.vector_store_idx %arg8[%add3A_10, %add3A_1286], %get3A_1294 : memref<32x131xf32, #tpu.memory_space<vmem>>[vector<16xi32>, vector<16xi32>], vector<16xf32>,
      %add3A_1295 = arith.constant 102 : i32
      %add3A_1296 = vector.broadcast %add3A_1295 : i32 to vector<16xi32>
      %add3A_1297 = arith.addi %broadcast_in_dim3A_11, %add3A_1296 : vector<16xi32>
      %get3A_1298 = arith.constant 102 : i32
      %get3A_1299 = arith.index_cast %get3A_1298 : i32 to index
      %get3A_1300 = arith.constant 0 : index
      %get3A_1301 = tpu.vector_load %arg6[%get3A_1299, %get3A_1300] {strides = array<i32>} : memref<128x32xf32, #tpu.memory_space<vmem>>, vector<16xf32>,
      tpu.vector_store_idx %arg8[%add3A_7, %add3A_1297], %get3A_1301 : memref<32x131xf32, #tpu.memory_space<vmem>>[vector<16xi32>, vector<16xi32>], vector<16xf32>,
      %get3A_1302 = arith.constant 102 : i32
      %get3A_1303 = arith.index_cast %get3A_1302 : i32 to index
      %get3A_1304 = arith.constant 16 : index
      %get3A_1305 = tpu.vector_load %arg6[%get3A_1303, %get3A_1304] {strides = array<i32>} : memref<128x32xf32, #tpu.memory_space<vmem>>, vector<16xf32>,
      tpu.vector_store_idx %arg8[%add3A_10, %add3A_1297], %get3A_1305 : memref<32x131xf32, #tpu.memory_space<vmem>>[vector<16xi32>, vector<16xi32>], vector<16xf32>,
      %add3A_1306 = arith.constant 103 : i32
      %add3A_1307 = vector.broadcast %add3A_1306 : i32 to vector<16xi32>
      %add3A_1308 = arith.addi %broadcast_in_dim3A_11, %add3A_1307 : vector<16xi32>
      %get3A_1309 = arith.constant 103 : i32
      %get3A_1310 = arith.index_cast %get3A_1309 : i32 to index
      %get3A_1311 = arith.constant 0 : index
      %get3A_1312 = tpu.vector_load %arg6[%get3A_1310, %get3A_1311] {strides = array<i32>} : memref<128x32xf32, #tpu.memory_space<vmem>>, vector<16xf32>,
      tpu.vector_store_idx %arg8[%add3A_7, %add3A_1308], %get3A_1312 : memref<32x131xf32, #tpu.memory_space<vmem>>[vector<16xi32>, vector<16xi32>], vector<16xf32>,
      %get3A_1313 = arith.constant 103 : i32
      %get3A_1314 = arith.index_cast %get3A_1313 : i32 to index
      %get3A_1315 = arith.constant 16 : index
      %get3A_1316 = tpu.vector_load %arg6[%get3A_1314, %get3A_1315] {strides = array<i32>} : memref<128x32xf32, #tpu.memory_space<vmem>>, vector<16xf32>,
      tpu.vector_store_idx %arg8[%add3A_10, %add3A_1308], %get3A_1316 : memref<32x131xf32, #tpu.memory_space<vmem>>[vector<16xi32>, vector<16xi32>], vector<16xf32>,
      %add3A_1317 = arith.constant 104 : i32
      %add3A_1318 = vector.broadcast %add3A_1317 : i32 to vector<16xi32>
      %add3A_1319 = arith.addi %broadcast_in_dim3A_11, %add3A_1318 : vector<16xi32>
      %get3A_1320 = arith.constant 104 : i32
      %get3A_1321 = arith.index_cast %get3A_1320 : i32 to index
      %get3A_1322 = arith.constant 0 : index
      %get3A_1323 = tpu.vector_load %arg6[%get3A_1321, %get3A_1322] {strides = array<i32>} : memref<128x32xf32, #tpu.memory_space<vmem>>, vector<16xf32>,
      tpu.vector_store_idx %arg8[%add3A_7, %add3A_1319], %get3A_1323 : memref<32x131xf32, #tpu.memory_space<vmem>>[vector<16xi32>, vector<16xi32>], vector<16xf32>,
      %get3A_1324 = arith.constant 104 : i32
      %get3A_1325 = arith.index_cast %get3A_1324 : i32 to index
      %get3A_1326 = arith.constant 16 : index
      %get3A_1327 = tpu.vector_load %arg6[%get3A_1325, %get3A_1326] {strides = array<i32>} : memref<128x32xf32, #tpu.memory_space<vmem>>, vector<16xf32>,
      tpu.vector_store_idx %arg8[%add3A_10, %add3A_1319], %get3A_1327 : memref<32x131xf32, #tpu.memory_space<vmem>>[vector<16xi32>, vector<16xi32>], vector<16xf32>,
      %add3A_1328 = arith.constant 105 : i32
      %add3A_1329 = vector.broadcast %add3A_1328 : i32 to vector<16xi32>
      %add3A_1330 = arith.addi %broadcast_in_dim3A_11, %add3A_1329 : vector<16xi32>
      %get3A_1331 = arith.constant 105 : i32
      %get3A_1332 = arith.index_cast %get3A_1331 : i32 to index
      %get3A_1333 = arith.constant 0 : index
      %get3A_1334 = tpu.vector_load %arg6[%get3A_1332, %get3A_1333] {strides = array<i32>} : memref<128x32xf32, #tpu.memory_space<vmem>>, vector<16xf32>,
      tpu.vector_store_idx %arg8[%add3A_7, %add3A_1330], %get3A_1334 : memref<32x131xf32, #tpu.memory_space<vmem>>[vector<16xi32>, vector<16xi32>], vector<16xf32>,
      %get3A_1335 = arith.constant 105 : i32
      %get3A_1336 = arith.index_cast %get3A_1335 : i32 to index
      %get3A_1337 = arith.constant 16 : index
      %get3A_1338 = tpu.vector_load %arg6[%get3A_1336, %get3A_1337] {strides = array<i32>} : memref<128x32xf32, #tpu.memory_space<vmem>>, vector<16xf32>,
      tpu.vector_store_idx %arg8[%add3A_10, %add3A_1330], %get3A_1338 : memref<32x131xf32, #tpu.memory_space<vmem>>[vector<16xi32>, vector<16xi32>], vector<16xf32>,
      %add3A_1339 = arith.constant 106 : i32
      %add3A_1340 = vector.broadcast %add3A_1339 : i32 to vector<16xi32>
      %add3A_1341 = arith.addi %broadcast_in_dim3A_11, %add3A_1340 : vector<16xi32>
      %get3A_1342 = arith.constant 106 : i32
      %get3A_1343 = arith.index_cast %get3A_1342 : i32 to index
      %get3A_1344 = arith.constant 0 : index
      %get3A_1345 = tpu.vector_load %arg6[%get3A_1343, %get3A_1344] {strides = array<i32>} : memref<128x32xf32, #tpu.memory_space<vmem>>, vector<16xf32>,
      tpu.vector_store_idx %arg8[%add3A_7, %add3A_1341], %get3A_1345 : memref<32x131xf32, #tpu.memory_space<vmem>>[vector<16xi32>, vector<16xi32>], vector<16xf32>,
      %get3A_1346 = arith.constant 106 : i32
      %get3A_1347 = arith.index_cast %get3A_1346 : i32 to index
      %get3A_1348 = arith.constant 16 : index
      %get3A_1349 = tpu.vector_load %arg6[%get3A_1347, %get3A_1348] {strides = array<i32>} : memref<128x32xf32, #tpu.memory_space<vmem>>, vector<16xf32>,
      tpu.vector_store_idx %arg8[%add3A_10, %add3A_1341], %get3A_1349 : memref<32x131xf32, #tpu.memory_space<vmem>>[vector<16xi32>, vector<16xi32>], vector<16xf32>,
      %add3A_1350 = arith.constant 107 : i32
      %add3A_1351 = vector.broadcast %add3A_1350 : i32 to vector<16xi32>
      %add3A_1352 = arith.addi %broadcast_in_dim3A_11, %add3A_1351 : vector<16xi32>
      %get3A_1353 = arith.constant 107 : i32
      %get3A_1354 = arith.index_cast %get3A_1353 : i32 to index
      %get3A_1355 = arith.constant 0 : index
      %get3A_1356 = tpu.vector_load %arg6[%get3A_1354, %get3A_1355] {strides = array<i32>} : memref<128x32xf32, #tpu.memory_space<vmem>>, vector<16xf32>,
      tpu.vector_store_idx %arg8[%add3A_7, %add3A_1352], %get3A_1356 : memref<32x131xf32, #tpu.memory_space<vmem>>[vector<16xi32>, vector<16xi32>], vector<16xf32>,
      %get3A_1357 = arith.constant 107 : i32
      %get3A_1358 = arith.index_cast %get3A_1357 : i32 to index
      %get3A_1359 = arith.constant 16 : index
      %get3A_1360 = tpu.vector_load %arg6[%get3A_1358, %get3A_1359] {strides = array<i32>} : memref<128x32xf32, #tpu.memory_space<vmem>>, vector<16xf32>,
      tpu.vector_store_idx %arg8[%add3A_10, %add3A_1352], %get3A_1360 : memref<32x131xf32, #tpu.memory_space<vmem>>[vector<16xi32>, vector<16xi32>], vector<16xf32>,
      %add3A_1361 = arith.constant 108 : i32
      %add3A_1362 = vector.broadcast %add3A_1361 : i32 to vector<16xi32>
      %add3A_1363 = arith.addi %broadcast_in_dim3A_11, %add3A_1362 : vector<16xi32>
      %get3A_1364 = arith.constant 108 : i32
      %get3A_1365 = arith.index_cast %get3A_1364 : i32 to index
      %get3A_1366 = arith.constant 0 : index
      %get3A_1367 = tpu.vector_load %arg6[%get3A_1365, %get3A_1366] {strides = array<i32>} : memref<128x32xf32, #tpu.memory_space<vmem>>, vector<16xf32>,
      tpu.vector_store_idx %arg8[%add3A_7, %add3A_1363], %get3A_1367 : memref<32x131xf32, #tpu.memory_space<vmem>>[vector<16xi32>, vector<16xi32>], vector<16xf32>,
      %get3A_1368 = arith.constant 108 : i32
      %get3A_1369 = arith.index_cast %get3A_1368 : i32 to index
      %get3A_1370 = arith.constant 16 : index
      %get3A_1371 = tpu.vector_load %arg6[%get3A_1369, %get3A_1370] {strides = array<i32>} : memref<128x32xf32, #tpu.memory_space<vmem>>, vector<16xf32>,
      tpu.vector_store_idx %arg8[%add3A_10, %add3A_1363], %get3A_1371 : memref<32x131xf32, #tpu.memory_space<vmem>>[vector<16xi32>, vector<16xi32>], vector<16xf32>,
      %add3A_1372 = arith.constant 109 : i32
      %add3A_1373 = vector.broadcast %add3A_1372 : i32 to vector<16xi32>
      %add3A_1374 = arith.addi %broadcast_in_dim3A_11, %add3A_1373 : vector<16xi32>
      %get3A_1375 = arith.constant 109 : i32
      %get3A_1376 = arith.index_cast %get3A_1375 : i32 to index
      %get3A_1377 = arith.constant 0 : index
      %get3A_1378 = tpu.vector_load %arg6[%get3A_1376, %get3A_1377] {strides = array<i32>} : memref<128x32xf32, #tpu.memory_space<vmem>>, vector<16xf32>,
      tpu.vector_store_idx %arg8[%add3A_7, %add3A_1374], %get3A_1378 : memref<32x131xf32, #tpu.memory_space<vmem>>[vector<16xi32>, vector<16xi32>], vector<16xf32>,
      %get3A_1379 = arith.constant 109 : i32
      %get3A_1380 = arith.index_cast %get3A_1379 : i32 to index
      %get3A_1381 = arith.constant 16 : index
      %get3A_1382 = tpu.vector_load %arg6[%get3A_1380, %get3A_1381] {strides = array<i32>} : memref<128x32xf32, #tpu.memory_space<vmem>>, vector<16xf32>,
      tpu.vector_store_idx %arg8[%add3A_10, %add3A_1374], %get3A_1382 : memref<32x131xf32, #tpu.memory_space<vmem>>[vector<16xi32>, vector<16xi32>], vector<16xf32>,
      %add3A_1383 = arith.constant 110 : i32
      %add3A_1384 = vector.broadcast %add3A_1383 : i32 to vector<16xi32>
      %add3A_1385 = arith.addi %broadcast_in_dim3A_11, %add3A_1384 : vector<16xi32>
      %get3A_1386 = arith.constant 110 : i32
      %get3A_1387 = arith.index_cast %get3A_1386 : i32 to index
      %get3A_1388 = arith.constant 0 : index
      %get3A_1389 = tpu.vector_load %arg6[%get3A_1387, %get3A_1388] {strides = array<i32>} : memref<128x32xf32, #tpu.memory_space<vmem>>, vector<16xf32>,
      tpu.vector_store_idx %arg8[%add3A_7, %add3A_1385], %get3A_1389 : memref<32x131xf32, #tpu.memory_space<vmem>>[vector<16xi32>, vector<16xi32>], vector<16xf32>,
      %get3A_1390 = arith.constant 110 : i32
      %get3A_1391 = arith.index_cast %get3A_1390 : i32 to index
      %get3A_1392 = arith.constant 16 : index
      %get3A_1393 = tpu.vector_load %arg6[%get3A_1391, %get3A_1392] {strides = array<i32>} : memref<128x32xf32, #tpu.memory_space<vmem>>, vector<16xf32>,
      tpu.vector_store_idx %arg8[%add3A_10, %add3A_1385], %get3A_1393 : memref<32x131xf32, #tpu.memory_space<vmem>>[vector<16xi32>, vector<16xi32>], vector<16xf32>,
      %add3A_1394 = arith.constant 111 : i32
      %add3A_1395 = vector.broadcast %add3A_1394 : i32 to vector<16xi32>
      %add3A_1396 = arith.addi %broadcast_in_dim3A_11, %add3A_1395 : vector<16xi32>
      %get3A_1397 = arith.constant 111 : i32
      %get3A_1398 = arith.index_cast %get3A_1397 : i32 to index
      %get3A_1399 = arith.constant 0 : index
      %get3A_1400 = tpu.vector_load %arg6[%get3A_1398, %get3A_1399] {strides = array<i32>} : memref<128x32xf32, #tpu.memory_space<vmem>>, vector<16xf32>,
      tpu.vector_store_idx %arg8[%add3A_7, %add3A_1396], %get3A_1400 : memref<32x131xf32, #tpu.memory_space<vmem>>[vector<16xi32>, vector<16xi32>], vector<16xf32>,
      %get3A_1401 = arith.constant 111 : i32
      %get3A_1402 = arith.index_cast %get3A_1401 : i32 to index
      %get3A_1403 = arith.constant 16 : index
      %get3A_1404 = tpu.vector_load %arg6[%get3A_1402, %get3A_1403] {strides = array<i32>} : memref<128x32xf32, #tpu.memory_space<vmem>>, vector<16xf32>,
      tpu.vector_store_idx %arg8[%add3A_10, %add3A_1396], %get3A_1404 : memref<32x131xf32, #tpu.memory_space<vmem>>[vector<16xi32>, vector<16xi32>], vector<16xf32>,
      %add3A_1405 = arith.constant 112 : i32
      %add3A_1406 = vector.broadcast %add3A_1405 : i32 to vector<16xi32>
      %add3A_1407 = arith.addi %broadcast_in_dim3A_11, %add3A_1406 : vector<16xi32>
      %get3A_1408 = arith.constant 112 : i32
      %get3A_1409 = arith.index_cast %get3A_1408 : i32 to index
      %get3A_1410 = arith.constant 0 : index
      %get3A_1411 = tpu.vector_load %arg6[%get3A_1409, %get3A_1410] {strides = array<i32>} : memref<128x32xf32, #tpu.memory_space<vmem>>, vector<16xf32>,
      tpu.vector_store_idx %arg8[%add3A_7, %add3A_1407], %get3A_1411 : memref<32x131xf32, #tpu.memory_space<vmem>>[vector<16xi32>, vector<16xi32>], vector<16xf32>,
      %get3A_1412 = arith.constant 112 : i32
      %get3A_1413 = arith.index_cast %get3A_1412 : i32 to index
      %get3A_1414 = arith.constant 16 : index
      %get3A_1415 = tpu.vector_load %arg6[%get3A_1413, %get3A_1414] {strides = array<i32>} : memref<128x32xf32, #tpu.memory_space<vmem>>, vector<16xf32>,
      tpu.vector_store_idx %arg8[%add3A_10, %add3A_1407], %get3A_1415 : memref<32x131xf32, #tpu.memory_space<vmem>>[vector<16xi32>, vector<16xi32>], vector<16xf32>,
      %add3A_1416 = arith.constant 113 : i32
      %add3A_1417 = vector.broadcast %add3A_1416 : i32 to vector<16xi32>
      %add3A_1418 = arith.addi %broadcast_in_dim3A_11, %add3A_1417 : vector<16xi32>
      %get3A_1419 = arith.constant 113 : i32
      %get3A_1420 = arith.index_cast %get3A_1419 : i32 to index
      %get3A_1421 = arith.constant 0 : index
      %get3A_1422 = tpu.vector_load %arg6[%get3A_1420, %get3A_1421] {strides = array<i32>} : memref<128x32xf32, #tpu.memory_space<vmem>>, vector<16xf32>,
      tpu.vector_store_idx %arg8[%add3A_7, %add3A_1418], %get3A_1422 : memref<32x131xf32, #tpu.memory_space<vmem>>[vector<16xi32>, vector<16xi32>], vector<16xf32>,
      %get3A_1423 = arith.constant 113 : i32
      %get3A_1424 = arith.index_cast %get3A_1423 : i32 to index
      %get3A_1425 = arith.constant 16 : index
      %get3A_1426 = tpu.vector_load %arg6[%get3A_1424, %get3A_1425] {strides = array<i32>} : memref<128x32xf32, #tpu.memory_space<vmem>>, vector<16xf32>,
      tpu.vector_store_idx %arg8[%add3A_10, %add3A_1418], %get3A_1426 : memref<32x131xf32, #tpu.memory_space<vmem>>[vector<16xi32>, vector<16xi32>], vector<16xf32>,
      %add3A_1427 = arith.constant 114 : i32
      %add3A_1428 = vector.broadcast %add3A_1427 : i32 to vector<16xi32>
      %add3A_1429 = arith.addi %broadcast_in_dim3A_11, %add3A_1428 : vector<16xi32>
      %get3A_1430 = arith.constant 114 : i32
      %get3A_1431 = arith.index_cast %get3A_1430 : i32 to index
      %get3A_1432 = arith.constant 0 : index
      %get3A_1433 = tpu.vector_load %arg6[%get3A_1431, %get3A_1432] {strides = array<i32>} : memref<128x32xf32, #tpu.memory_space<vmem>>, vector<16xf32>,
      tpu.vector_store_idx %arg8[%add3A_7, %add3A_1429], %get3A_1433 : memref<32x131xf32, #tpu.memory_space<vmem>>[vector<16xi32>, vector<16xi32>], vector<16xf32>,
      %get3A_1434 = arith.constant 114 : i32
      %get3A_1435 = arith.index_cast %get3A_1434 : i32 to index
      %get3A_1436 = arith.constant 16 : index
      %get3A_1437 = tpu.vector_load %arg6[%get3A_1435, %get3A_1436] {strides = array<i32>} : memref<128x32xf32, #tpu.memory_space<vmem>>, vector<16xf32>,
      tpu.vector_store_idx %arg8[%add3A_10, %add3A_1429], %get3A_1437 : memref<32x131xf32, #tpu.memory_space<vmem>>[vector<16xi32>, vector<16xi32>], vector<16xf32>,
      %add3A_1438 = arith.constant 115 : i32
      %add3A_1439 = vector.broadcast %add3A_1438 : i32 to vector<16xi32>
      %add3A_1440 = arith.addi %broadcast_in_dim3A_11, %add3A_1439 : vector<16xi32>
      %get3A_1441 = arith.constant 115 : i32
      %get3A_1442 = arith.index_cast %get3A_1441 : i32 to index
      %get3A_1443 = arith.constant 0 : index
      %get3A_1444 = tpu.vector_load %arg6[%get3A_1442, %get3A_1443] {strides = array<i32>} : memref<128x32xf32, #tpu.memory_space<vmem>>, vector<16xf32>,
      tpu.vector_store_idx %arg8[%add3A_7, %add3A_1440], %get3A_1444 : memref<32x131xf32, #tpu.memory_space<vmem>>[vector<16xi32>, vector<16xi32>], vector<16xf32>,
      %get3A_1445 = arith.constant 115 : i32
      %get3A_1446 = arith.index_cast %get3A_1445 : i32 to index
      %get3A_1447 = arith.constant 16 : index
      %get3A_1448 = tpu.vector_load %arg6[%get3A_1446, %get3A_1447] {strides = array<i32>} : memref<128x32xf32, #tpu.memory_space<vmem>>, vector<16xf32>,
      tpu.vector_store_idx %arg8[%add3A_10, %add3A_1440], %get3A_1448 : memref<32x131xf32, #tpu.memory_space<vmem>>[vector<16xi32>, vector<16xi32>], vector<16xf32>,
      %add3A_1449 = arith.constant 116 : i32
      %add3A_1450 = vector.broadcast %add3A_1449 : i32 to vector<16xi32>
      %add3A_1451 = arith.addi %broadcast_in_dim3A_11, %add3A_1450 : vector<16xi32>
      %get3A_1452 = arith.constant 116 : i32
      %get3A_1453 = arith.index_cast %get3A_1452 : i32 to index
      %get3A_1454 = arith.constant 0 : index
      %get3A_1455 = tpu.vector_load %arg6[%get3A_1453, %get3A_1454] {strides = array<i32>} : memref<128x32xf32, #tpu.memory_space<vmem>>, vector<16xf32>,
      tpu.vector_store_idx %arg8[%add3A_7, %add3A_1451], %get3A_1455 : memref<32x131xf32, #tpu.memory_space<vmem>>[vector<16xi32>, vector<16xi32>], vector<16xf32>,
      %get3A_1456 = arith.constant 116 : i32
      %get3A_1457 = arith.index_cast %get3A_1456 : i32 to index
      %get3A_1458 = arith.constant 16 : index
      %get3A_1459 = tpu.vector_load %arg6[%get3A_1457, %get3A_1458] {strides = array<i32>} : memref<128x32xf32, #tpu.memory_space<vmem>>, vector<16xf32>,
      tpu.vector_store_idx %arg8[%add3A_10, %add3A_1451], %get3A_1459 : memref<32x131xf32, #tpu.memory_space<vmem>>[vector<16xi32>, vector<16xi32>], vector<16xf32>,
      %add3A_1460 = arith.constant 117 : i32
      %add3A_1461 = vector.broadcast %add3A_1460 : i32 to vector<16xi32>
      %add3A_1462 = arith.addi %broadcast_in_dim3A_11, %add3A_1461 : vector<16xi32>
      %get3A_1463 = arith.constant 117 : i32
      %get3A_1464 = arith.index_cast %get3A_1463 : i32 to index
      %get3A_1465 = arith.constant 0 : index
      %get3A_1466 = tpu.vector_load %arg6[%get3A_1464, %get3A_1465] {strides = array<i32>} : memref<128x32xf32, #tpu.memory_space<vmem>>, vector<16xf32>,
      tpu.vector_store_idx %arg8[%add3A_7, %add3A_1462], %get3A_1466 : memref<32x131xf32, #tpu.memory_space<vmem>>[vector<16xi32>, vector<16xi32>], vector<16xf32>,
      %get3A_1467 = arith.constant 117 : i32
      %get3A_1468 = arith.index_cast %get3A_1467 : i32 to index
      %get3A_1469 = arith.constant 16 : index
      %get3A_1470 = tpu.vector_load %arg6[%get3A_1468, %get3A_1469] {strides = array<i32>} : memref<128x32xf32, #tpu.memory_space<vmem>>, vector<16xf32>,
      tpu.vector_store_idx %arg8[%add3A_10, %add3A_1462], %get3A_1470 : memref<32x131xf32, #tpu.memory_space<vmem>>[vector<16xi32>, vector<16xi32>], vector<16xf32>,
      %add3A_1471 = arith.constant 118 : i32
      %add3A_1472 = vector.broadcast %add3A_1471 : i32 to vector<16xi32>
      %add3A_1473 = arith.addi %broadcast_in_dim3A_11, %add3A_1472 : vector<16xi32>
      %get3A_1474 = arith.constant 118 : i32
      %get3A_1475 = arith.index_cast %get3A_1474 : i32 to index
      %get3A_1476 = arith.constant 0 : index
      %get3A_1477 = tpu.vector_load %arg6[%get3A_1475, %get3A_1476] {strides = array<i32>} : memref<128x32xf32, #tpu.memory_space<vmem>>, vector<16xf32>,
      tpu.vector_store_idx %arg8[%add3A_7, %add3A_1473], %get3A_1477 : memref<32x131xf32, #tpu.memory_space<vmem>>[vector<16xi32>, vector<16xi32>], vector<16xf32>,
      %get3A_1478 = arith.constant 118 : i32
      %get3A_1479 = arith.index_cast %get3A_1478 : i32 to index
      %get3A_1480 = arith.constant 16 : index
      %get3A_1481 = tpu.vector_load %arg6[%get3A_1479, %get3A_1480] {strides = array<i32>} : memref<128x32xf32, #tpu.memory_space<vmem>>, vector<16xf32>,
      tpu.vector_store_idx %arg8[%add3A_10, %add3A_1473], %get3A_1481 : memref<32x131xf32, #tpu.memory_space<vmem>>[vector<16xi32>, vector<16xi32>], vector<16xf32>,
      %add3A_1482 = arith.constant 119 : i32
      %add3A_1483 = vector.broadcast %add3A_1482 : i32 to vector<16xi32>
      %add3A_1484 = arith.addi %broadcast_in_dim3A_11, %add3A_1483 : vector<16xi32>
      %get3A_1485 = arith.constant 119 : i32
      %get3A_1486 = arith.index_cast %get3A_1485 : i32 to index
      %get3A_1487 = arith.constant 0 : index
      %get3A_1488 = tpu.vector_load %arg6[%get3A_1486, %get3A_1487] {strides = array<i32>} : memref<128x32xf32, #tpu.memory_space<vmem>>, vector<16xf32>,
      tpu.vector_store_idx %arg8[%add3A_7, %add3A_1484], %get3A_1488 : memref<32x131xf32, #tpu.memory_space<vmem>>[vector<16xi32>, vector<16xi32>], vector<16xf32>,
      %get3A_1489 = arith.constant 119 : i32
      %get3A_1490 = arith.index_cast %get3A_1489 : i32 to index
      %get3A_1491 = arith.constant 16 : index
      %get3A_1492 = tpu.vector_load %arg6[%get3A_1490, %get3A_1491] {strides = array<i32>} : memref<128x32xf32, #tpu.memory_space<vmem>>, vector<16xf32>,
      tpu.vector_store_idx %arg8[%add3A_10, %add3A_1484], %get3A_1492 : memref<32x131xf32, #tpu.memory_space<vmem>>[vector<16xi32>, vector<16xi32>], vector<16xf32>,
      %add3A_1493 = arith.constant 120 : i32
      %add3A_1494 = vector.broadcast %add3A_1493 : i32 to vector<16xi32>
      %add3A_1495 = arith.addi %broadcast_in_dim3A_11, %add3A_1494 : vector<16xi32>
      %get3A_1496 = arith.constant 120 : i32
      %get3A_1497 = arith.index_cast %get3A_1496 : i32 to index
      %get3A_1498 = arith.constant 0 : index
      %get3A_1499 = tpu.vector_load %arg6[%get3A_1497, %get3A_1498] {strides = array<i32>} : memref<128x32xf32, #tpu.memory_space<vmem>>, vector<16xf32>,
      tpu.vector_store_idx %arg8[%add3A_7, %add3A_1495], %get3A_1499 : memref<32x131xf32, #tpu.memory_space<vmem>>[vector<16xi32>, vector<16xi32>], vector<16xf32>,
      %get3A_1500 = arith.constant 120 : i32
      %get3A_1501 = arith.index_cast %get3A_1500 : i32 to index
      %get3A_1502 = arith.constant 16 : index
      %get3A_1503 = tpu.vector_load %arg6[%get3A_1501, %get3A_1502] {strides = array<i32>} : memref<128x32xf32, #tpu.memory_space<vmem>>, vector<16xf32>,
      tpu.vector_store_idx %arg8[%add3A_10, %add3A_1495], %get3A_1503 : memref<32x131xf32, #tpu.memory_space<vmem>>[vector<16xi32>, vector<16xi32>], vector<16xf32>,
      %add3A_1504 = arith.constant 121 : i32
      %add3A_1505 = vector.broadcast %add3A_1504 : i32 to vector<16xi32>
      %add3A_1506 = arith.addi %broadcast_in_dim3A_11, %add3A_1505 : vector<16xi32>
      %get3A_1507 = arith.constant 121 : i32
      %get3A_1508 = arith.index_cast %get3A_1507 : i32 to index
      %get3A_1509 = arith.constant 0 : index
      %get3A_1510 = tpu.vector_load %arg6[%get3A_1508, %get3A_1509] {strides = array<i32>} : memref<128x32xf32, #tpu.memory_space<vmem>>, vector<16xf32>,
      tpu.vector_store_idx %arg8[%add3A_7, %add3A_1506], %get3A_1510 : memref<32x131xf32, #tpu.memory_space<vmem>>[vector<16xi32>, vector<16xi32>], vector<16xf32>,
      %get3A_1511 = arith.constant 121 : i32
      %get3A_1512 = arith.index_cast %get3A_1511 : i32 to index
      %get3A_1513 = arith.constant 16 : index
      %get3A_1514 = tpu.vector_load %arg6[%get3A_1512, %get3A_1513] {strides = array<i32>} : memref<128x32xf32, #tpu.memory_space<vmem>>, vector<16xf32>,
      tpu.vector_store_idx %arg8[%add3A_10, %add3A_1506], %get3A_1514 : memref<32x131xf32, #tpu.memory_space<vmem>>[vector<16xi32>, vector<16xi32>], vector<16xf32>,
      %add3A_1515 = arith.constant 122 : i32
      %add3A_1516 = vector.broadcast %add3A_1515 : i32 to vector<16xi32>
      %add3A_1517 = arith.addi %broadcast_in_dim3A_11, %add3A_1516 : vector<16xi32>
      %get3A_1518 = arith.constant 122 : i32
      %get3A_1519 = arith.index_cast %get3A_1518 : i32 to index
      %get3A_1520 = arith.constant 0 : index
      %get3A_1521 = tpu.vector_load %arg6[%get3A_1519, %get3A_1520] {strides = array<i32>} : memref<128x32xf32, #tpu.memory_space<vmem>>, vector<16xf32>,
      tpu.vector_store_idx %arg8[%add3A_7, %add3A_1517], %get3A_1521 : memref<32x131xf32, #tpu.memory_space<vmem>>[vector<16xi32>, vector<16xi32>], vector<16xf32>,
      %get3A_1522 = arith.constant 122 : i32
      %get3A_1523 = arith.index_cast %get3A_1522 : i32 to index
      %get3A_1524 = arith.constant 16 : index
      %get3A_1525 = tpu.vector_load %arg6[%get3A_1523, %get3A_1524] {strides = array<i32>} : memref<128x32xf32, #tpu.memory_space<vmem>>, vector<16xf32>,
      tpu.vector_store_idx %arg8[%add3A_10, %add3A_1517], %get3A_1525 : memref<32x131xf32, #tpu.memory_space<vmem>>[vector<16xi32>, vector<16xi32>], vector<16xf32>,
      %add3A_1526 = arith.constant 123 : i32
      %add3A_1527 = vector.broadcast %add3A_1526 : i32 to vector<16xi32>
      %add3A_1528 = arith.addi %broadcast_in_dim3A_11, %add3A_1527 : vector<16xi32>
      %get3A_1529 = arith.constant 123 : i32
      %get3A_1530 = arith.index_cast %get3A_1529 : i32 to index
      %get3A_1531 = arith.constant 0 : index
      %get3A_1532 = tpu.vector_load %arg6[%get3A_1530, %get3A_1531] {strides = array<i32>} : memref<128x32xf32, #tpu.memory_space<vmem>>, vector<16xf32>,
      tpu.vector_store_idx %arg8[%add3A_7, %add3A_1528], %get3A_1532 : memref<32x131xf32, #tpu.memory_space<vmem>>[vector<16xi32>, vector<16xi32>], vector<16xf32>,
      %get3A_1533 = arith.constant 123 : i32
      %get3A_1534 = arith.index_cast %get3A_1533 : i32 to index
      %get3A_1535 = arith.constant 16 : index
      %get3A_1536 = tpu.vector_load %arg6[%get3A_1534, %get3A_1535] {strides = array<i32>} : memref<128x32xf32, #tpu.memory_space<vmem>>, vector<16xf32>,
      tpu.vector_store_idx %arg8[%add3A_10, %add3A_1528], %get3A_1536 : memref<32x131xf32, #tpu.memory_space<vmem>>[vector<16xi32>, vector<16xi32>], vector<16xf32>,
      %add3A_1537 = arith.constant 124 : i32
      %add3A_1538 = vector.broadcast %add3A_1537 : i32 to vector<16xi32>
      %add3A_1539 = arith.addi %broadcast_in_dim3A_11, %add3A_1538 : vector<16xi32>
      %get3A_1540 = arith.constant 124 : i32
      %get3A_1541 = arith.index_cast %get3A_1540 : i32 to index
      %get3A_1542 = arith.constant 0 : index
      %get3A_1543 = tpu.vector_load %arg6[%get3A_1541, %get3A_1542] {strides = array<i32>} : memref<128x32xf32, #tpu.memory_space<vmem>>, vector<16xf32>,
      tpu.vector_store_idx %arg8[%add3A_7, %add3A_1539], %get3A_1543 : memref<32x131xf32, #tpu.memory_space<vmem>>[vector<16xi32>, vector<16xi32>], vector<16xf32>,
      %get3A_1544 = arith.constant 124 : i32
      %get3A_1545 = arith.index_cast %get3A_1544 : i32 to index
      %get3A_1546 = arith.constant 16 : index
      %get3A_1547 = tpu.vector_load %arg6[%get3A_1545, %get3A_1546] {strides = array<i32>} : memref<128x32xf32, #tpu.memory_space<vmem>>, vector<16xf32>,
      tpu.vector_store_idx %arg8[%add3A_10, %add3A_1539], %get3A_1547 : memref<32x131xf32, #tpu.memory_space<vmem>>[vector<16xi32>, vector<16xi32>], vector<16xf32>,
      %add3A_1548 = arith.constant 125 : i32
      %add3A_1549 = vector.broadcast %add3A_1548 : i32 to vector<16xi32>
      %add3A_1550 = arith.addi %broadcast_in_dim3A_11, %add3A_1549 : vector<16xi32>
      %get3A_1551 = arith.constant 125 : i32
      %get3A_1552 = arith.index_cast %get3A_1551 : i32 to index
      %get3A_1553 = arith.constant 0 : index
      %get3A_1554 = tpu.vector_load %arg6[%get3A_1552, %get3A_1553] {strides = array<i32>} : memref<128x32xf32, #tpu.memory_space<vmem>>, vector<16xf32>,
      tpu.vector_store_idx %arg8[%add3A_7, %add3A_1550], %get3A_1554 : memref<32x131xf32, #tpu.memory_space<vmem>>[vector<16xi32>, vector<16xi32>], vector<16xf32>,
      %get3A_1555 = arith.constant 125 : i32
      %get3A_1556 = arith.index_cast %get3A_1555 : i32 to index
      %get3A_1557 = arith.constant 16 : index
      %get3A_1558 = tpu.vector_load %arg6[%get3A_1556, %get3A_1557] {strides = array<i32>} : memref<128x32xf32, #tpu.memory_space<vmem>>, vector<16xf32>,
      tpu.vector_store_idx %arg8[%add3A_10, %add3A_1550], %get3A_1558 : memref<32x131xf32, #tpu.memory_space<vmem>>[vector<16xi32>, vector<16xi32>], vector<16xf32>,
      %add3A_1559 = arith.constant 126 : i32
      %add3A_1560 = vector.broadcast %add3A_1559 : i32 to vector<16xi32>
      %add3A_1561 = arith.addi %broadcast_in_dim3A_11, %add3A_1560 : vector<16xi32>
      %get3A_1562 = arith.constant 126 : i32
      %get3A_1563 = arith.index_cast %get3A_1562 : i32 to index
      %get3A_1564 = arith.constant 0 : index
      %get3A_1565 = tpu.vector_load %arg6[%get3A_1563, %get3A_1564] {strides = array<i32>} : memref<128x32xf32, #tpu.memory_space<vmem>>, vector<16xf32>,
      tpu.vector_store_idx %arg8[%add3A_7, %add3A_1561], %get3A_1565 : memref<32x131xf32, #tpu.memory_space<vmem>>[vector<16xi32>, vector<16xi32>], vector<16xf32>,
      %get3A_1566 = arith.constant 126 : i32
      %get3A_1567 = arith.index_cast %get3A_1566 : i32 to index
      %get3A_1568 = arith.constant 16 : index
      %get3A_1569 = tpu.vector_load %arg6[%get3A_1567, %get3A_1568] {strides = array<i32>} : memref<128x32xf32, #tpu.memory_space<vmem>>, vector<16xf32>,
      tpu.vector_store_idx %arg8[%add3A_10, %add3A_1561], %get3A_1569 : memref<32x131xf32, #tpu.memory_space<vmem>>[vector<16xi32>, vector<16xi32>], vector<16xf32>,
      %add3A_1570 = arith.constant 127 : i32
      %add3A_1571 = vector.broadcast %add3A_1570 : i32 to vector<16xi32>
      %add3A_1572 = arith.addi %broadcast_in_dim3A_11, %add3A_1571 : vector<16xi32>
      %get3A_1573 = arith.constant 127 : i32
      %get3A_1574 = arith.index_cast %get3A_1573 : i32 to index
      %get3A_1575 = arith.constant 0 : index
      %get3A_1576 = tpu.vector_load %arg6[%get3A_1574, %get3A_1575] {strides = array<i32>} : memref<128x32xf32, #tpu.memory_space<vmem>>, vector<16xf32>,
      tpu.vector_store_idx %arg8[%add3A_7, %add3A_1572], %get3A_1576 : memref<32x131xf32, #tpu.memory_space<vmem>>[vector<16xi32>, vector<16xi32>], vector<16xf32>,
      %get3A_1577 = arith.constant 127 : i32
      %get3A_1578 = arith.index_cast %get3A_1577 : i32 to index
      %get3A_1579 = arith.constant 16 : index
      %get3A_1580 = tpu.vector_load %arg6[%get3A_1578, %get3A_1579] {strides = array<i32>} : memref<128x32xf32, #tpu.memory_space<vmem>>, vector<16xf32>,
      tpu.vector_store_idx %arg8[%add3A_10, %add3A_1572], %get3A_1580 : memref<32x131xf32, #tpu.memory_space<vmem>>[vector<16xi32>, vector<16xi32>], vector<16xf32>,
      %add3A_1581 = arith.constant 2 : i32
      %add3A_1582 = arith.addi %add3A_165, %add3A_1581 : i32
      %lt3A = arith.constant 200 : i32
      %lt3A_1583 = arith.cmpi slt, %add3A_1582, %lt3A : i32
      %convert_element_type3A_1584 = arith.extui %lt3A_1583 : i1 to i32
      %cond3A_1585 = arith.constant 0 : i32
      %cond3A_1586 = arith.cmpi ne, %convert_element_type3A_1584, %cond3A_1585 : i32
      scf.if %cond3A_1586 {
        %add3A_3212 = arith.constant 2 : i32
        %add3A_3213 = arith.addi %add3A_165, %add3A_3212 : i32
        %mul3A_3214 = arith.constant 128 : i32
        %mul3A_3215 = arith.muli %add3A_3213, %mul3A_3214 : i32
        %dma_start3A_3216 = tpu.memref_slice %arg5[%mul3A_3215] : memref<25600xi32, #tpu.memory_space<vmem>> -> memref<128xi32, #tpu.memory_space<vmem>>
        %dma_start3A_3217 = arith.constant 0 : i32
        %dma_start3A_3218 = arith.constant 0 : i32
        %dma_start3A_3219 = tpu.memref_slice %arg3[%dma_start3A_3217, %dma_start3A_3218] : memref<4000000x32xf32, #tpu.memory_space<hbm>> -> memref<4000000x32xf32, #tpu.memory_space<hbm>>
        tpu.enqueue_indirect_dma source(%dma_start3A_3219 : memref<4000000x32xf32, #tpu.memory_space<hbm>>) target(%arg6 : memref<128x32xf32, #tpu.memory_space<vmem>>) offsets(%dma_start3A_3216 : memref<128xi32, #tpu.memory_space<vmem>>) semaphore(%arg10 : memref<!tpu.dma_semaphore, #tpu.memory_space<semaphore_mem>>)
      } else {
      }
      %add3A_1587 = arith.addi %mul3A_2, %add3A_165 : i32
      %jit3A = arith.constant 32 : i32
      %div3A = arith.divsi %add3A_1587, %jit3A : i32
      %sign3A = arith.constant 0 : i32
      %sign3A_1588 = arith.cmpi sgt, %add3A_1587, %sign3A : i32
      %sign3A_1589 = arith.extui %sign3A_1588 : i1 to i32
      %sign3A_1590 = arith.constant 0 : i32
      %sign3A_1591 = arith.cmpi slt, %add3A_1587, %sign3A_1590 : i32
      %sign3A_1592 = arith.extui %sign3A_1591 : i1 to i32
      %sign3A_1593 = arith.subi %sign3A_1589, %sign3A_1592 : i32
      %sign3A_1594 = arith.constant 0 : i32
      %sign3A_1595 = arith.cmpi sgt, %jit3A, %sign3A_1594 : i32
      %sign3A_1596 = arith.extui %sign3A_1595 : i1 to i32
      %sign3A_1597 = arith.constant 0 : i32
      %sign3A_1598 = arith.cmpi slt, %jit3A, %sign3A_1597 : i32
      %sign3A_1599 = arith.extui %sign3A_1598 : i1 to i32
      %sign3A_1600 = arith.subi %sign3A_1596, %sign3A_1599 : i32
      %ne3A = arith.cmpi ne, %sign3A_1593, %sign3A_1600 : i32
      %rem3A = arith.remsi %add3A_1587, %jit3A : i32
      %ne3A_1601 = arith.constant 0 : i32
      %ne3A_1602 = arith.cmpi ne, %rem3A, %ne3A_1601 : i32
      %and3A = arith.andi %ne3A, %ne3A_1602 : i1
      %sub3A = arith.constant 1 : i32
      %sub3A_1603 = arith.subi %div3A, %sub3A : i32
      %select_n3A = arith.select %and3A, %sub3A_1603, %div3A : i32
      %add3A_1604 = arith.addi %mul3A_2, %add3A_165 : i32
      %jit3A_1605 = arith.constant 32 : i32
      %eq3A = arith.constant 0 : i32
      %eq3A_1606 = arith.cmpi eq, %jit3A_1605, %eq3A : i32
      %jit3A_1607 = arith.constant 1 : i32
      %select_n3A_1608 = arith.select %eq3A_1606, %jit3A_1607, %jit3A_1605 : i32
      %rem3A_1609 = arith.remsi %add3A_1604, %select_n3A_1608 : i32
      %ne3A_1610 = arith.constant 0 : i32
      %ne3A_1611 = arith.cmpi ne, %rem3A_1609, %ne3A_1610 : i32
      %lt3A_1612 = arith.constant 0 : i32
      %lt3A_1613 = arith.cmpi slt, %rem3A_1609, %lt3A_1612 : i32
      %lt3A_1614 = arith.constant 0 : i32
      %lt3A_1615 = arith.cmpi slt, %select_n3A_1608, %lt3A_1614 : i32
      %ne3A_1616 = arith.xori %lt3A_1613, %lt3A_1615 : i1
      %and3A_1617 = arith.andi %ne3A_1616, %ne3A_1611 : i1
      %add3A_1618 = arith.addi %rem3A_1609, %select_n3A_1608 : i32
      %select_n3A_1619 = arith.select %and3A_1617, %add3A_1618, %rem3A_1609 : i32
      %dma_start3A_1620 = arith.constant 0 : i32
      %dma_start3A_1621 = arith.constant 0 : i32
      %dma_start3A_1622 = arith.constant 0 : i32
      %dma_start3A_1623 = tpu.memref_slice %arg8[%dma_start3A_1621, %dma_start3A_1622] : memref<32x131xf32, #tpu.memory_space<vmem>> -> memref<8x128xf32, #tpu.memory_space<vmem>>
      %dma_start3A_1624 = arith.constant 0 : i32
      %dma_start3A_1625 = arith.constant 0 : i32
      %dma_start3A_1626 = tpu.memref_slice %arg4[%select_n3A, %dma_start3A_1620, %select_n3A_1619, %dma_start3A_1624, %dma_start3A_1625] : memref<200x4x32x8x128xf32, #tpu.memory_space<hbm>> -> memref<1x1x1x8x128xf32, #tpu.memory_space<hbm>>
      %dma_start3A_1627 = tpu.memref_squeeze %dma_start3A_1626 : memref<1x1x1x8x128xf32, #tpu.memory_space<hbm>> -> memref<8x128xf32, #tpu.memory_space<hbm>>
      %dma_start3A_1628 = arith.constant 0 : i32
      %dma_start3A_1629 = arith.constant 0 : i32
      %dma_start3A_1630 = tpu.memref_slice %arg4[%select_n3A, %dma_start3A_1620, %select_n3A_1619, %dma_start3A_1628, %dma_start3A_1629] : memref<200x4x32x8x128xf32, #tpu.memory_space<hbm>> -> memref<1x1x1x8x128xf32, #tpu.memory_space<hbm>>
      %dma_start3A_1631 = tpu.memref_squeeze %dma_start3A_1630 : memref<1x1x1x8x128xf32, #tpu.memory_space<hbm>> -> memref<8x128xf32, #tpu.memory_space<hbm>>
      %dma_start3A_1632 = arith.constant 0 : i32
      %dma_start3A_1633 = arith.constant 0 : i32
      %dma_start3A_1634 = tpu.memref_slice %arg8[%dma_start3A_1632, %dma_start3A_1633] : memref<32x131xf32, #tpu.memory_space<vmem>> -> memref<8x128xf32, #tpu.memory_space<vmem>>
      tpu.enqueue_dma source(%dma_start3A_1634 : memref<8x128xf32, #tpu.memory_space<vmem>>) target(%dma_start3A_1631 : memref<8x128xf32, #tpu.memory_space<hbm>>) target_semaphore(%arg12 : memref<!tpu.dma_semaphore, #tpu.memory_space<semaphore_mem>>)
      %dma_start3A_1635 = arith.constant 1 : i32
      %dma_start3A_1636 = arith.constant 8 : i32
      %dma_start3A_1637 = arith.constant 0 : i32
      %dma_start3A_1638 = tpu.memref_slice %arg8[%dma_start3A_1636, %dma_start3A_1637] : memref<32x131xf32, #tpu.memory_space<vmem>> -> memref<8x128xf32, #tpu.memory_space<vmem>>
      %dma_start3A_1639 = arith.constant 0 : i32
      %dma_start3A_1640 = arith.constant 0 : i32
      %dma_start3A_1641 = tpu.memref_slice %arg4[%select_n3A, %dma_start3A_1635, %select_n3A_1619, %dma_start3A_1639, %dma_start3A_1640] : memref<200x4x32x8x128xf32, #tpu.memory_space<hbm>> -> memref<1x1x1x8x128xf32, #tpu.memory_space<hbm>>
      %dma_start3A_1642 = tpu.memref_squeeze %dma_start3A_1641 : memref<1x1x1x8x128xf32, #tpu.memory_space<hbm>> -> memref<8x128xf32, #tpu.memory_space<hbm>>
      %dma_start3A_1643 = arith.constant 0 : i32
      %dma_start3A_1644 = arith.constant 0 : i32
      %dma_start3A_1645 = tpu.memref_slice %arg4[%select_n3A, %dma_start3A_1635, %select_n3A_1619, %dma_start3A_1643, %dma_start3A_1644] : memref<200x4x32x8x128xf32, #tpu.memory_space<hbm>> -> memref<1x1x1x8x128xf32, #tpu.memory_space<hbm>>
      %dma_start3A_1646 = tpu.memref_squeeze %dma_start3A_1645 : memref<1x1x1x8x128xf32, #tpu.memory_space<hbm>> -> memref<8x128xf32, #tpu.memory_space<hbm>>
      %dma_start3A_1647 = arith.constant 8 : i32
      %dma_start3A_1648 = arith.constant 0 : i32
      %dma_start3A_1649 = tpu.memref_slice %arg8[%dma_start3A_1647, %dma_start3A_1648] : memref<32x131xf32, #tpu.memory_space<vmem>> -> memref<8x128xf32, #tpu.memory_space<vmem>>
      tpu.enqueue_dma source(%dma_start3A_1649 : memref<8x128xf32, #tpu.memory_space<vmem>>) target(%dma_start3A_1646 : memref<8x128xf32, #tpu.memory_space<hbm>>) target_semaphore(%arg12 : memref<!tpu.dma_semaphore, #tpu.memory_space<semaphore_mem>>)
      %dma_start3A_1650 = arith.constant 2 : i32
      %dma_start3A_1651 = arith.constant 16 : i32
      %dma_start3A_1652 = arith.constant 0 : i32
      %dma_start3A_1653 = tpu.memref_slice %arg8[%dma_start3A_1651, %dma_start3A_1652] : memref<32x131xf32, #tpu.memory_space<vmem>> -> memref<8x128xf32, #tpu.memory_space<vmem>>
      %dma_start3A_1654 = arith.constant 0 : i32
      %dma_start3A_1655 = arith.constant 0 : i32
      %dma_start3A_1656 = tpu.memref_slice %arg4[%select_n3A, %dma_start3A_1650, %select_n3A_1619, %dma_start3A_1654, %dma_start3A_1655] : memref<200x4x32x8x128xf32, #tpu.memory_space<hbm>> -> memref<1x1x1x8x128xf32, #tpu.memory_space<hbm>>
      %dma_start3A_1657 = tpu.memref_squeeze %dma_start3A_1656 : memref<1x1x1x8x128xf32, #tpu.memory_space<hbm>> -> memref<8x128xf32, #tpu.memory_space<hbm>>
      %dma_start3A_1658 = arith.constant 0 : i32
      %dma_start3A_1659 = arith.constant 0 : i32
      %dma_start3A_1660 = tpu.memref_slice %arg4[%select_n3A, %dma_start3A_1650, %select_n3A_1619, %dma_start3A_1658, %dma_start3A_1659] : memref<200x4x32x8x128xf32, #tpu.memory_space<hbm>> -> memref<1x1x1x8x128xf32, #tpu.memory_space<hbm>>
      %dma_start3A_1661 = tpu.memref_squeeze %dma_start3A_1660 : memref<1x1x1x8x128xf32, #tpu.memory_space<hbm>> -> memref<8x128xf32, #tpu.memory_space<hbm>>
      %dma_start3A_1662 = arith.constant 16 : i32
      %dma_start3A_1663 = arith.constant 0 : i32
      %dma_start3A_1664 = tpu.memref_slice %arg8[%dma_start3A_1662, %dma_start3A_1663] : memref<32x131xf32, #tpu.memory_space<vmem>> -> memref<8x128xf32, #tpu.memory_space<vmem>>
      tpu.enqueue_dma source(%dma_start3A_1664 : memref<8x128xf32, #tpu.memory_space<vmem>>) target(%dma_start3A_1661 : memref<8x128xf32, #tpu.memory_space<hbm>>) target_semaphore(%arg12 : memref<!tpu.dma_semaphore, #tpu.memory_space<semaphore_mem>>)
      %dma_start3A_1665 = arith.constant 3 : i32
      %dma_start3A_1666 = arith.constant 24 : i32
      %dma_start3A_1667 = arith.constant 0 : i32
      %dma_start3A_1668 = tpu.memref_slice %arg8[%dma_start3A_1666, %dma_start3A_1667] : memref<32x131xf32, #tpu.memory_space<vmem>> -> memref<8x128xf32, #tpu.memory_space<vmem>>
      %dma_start3A_1669 = arith.constant 0 : i32
      %dma_start3A_1670 = arith.constant 0 : i32
      %dma_start3A_1671 = tpu.memref_slice %arg4[%select_n3A, %dma_start3A_1665, %select_n3A_1619, %dma_start3A_1669, %dma_start3A_1670] : memref<200x4x32x8x128xf32, #tpu.memory_space<hbm>> -> memref<1x1x1x8x128xf32, #tpu.memory_space<hbm>>
      %dma_start3A_1672 = tpu.memref_squeeze %dma_start3A_1671 : memref<1x1x1x8x128xf32, #tpu.memory_space<hbm>> -> memref<8x128xf32, #tpu.memory_space<hbm>>
      %dma_start3A_1673 = arith.constant 0 : i32
      %dma_start3A_1674 = arith.constant 0 : i32
      %dma_start3A_1675 = tpu.memref_slice %arg4[%select_n3A, %dma_start3A_1665, %select_n3A_1619, %dma_start3A_1673, %dma_start3A_1674] : memref<200x4x32x8x128xf32, #tpu.memory_space<hbm>> -> memref<1x1x1x8x128xf32, #tpu.memory_space<hbm>>
      %dma_start3A_1676 = tpu.memref_squeeze %dma_start3A_1675 : memref<1x1x1x8x128xf32, #tpu.memory_space<hbm>> -> memref<8x128xf32, #tpu.memory_space<hbm>>
      %dma_start3A_1677 = arith.constant 24 : i32
      %dma_start3A_1678 = arith.constant 0 : i32
      %dma_start3A_1679 = tpu.memref_slice %arg8[%dma_start3A_1677, %dma_start3A_1678] : memref<32x131xf32, #tpu.memory_space<vmem>> -> memref<8x128xf32, #tpu.memory_space<vmem>>
      tpu.enqueue_dma source(%dma_start3A_1679 : memref<8x128xf32, #tpu.memory_space<vmem>>) target(%dma_start3A_1676 : memref<8x128xf32, #tpu.memory_space<hbm>>) target_semaphore(%arg12 : memref<!tpu.dma_semaphore, #tpu.memory_space<semaphore_mem>>)
      %mul3A_1680 = arith.constant 2 : i32
      %mul3A_1681 = arith.muli %mul3A_1680, %scan3A_161 : i32
      %add3A_1682 = arith.constant 1 : i32
      %add3A_1683 = arith.addi %mul3A_1681, %add3A_1682 : i32
      %dma_wait3A_1684 = arith.constant 0 : i32
      %dma_wait3A_1685 = arith.constant 0 : i32
      %dma_wait3A_1686 = tpu.memref_slice %arg3[%dma_wait3A_1684, %dma_wait3A_1685] : memref<4000000x32xf32, #tpu.memory_space<hbm>> -> memref<128x32xf32, #tpu.memory_space<hbm>>
      %dma_wait3A_1687 = arith.constant 0 : i32
      %dma_wait3A_1688 = arith.constant 0 : i32
      %dma_wait3A_1689 = tpu.memref_slice %arg3[%dma_wait3A_1687, %dma_wait3A_1688] : memref<4000000x32xf32, #tpu.memory_space<hbm>> -> memref<128x32xf32, #tpu.memory_space<hbm>>
      tpu.wait_dma2 semaphore(%arg11 : memref<!tpu.dma_semaphore, #tpu.memory_space<semaphore_mem>>) src(%dma_wait3A_1689 : memref<128x32xf32, #tpu.memory_space<hbm>>) dst(%arg7 : memref<128x32xf32, #tpu.memory_space<vmem>>)
      %ge3A_1690 = arith.constant 2 : i32
      %ge3A_1691 = arith.cmpi sge, %add3A_1683, %ge3A_1690 : i32
      %convert_element_type3A_1692 = arith.extui %ge3A_1691 : i1 to i32
      %cond3A_1693 = arith.constant 0 : i32
      %cond3A_1694 = arith.cmpi ne, %convert_element_type3A_1692, %cond3A_1693 : i32
      scf.if %cond3A_1694 {
        %dma_wait3A_3212 = arith.constant 0 : i32
        %dma_wait3A_3213 = arith.constant 0 : i32
        %dma_wait3A_3214 = arith.constant 0 : i32
        %dma_wait3A_3215 = arith.constant 0 : i32
        %dma_wait3A_3216 = arith.constant 0 : i32
        %dma_wait3A_3217 = tpu.memref_slice %arg9[%dma_wait3A_3215, %dma_wait3A_3216] : memref<32x131xf32, #tpu.memory_space<vmem>> -> memref<8x128xf32, #tpu.memory_space<vmem>>
        %dma_wait3A_3218 = arith.constant 0 : i32
        %dma_wait3A_3219 = arith.constant 0 : i32
        %dma_wait3A_3220 = tpu.memref_slice %arg4[%dma_wait3A_3212, %dma_wait3A_3213, %dma_wait3A_3214, %dma_wait3A_3218, %dma_wait3A_3219] : memref<200x4x32x8x128xf32, #tpu.memory_space<hbm>> -> memref<1x1x1x8x128xf32, #tpu.memory_space<hbm>>
        %dma_wait3A_3221 = tpu.memref_squeeze %dma_wait3A_3220 : memref<1x1x1x8x128xf32, #tpu.memory_space<hbm>> -> memref<8x128xf32, #tpu.memory_space<hbm>>
        %dma_wait3A_3222 = arith.constant 0 : i32
        %dma_wait3A_3223 = arith.constant 0 : i32
        %dma_wait3A_3224 = tpu.memref_slice %arg4[%dma_wait3A_3212, %dma_wait3A_3213, %dma_wait3A_3214, %dma_wait3A_3222, %dma_wait3A_3223] : memref<200x4x32x8x128xf32, #tpu.memory_space<hbm>> -> memref<1x1x1x8x128xf32, #tpu.memory_space<hbm>>
        %dma_wait3A_3225 = tpu.memref_squeeze %dma_wait3A_3224 : memref<1x1x1x8x128xf32, #tpu.memory_space<hbm>> -> memref<8x128xf32, #tpu.memory_space<hbm>>
        %dma_wait3A_3226 = arith.constant 0 : i32
        %dma_wait3A_3227 = arith.constant 0 : i32
        %dma_wait3A_3228 = tpu.memref_slice %arg9[%dma_wait3A_3226, %dma_wait3A_3227] : memref<32x131xf32, #tpu.memory_space<vmem>> -> memref<8x128xf32, #tpu.memory_space<vmem>>
        tpu.wait_dma2 semaphore(%arg13 : memref<!tpu.dma_semaphore, #tpu.memory_space<semaphore_mem>>) src(%dma_wait3A_3228 : memref<8x128xf32, #tpu.memory_space<vmem>>) dst(%dma_wait3A_3225 : memref<8x128xf32, #tpu.memory_space<hbm>>)
        %dma_wait3A_3229 = arith.constant 0 : i32
        %dma_wait3A_3230 = arith.constant 1 : i32
        %dma_wait3A_3231 = arith.constant 0 : i32
        %dma_wait3A_3232 = arith.constant 8 : i32
        %dma_wait3A_3233 = arith.constant 0 : i32
        %dma_wait3A_3234 = tpu.memref_slice %arg9[%dma_wait3A_3232, %dma_wait3A_3233] : memref<32x131xf32, #tpu.memory_space<vmem>> -> memref<8x128xf32, #tpu.memory_space<vmem>>
        %dma_wait3A_3235 = arith.constant 0 : i32
        %dma_wait3A_3236 = arith.constant 0 : i32
        %dma_wait3A_3237 = tpu.memref_slice %arg4[%dma_wait3A_3229, %dma_wait3A_3230, %dma_wait3A_3231, %dma_wait3A_3235, %dma_wait3A_3236] : memref<200x4x32x8x128xf32, #tpu.memory_space<hbm>> -> memref<1x1x1x8x128xf32, #tpu.memory_space<hbm>>
        %dma_wait3A_3238 = tpu.memref_squeeze %dma_wait3A_3237 : memref<1x1x1x8x128xf32, #tpu.memory_space<hbm>> -> memref<8x128xf32, #tpu.memory_space<hbm>>
        %dma_wait3A_3239 = arith.constant 0 : i32
        %dma_wait3A_3240 = arith.constant 0 : i32
        %dma_wait3A_3241 = tpu.memref_slice %arg4[%dma_wait3A_3229, %dma_wait3A_3230, %dma_wait3A_3231, %dma_wait3A_3239, %dma_wait3A_3240] : memref<200x4x32x8x128xf32, #tpu.memory_space<hbm>> -> memref<1x1x1x8x128xf32, #tpu.memory_space<hbm>>
        %dma_wait3A_3242 = tpu.memref_squeeze %dma_wait3A_3241 : memref<1x1x1x8x128xf32, #tpu.memory_space<hbm>> -> memref<8x128xf32, #tpu.memory_space<hbm>>
        %dma_wait3A_3243 = arith.constant 8 : i32
        %dma_wait3A_3244 = arith.constant 0 : i32
        %dma_wait3A_3245 = tpu.memref_slice %arg9[%dma_wait3A_3243, %dma_wait3A_3244] : memref<32x131xf32, #tpu.memory_space<vmem>> -> memref<8x128xf32, #tpu.memory_space<vmem>>
        tpu.wait_dma2 semaphore(%arg13 : memref<!tpu.dma_semaphore, #tpu.memory_space<semaphore_mem>>) src(%dma_wait3A_3245 : memref<8x128xf32, #tpu.memory_space<vmem>>) dst(%dma_wait3A_3242 : memref<8x128xf32, #tpu.memory_space<hbm>>)
        %dma_wait3A_3246 = arith.constant 0 : i32
        %dma_wait3A_3247 = arith.constant 2 : i32
        %dma_wait3A_3248 = arith.constant 0 : i32
        %dma_wait3A_3249 = arith.constant 16 : i32
        %dma_wait3A_3250 = arith.constant 0 : i32
        %dma_wait3A_3251 = tpu.memref_slice %arg9[%dma_wait3A_3249, %dma_wait3A_3250] : memref<32x131xf32, #tpu.memory_space<vmem>> -> memref<8x128xf32, #tpu.memory_space<vmem>>
        %dma_wait3A_3252 = arith.constant 0 : i32
        %dma_wait3A_3253 = arith.constant 0 : i32
        %dma_wait3A_3254 = tpu.memref_slice %arg4[%dma_wait3A_3246, %dma_wait3A_3247, %dma_wait3A_3248, %dma_wait3A_3252, %dma_wait3A_3253] : memref<200x4x32x8x128xf32, #tpu.memory_space<hbm>> -> memref<1x1x1x8x128xf32, #tpu.memory_space<hbm>>
        %dma_wait3A_3255 = tpu.memref_squeeze %dma_wait3A_3254 : memref<1x1x1x8x128xf32, #tpu.memory_space<hbm>> -> memref<8x128xf32, #tpu.memory_space<hbm>>
        %dma_wait3A_3256 = arith.constant 0 : i32
        %dma_wait3A_3257 = arith.constant 0 : i32
        %dma_wait3A_3258 = tpu.memref_slice %arg4[%dma_wait3A_3246, %dma_wait3A_3247, %dma_wait3A_3248, %dma_wait3A_3256, %dma_wait3A_3257] : memref<200x4x32x8x128xf32, #tpu.memory_space<hbm>> -> memref<1x1x1x8x128xf32, #tpu.memory_space<hbm>>
        %dma_wait3A_3259 = tpu.memref_squeeze %dma_wait3A_3258 : memref<1x1x1x8x128xf32, #tpu.memory_space<hbm>> -> memref<8x128xf32, #tpu.memory_space<hbm>>
        %dma_wait3A_3260 = arith.constant 16 : i32
        %dma_wait3A_3261 = arith.constant 0 : i32
        %dma_wait3A_3262 = tpu.memref_slice %arg9[%dma_wait3A_3260, %dma_wait3A_3261] : memref<32x131xf32, #tpu.memory_space<vmem>> -> memref<8x128xf32, #tpu.memory_space<vmem>>
        tpu.wait_dma2 semaphore(%arg13 : memref<!tpu.dma_semaphore, #tpu.memory_space<semaphore_mem>>) src(%dma_wait3A_3262 : memref<8x128xf32, #tpu.memory_space<vmem>>) dst(%dma_wait3A_3259 : memref<8x128xf32, #tpu.memory_space<hbm>>)
        %dma_wait3A_3263 = arith.constant 0 : i32
        %dma_wait3A_3264 = arith.constant 3 : i32
        %dma_wait3A_3265 = arith.constant 0 : i32
        %dma_wait3A_3266 = arith.constant 24 : i32
        %dma_wait3A_3267 = arith.constant 0 : i32
        %dma_wait3A_3268 = tpu.memref_slice %arg9[%dma_wait3A_3266, %dma_wait3A_3267] : memref<32x131xf32, #tpu.memory_space<vmem>> -> memref<8x128xf32, #tpu.memory_space<vmem>>
        %dma_wait3A_3269 = arith.constant 0 : i32
        %dma_wait3A_3270 = arith.constant 0 : i32
        %dma_wait3A_3271 = tpu.memref_slice %arg4[%dma_wait3A_3263, %dma_wait3A_3264, %dma_wait3A_3265, %dma_wait3A_3269, %dma_wait3A_3270] : memref<200x4x32x8x128xf32, #tpu.memory_space<hbm>> -> memref<1x1x1x8x128xf32, #tpu.memory_space<hbm>>
        %dma_wait3A_3272 = tpu.memref_squeeze %dma_wait3A_3271 : memref<1x1x1x8x128xf32, #tpu.memory_space<hbm>> -> memref<8x128xf32, #tpu.memory_space<hbm>>
        %dma_wait3A_3273 = arith.constant 0 : i32
        %dma_wait3A_3274 = arith.constant 0 : i32
        %dma_wait3A_3275 = tpu.memref_slice %arg4[%dma_wait3A_3263, %dma_wait3A_3264, %dma_wait3A_3265, %dma_wait3A_3273, %dma_wait3A_3274] : memref<200x4x32x8x128xf32, #tpu.memory_space<hbm>> -> memref<1x1x1x8x128xf32, #tpu.memory_space<hbm>>
        %dma_wait3A_3276 = tpu.memref_squeeze %dma_wait3A_3275 : memref<1x1x1x8x128xf32, #tpu.memory_space<hbm>> -> memref<8x128xf32, #tpu.memory_space<hbm>>
        %dma_wait3A_3277 = arith.constant 24 : i32
        %dma_wait3A_3278 = arith.constant 0 : i32
        %dma_wait3A_3279 = tpu.memref_slice %arg9[%dma_wait3A_3277, %dma_wait3A_3278] : memref<32x131xf32, #tpu.memory_space<vmem>> -> memref<8x128xf32, #tpu.memory_space<vmem>>
        tpu.wait_dma2 semaphore(%arg13 : memref<!tpu.dma_semaphore, #tpu.memory_space<semaphore_mem>>) src(%dma_wait3A_3279 : memref<8x128xf32, #tpu.memory_space<vmem>>) dst(%dma_wait3A_3276 : memref<8x128xf32, #tpu.memory_space<hbm>>)
      } else {
      }
      %add3A_1695 = arith.constant 0 : i32
      %add3A_1696 = vector.broadcast %add3A_1695 : i32 to vector<16xi32>
      %add3A_1697 = arith.addi %broadcast_in_dim3A_11, %add3A_1696 : vector<16xi32>
      %get3A_1698 = arith.constant 0 : i32
      %get3A_1699 = arith.index_cast %get3A_1698 : i32 to index
      %get3A_1700 = arith.constant 0 : index
      %get3A_1701 = tpu.vector_load %arg7[%get3A_1699, %get3A_1700] {strides = array<i32>} : memref<128x32xf32, #tpu.memory_space<vmem>>, vector<16xf32>,
      tpu.vector_store_idx %arg9[%add3A_7, %add3A_1697], %get3A_1701 : memref<32x131xf32, #tpu.memory_space<vmem>>[vector<16xi32>, vector<16xi32>], vector<16xf32>,
      %get3A_1702 = arith.constant 0 : i32
      %get3A_1703 = arith.index_cast %get3A_1702 : i32 to index
      %get3A_1704 = arith.constant 16 : index
      %get3A_1705 = tpu.vector_load %arg7[%get3A_1703, %get3A_1704] {strides = array<i32>} : memref<128x32xf32, #tpu.memory_space<vmem>>, vector<16xf32>,
      tpu.vector_store_idx %arg9[%add3A_10, %add3A_1697], %get3A_1705 : memref<32x131xf32, #tpu.memory_space<vmem>>[vector<16xi32>, vector<16xi32>], vector<16xf32>,
      %add3A_1706 = arith.constant 1 : i32
      %add3A_1707 = vector.broadcast %add3A_1706 : i32 to vector<16xi32>
      %add3A_1708 = arith.addi %broadcast_in_dim3A_11, %add3A_1707 : vector<16xi32>
      %get3A_1709 = arith.constant 1 : i32
      %get3A_1710 = arith.index_cast %get3A_1709 : i32 to index
      %get3A_1711 = arith.constant 0 : index
      %get3A_1712 = tpu.vector_load %arg7[%get3A_1710, %get3A_1711] {strides = array<i32>} : memref<128x32xf32, #tpu.memory_space<vmem>>, vector<16xf32>,
      tpu.vector_store_idx %arg9[%add3A_7, %add3A_1708], %get3A_1712 : memref<32x131xf32, #tpu.memory_space<vmem>>[vector<16xi32>, vector<16xi32>], vector<16xf32>,
      %get3A_1713 = arith.constant 1 : i32
      %get3A_1714 = arith.index_cast %get3A_1713 : i32 to index
      %get3A_1715 = arith.constant 16 : index
      %get3A_1716 = tpu.vector_load %arg7[%get3A_1714, %get3A_1715] {strides = array<i32>} : memref<128x32xf32, #tpu.memory_space<vmem>>, vector<16xf32>,
      tpu.vector_store_idx %arg9[%add3A_10, %add3A_1708], %get3A_1716 : memref<32x131xf32, #tpu.memory_space<vmem>>[vector<16xi32>, vector<16xi32>], vector<16xf32>,
      %add3A_1717 = arith.constant 2 : i32
      %add3A_1718 = vector.broadcast %add3A_1717 : i32 to vector<16xi32>
      %add3A_1719 = arith.addi %broadcast_in_dim3A_11, %add3A_1718 : vector<16xi32>
      %get3A_1720 = arith.constant 2 : i32
      %get3A_1721 = arith.index_cast %get3A_1720 : i32 to index
      %get3A_1722 = arith.constant 0 : index
      %get3A_1723 = tpu.vector_load %arg7[%get3A_1721, %get3A_1722] {strides = array<i32>} : memref<128x32xf32, #tpu.memory_space<vmem>>, vector<16xf32>,
      tpu.vector_store_idx %arg9[%add3A_7, %add3A_1719], %get3A_1723 : memref<32x131xf32, #tpu.memory_space<vmem>>[vector<16xi32>, vector<16xi32>], vector<16xf32>,
      %get3A_1724 = arith.constant 2 : i32
      %get3A_1725 = arith.index_cast %get3A_1724 : i32 to index
      %get3A_1726 = arith.constant 16 : index
      %get3A_1727 = tpu.vector_load %arg7[%get3A_1725, %get3A_1726] {strides = array<i32>} : memref<128x32xf32, #tpu.memory_space<vmem>>, vector<16xf32>,
      tpu.vector_store_idx %arg9[%add3A_10, %add3A_1719], %get3A_1727 : memref<32x131xf32, #tpu.memory_space<vmem>>[vector<16xi32>, vector<16xi32>], vector<16xf32>,
      %add3A_1728 = arith.constant 3 : i32
      %add3A_1729 = vector.broadcast %add3A_1728 : i32 to vector<16xi32>
      %add3A_1730 = arith.addi %broadcast_in_dim3A_11, %add3A_1729 : vector<16xi32>
      %get3A_1731 = arith.constant 3 : i32
      %get3A_1732 = arith.index_cast %get3A_1731 : i32 to index
      %get3A_1733 = arith.constant 0 : index
      %get3A_1734 = tpu.vector_load %arg7[%get3A_1732, %get3A_1733] {strides = array<i32>} : memref<128x32xf32, #tpu.memory_space<vmem>>, vector<16xf32>,
      tpu.vector_store_idx %arg9[%add3A_7, %add3A_1730], %get3A_1734 : memref<32x131xf32, #tpu.memory_space<vmem>>[vector<16xi32>, vector<16xi32>], vector<16xf32>,
      %get3A_1735 = arith.constant 3 : i32
      %get3A_1736 = arith.index_cast %get3A_1735 : i32 to index
      %get3A_1737 = arith.constant 16 : index
      %get3A_1738 = tpu.vector_load %arg7[%get3A_1736, %get3A_1737] {strides = array<i32>} : memref<128x32xf32, #tpu.memory_space<vmem>>, vector<16xf32>,
      tpu.vector_store_idx %arg9[%add3A_10, %add3A_1730], %get3A_1738 : memref<32x131xf32, #tpu.memory_space<vmem>>[vector<16xi32>, vector<16xi32>], vector<16xf32>,
      %add3A_1739 = arith.constant 4 : i32
      %add3A_1740 = vector.broadcast %add3A_1739 : i32 to vector<16xi32>
      %add3A_1741 = arith.addi %broadcast_in_dim3A_11, %add3A_1740 : vector<16xi32>
      %get3A_1742 = arith.constant 4 : i32
      %get3A_1743 = arith.index_cast %get3A_1742 : i32 to index
      %get3A_1744 = arith.constant 0 : index
      %get3A_1745 = tpu.vector_load %arg7[%get3A_1743, %get3A_1744] {strides = array<i32>} : memref<128x32xf32, #tpu.memory_space<vmem>>, vector<16xf32>,
      tpu.vector_store_idx %arg9[%add3A_7, %add3A_1741], %get3A_1745 : memref<32x131xf32, #tpu.memory_space<vmem>>[vector<16xi32>, vector<16xi32>], vector<16xf32>,
      %get3A_1746 = arith.constant 4 : i32
      %get3A_1747 = arith.index_cast %get3A_1746 : i32 to index
      %get3A_1748 = arith.constant 16 : index
      %get3A_1749 = tpu.vector_load %arg7[%get3A_1747, %get3A_1748] {strides = array<i32>} : memref<128x32xf32, #tpu.memory_space<vmem>>, vector<16xf32>,
      tpu.vector_store_idx %arg9[%add3A_10, %add3A_1741], %get3A_1749 : memref<32x131xf32, #tpu.memory_space<vmem>>[vector<16xi32>, vector<16xi32>], vector<16xf32>,
      %add3A_1750 = arith.constant 5 : i32
      %add3A_1751 = vector.broadcast %add3A_1750 : i32 to vector<16xi32>
      %add3A_1752 = arith.addi %broadcast_in_dim3A_11, %add3A_1751 : vector<16xi32>
      %get3A_1753 = arith.constant 5 : i32
      %get3A_1754 = arith.index_cast %get3A_1753 : i32 to index
      %get3A_1755 = arith.constant 0 : index
      %get3A_1756 = tpu.vector_load %arg7[%get3A_1754, %get3A_1755] {strides = array<i32>} : memref<128x32xf32, #tpu.memory_space<vmem>>, vector<16xf32>,
      tpu.vector_store_idx %arg9[%add3A_7, %add3A_1752], %get3A_1756 : memref<32x131xf32, #tpu.memory_space<vmem>>[vector<16xi32>, vector<16xi32>], vector<16xf32>,
      %get3A_1757 = arith.constant 5 : i32
      %get3A_1758 = arith.index_cast %get3A_1757 : i32 to index
      %get3A_1759 = arith.constant 16 : index
      %get3A_1760 = tpu.vector_load %arg7[%get3A_1758, %get3A_1759] {strides = array<i32>} : memref<128x32xf32, #tpu.memory_space<vmem>>, vector<16xf32>,
      tpu.vector_store_idx %arg9[%add3A_10, %add3A_1752], %get3A_1760 : memref<32x131xf32, #tpu.memory_space<vmem>>[vector<16xi32>, vector<16xi32>], vector<16xf32>,
      %add3A_1761 = arith.constant 6 : i32
      %add3A_1762 = vector.broadcast %add3A_1761 : i32 to vector<16xi32>
      %add3A_1763 = arith.addi %broadcast_in_dim3A_11, %add3A_1762 : vector<16xi32>
      %get3A_1764 = arith.constant 6 : i32
      %get3A_1765 = arith.index_cast %get3A_1764 : i32 to index
      %get3A_1766 = arith.constant 0 : index
      %get3A_1767 = tpu.vector_load %arg7[%get3A_1765, %get3A_1766] {strides = array<i32>} : memref<128x32xf32, #tpu.memory_space<vmem>>, vector<16xf32>,
      tpu.vector_store_idx %arg9[%add3A_7, %add3A_1763], %get3A_1767 : memref<32x131xf32, #tpu.memory_space<vmem>>[vector<16xi32>, vector<16xi32>], vector<16xf32>,
      %get3A_1768 = arith.constant 6 : i32
      %get3A_1769 = arith.index_cast %get3A_1768 : i32 to index
      %get3A_1770 = arith.constant 16 : index
      %get3A_1771 = tpu.vector_load %arg7[%get3A_1769, %get3A_1770] {strides = array<i32>} : memref<128x32xf32, #tpu.memory_space<vmem>>, vector<16xf32>,
      tpu.vector_store_idx %arg9[%add3A_10, %add3A_1763], %get3A_1771 : memref<32x131xf32, #tpu.memory_space<vmem>>[vector<16xi32>, vector<16xi32>], vector<16xf32>,
      %add3A_1772 = arith.constant 7 : i32
      %add3A_1773 = vector.broadcast %add3A_1772 : i32 to vector<16xi32>
      %add3A_1774 = arith.addi %broadcast_in_dim3A_11, %add3A_1773 : vector<16xi32>
      %get3A_1775 = arith.constant 7 : i32
      %get3A_1776 = arith.index_cast %get3A_1775 : i32 to index
      %get3A_1777 = arith.constant 0 : index
      %get3A_1778 = tpu.vector_load %arg7[%get3A_1776, %get3A_1777] {strides = array<i32>} : memref<128x32xf32, #tpu.memory_space<vmem>>, vector<16xf32>,
      tpu.vector_store_idx %arg9[%add3A_7, %add3A_1774], %get3A_1778 : memref<32x131xf32, #tpu.memory_space<vmem>>[vector<16xi32>, vector<16xi32>], vector<16xf32>,
      %get3A_1779 = arith.constant 7 : i32
      %get3A_1780 = arith.index_cast %get3A_1779 : i32 to index
      %get3A_1781 = arith.constant 16 : index
      %get3A_1782 = tpu.vector_load %arg7[%get3A_1780, %get3A_1781] {strides = array<i32>} : memref<128x32xf32, #tpu.memory_space<vmem>>, vector<16xf32>,
      tpu.vector_store_idx %arg9[%add3A_10, %add3A_1774], %get3A_1782 : memref<32x131xf32, #tpu.memory_space<vmem>>[vector<16xi32>, vector<16xi32>], vector<16xf32>,
      %add3A_1783 = arith.constant 8 : i32
      %add3A_1784 = vector.broadcast %add3A_1783 : i32 to vector<16xi32>
      %add3A_1785 = arith.addi %broadcast_in_dim3A_11, %add3A_1784 : vector<16xi32>
      %get3A_1786 = arith.constant 8 : i32
      %get3A_1787 = arith.index_cast %get3A_1786 : i32 to index
      %get3A_1788 = arith.constant 0 : index
      %get3A_1789 = tpu.vector_load %arg7[%get3A_1787, %get3A_1788] {strides = array<i32>} : memref<128x32xf32, #tpu.memory_space<vmem>>, vector<16xf32>,
      tpu.vector_store_idx %arg9[%add3A_7, %add3A_1785], %get3A_1789 : memref<32x131xf32, #tpu.memory_space<vmem>>[vector<16xi32>, vector<16xi32>], vector<16xf32>,
      %get3A_1790 = arith.constant 8 : i32
      %get3A_1791 = arith.index_cast %get3A_1790 : i32 to index
      %get3A_1792 = arith.constant 16 : index
      %get3A_1793 = tpu.vector_load %arg7[%get3A_1791, %get3A_1792] {strides = array<i32>} : memref<128x32xf32, #tpu.memory_space<vmem>>, vector<16xf32>,
      tpu.vector_store_idx %arg9[%add3A_10, %add3A_1785], %get3A_1793 : memref<32x131xf32, #tpu.memory_space<vmem>>[vector<16xi32>, vector<16xi32>], vector<16xf32>,
      %add3A_1794 = arith.constant 9 : i32
      %add3A_1795 = vector.broadcast %add3A_1794 : i32 to vector<16xi32>
      %add3A_1796 = arith.addi %broadcast_in_dim3A_11, %add3A_1795 : vector<16xi32>
      %get3A_1797 = arith.constant 9 : i32
      %get3A_1798 = arith.index_cast %get3A_1797 : i32 to index
      %get3A_1799 = arith.constant 0 : index
      %get3A_1800 = tpu.vector_load %arg7[%get3A_1798, %get3A_1799] {strides = array<i32>} : memref<128x32xf32, #tpu.memory_space<vmem>>, vector<16xf32>,
      tpu.vector_store_idx %arg9[%add3A_7, %add3A_1796], %get3A_1800 : memref<32x131xf32, #tpu.memory_space<vmem>>[vector<16xi32>, vector<16xi32>], vector<16xf32>,
      %get3A_1801 = arith.constant 9 : i32
      %get3A_1802 = arith.index_cast %get3A_1801 : i32 to index
      %get3A_1803 = arith.constant 16 : index
      %get3A_1804 = tpu.vector_load %arg7[%get3A_1802, %get3A_1803] {strides = array<i32>} : memref<128x32xf32, #tpu.memory_space<vmem>>, vector<16xf32>,
      tpu.vector_store_idx %arg9[%add3A_10, %add3A_1796], %get3A_1804 : memref<32x131xf32, #tpu.memory_space<vmem>>[vector<16xi32>, vector<16xi32>], vector<16xf32>,
      %add3A_1805 = arith.constant 10 : i32
      %add3A_1806 = vector.broadcast %add3A_1805 : i32 to vector<16xi32>
      %add3A_1807 = arith.addi %broadcast_in_dim3A_11, %add3A_1806 : vector<16xi32>
      %get3A_1808 = arith.constant 10 : i32
      %get3A_1809 = arith.index_cast %get3A_1808 : i32 to index
      %get3A_1810 = arith.constant 0 : index
      %get3A_1811 = tpu.vector_load %arg7[%get3A_1809, %get3A_1810] {strides = array<i32>} : memref<128x32xf32, #tpu.memory_space<vmem>>, vector<16xf32>,
      tpu.vector_store_idx %arg9[%add3A_7, %add3A_1807], %get3A_1811 : memref<32x131xf32, #tpu.memory_space<vmem>>[vector<16xi32>, vector<16xi32>], vector<16xf32>,
      %get3A_1812 = arith.constant 10 : i32
      %get3A_1813 = arith.index_cast %get3A_1812 : i32 to index
      %get3A_1814 = arith.constant 16 : index
      %get3A_1815 = tpu.vector_load %arg7[%get3A_1813, %get3A_1814] {strides = array<i32>} : memref<128x32xf32, #tpu.memory_space<vmem>>, vector<16xf32>,
      tpu.vector_store_idx %arg9[%add3A_10, %add3A_1807], %get3A_1815 : memref<32x131xf32, #tpu.memory_space<vmem>>[vector<16xi32>, vector<16xi32>], vector<16xf32>,
      %add3A_1816 = arith.constant 11 : i32
      %add3A_1817 = vector.broadcast %add3A_1816 : i32 to vector<16xi32>
      %add3A_1818 = arith.addi %broadcast_in_dim3A_11, %add3A_1817 : vector<16xi32>
      %get3A_1819 = arith.constant 11 : i32
      %get3A_1820 = arith.index_cast %get3A_1819 : i32 to index
      %get3A_1821 = arith.constant 0 : index
      %get3A_1822 = tpu.vector_load %arg7[%get3A_1820, %get3A_1821] {strides = array<i32>} : memref<128x32xf32, #tpu.memory_space<vmem>>, vector<16xf32>,
      tpu.vector_store_idx %arg9[%add3A_7, %add3A_1818], %get3A_1822 : memref<32x131xf32, #tpu.memory_space<vmem>>[vector<16xi32>, vector<16xi32>], vector<16xf32>,
      %get3A_1823 = arith.constant 11 : i32
      %get3A_1824 = arith.index_cast %get3A_1823 : i32 to index
      %get3A_1825 = arith.constant 16 : index
      %get3A_1826 = tpu.vector_load %arg7[%get3A_1824, %get3A_1825] {strides = array<i32>} : memref<128x32xf32, #tpu.memory_space<vmem>>, vector<16xf32>,
      tpu.vector_store_idx %arg9[%add3A_10, %add3A_1818], %get3A_1826 : memref<32x131xf32, #tpu.memory_space<vmem>>[vector<16xi32>, vector<16xi32>], vector<16xf32>,
      %add3A_1827 = arith.constant 12 : i32
      %add3A_1828 = vector.broadcast %add3A_1827 : i32 to vector<16xi32>
      %add3A_1829 = arith.addi %broadcast_in_dim3A_11, %add3A_1828 : vector<16xi32>
      %get3A_1830 = arith.constant 12 : i32
      %get3A_1831 = arith.index_cast %get3A_1830 : i32 to index
      %get3A_1832 = arith.constant 0 : index
      %get3A_1833 = tpu.vector_load %arg7[%get3A_1831, %get3A_1832] {strides = array<i32>} : memref<128x32xf32, #tpu.memory_space<vmem>>, vector<16xf32>,
      tpu.vector_store_idx %arg9[%add3A_7, %add3A_1829], %get3A_1833 : memref<32x131xf32, #tpu.memory_space<vmem>>[vector<16xi32>, vector<16xi32>], vector<16xf32>,
      %get3A_1834 = arith.constant 12 : i32
      %get3A_1835 = arith.index_cast %get3A_1834 : i32 to index
      %get3A_1836 = arith.constant 16 : index
      %get3A_1837 = tpu.vector_load %arg7[%get3A_1835, %get3A_1836] {strides = array<i32>} : memref<128x32xf32, #tpu.memory_space<vmem>>, vector<16xf32>,
      tpu.vector_store_idx %arg9[%add3A_10, %add3A_1829], %get3A_1837 : memref<32x131xf32, #tpu.memory_space<vmem>>[vector<16xi32>, vector<16xi32>], vector<16xf32>,
      %add3A_1838 = arith.constant 13 : i32
      %add3A_1839 = vector.broadcast %add3A_1838 : i32 to vector<16xi32>
      %add3A_1840 = arith.addi %broadcast_in_dim3A_11, %add3A_1839 : vector<16xi32>
      %get3A_1841 = arith.constant 13 : i32
      %get3A_1842 = arith.index_cast %get3A_1841 : i32 to index
      %get3A_1843 = arith.constant 0 : index
      %get3A_1844 = tpu.vector_load %arg7[%get3A_1842, %get3A_1843] {strides = array<i32>} : memref<128x32xf32, #tpu.memory_space<vmem>>, vector<16xf32>,
      tpu.vector_store_idx %arg9[%add3A_7, %add3A_1840], %get3A_1844 : memref<32x131xf32, #tpu.memory_space<vmem>>[vector<16xi32>, vector<16xi32>], vector<16xf32>,
      %get3A_1845 = arith.constant 13 : i32
      %get3A_1846 = arith.index_cast %get3A_1845 : i32 to index
      %get3A_1847 = arith.constant 16 : index
      %get3A_1848 = tpu.vector_load %arg7[%get3A_1846, %get3A_1847] {strides = array<i32>} : memref<128x32xf32, #tpu.memory_space<vmem>>, vector<16xf32>,
      tpu.vector_store_idx %arg9[%add3A_10, %add3A_1840], %get3A_1848 : memref<32x131xf32, #tpu.memory_space<vmem>>[vector<16xi32>, vector<16xi32>], vector<16xf32>,
      %add3A_1849 = arith.constant 14 : i32
      %add3A_1850 = vector.broadcast %add3A_1849 : i32 to vector<16xi32>
      %add3A_1851 = arith.addi %broadcast_in_dim3A_11, %add3A_1850 : vector<16xi32>
      %get3A_1852 = arith.constant 14 : i32
      %get3A_1853 = arith.index_cast %get3A_1852 : i32 to index
      %get3A_1854 = arith.constant 0 : index
      %get3A_1855 = tpu.vector_load %arg7[%get3A_1853, %get3A_1854] {strides = array<i32>} : memref<128x32xf32, #tpu.memory_space<vmem>>, vector<16xf32>,
      tpu.vector_store_idx %arg9[%add3A_7, %add3A_1851], %get3A_1855 : memref<32x131xf32, #tpu.memory_space<vmem>>[vector<16xi32>, vector<16xi32>], vector<16xf32>,
      %get3A_1856 = arith.constant 14 : i32
      %get3A_1857 = arith.index_cast %get3A_1856 : i32 to index
      %get3A_1858 = arith.constant 16 : index
      %get3A_1859 = tpu.vector_load %arg7[%get3A_1857, %get3A_1858] {strides = array<i32>} : memref<128x32xf32, #tpu.memory_space<vmem>>, vector<16xf32>,
      tpu.vector_store_idx %arg9[%add3A_10, %add3A_1851], %get3A_1859 : memref<32x131xf32, #tpu.memory_space<vmem>>[vector<16xi32>, vector<16xi32>], vector<16xf32>,
      %add3A_1860 = arith.constant 15 : i32
      %add3A_1861 = vector.broadcast %add3A_1860 : i32 to vector<16xi32>
      %add3A_1862 = arith.addi %broadcast_in_dim3A_11, %add3A_1861 : vector<16xi32>
      %get3A_1863 = arith.constant 15 : i32
      %get3A_1864 = arith.index_cast %get3A_1863 : i32 to index
      %get3A_1865 = arith.constant 0 : index
      %get3A_1866 = tpu.vector_load %arg7[%get3A_1864, %get3A_1865] {strides = array<i32>} : memref<128x32xf32, #tpu.memory_space<vmem>>, vector<16xf32>,
      tpu.vector_store_idx %arg9[%add3A_7, %add3A_1862], %get3A_1866 : memref<32x131xf32, #tpu.memory_space<vmem>>[vector<16xi32>, vector<16xi32>], vector<16xf32>,
      %get3A_1867 = arith.constant 15 : i32
      %get3A_1868 = arith.index_cast %get3A_1867 : i32 to index
      %get3A_1869 = arith.constant 16 : index
      %get3A_1870 = tpu.vector_load %arg7[%get3A_1868, %get3A_1869] {strides = array<i32>} : memref<128x32xf32, #tpu.memory_space<vmem>>, vector<16xf32>,
      tpu.vector_store_idx %arg9[%add3A_10, %add3A_1862], %get3A_1870 : memref<32x131xf32, #tpu.memory_space<vmem>>[vector<16xi32>, vector<16xi32>], vector<16xf32>,
      %add3A_1871 = arith.constant 16 : i32
      %add3A_1872 = vector.broadcast %add3A_1871 : i32 to vector<16xi32>
      %add3A_1873 = arith.addi %broadcast_in_dim3A_11, %add3A_1872 : vector<16xi32>
      %get3A_1874 = arith.constant 16 : i32
      %get3A_1875 = arith.index_cast %get3A_1874 : i32 to index
      %get3A_1876 = arith.constant 0 : index
      %get3A_1877 = tpu.vector_load %arg7[%get3A_1875, %get3A_1876] {strides = array<i32>} : memref<128x32xf32, #tpu.memory_space<vmem>>, vector<16xf32>,
      tpu.vector_store_idx %arg9[%add3A_7, %add3A_1873], %get3A_1877 : memref<32x131xf32, #tpu.memory_space<vmem>>[vector<16xi32>, vector<16xi32>], vector<16xf32>,
      %get3A_1878 = arith.constant 16 : i32
      %get3A_1879 = arith.index_cast %get3A_1878 : i32 to index
      %get3A_1880 = arith.constant 16 : index
      %get3A_1881 = tpu.vector_load %arg7[%get3A_1879, %get3A_1880] {strides = array<i32>} : memref<128x32xf32, #tpu.memory_space<vmem>>, vector<16xf32>,
      tpu.vector_store_idx %arg9[%add3A_10, %add3A_1873], %get3A_1881 : memref<32x131xf32, #tpu.memory_space<vmem>>[vector<16xi32>, vector<16xi32>], vector<16xf32>,
      %add3A_1882 = arith.constant 17 : i32
      %add3A_1883 = vector.broadcast %add3A_1882 : i32 to vector<16xi32>
      %add3A_1884 = arith.addi %broadcast_in_dim3A_11, %add3A_1883 : vector<16xi32>
      %get3A_1885 = arith.constant 17 : i32
      %get3A_1886 = arith.index_cast %get3A_1885 : i32 to index
      %get3A_1887 = arith.constant 0 : index
      %get3A_1888 = tpu.vector_load %arg7[%get3A_1886, %get3A_1887] {strides = array<i32>} : memref<128x32xf32, #tpu.memory_space<vmem>>, vector<16xf32>,
      tpu.vector_store_idx %arg9[%add3A_7, %add3A_1884], %get3A_1888 : memref<32x131xf32, #tpu.memory_space<vmem>>[vector<16xi32>, vector<16xi32>], vector<16xf32>,
      %get3A_1889 = arith.constant 17 : i32
      %get3A_1890 = arith.index_cast %get3A_1889 : i32 to index
      %get3A_1891 = arith.constant 16 : index
      %get3A_1892 = tpu.vector_load %arg7[%get3A_1890, %get3A_1891] {strides = array<i32>} : memref<128x32xf32, #tpu.memory_space<vmem>>, vector<16xf32>,
      tpu.vector_store_idx %arg9[%add3A_10, %add3A_1884], %get3A_1892 : memref<32x131xf32, #tpu.memory_space<vmem>>[vector<16xi32>, vector<16xi32>], vector<16xf32>,
      %add3A_1893 = arith.constant 18 : i32
      %add3A_1894 = vector.broadcast %add3A_1893 : i32 to vector<16xi32>
      %add3A_1895 = arith.addi %broadcast_in_dim3A_11, %add3A_1894 : vector<16xi32>
      %get3A_1896 = arith.constant 18 : i32
      %get3A_1897 = arith.index_cast %get3A_1896 : i32 to index
      %get3A_1898 = arith.constant 0 : index
      %get3A_1899 = tpu.vector_load %arg7[%get3A_1897, %get3A_1898] {strides = array<i32>} : memref<128x32xf32, #tpu.memory_space<vmem>>, vector<16xf32>,
      tpu.vector_store_idx %arg9[%add3A_7, %add3A_1895], %get3A_1899 : memref<32x131xf32, #tpu.memory_space<vmem>>[vector<16xi32>, vector<16xi32>], vector<16xf32>,
      %get3A_1900 = arith.constant 18 : i32
      %get3A_1901 = arith.index_cast %get3A_1900 : i32 to index
      %get3A_1902 = arith.constant 16 : index
      %get3A_1903 = tpu.vector_load %arg7[%get3A_1901, %get3A_1902] {strides = array<i32>} : memref<128x32xf32, #tpu.memory_space<vmem>>, vector<16xf32>,
      tpu.vector_store_idx %arg9[%add3A_10, %add3A_1895], %get3A_1903 : memref<32x131xf32, #tpu.memory_space<vmem>>[vector<16xi32>, vector<16xi32>], vector<16xf32>,
      %add3A_1904 = arith.constant 19 : i32
      %add3A_1905 = vector.broadcast %add3A_1904 : i32 to vector<16xi32>
      %add3A_1906 = arith.addi %broadcast_in_dim3A_11, %add3A_1905 : vector<16xi32>
      %get3A_1907 = arith.constant 19 : i32
      %get3A_1908 = arith.index_cast %get3A_1907 : i32 to index
      %get3A_1909 = arith.constant 0 : index
      %get3A_1910 = tpu.vector_load %arg7[%get3A_1908, %get3A_1909] {strides = array<i32>} : memref<128x32xf32, #tpu.memory_space<vmem>>, vector<16xf32>,
      tpu.vector_store_idx %arg9[%add3A_7, %add3A_1906], %get3A_1910 : memref<32x131xf32, #tpu.memory_space<vmem>>[vector<16xi32>, vector<16xi32>], vector<16xf32>,
      %get3A_1911 = arith.constant 19 : i32
      %get3A_1912 = arith.index_cast %get3A_1911 : i32 to index
      %get3A_1913 = arith.constant 16 : index
      %get3A_1914 = tpu.vector_load %arg7[%get3A_1912, %get3A_1913] {strides = array<i32>} : memref<128x32xf32, #tpu.memory_space<vmem>>, vector<16xf32>,
      tpu.vector_store_idx %arg9[%add3A_10, %add3A_1906], %get3A_1914 : memref<32x131xf32, #tpu.memory_space<vmem>>[vector<16xi32>, vector<16xi32>], vector<16xf32>,
      %add3A_1915 = arith.constant 20 : i32
      %add3A_1916 = vector.broadcast %add3A_1915 : i32 to vector<16xi32>
      %add3A_1917 = arith.addi %broadcast_in_dim3A_11, %add3A_1916 : vector<16xi32>
      %get3A_1918 = arith.constant 20 : i32
      %get3A_1919 = arith.index_cast %get3A_1918 : i32 to index
      %get3A_1920 = arith.constant 0 : index
      %get3A_1921 = tpu.vector_load %arg7[%get3A_1919, %get3A_1920] {strides = array<i32>} : memref<128x32xf32, #tpu.memory_space<vmem>>, vector<16xf32>,
      tpu.vector_store_idx %arg9[%add3A_7, %add3A_1917], %get3A_1921 : memref<32x131xf32, #tpu.memory_space<vmem>>[vector<16xi32>, vector<16xi32>], vector<16xf32>,
      %get3A_1922 = arith.constant 20 : i32
      %get3A_1923 = arith.index_cast %get3A_1922 : i32 to index
      %get3A_1924 = arith.constant 16 : index
      %get3A_1925 = tpu.vector_load %arg7[%get3A_1923, %get3A_1924] {strides = array<i32>} : memref<128x32xf32, #tpu.memory_space<vmem>>, vector<16xf32>,
      tpu.vector_store_idx %arg9[%add3A_10, %add3A_1917], %get3A_1925 : memref<32x131xf32, #tpu.memory_space<vmem>>[vector<16xi32>, vector<16xi32>], vector<16xf32>,
      %add3A_1926 = arith.constant 21 : i32
      %add3A_1927 = vector.broadcast %add3A_1926 : i32 to vector<16xi32>
      %add3A_1928 = arith.addi %broadcast_in_dim3A_11, %add3A_1927 : vector<16xi32>
      %get3A_1929 = arith.constant 21 : i32
      %get3A_1930 = arith.index_cast %get3A_1929 : i32 to index
      %get3A_1931 = arith.constant 0 : index
      %get3A_1932 = tpu.vector_load %arg7[%get3A_1930, %get3A_1931] {strides = array<i32>} : memref<128x32xf32, #tpu.memory_space<vmem>>, vector<16xf32>,
      tpu.vector_store_idx %arg9[%add3A_7, %add3A_1928], %get3A_1932 : memref<32x131xf32, #tpu.memory_space<vmem>>[vector<16xi32>, vector<16xi32>], vector<16xf32>,
      %get3A_1933 = arith.constant 21 : i32
      %get3A_1934 = arith.index_cast %get3A_1933 : i32 to index
      %get3A_1935 = arith.constant 16 : index
      %get3A_1936 = tpu.vector_load %arg7[%get3A_1934, %get3A_1935] {strides = array<i32>} : memref<128x32xf32, #tpu.memory_space<vmem>>, vector<16xf32>,
      tpu.vector_store_idx %arg9[%add3A_10, %add3A_1928], %get3A_1936 : memref<32x131xf32, #tpu.memory_space<vmem>>[vector<16xi32>, vector<16xi32>], vector<16xf32>,
      %add3A_1937 = arith.constant 22 : i32
      %add3A_1938 = vector.broadcast %add3A_1937 : i32 to vector<16xi32>
      %add3A_1939 = arith.addi %broadcast_in_dim3A_11, %add3A_1938 : vector<16xi32>
      %get3A_1940 = arith.constant 22 : i32
      %get3A_1941 = arith.index_cast %get3A_1940 : i32 to index
      %get3A_1942 = arith.constant 0 : index
      %get3A_1943 = tpu.vector_load %arg7[%get3A_1941, %get3A_1942] {strides = array<i32>} : memref<128x32xf32, #tpu.memory_space<vmem>>, vector<16xf32>,
      tpu.vector_store_idx %arg9[%add3A_7, %add3A_1939], %get3A_1943 : memref<32x131xf32, #tpu.memory_space<vmem>>[vector<16xi32>, vector<16xi32>], vector<16xf32>,
      %get3A_1944 = arith.constant 22 : i32
      %get3A_1945 = arith.index_cast %get3A_1944 : i32 to index
      %get3A_1946 = arith.constant 16 : index
      %get3A_1947 = tpu.vector_load %arg7[%get3A_1945, %get3A_1946] {strides = array<i32>} : memref<128x32xf32, #tpu.memory_space<vmem>>, vector<16xf32>,
      tpu.vector_store_idx %arg9[%add3A_10, %add3A_1939], %get3A_1947 : memref<32x131xf32, #tpu.memory_space<vmem>>[vector<16xi32>, vector<16xi32>], vector<16xf32>,
      %add3A_1948 = arith.constant 23 : i32
      %add3A_1949 = vector.broadcast %add3A_1948 : i32 to vector<16xi32>
      %add3A_1950 = arith.addi %broadcast_in_dim3A_11, %add3A_1949 : vector<16xi32>
      %get3A_1951 = arith.constant 23 : i32
      %get3A_1952 = arith.index_cast %get3A_1951 : i32 to index
      %get3A_1953 = arith.constant 0 : index
      %get3A_1954 = tpu.vector_load %arg7[%get3A_1952, %get3A_1953] {strides = array<i32>} : memref<128x32xf32, #tpu.memory_space<vmem>>, vector<16xf32>,
      tpu.vector_store_idx %arg9[%add3A_7, %add3A_1950], %get3A_1954 : memref<32x131xf32, #tpu.memory_space<vmem>>[vector<16xi32>, vector<16xi32>], vector<16xf32>,
      %get3A_1955 = arith.constant 23 : i32
      %get3A_1956 = arith.index_cast %get3A_1955 : i32 to index
      %get3A_1957 = arith.constant 16 : index
      %get3A_1958 = tpu.vector_load %arg7[%get3A_1956, %get3A_1957] {strides = array<i32>} : memref<128x32xf32, #tpu.memory_space<vmem>>, vector<16xf32>,
      tpu.vector_store_idx %arg9[%add3A_10, %add3A_1950], %get3A_1958 : memref<32x131xf32, #tpu.memory_space<vmem>>[vector<16xi32>, vector<16xi32>], vector<16xf32>,
      %add3A_1959 = arith.constant 24 : i32
      %add3A_1960 = vector.broadcast %add3A_1959 : i32 to vector<16xi32>
      %add3A_1961 = arith.addi %broadcast_in_dim3A_11, %add3A_1960 : vector<16xi32>
      %get3A_1962 = arith.constant 24 : i32
      %get3A_1963 = arith.index_cast %get3A_1962 : i32 to index
      %get3A_1964 = arith.constant 0 : index
      %get3A_1965 = tpu.vector_load %arg7[%get3A_1963, %get3A_1964] {strides = array<i32>} : memref<128x32xf32, #tpu.memory_space<vmem>>, vector<16xf32>,
      tpu.vector_store_idx %arg9[%add3A_7, %add3A_1961], %get3A_1965 : memref<32x131xf32, #tpu.memory_space<vmem>>[vector<16xi32>, vector<16xi32>], vector<16xf32>,
      %get3A_1966 = arith.constant 24 : i32
      %get3A_1967 = arith.index_cast %get3A_1966 : i32 to index
      %get3A_1968 = arith.constant 16 : index
      %get3A_1969 = tpu.vector_load %arg7[%get3A_1967, %get3A_1968] {strides = array<i32>} : memref<128x32xf32, #tpu.memory_space<vmem>>, vector<16xf32>,
      tpu.vector_store_idx %arg9[%add3A_10, %add3A_1961], %get3A_1969 : memref<32x131xf32, #tpu.memory_space<vmem>>[vector<16xi32>, vector<16xi32>], vector<16xf32>,
      %add3A_1970 = arith.constant 25 : i32
      %add3A_1971 = vector.broadcast %add3A_1970 : i32 to vector<16xi32>
      %add3A_1972 = arith.addi %broadcast_in_dim3A_11, %add3A_1971 : vector<16xi32>
      %get3A_1973 = arith.constant 25 : i32
      %get3A_1974 = arith.index_cast %get3A_1973 : i32 to index
      %get3A_1975 = arith.constant 0 : index
      %get3A_1976 = tpu.vector_load %arg7[%get3A_1974, %get3A_1975] {strides = array<i32>} : memref<128x32xf32, #tpu.memory_space<vmem>>, vector<16xf32>,
      tpu.vector_store_idx %arg9[%add3A_7, %add3A_1972], %get3A_1976 : memref<32x131xf32, #tpu.memory_space<vmem>>[vector<16xi32>, vector<16xi32>], vector<16xf32>,
      %get3A_1977 = arith.constant 25 : i32
      %get3A_1978 = arith.index_cast %get3A_1977 : i32 to index
      %get3A_1979 = arith.constant 16 : index
      %get3A_1980 = tpu.vector_load %arg7[%get3A_1978, %get3A_1979] {strides = array<i32>} : memref<128x32xf32, #tpu.memory_space<vmem>>, vector<16xf32>,
      tpu.vector_store_idx %arg9[%add3A_10, %add3A_1972], %get3A_1980 : memref<32x131xf32, #tpu.memory_space<vmem>>[vector<16xi32>, vector<16xi32>], vector<16xf32>,
      %add3A_1981 = arith.constant 26 : i32
      %add3A_1982 = vector.broadcast %add3A_1981 : i32 to vector<16xi32>
      %add3A_1983 = arith.addi %broadcast_in_dim3A_11, %add3A_1982 : vector<16xi32>
      %get3A_1984 = arith.constant 26 : i32
      %get3A_1985 = arith.index_cast %get3A_1984 : i32 to index
      %get3A_1986 = arith.constant 0 : index
      %get3A_1987 = tpu.vector_load %arg7[%get3A_1985, %get3A_1986] {strides = array<i32>} : memref<128x32xf32, #tpu.memory_space<vmem>>, vector<16xf32>,
      tpu.vector_store_idx %arg9[%add3A_7, %add3A_1983], %get3A_1987 : memref<32x131xf32, #tpu.memory_space<vmem>>[vector<16xi32>, vector<16xi32>], vector<16xf32>,
      %get3A_1988 = arith.constant 26 : i32
      %get3A_1989 = arith.index_cast %get3A_1988 : i32 to index
      %get3A_1990 = arith.constant 16 : index
      %get3A_1991 = tpu.vector_load %arg7[%get3A_1989, %get3A_1990] {strides = array<i32>} : memref<128x32xf32, #tpu.memory_space<vmem>>, vector<16xf32>,
      tpu.vector_store_idx %arg9[%add3A_10, %add3A_1983], %get3A_1991 : memref<32x131xf32, #tpu.memory_space<vmem>>[vector<16xi32>, vector<16xi32>], vector<16xf32>,
      %add3A_1992 = arith.constant 27 : i32
      %add3A_1993 = vector.broadcast %add3A_1992 : i32 to vector<16xi32>
      %add3A_1994 = arith.addi %broadcast_in_dim3A_11, %add3A_1993 : vector<16xi32>
      %get3A_1995 = arith.constant 27 : i32
      %get3A_1996 = arith.index_cast %get3A_1995 : i32 to index
      %get3A_1997 = arith.constant 0 : index
      %get3A_1998 = tpu.vector_load %arg7[%get3A_1996, %get3A_1997] {strides = array<i32>} : memref<128x32xf32, #tpu.memory_space<vmem>>, vector<16xf32>,
      tpu.vector_store_idx %arg9[%add3A_7, %add3A_1994], %get3A_1998 : memref<32x131xf32, #tpu.memory_space<vmem>>[vector<16xi32>, vector<16xi32>], vector<16xf32>,
      %get3A_1999 = arith.constant 27 : i32
      %get3A_2000 = arith.index_cast %get3A_1999 : i32 to index
      %get3A_2001 = arith.constant 16 : index
      %get3A_2002 = tpu.vector_load %arg7[%get3A_2000, %get3A_2001] {strides = array<i32>} : memref<128x32xf32, #tpu.memory_space<vmem>>, vector<16xf32>,
      tpu.vector_store_idx %arg9[%add3A_10, %add3A_1994], %get3A_2002 : memref<32x131xf32, #tpu.memory_space<vmem>>[vector<16xi32>, vector<16xi32>], vector<16xf32>,
      %add3A_2003 = arith.constant 28 : i32
      %add3A_2004 = vector.broadcast %add3A_2003 : i32 to vector<16xi32>
      %add3A_2005 = arith.addi %broadcast_in_dim3A_11, %add3A_2004 : vector<16xi32>
      %get3A_2006 = arith.constant 28 : i32
      %get3A_2007 = arith.index_cast %get3A_2006 : i32 to index
      %get3A_2008 = arith.constant 0 : index
      %get3A_2009 = tpu.vector_load %arg7[%get3A_2007, %get3A_2008] {strides = array<i32>} : memref<128x32xf32, #tpu.memory_space<vmem>>, vector<16xf32>,
      tpu.vector_store_idx %arg9[%add3A_7, %add3A_2005], %get3A_2009 : memref<32x131xf32, #tpu.memory_space<vmem>>[vector<16xi32>, vector<16xi32>], vector<16xf32>,
      %get3A_2010 = arith.constant 28 : i32
      %get3A_2011 = arith.index_cast %get3A_2010 : i32 to index
      %get3A_2012 = arith.constant 16 : index
      %get3A_2013 = tpu.vector_load %arg7[%get3A_2011, %get3A_2012] {strides = array<i32>} : memref<128x32xf32, #tpu.memory_space<vmem>>, vector<16xf32>,
      tpu.vector_store_idx %arg9[%add3A_10, %add3A_2005], %get3A_2013 : memref<32x131xf32, #tpu.memory_space<vmem>>[vector<16xi32>, vector<16xi32>], vector<16xf32>,
      %add3A_2014 = arith.constant 29 : i32
      %add3A_2015 = vector.broadcast %add3A_2014 : i32 to vector<16xi32>
      %add3A_2016 = arith.addi %broadcast_in_dim3A_11, %add3A_2015 : vector<16xi32>
      %get3A_2017 = arith.constant 29 : i32
      %get3A_2018 = arith.index_cast %get3A_2017 : i32 to index
      %get3A_2019 = arith.constant 0 : index
      %get3A_2020 = tpu.vector_load %arg7[%get3A_2018, %get3A_2019] {strides = array<i32>} : memref<128x32xf32, #tpu.memory_space<vmem>>, vector<16xf32>,
      tpu.vector_store_idx %arg9[%add3A_7, %add3A_2016], %get3A_2020 : memref<32x131xf32, #tpu.memory_space<vmem>>[vector<16xi32>, vector<16xi32>], vector<16xf32>,
      %get3A_2021 = arith.constant 29 : i32
      %get3A_2022 = arith.index_cast %get3A_2021 : i32 to index
      %get3A_2023 = arith.constant 16 : index
      %get3A_2024 = tpu.vector_load %arg7[%get3A_2022, %get3A_2023] {strides = array<i32>} : memref<128x32xf32, #tpu.memory_space<vmem>>, vector<16xf32>,
      tpu.vector_store_idx %arg9[%add3A_10, %add3A_2016], %get3A_2024 : memref<32x131xf32, #tpu.memory_space<vmem>>[vector<16xi32>, vector<16xi32>], vector<16xf32>,
      %add3A_2025 = arith.constant 30 : i32
      %add3A_2026 = vector.broadcast %add3A_2025 : i32 to vector<16xi32>
      %add3A_2027 = arith.addi %broadcast_in_dim3A_11, %add3A_2026 : vector<16xi32>
      %get3A_2028 = arith.constant 30 : i32
      %get3A_2029 = arith.index_cast %get3A_2028 : i32 to index
      %get3A_2030 = arith.constant 0 : index
      %get3A_2031 = tpu.vector_load %arg7[%get3A_2029, %get3A_2030] {strides = array<i32>} : memref<128x32xf32, #tpu.memory_space<vmem>>, vector<16xf32>,
      tpu.vector_store_idx %arg9[%add3A_7, %add3A_2027], %get3A_2031 : memref<32x131xf32, #tpu.memory_space<vmem>>[vector<16xi32>, vector<16xi32>], vector<16xf32>,
      %get3A_2032 = arith.constant 30 : i32
      %get3A_2033 = arith.index_cast %get3A_2032 : i32 to index
      %get3A_2034 = arith.constant 16 : index
      %get3A_2035 = tpu.vector_load %arg7[%get3A_2033, %get3A_2034] {strides = array<i32>} : memref<128x32xf32, #tpu.memory_space<vmem>>, vector<16xf32>,
      tpu.vector_store_idx %arg9[%add3A_10, %add3A_2027], %get3A_2035 : memref<32x131xf32, #tpu.memory_space<vmem>>[vector<16xi32>, vector<16xi32>], vector<16xf32>,
      %add3A_2036 = arith.constant 31 : i32
      %add3A_2037 = vector.broadcast %add3A_2036 : i32 to vector<16xi32>
      %add3A_2038 = arith.addi %broadcast_in_dim3A_11, %add3A_2037 : vector<16xi32>
      %get3A_2039 = arith.constant 31 : i32
      %get3A_2040 = arith.index_cast %get3A_2039 : i32 to index
      %get3A_2041 = arith.constant 0 : index
      %get3A_2042 = tpu.vector_load %arg7[%get3A_2040, %get3A_2041] {strides = array<i32>} : memref<128x32xf32, #tpu.memory_space<vmem>>, vector<16xf32>,
      tpu.vector_store_idx %arg9[%add3A_7, %add3A_2038], %get3A_2042 : memref<32x131xf32, #tpu.memory_space<vmem>>[vector<16xi32>, vector<16xi32>], vector<16xf32>,
      %get3A_2043 = arith.constant 31 : i32
      %get3A_2044 = arith.index_cast %get3A_2043 : i32 to index
      %get3A_2045 = arith.constant 16 : index
      %get3A_2046 = tpu.vector_load %arg7[%get3A_2044, %get3A_2045] {strides = array<i32>} : memref<128x32xf32, #tpu.memory_space<vmem>>, vector<16xf32>,
      tpu.vector_store_idx %arg9[%add3A_10, %add3A_2038], %get3A_2046 : memref<32x131xf32, #tpu.memory_space<vmem>>[vector<16xi32>, vector<16xi32>], vector<16xf32>,
      %add3A_2047 = arith.constant 32 : i32
      %add3A_2048 = vector.broadcast %add3A_2047 : i32 to vector<16xi32>
      %add3A_2049 = arith.addi %broadcast_in_dim3A_11, %add3A_2048 : vector<16xi32>
      %get3A_2050 = arith.constant 32 : i32
      %get3A_2051 = arith.index_cast %get3A_2050 : i32 to index
      %get3A_2052 = arith.constant 0 : index
      %get3A_2053 = tpu.vector_load %arg7[%get3A_2051, %get3A_2052] {strides = array<i32>} : memref<128x32xf32, #tpu.memory_space<vmem>>, vector<16xf32>,
      tpu.vector_store_idx %arg9[%add3A_7, %add3A_2049], %get3A_2053 : memref<32x131xf32, #tpu.memory_space<vmem>>[vector<16xi32>, vector<16xi32>], vector<16xf32>,
      %get3A_2054 = arith.constant 32 : i32
      %get3A_2055 = arith.index_cast %get3A_2054 : i32 to index
      %get3A_2056 = arith.constant 16 : index
      %get3A_2057 = tpu.vector_load %arg7[%get3A_2055, %get3A_2056] {strides = array<i32>} : memref<128x32xf32, #tpu.memory_space<vmem>>, vector<16xf32>,
      tpu.vector_store_idx %arg9[%add3A_10, %add3A_2049], %get3A_2057 : memref<32x131xf32, #tpu.memory_space<vmem>>[vector<16xi32>, vector<16xi32>], vector<16xf32>,
      %add3A_2058 = arith.constant 33 : i32
      %add3A_2059 = vector.broadcast %add3A_2058 : i32 to vector<16xi32>
      %add3A_2060 = arith.addi %broadcast_in_dim3A_11, %add3A_2059 : vector<16xi32>
      %get3A_2061 = arith.constant 33 : i32
      %get3A_2062 = arith.index_cast %get3A_2061 : i32 to index
      %get3A_2063 = arith.constant 0 : index
      %get3A_2064 = tpu.vector_load %arg7[%get3A_2062, %get3A_2063] {strides = array<i32>} : memref<128x32xf32, #tpu.memory_space<vmem>>, vector<16xf32>,
      tpu.vector_store_idx %arg9[%add3A_7, %add3A_2060], %get3A_2064 : memref<32x131xf32, #tpu.memory_space<vmem>>[vector<16xi32>, vector<16xi32>], vector<16xf32>,
      %get3A_2065 = arith.constant 33 : i32
      %get3A_2066 = arith.index_cast %get3A_2065 : i32 to index
      %get3A_2067 = arith.constant 16 : index
      %get3A_2068 = tpu.vector_load %arg7[%get3A_2066, %get3A_2067] {strides = array<i32>} : memref<128x32xf32, #tpu.memory_space<vmem>>, vector<16xf32>,
      tpu.vector_store_idx %arg9[%add3A_10, %add3A_2060], %get3A_2068 : memref<32x131xf32, #tpu.memory_space<vmem>>[vector<16xi32>, vector<16xi32>], vector<16xf32>,
      %add3A_2069 = arith.constant 34 : i32
      %add3A_2070 = vector.broadcast %add3A_2069 : i32 to vector<16xi32>
      %add3A_2071 = arith.addi %broadcast_in_dim3A_11, %add3A_2070 : vector<16xi32>
      %get3A_2072 = arith.constant 34 : i32
      %get3A_2073 = arith.index_cast %get3A_2072 : i32 to index
      %get3A_2074 = arith.constant 0 : index
      %get3A_2075 = tpu.vector_load %arg7[%get3A_2073, %get3A_2074] {strides = array<i32>} : memref<128x32xf32, #tpu.memory_space<vmem>>, vector<16xf32>,
      tpu.vector_store_idx %arg9[%add3A_7, %add3A_2071], %get3A_2075 : memref<32x131xf32, #tpu.memory_space<vmem>>[vector<16xi32>, vector<16xi32>], vector<16xf32>,
      %get3A_2076 = arith.constant 34 : i32
      %get3A_2077 = arith.index_cast %get3A_2076 : i32 to index
      %get3A_2078 = arith.constant 16 : index
      %get3A_2079 = tpu.vector_load %arg7[%get3A_2077, %get3A_2078] {strides = array<i32>} : memref<128x32xf32, #tpu.memory_space<vmem>>, vector<16xf32>,
      tpu.vector_store_idx %arg9[%add3A_10, %add3A_2071], %get3A_2079 : memref<32x131xf32, #tpu.memory_space<vmem>>[vector<16xi32>, vector<16xi32>], vector<16xf32>,
      %add3A_2080 = arith.constant 35 : i32
      %add3A_2081 = vector.broadcast %add3A_2080 : i32 to vector<16xi32>
      %add3A_2082 = arith.addi %broadcast_in_dim3A_11, %add3A_2081 : vector<16xi32>
      %get3A_2083 = arith.constant 35 : i32
      %get3A_2084 = arith.index_cast %get3A_2083 : i32 to index
      %get3A_2085 = arith.constant 0 : index
      %get3A_2086 = tpu.vector_load %arg7[%get3A_2084, %get3A_2085] {strides = array<i32>} : memref<128x32xf32, #tpu.memory_space<vmem>>, vector<16xf32>,
      tpu.vector_store_idx %arg9[%add3A_7, %add3A_2082], %get3A_2086 : memref<32x131xf32, #tpu.memory_space<vmem>>[vector<16xi32>, vector<16xi32>], vector<16xf32>,
      %get3A_2087 = arith.constant 35 : i32
      %get3A_2088 = arith.index_cast %get3A_2087 : i32 to index
      %get3A_2089 = arith.constant 16 : index
      %get3A_2090 = tpu.vector_load %arg7[%get3A_2088, %get3A_2089] {strides = array<i32>} : memref<128x32xf32, #tpu.memory_space<vmem>>, vector<16xf32>,
      tpu.vector_store_idx %arg9[%add3A_10, %add3A_2082], %get3A_2090 : memref<32x131xf32, #tpu.memory_space<vmem>>[vector<16xi32>, vector<16xi32>], vector<16xf32>,
      %add3A_2091 = arith.constant 36 : i32
      %add3A_2092 = vector.broadcast %add3A_2091 : i32 to vector<16xi32>
      %add3A_2093 = arith.addi %broadcast_in_dim3A_11, %add3A_2092 : vector<16xi32>
      %get3A_2094 = arith.constant 36 : i32
      %get3A_2095 = arith.index_cast %get3A_2094 : i32 to index
      %get3A_2096 = arith.constant 0 : index
      %get3A_2097 = tpu.vector_load %arg7[%get3A_2095, %get3A_2096] {strides = array<i32>} : memref<128x32xf32, #tpu.memory_space<vmem>>, vector<16xf32>,
      tpu.vector_store_idx %arg9[%add3A_7, %add3A_2093], %get3A_2097 : memref<32x131xf32, #tpu.memory_space<vmem>>[vector<16xi32>, vector<16xi32>], vector<16xf32>,
      %get3A_2098 = arith.constant 36 : i32
      %get3A_2099 = arith.index_cast %get3A_2098 : i32 to index
      %get3A_2100 = arith.constant 16 : index
      %get3A_2101 = tpu.vector_load %arg7[%get3A_2099, %get3A_2100] {strides = array<i32>} : memref<128x32xf32, #tpu.memory_space<vmem>>, vector<16xf32>,
      tpu.vector_store_idx %arg9[%add3A_10, %add3A_2093], %get3A_2101 : memref<32x131xf32, #tpu.memory_space<vmem>>[vector<16xi32>, vector<16xi32>], vector<16xf32>,
      %add3A_2102 = arith.constant 37 : i32
      %add3A_2103 = vector.broadcast %add3A_2102 : i32 to vector<16xi32>
      %add3A_2104 = arith.addi %broadcast_in_dim3A_11, %add3A_2103 : vector<16xi32>
      %get3A_2105 = arith.constant 37 : i32
      %get3A_2106 = arith.index_cast %get3A_2105 : i32 to index
      %get3A_2107 = arith.constant 0 : index
      %get3A_2108 = tpu.vector_load %arg7[%get3A_2106, %get3A_2107] {strides = array<i32>} : memref<128x32xf32, #tpu.memory_space<vmem>>, vector<16xf32>,
      tpu.vector_store_idx %arg9[%add3A_7, %add3A_2104], %get3A_2108 : memref<32x131xf32, #tpu.memory_space<vmem>>[vector<16xi32>, vector<16xi32>], vector<16xf32>,
      %get3A_2109 = arith.constant 37 : i32
      %get3A_2110 = arith.index_cast %get3A_2109 : i32 to index
      %get3A_2111 = arith.constant 16 : index
      %get3A_2112 = tpu.vector_load %arg7[%get3A_2110, %get3A_2111] {strides = array<i32>} : memref<128x32xf32, #tpu.memory_space<vmem>>, vector<16xf32>,
      tpu.vector_store_idx %arg9[%add3A_10, %add3A_2104], %get3A_2112 : memref<32x131xf32, #tpu.memory_space<vmem>>[vector<16xi32>, vector<16xi32>], vector<16xf32>,
      %add3A_2113 = arith.constant 38 : i32
      %add3A_2114 = vector.broadcast %add3A_2113 : i32 to vector<16xi32>
      %add3A_2115 = arith.addi %broadcast_in_dim3A_11, %add3A_2114 : vector<16xi32>
      %get3A_2116 = arith.constant 38 : i32
      %get3A_2117 = arith.index_cast %get3A_2116 : i32 to index
      %get3A_2118 = arith.constant 0 : index
      %get3A_2119 = tpu.vector_load %arg7[%get3A_2117, %get3A_2118] {strides = array<i32>} : memref<128x32xf32, #tpu.memory_space<vmem>>, vector<16xf32>,
      tpu.vector_store_idx %arg9[%add3A_7, %add3A_2115], %get3A_2119 : memref<32x131xf32, #tpu.memory_space<vmem>>[vector<16xi32>, vector<16xi32>], vector<16xf32>,
      %get3A_2120 = arith.constant 38 : i32
      %get3A_2121 = arith.index_cast %get3A_2120 : i32 to index
      %get3A_2122 = arith.constant 16 : index
      %get3A_2123 = tpu.vector_load %arg7[%get3A_2121, %get3A_2122] {strides = array<i32>} : memref<128x32xf32, #tpu.memory_space<vmem>>, vector<16xf32>,
      tpu.vector_store_idx %arg9[%add3A_10, %add3A_2115], %get3A_2123 : memref<32x131xf32, #tpu.memory_space<vmem>>[vector<16xi32>, vector<16xi32>], vector<16xf32>,
      %add3A_2124 = arith.constant 39 : i32
      %add3A_2125 = vector.broadcast %add3A_2124 : i32 to vector<16xi32>
      %add3A_2126 = arith.addi %broadcast_in_dim3A_11, %add3A_2125 : vector<16xi32>
      %get3A_2127 = arith.constant 39 : i32
      %get3A_2128 = arith.index_cast %get3A_2127 : i32 to index
      %get3A_2129 = arith.constant 0 : index
      %get3A_2130 = tpu.vector_load %arg7[%get3A_2128, %get3A_2129] {strides = array<i32>} : memref<128x32xf32, #tpu.memory_space<vmem>>, vector<16xf32>,
      tpu.vector_store_idx %arg9[%add3A_7, %add3A_2126], %get3A_2130 : memref<32x131xf32, #tpu.memory_space<vmem>>[vector<16xi32>, vector<16xi32>], vector<16xf32>,
      %get3A_2131 = arith.constant 39 : i32
      %get3A_2132 = arith.index_cast %get3A_2131 : i32 to index
      %get3A_2133 = arith.constant 16 : index
      %get3A_2134 = tpu.vector_load %arg7[%get3A_2132, %get3A_2133] {strides = array<i32>} : memref<128x32xf32, #tpu.memory_space<vmem>>, vector<16xf32>,
      tpu.vector_store_idx %arg9[%add3A_10, %add3A_2126], %get3A_2134 : memref<32x131xf32, #tpu.memory_space<vmem>>[vector<16xi32>, vector<16xi32>], vector<16xf32>,
      %add3A_2135 = arith.constant 40 : i32
      %add3A_2136 = vector.broadcast %add3A_2135 : i32 to vector<16xi32>
      %add3A_2137 = arith.addi %broadcast_in_dim3A_11, %add3A_2136 : vector<16xi32>
      %get3A_2138 = arith.constant 40 : i32
      %get3A_2139 = arith.index_cast %get3A_2138 : i32 to index
      %get3A_2140 = arith.constant 0 : index
      %get3A_2141 = tpu.vector_load %arg7[%get3A_2139, %get3A_2140] {strides = array<i32>} : memref<128x32xf32, #tpu.memory_space<vmem>>, vector<16xf32>,
      tpu.vector_store_idx %arg9[%add3A_7, %add3A_2137], %get3A_2141 : memref<32x131xf32, #tpu.memory_space<vmem>>[vector<16xi32>, vector<16xi32>], vector<16xf32>,
      %get3A_2142 = arith.constant 40 : i32
      %get3A_2143 = arith.index_cast %get3A_2142 : i32 to index
      %get3A_2144 = arith.constant 16 : index
      %get3A_2145 = tpu.vector_load %arg7[%get3A_2143, %get3A_2144] {strides = array<i32>} : memref<128x32xf32, #tpu.memory_space<vmem>>, vector<16xf32>,
      tpu.vector_store_idx %arg9[%add3A_10, %add3A_2137], %get3A_2145 : memref<32x131xf32, #tpu.memory_space<vmem>>[vector<16xi32>, vector<16xi32>], vector<16xf32>,
      %add3A_2146 = arith.constant 41 : i32
      %add3A_2147 = vector.broadcast %add3A_2146 : i32 to vector<16xi32>
      %add3A_2148 = arith.addi %broadcast_in_dim3A_11, %add3A_2147 : vector<16xi32>
      %get3A_2149 = arith.constant 41 : i32
      %get3A_2150 = arith.index_cast %get3A_2149 : i32 to index
      %get3A_2151 = arith.constant 0 : index
      %get3A_2152 = tpu.vector_load %arg7[%get3A_2150, %get3A_2151] {strides = array<i32>} : memref<128x32xf32, #tpu.memory_space<vmem>>, vector<16xf32>,
      tpu.vector_store_idx %arg9[%add3A_7, %add3A_2148], %get3A_2152 : memref<32x131xf32, #tpu.memory_space<vmem>>[vector<16xi32>, vector<16xi32>], vector<16xf32>,
      %get3A_2153 = arith.constant 41 : i32
      %get3A_2154 = arith.index_cast %get3A_2153 : i32 to index
      %get3A_2155 = arith.constant 16 : index
      %get3A_2156 = tpu.vector_load %arg7[%get3A_2154, %get3A_2155] {strides = array<i32>} : memref<128x32xf32, #tpu.memory_space<vmem>>, vector<16xf32>,
      tpu.vector_store_idx %arg9[%add3A_10, %add3A_2148], %get3A_2156 : memref<32x131xf32, #tpu.memory_space<vmem>>[vector<16xi32>, vector<16xi32>], vector<16xf32>,
      %add3A_2157 = arith.constant 42 : i32
      %add3A_2158 = vector.broadcast %add3A_2157 : i32 to vector<16xi32>
      %add3A_2159 = arith.addi %broadcast_in_dim3A_11, %add3A_2158 : vector<16xi32>
      %get3A_2160 = arith.constant 42 : i32
      %get3A_2161 = arith.index_cast %get3A_2160 : i32 to index
      %get3A_2162 = arith.constant 0 : index
      %get3A_2163 = tpu.vector_load %arg7[%get3A_2161, %get3A_2162] {strides = array<i32>} : memref<128x32xf32, #tpu.memory_space<vmem>>, vector<16xf32>,
      tpu.vector_store_idx %arg9[%add3A_7, %add3A_2159], %get3A_2163 : memref<32x131xf32, #tpu.memory_space<vmem>>[vector<16xi32>, vector<16xi32>], vector<16xf32>,
      %get3A_2164 = arith.constant 42 : i32
      %get3A_2165 = arith.index_cast %get3A_2164 : i32 to index
      %get3A_2166 = arith.constant 16 : index
      %get3A_2167 = tpu.vector_load %arg7[%get3A_2165, %get3A_2166] {strides = array<i32>} : memref<128x32xf32, #tpu.memory_space<vmem>>, vector<16xf32>,
      tpu.vector_store_idx %arg9[%add3A_10, %add3A_2159], %get3A_2167 : memref<32x131xf32, #tpu.memory_space<vmem>>[vector<16xi32>, vector<16xi32>], vector<16xf32>,
      %add3A_2168 = arith.constant 43 : i32
      %add3A_2169 = vector.broadcast %add3A_2168 : i32 to vector<16xi32>
      %add3A_2170 = arith.addi %broadcast_in_dim3A_11, %add3A_2169 : vector<16xi32>
      %get3A_2171 = arith.constant 43 : i32
      %get3A_2172 = arith.index_cast %get3A_2171 : i32 to index
      %get3A_2173 = arith.constant 0 : index
      %get3A_2174 = tpu.vector_load %arg7[%get3A_2172, %get3A_2173] {strides = array<i32>} : memref<128x32xf32, #tpu.memory_space<vmem>>, vector<16xf32>,
      tpu.vector_store_idx %arg9[%add3A_7, %add3A_2170], %get3A_2174 : memref<32x131xf32, #tpu.memory_space<vmem>>[vector<16xi32>, vector<16xi32>], vector<16xf32>,
      %get3A_2175 = arith.constant 43 : i32
      %get3A_2176 = arith.index_cast %get3A_2175 : i32 to index
      %get3A_2177 = arith.constant 16 : index
      %get3A_2178 = tpu.vector_load %arg7[%get3A_2176, %get3A_2177] {strides = array<i32>} : memref<128x32xf32, #tpu.memory_space<vmem>>, vector<16xf32>,
      tpu.vector_store_idx %arg9[%add3A_10, %add3A_2170], %get3A_2178 : memref<32x131xf32, #tpu.memory_space<vmem>>[vector<16xi32>, vector<16xi32>], vector<16xf32>,
      %add3A_2179 = arith.constant 44 : i32
      %add3A_2180 = vector.broadcast %add3A_2179 : i32 to vector<16xi32>
      %add3A_2181 = arith.addi %broadcast_in_dim3A_11, %add3A_2180 : vector<16xi32>
      %get3A_2182 = arith.constant 44 : i32
      %get3A_2183 = arith.index_cast %get3A_2182 : i32 to index
      %get3A_2184 = arith.constant 0 : index
      %get3A_2185 = tpu.vector_load %arg7[%get3A_2183, %get3A_2184] {strides = array<i32>} : memref<128x32xf32, #tpu.memory_space<vmem>>, vector<16xf32>,
      tpu.vector_store_idx %arg9[%add3A_7, %add3A_2181], %get3A_2185 : memref<32x131xf32, #tpu.memory_space<vmem>>[vector<16xi32>, vector<16xi32>], vector<16xf32>,
      %get3A_2186 = arith.constant 44 : i32
      %get3A_2187 = arith.index_cast %get3A_2186 : i32 to index
      %get3A_2188 = arith.constant 16 : index
      %get3A_2189 = tpu.vector_load %arg7[%get3A_2187, %get3A_2188] {strides = array<i32>} : memref<128x32xf32, #tpu.memory_space<vmem>>, vector<16xf32>,
      tpu.vector_store_idx %arg9[%add3A_10, %add3A_2181], %get3A_2189 : memref<32x131xf32, #tpu.memory_space<vmem>>[vector<16xi32>, vector<16xi32>], vector<16xf32>,
      %add3A_2190 = arith.constant 45 : i32
      %add3A_2191 = vector.broadcast %add3A_2190 : i32 to vector<16xi32>
      %add3A_2192 = arith.addi %broadcast_in_dim3A_11, %add3A_2191 : vector<16xi32>
      %get3A_2193 = arith.constant 45 : i32
      %get3A_2194 = arith.index_cast %get3A_2193 : i32 to index
      %get3A_2195 = arith.constant 0 : index
      %get3A_2196 = tpu.vector_load %arg7[%get3A_2194, %get3A_2195] {strides = array<i32>} : memref<128x32xf32, #tpu.memory_space<vmem>>, vector<16xf32>,
      tpu.vector_store_idx %arg9[%add3A_7, %add3A_2192], %get3A_2196 : memref<32x131xf32, #tpu.memory_space<vmem>>[vector<16xi32>, vector<16xi32>], vector<16xf32>,
      %get3A_2197 = arith.constant 45 : i32
      %get3A_2198 = arith.index_cast %get3A_2197 : i32 to index
      %get3A_2199 = arith.constant 16 : index
      %get3A_2200 = tpu.vector_load %arg7[%get3A_2198, %get3A_2199] {strides = array<i32>} : memref<128x32xf32, #tpu.memory_space<vmem>>, vector<16xf32>,
      tpu.vector_store_idx %arg9[%add3A_10, %add3A_2192], %get3A_2200 : memref<32x131xf32, #tpu.memory_space<vmem>>[vector<16xi32>, vector<16xi32>], vector<16xf32>,
      %add3A_2201 = arith.constant 46 : i32
      %add3A_2202 = vector.broadcast %add3A_2201 : i32 to vector<16xi32>
      %add3A_2203 = arith.addi %broadcast_in_dim3A_11, %add3A_2202 : vector<16xi32>
      %get3A_2204 = arith.constant 46 : i32
      %get3A_2205 = arith.index_cast %get3A_2204 : i32 to index
      %get3A_2206 = arith.constant 0 : index
      %get3A_2207 = tpu.vector_load %arg7[%get3A_2205, %get3A_2206] {strides = array<i32>} : memref<128x32xf32, #tpu.memory_space<vmem>>, vector<16xf32>,
      tpu.vector_store_idx %arg9[%add3A_7, %add3A_2203], %get3A_2207 : memref<32x131xf32, #tpu.memory_space<vmem>>[vector<16xi32>, vector<16xi32>], vector<16xf32>,
      %get3A_2208 = arith.constant 46 : i32
      %get3A_2209 = arith.index_cast %get3A_2208 : i32 to index
      %get3A_2210 = arith.constant 16 : index
      %get3A_2211 = tpu.vector_load %arg7[%get3A_2209, %get3A_2210] {strides = array<i32>} : memref<128x32xf32, #tpu.memory_space<vmem>>, vector<16xf32>,
      tpu.vector_store_idx %arg9[%add3A_10, %add3A_2203], %get3A_2211 : memref<32x131xf32, #tpu.memory_space<vmem>>[vector<16xi32>, vector<16xi32>], vector<16xf32>,
      %add3A_2212 = arith.constant 47 : i32
      %add3A_2213 = vector.broadcast %add3A_2212 : i32 to vector<16xi32>
      %add3A_2214 = arith.addi %broadcast_in_dim3A_11, %add3A_2213 : vector<16xi32>
      %get3A_2215 = arith.constant 47 : i32
      %get3A_2216 = arith.index_cast %get3A_2215 : i32 to index
      %get3A_2217 = arith.constant 0 : index
      %get3A_2218 = tpu.vector_load %arg7[%get3A_2216, %get3A_2217] {strides = array<i32>} : memref<128x32xf32, #tpu.memory_space<vmem>>, vector<16xf32>,
      tpu.vector_store_idx %arg9[%add3A_7, %add3A_2214], %get3A_2218 : memref<32x131xf32, #tpu.memory_space<vmem>>[vector<16xi32>, vector<16xi32>], vector<16xf32>,
      %get3A_2219 = arith.constant 47 : i32
      %get3A_2220 = arith.index_cast %get3A_2219 : i32 to index
      %get3A_2221 = arith.constant 16 : index
      %get3A_2222 = tpu.vector_load %arg7[%get3A_2220, %get3A_2221] {strides = array<i32>} : memref<128x32xf32, #tpu.memory_space<vmem>>, vector<16xf32>,
      tpu.vector_store_idx %arg9[%add3A_10, %add3A_2214], %get3A_2222 : memref<32x131xf32, #tpu.memory_space<vmem>>[vector<16xi32>, vector<16xi32>], vector<16xf32>,
      %add3A_2223 = arith.constant 48 : i32
      %add3A_2224 = vector.broadcast %add3A_2223 : i32 to vector<16xi32>
      %add3A_2225 = arith.addi %broadcast_in_dim3A_11, %add3A_2224 : vector<16xi32>
      %get3A_2226 = arith.constant 48 : i32
      %get3A_2227 = arith.index_cast %get3A_2226 : i32 to index
      %get3A_2228 = arith.constant 0 : index
      %get3A_2229 = tpu.vector_load %arg7[%get3A_2227, %get3A_2228] {strides = array<i32>} : memref<128x32xf32, #tpu.memory_space<vmem>>, vector<16xf32>,
      tpu.vector_store_idx %arg9[%add3A_7, %add3A_2225], %get3A_2229 : memref<32x131xf32, #tpu.memory_space<vmem>>[vector<16xi32>, vector<16xi32>], vector<16xf32>,
      %get3A_2230 = arith.constant 48 : i32
      %get3A_2231 = arith.index_cast %get3A_2230 : i32 to index
      %get3A_2232 = arith.constant 16 : index
      %get3A_2233 = tpu.vector_load %arg7[%get3A_2231, %get3A_2232] {strides = array<i32>} : memref<128x32xf32, #tpu.memory_space<vmem>>, vector<16xf32>,
      tpu.vector_store_idx %arg9[%add3A_10, %add3A_2225], %get3A_2233 : memref<32x131xf32, #tpu.memory_space<vmem>>[vector<16xi32>, vector<16xi32>], vector<16xf32>,
      %add3A_2234 = arith.constant 49 : i32
      %add3A_2235 = vector.broadcast %add3A_2234 : i32 to vector<16xi32>
      %add3A_2236 = arith.addi %broadcast_in_dim3A_11, %add3A_2235 : vector<16xi32>
      %get3A_2237 = arith.constant 49 : i32
      %get3A_2238 = arith.index_cast %get3A_2237 : i32 to index
      %get3A_2239 = arith.constant 0 : index
      %get3A_2240 = tpu.vector_load %arg7[%get3A_2238, %get3A_2239] {strides = array<i32>} : memref<128x32xf32, #tpu.memory_space<vmem>>, vector<16xf32>,
      tpu.vector_store_idx %arg9[%add3A_7, %add3A_2236], %get3A_2240 : memref<32x131xf32, #tpu.memory_space<vmem>>[vector<16xi32>, vector<16xi32>], vector<16xf32>,
      %get3A_2241 = arith.constant 49 : i32
      %get3A_2242 = arith.index_cast %get3A_2241 : i32 to index
      %get3A_2243 = arith.constant 16 : index
      %get3A_2244 = tpu.vector_load %arg7[%get3A_2242, %get3A_2243] {strides = array<i32>} : memref<128x32xf32, #tpu.memory_space<vmem>>, vector<16xf32>,
      tpu.vector_store_idx %arg9[%add3A_10, %add3A_2236], %get3A_2244 : memref<32x131xf32, #tpu.memory_space<vmem>>[vector<16xi32>, vector<16xi32>], vector<16xf32>,
      %add3A_2245 = arith.constant 50 : i32
      %add3A_2246 = vector.broadcast %add3A_2245 : i32 to vector<16xi32>
      %add3A_2247 = arith.addi %broadcast_in_dim3A_11, %add3A_2246 : vector<16xi32>
      %get3A_2248 = arith.constant 50 : i32
      %get3A_2249 = arith.index_cast %get3A_2248 : i32 to index
      %get3A_2250 = arith.constant 0 : index
      %get3A_2251 = tpu.vector_load %arg7[%get3A_2249, %get3A_2250] {strides = array<i32>} : memref<128x32xf32, #tpu.memory_space<vmem>>, vector<16xf32>,
      tpu.vector_store_idx %arg9[%add3A_7, %add3A_2247], %get3A_2251 : memref<32x131xf32, #tpu.memory_space<vmem>>[vector<16xi32>, vector<16xi32>], vector<16xf32>,
      %get3A_2252 = arith.constant 50 : i32
      %get3A_2253 = arith.index_cast %get3A_2252 : i32 to index
      %get3A_2254 = arith.constant 16 : index
      %get3A_2255 = tpu.vector_load %arg7[%get3A_2253, %get3A_2254] {strides = array<i32>} : memref<128x32xf32, #tpu.memory_space<vmem>>, vector<16xf32>,
      tpu.vector_store_idx %arg9[%add3A_10, %add3A_2247], %get3A_2255 : memref<32x131xf32, #tpu.memory_space<vmem>>[vector<16xi32>, vector<16xi32>], vector<16xf32>,
      %add3A_2256 = arith.constant 51 : i32
      %add3A_2257 = vector.broadcast %add3A_2256 : i32 to vector<16xi32>
      %add3A_2258 = arith.addi %broadcast_in_dim3A_11, %add3A_2257 : vector<16xi32>
      %get3A_2259 = arith.constant 51 : i32
      %get3A_2260 = arith.index_cast %get3A_2259 : i32 to index
      %get3A_2261 = arith.constant 0 : index
      %get3A_2262 = tpu.vector_load %arg7[%get3A_2260, %get3A_2261] {strides = array<i32>} : memref<128x32xf32, #tpu.memory_space<vmem>>, vector<16xf32>,
      tpu.vector_store_idx %arg9[%add3A_7, %add3A_2258], %get3A_2262 : memref<32x131xf32, #tpu.memory_space<vmem>>[vector<16xi32>, vector<16xi32>], vector<16xf32>,
      %get3A_2263 = arith.constant 51 : i32
      %get3A_2264 = arith.index_cast %get3A_2263 : i32 to index
      %get3A_2265 = arith.constant 16 : index
      %get3A_2266 = tpu.vector_load %arg7[%get3A_2264, %get3A_2265] {strides = array<i32>} : memref<128x32xf32, #tpu.memory_space<vmem>>, vector<16xf32>,
      tpu.vector_store_idx %arg9[%add3A_10, %add3A_2258], %get3A_2266 : memref<32x131xf32, #tpu.memory_space<vmem>>[vector<16xi32>, vector<16xi32>], vector<16xf32>,
      %add3A_2267 = arith.constant 52 : i32
      %add3A_2268 = vector.broadcast %add3A_2267 : i32 to vector<16xi32>
      %add3A_2269 = arith.addi %broadcast_in_dim3A_11, %add3A_2268 : vector<16xi32>
      %get3A_2270 = arith.constant 52 : i32
      %get3A_2271 = arith.index_cast %get3A_2270 : i32 to index
      %get3A_2272 = arith.constant 0 : index
      %get3A_2273 = tpu.vector_load %arg7[%get3A_2271, %get3A_2272] {strides = array<i32>} : memref<128x32xf32, #tpu.memory_space<vmem>>, vector<16xf32>,
      tpu.vector_store_idx %arg9[%add3A_7, %add3A_2269], %get3A_2273 : memref<32x131xf32, #tpu.memory_space<vmem>>[vector<16xi32>, vector<16xi32>], vector<16xf32>,
      %get3A_2274 = arith.constant 52 : i32
      %get3A_2275 = arith.index_cast %get3A_2274 : i32 to index
      %get3A_2276 = arith.constant 16 : index
      %get3A_2277 = tpu.vector_load %arg7[%get3A_2275, %get3A_2276] {strides = array<i32>} : memref<128x32xf32, #tpu.memory_space<vmem>>, vector<16xf32>,
      tpu.vector_store_idx %arg9[%add3A_10, %add3A_2269], %get3A_2277 : memref<32x131xf32, #tpu.memory_space<vmem>>[vector<16xi32>, vector<16xi32>], vector<16xf32>,
      %add3A_2278 = arith.constant 53 : i32
      %add3A_2279 = vector.broadcast %add3A_2278 : i32 to vector<16xi32>
      %add3A_2280 = arith.addi %broadcast_in_dim3A_11, %add3A_2279 : vector<16xi32>
      %get3A_2281 = arith.constant 53 : i32
      %get3A_2282 = arith.index_cast %get3A_2281 : i32 to index
      %get3A_2283 = arith.constant 0 : index
      %get3A_2284 = tpu.vector_load %arg7[%get3A_2282, %get3A_2283] {strides = array<i32>} : memref<128x32xf32, #tpu.memory_space<vmem>>, vector<16xf32>,
      tpu.vector_store_idx %arg9[%add3A_7, %add3A_2280], %get3A_2284 : memref<32x131xf32, #tpu.memory_space<vmem>>[vector<16xi32>, vector<16xi32>], vector<16xf32>,
      %get3A_2285 = arith.constant 53 : i32
      %get3A_2286 = arith.index_cast %get3A_2285 : i32 to index
      %get3A_2287 = arith.constant 16 : index
      %get3A_2288 = tpu.vector_load %arg7[%get3A_2286, %get3A_2287] {strides = array<i32>} : memref<128x32xf32, #tpu.memory_space<vmem>>, vector<16xf32>,
      tpu.vector_store_idx %arg9[%add3A_10, %add3A_2280], %get3A_2288 : memref<32x131xf32, #tpu.memory_space<vmem>>[vector<16xi32>, vector<16xi32>], vector<16xf32>,
      %add3A_2289 = arith.constant 54 : i32
      %add3A_2290 = vector.broadcast %add3A_2289 : i32 to vector<16xi32>
      %add3A_2291 = arith.addi %broadcast_in_dim3A_11, %add3A_2290 : vector<16xi32>
      %get3A_2292 = arith.constant 54 : i32
      %get3A_2293 = arith.index_cast %get3A_2292 : i32 to index
      %get3A_2294 = arith.constant 0 : index
      %get3A_2295 = tpu.vector_load %arg7[%get3A_2293, %get3A_2294] {strides = array<i32>} : memref<128x32xf32, #tpu.memory_space<vmem>>, vector<16xf32>,
      tpu.vector_store_idx %arg9[%add3A_7, %add3A_2291], %get3A_2295 : memref<32x131xf32, #tpu.memory_space<vmem>>[vector<16xi32>, vector<16xi32>], vector<16xf32>,
      %get3A_2296 = arith.constant 54 : i32
      %get3A_2297 = arith.index_cast %get3A_2296 : i32 to index
      %get3A_2298 = arith.constant 16 : index
      %get3A_2299 = tpu.vector_load %arg7[%get3A_2297, %get3A_2298] {strides = array<i32>} : memref<128x32xf32, #tpu.memory_space<vmem>>, vector<16xf32>,
      tpu.vector_store_idx %arg9[%add3A_10, %add3A_2291], %get3A_2299 : memref<32x131xf32, #tpu.memory_space<vmem>>[vector<16xi32>, vector<16xi32>], vector<16xf32>,
      %add3A_2300 = arith.constant 55 : i32
      %add3A_2301 = vector.broadcast %add3A_2300 : i32 to vector<16xi32>
      %add3A_2302 = arith.addi %broadcast_in_dim3A_11, %add3A_2301 : vector<16xi32>
      %get3A_2303 = arith.constant 55 : i32
      %get3A_2304 = arith.index_cast %get3A_2303 : i32 to index
      %get3A_2305 = arith.constant 0 : index
      %get3A_2306 = tpu.vector_load %arg7[%get3A_2304, %get3A_2305] {strides = array<i32>} : memref<128x32xf32, #tpu.memory_space<vmem>>, vector<16xf32>,
      tpu.vector_store_idx %arg9[%add3A_7, %add3A_2302], %get3A_2306 : memref<32x131xf32, #tpu.memory_space<vmem>>[vector<16xi32>, vector<16xi32>], vector<16xf32>,
      %get3A_2307 = arith.constant 55 : i32
      %get3A_2308 = arith.index_cast %get3A_2307 : i32 to index
      %get3A_2309 = arith.constant 16 : index
      %get3A_2310 = tpu.vector_load %arg7[%get3A_2308, %get3A_2309] {strides = array<i32>} : memref<128x32xf32, #tpu.memory_space<vmem>>, vector<16xf32>,
      tpu.vector_store_idx %arg9[%add3A_10, %add3A_2302], %get3A_2310 : memref<32x131xf32, #tpu.memory_space<vmem>>[vector<16xi32>, vector<16xi32>], vector<16xf32>,
      %add3A_2311 = arith.constant 56 : i32
      %add3A_2312 = vector.broadcast %add3A_2311 : i32 to vector<16xi32>
      %add3A_2313 = arith.addi %broadcast_in_dim3A_11, %add3A_2312 : vector<16xi32>
      %get3A_2314 = arith.constant 56 : i32
      %get3A_2315 = arith.index_cast %get3A_2314 : i32 to index
      %get3A_2316 = arith.constant 0 : index
      %get3A_2317 = tpu.vector_load %arg7[%get3A_2315, %get3A_2316] {strides = array<i32>} : memref<128x32xf32, #tpu.memory_space<vmem>>, vector<16xf32>,
      tpu.vector_store_idx %arg9[%add3A_7, %add3A_2313], %get3A_2317 : memref<32x131xf32, #tpu.memory_space<vmem>>[vector<16xi32>, vector<16xi32>], vector<16xf32>,
      %get3A_2318 = arith.constant 56 : i32
      %get3A_2319 = arith.index_cast %get3A_2318 : i32 to index
      %get3A_2320 = arith.constant 16 : index
      %get3A_2321 = tpu.vector_load %arg7[%get3A_2319, %get3A_2320] {strides = array<i32>} : memref<128x32xf32, #tpu.memory_space<vmem>>, vector<16xf32>,
      tpu.vector_store_idx %arg9[%add3A_10, %add3A_2313], %get3A_2321 : memref<32x131xf32, #tpu.memory_space<vmem>>[vector<16xi32>, vector<16xi32>], vector<16xf32>,
      %add3A_2322 = arith.constant 57 : i32
      %add3A_2323 = vector.broadcast %add3A_2322 : i32 to vector<16xi32>
      %add3A_2324 = arith.addi %broadcast_in_dim3A_11, %add3A_2323 : vector<16xi32>
      %get3A_2325 = arith.constant 57 : i32
      %get3A_2326 = arith.index_cast %get3A_2325 : i32 to index
      %get3A_2327 = arith.constant 0 : index
      %get3A_2328 = tpu.vector_load %arg7[%get3A_2326, %get3A_2327] {strides = array<i32>} : memref<128x32xf32, #tpu.memory_space<vmem>>, vector<16xf32>,
      tpu.vector_store_idx %arg9[%add3A_7, %add3A_2324], %get3A_2328 : memref<32x131xf32, #tpu.memory_space<vmem>>[vector<16xi32>, vector<16xi32>], vector<16xf32>,
      %get3A_2329 = arith.constant 57 : i32
      %get3A_2330 = arith.index_cast %get3A_2329 : i32 to index
      %get3A_2331 = arith.constant 16 : index
      %get3A_2332 = tpu.vector_load %arg7[%get3A_2330, %get3A_2331] {strides = array<i32>} : memref<128x32xf32, #tpu.memory_space<vmem>>, vector<16xf32>,
      tpu.vector_store_idx %arg9[%add3A_10, %add3A_2324], %get3A_2332 : memref<32x131xf32, #tpu.memory_space<vmem>>[vector<16xi32>, vector<16xi32>], vector<16xf32>,
      %add3A_2333 = arith.constant 58 : i32
      %add3A_2334 = vector.broadcast %add3A_2333 : i32 to vector<16xi32>
      %add3A_2335 = arith.addi %broadcast_in_dim3A_11, %add3A_2334 : vector<16xi32>
      %get3A_2336 = arith.constant 58 : i32
      %get3A_2337 = arith.index_cast %get3A_2336 : i32 to index
      %get3A_2338 = arith.constant 0 : index
      %get3A_2339 = tpu.vector_load %arg7[%get3A_2337, %get3A_2338] {strides = array<i32>} : memref<128x32xf32, #tpu.memory_space<vmem>>, vector<16xf32>,
      tpu.vector_store_idx %arg9[%add3A_7, %add3A_2335], %get3A_2339 : memref<32x131xf32, #tpu.memory_space<vmem>>[vector<16xi32>, vector<16xi32>], vector<16xf32>,
      %get3A_2340 = arith.constant 58 : i32
      %get3A_2341 = arith.index_cast %get3A_2340 : i32 to index
      %get3A_2342 = arith.constant 16 : index
      %get3A_2343 = tpu.vector_load %arg7[%get3A_2341, %get3A_2342] {strides = array<i32>} : memref<128x32xf32, #tpu.memory_space<vmem>>, vector<16xf32>,
      tpu.vector_store_idx %arg9[%add3A_10, %add3A_2335], %get3A_2343 : memref<32x131xf32, #tpu.memory_space<vmem>>[vector<16xi32>, vector<16xi32>], vector<16xf32>,
      %add3A_2344 = arith.constant 59 : i32
      %add3A_2345 = vector.broadcast %add3A_2344 : i32 to vector<16xi32>
      %add3A_2346 = arith.addi %broadcast_in_dim3A_11, %add3A_2345 : vector<16xi32>
      %get3A_2347 = arith.constant 59 : i32
      %get3A_2348 = arith.index_cast %get3A_2347 : i32 to index
      %get3A_2349 = arith.constant 0 : index
      %get3A_2350 = tpu.vector_load %arg7[%get3A_2348, %get3A_2349] {strides = array<i32>} : memref<128x32xf32, #tpu.memory_space<vmem>>, vector<16xf32>,
      tpu.vector_store_idx %arg9[%add3A_7, %add3A_2346], %get3A_2350 : memref<32x131xf32, #tpu.memory_space<vmem>>[vector<16xi32>, vector<16xi32>], vector<16xf32>,
      %get3A_2351 = arith.constant 59 : i32
      %get3A_2352 = arith.index_cast %get3A_2351 : i32 to index
      %get3A_2353 = arith.constant 16 : index
      %get3A_2354 = tpu.vector_load %arg7[%get3A_2352, %get3A_2353] {strides = array<i32>} : memref<128x32xf32, #tpu.memory_space<vmem>>, vector<16xf32>,
      tpu.vector_store_idx %arg9[%add3A_10, %add3A_2346], %get3A_2354 : memref<32x131xf32, #tpu.memory_space<vmem>>[vector<16xi32>, vector<16xi32>], vector<16xf32>,
      %add3A_2355 = arith.constant 60 : i32
      %add3A_2356 = vector.broadcast %add3A_2355 : i32 to vector<16xi32>
      %add3A_2357 = arith.addi %broadcast_in_dim3A_11, %add3A_2356 : vector<16xi32>
      %get3A_2358 = arith.constant 60 : i32
      %get3A_2359 = arith.index_cast %get3A_2358 : i32 to index
      %get3A_2360 = arith.constant 0 : index
      %get3A_2361 = tpu.vector_load %arg7[%get3A_2359, %get3A_2360] {strides = array<i32>} : memref<128x32xf32, #tpu.memory_space<vmem>>, vector<16xf32>,
      tpu.vector_store_idx %arg9[%add3A_7, %add3A_2357], %get3A_2361 : memref<32x131xf32, #tpu.memory_space<vmem>>[vector<16xi32>, vector<16xi32>], vector<16xf32>,
      %get3A_2362 = arith.constant 60 : i32
      %get3A_2363 = arith.index_cast %get3A_2362 : i32 to index
      %get3A_2364 = arith.constant 16 : index
      %get3A_2365 = tpu.vector_load %arg7[%get3A_2363, %get3A_2364] {strides = array<i32>} : memref<128x32xf32, #tpu.memory_space<vmem>>, vector<16xf32>,
      tpu.vector_store_idx %arg9[%add3A_10, %add3A_2357], %get3A_2365 : memref<32x131xf32, #tpu.memory_space<vmem>>[vector<16xi32>, vector<16xi32>], vector<16xf32>,
      %add3A_2366 = arith.constant 61 : i32
      %add3A_2367 = vector.broadcast %add3A_2366 : i32 to vector<16xi32>
      %add3A_2368 = arith.addi %broadcast_in_dim3A_11, %add3A_2367 : vector<16xi32>
      %get3A_2369 = arith.constant 61 : i32
      %get3A_2370 = arith.index_cast %get3A_2369 : i32 to index
      %get3A_2371 = arith.constant 0 : index
      %get3A_2372 = tpu.vector_load %arg7[%get3A_2370, %get3A_2371] {strides = array<i32>} : memref<128x32xf32, #tpu.memory_space<vmem>>, vector<16xf32>,
      tpu.vector_store_idx %arg9[%add3A_7, %add3A_2368], %get3A_2372 : memref<32x131xf32, #tpu.memory_space<vmem>>[vector<16xi32>, vector<16xi32>], vector<16xf32>,
      %get3A_2373 = arith.constant 61 : i32
      %get3A_2374 = arith.index_cast %get3A_2373 : i32 to index
      %get3A_2375 = arith.constant 16 : index
      %get3A_2376 = tpu.vector_load %arg7[%get3A_2374, %get3A_2375] {strides = array<i32>} : memref<128x32xf32, #tpu.memory_space<vmem>>, vector<16xf32>,
      tpu.vector_store_idx %arg9[%add3A_10, %add3A_2368], %get3A_2376 : memref<32x131xf32, #tpu.memory_space<vmem>>[vector<16xi32>, vector<16xi32>], vector<16xf32>,
      %add3A_2377 = arith.constant 62 : i32
      %add3A_2378 = vector.broadcast %add3A_2377 : i32 to vector<16xi32>
      %add3A_2379 = arith.addi %broadcast_in_dim3A_11, %add3A_2378 : vector<16xi32>
      %get3A_2380 = arith.constant 62 : i32
      %get3A_2381 = arith.index_cast %get3A_2380 : i32 to index
      %get3A_2382 = arith.constant 0 : index
      %get3A_2383 = tpu.vector_load %arg7[%get3A_2381, %get3A_2382] {strides = array<i32>} : memref<128x32xf32, #tpu.memory_space<vmem>>, vector<16xf32>,
      tpu.vector_store_idx %arg9[%add3A_7, %add3A_2379], %get3A_2383 : memref<32x131xf32, #tpu.memory_space<vmem>>[vector<16xi32>, vector<16xi32>], vector<16xf32>,
      %get3A_2384 = arith.constant 62 : i32
      %get3A_2385 = arith.index_cast %get3A_2384 : i32 to index
      %get3A_2386 = arith.constant 16 : index
      %get3A_2387 = tpu.vector_load %arg7[%get3A_2385, %get3A_2386] {strides = array<i32>} : memref<128x32xf32, #tpu.memory_space<vmem>>, vector<16xf32>,
      tpu.vector_store_idx %arg9[%add3A_10, %add3A_2379], %get3A_2387 : memref<32x131xf32, #tpu.memory_space<vmem>>[vector<16xi32>, vector<16xi32>], vector<16xf32>,
      %add3A_2388 = arith.constant 63 : i32
      %add3A_2389 = vector.broadcast %add3A_2388 : i32 to vector<16xi32>
      %add3A_2390 = arith.addi %broadcast_in_dim3A_11, %add3A_2389 : vector<16xi32>
      %get3A_2391 = arith.constant 63 : i32
      %get3A_2392 = arith.index_cast %get3A_2391 : i32 to index
      %get3A_2393 = arith.constant 0 : index
      %get3A_2394 = tpu.vector_load %arg7[%get3A_2392, %get3A_2393] {strides = array<i32>} : memref<128x32xf32, #tpu.memory_space<vmem>>, vector<16xf32>,
      tpu.vector_store_idx %arg9[%add3A_7, %add3A_2390], %get3A_2394 : memref<32x131xf32, #tpu.memory_space<vmem>>[vector<16xi32>, vector<16xi32>], vector<16xf32>,
      %get3A_2395 = arith.constant 63 : i32
      %get3A_2396 = arith.index_cast %get3A_2395 : i32 to index
      %get3A_2397 = arith.constant 16 : index
      %get3A_2398 = tpu.vector_load %arg7[%get3A_2396, %get3A_2397] {strides = array<i32>} : memref<128x32xf32, #tpu.memory_space<vmem>>, vector<16xf32>,
      tpu.vector_store_idx %arg9[%add3A_10, %add3A_2390], %get3A_2398 : memref<32x131xf32, #tpu.memory_space<vmem>>[vector<16xi32>, vector<16xi32>], vector<16xf32>,
      %add3A_2399 = arith.constant 64 : i32
      %add3A_2400 = vector.broadcast %add3A_2399 : i32 to vector<16xi32>
      %add3A_2401 = arith.addi %broadcast_in_dim3A_11, %add3A_2400 : vector<16xi32>
      %get3A_2402 = arith.constant 64 : i32
      %get3A_2403 = arith.index_cast %get3A_2402 : i32 to index
      %get3A_2404 = arith.constant 0 : index
      %get3A_2405 = tpu.vector_load %arg7[%get3A_2403, %get3A_2404] {strides = array<i32>} : memref<128x32xf32, #tpu.memory_space<vmem>>, vector<16xf32>,
      tpu.vector_store_idx %arg9[%add3A_7, %add3A_2401], %get3A_2405 : memref<32x131xf32, #tpu.memory_space<vmem>>[vector<16xi32>, vector<16xi32>], vector<16xf32>,
      %get3A_2406 = arith.constant 64 : i32
      %get3A_2407 = arith.index_cast %get3A_2406 : i32 to index
      %get3A_2408 = arith.constant 16 : index
      %get3A_2409 = tpu.vector_load %arg7[%get3A_2407, %get3A_2408] {strides = array<i32>} : memref<128x32xf32, #tpu.memory_space<vmem>>, vector<16xf32>,
      tpu.vector_store_idx %arg9[%add3A_10, %add3A_2401], %get3A_2409 : memref<32x131xf32, #tpu.memory_space<vmem>>[vector<16xi32>, vector<16xi32>], vector<16xf32>,
      %add3A_2410 = arith.constant 65 : i32
      %add3A_2411 = vector.broadcast %add3A_2410 : i32 to vector<16xi32>
      %add3A_2412 = arith.addi %broadcast_in_dim3A_11, %add3A_2411 : vector<16xi32>
      %get3A_2413 = arith.constant 65 : i32
      %get3A_2414 = arith.index_cast %get3A_2413 : i32 to index
      %get3A_2415 = arith.constant 0 : index
      %get3A_2416 = tpu.vector_load %arg7[%get3A_2414, %get3A_2415] {strides = array<i32>} : memref<128x32xf32, #tpu.memory_space<vmem>>, vector<16xf32>,
      tpu.vector_store_idx %arg9[%add3A_7, %add3A_2412], %get3A_2416 : memref<32x131xf32, #tpu.memory_space<vmem>>[vector<16xi32>, vector<16xi32>], vector<16xf32>,
      %get3A_2417 = arith.constant 65 : i32
      %get3A_2418 = arith.index_cast %get3A_2417 : i32 to index
      %get3A_2419 = arith.constant 16 : index
      %get3A_2420 = tpu.vector_load %arg7[%get3A_2418, %get3A_2419] {strides = array<i32>} : memref<128x32xf32, #tpu.memory_space<vmem>>, vector<16xf32>,
      tpu.vector_store_idx %arg9[%add3A_10, %add3A_2412], %get3A_2420 : memref<32x131xf32, #tpu.memory_space<vmem>>[vector<16xi32>, vector<16xi32>], vector<16xf32>,
      %add3A_2421 = arith.constant 66 : i32
      %add3A_2422 = vector.broadcast %add3A_2421 : i32 to vector<16xi32>
      %add3A_2423 = arith.addi %broadcast_in_dim3A_11, %add3A_2422 : vector<16xi32>
      %get3A_2424 = arith.constant 66 : i32
      %get3A_2425 = arith.index_cast %get3A_2424 : i32 to index
      %get3A_2426 = arith.constant 0 : index
      %get3A_2427 = tpu.vector_load %arg7[%get3A_2425, %get3A_2426] {strides = array<i32>} : memref<128x32xf32, #tpu.memory_space<vmem>>, vector<16xf32>,
      tpu.vector_store_idx %arg9[%add3A_7, %add3A_2423], %get3A_2427 : memref<32x131xf32, #tpu.memory_space<vmem>>[vector<16xi32>, vector<16xi32>], vector<16xf32>,
      %get3A_2428 = arith.constant 66 : i32
      %get3A_2429 = arith.index_cast %get3A_2428 : i32 to index
      %get3A_2430 = arith.constant 16 : index
      %get3A_2431 = tpu.vector_load %arg7[%get3A_2429, %get3A_2430] {strides = array<i32>} : memref<128x32xf32, #tpu.memory_space<vmem>>, vector<16xf32>,
      tpu.vector_store_idx %arg9[%add3A_10, %add3A_2423], %get3A_2431 : memref<32x131xf32, #tpu.memory_space<vmem>>[vector<16xi32>, vector<16xi32>], vector<16xf32>,
      %add3A_2432 = arith.constant 67 : i32
      %add3A_2433 = vector.broadcast %add3A_2432 : i32 to vector<16xi32>
      %add3A_2434 = arith.addi %broadcast_in_dim3A_11, %add3A_2433 : vector<16xi32>
      %get3A_2435 = arith.constant 67 : i32
      %get3A_2436 = arith.index_cast %get3A_2435 : i32 to index
      %get3A_2437 = arith.constant 0 : index
      %get3A_2438 = tpu.vector_load %arg7[%get3A_2436, %get3A_2437] {strides = array<i32>} : memref<128x32xf32, #tpu.memory_space<vmem>>, vector<16xf32>,
      tpu.vector_store_idx %arg9[%add3A_7, %add3A_2434], %get3A_2438 : memref<32x131xf32, #tpu.memory_space<vmem>>[vector<16xi32>, vector<16xi32>], vector<16xf32>,
      %get3A_2439 = arith.constant 67 : i32
      %get3A_2440 = arith.index_cast %get3A_2439 : i32 to index
      %get3A_2441 = arith.constant 16 : index
      %get3A_2442 = tpu.vector_load %arg7[%get3A_2440, %get3A_2441] {strides = array<i32>} : memref<128x32xf32, #tpu.memory_space<vmem>>, vector<16xf32>,
      tpu.vector_store_idx %arg9[%add3A_10, %add3A_2434], %get3A_2442 : memref<32x131xf32, #tpu.memory_space<vmem>>[vector<16xi32>, vector<16xi32>], vector<16xf32>,
      %add3A_2443 = arith.constant 68 : i32
      %add3A_2444 = vector.broadcast %add3A_2443 : i32 to vector<16xi32>
      %add3A_2445 = arith.addi %broadcast_in_dim3A_11, %add3A_2444 : vector<16xi32>
      %get3A_2446 = arith.constant 68 : i32
      %get3A_2447 = arith.index_cast %get3A_2446 : i32 to index
      %get3A_2448 = arith.constant 0 : index
      %get3A_2449 = tpu.vector_load %arg7[%get3A_2447, %get3A_2448] {strides = array<i32>} : memref<128x32xf32, #tpu.memory_space<vmem>>, vector<16xf32>,
      tpu.vector_store_idx %arg9[%add3A_7, %add3A_2445], %get3A_2449 : memref<32x131xf32, #tpu.memory_space<vmem>>[vector<16xi32>, vector<16xi32>], vector<16xf32>,
      %get3A_2450 = arith.constant 68 : i32
      %get3A_2451 = arith.index_cast %get3A_2450 : i32 to index
      %get3A_2452 = arith.constant 16 : index
      %get3A_2453 = tpu.vector_load %arg7[%get3A_2451, %get3A_2452] {strides = array<i32>} : memref<128x32xf32, #tpu.memory_space<vmem>>, vector<16xf32>,
      tpu.vector_store_idx %arg9[%add3A_10, %add3A_2445], %get3A_2453 : memref<32x131xf32, #tpu.memory_space<vmem>>[vector<16xi32>, vector<16xi32>], vector<16xf32>,
      %add3A_2454 = arith.constant 69 : i32
      %add3A_2455 = vector.broadcast %add3A_2454 : i32 to vector<16xi32>
      %add3A_2456 = arith.addi %broadcast_in_dim3A_11, %add3A_2455 : vector<16xi32>
      %get3A_2457 = arith.constant 69 : i32
      %get3A_2458 = arith.index_cast %get3A_2457 : i32 to index
      %get3A_2459 = arith.constant 0 : index
      %get3A_2460 = tpu.vector_load %arg7[%get3A_2458, %get3A_2459] {strides = array<i32>} : memref<128x32xf32, #tpu.memory_space<vmem>>, vector<16xf32>,
      tpu.vector_store_idx %arg9[%add3A_7, %add3A_2456], %get3A_2460 : memref<32x131xf32, #tpu.memory_space<vmem>>[vector<16xi32>, vector<16xi32>], vector<16xf32>,
      %get3A_2461 = arith.constant 69 : i32
      %get3A_2462 = arith.index_cast %get3A_2461 : i32 to index
      %get3A_2463 = arith.constant 16 : index
      %get3A_2464 = tpu.vector_load %arg7[%get3A_2462, %get3A_2463] {strides = array<i32>} : memref<128x32xf32, #tpu.memory_space<vmem>>, vector<16xf32>,
      tpu.vector_store_idx %arg9[%add3A_10, %add3A_2456], %get3A_2464 : memref<32x131xf32, #tpu.memory_space<vmem>>[vector<16xi32>, vector<16xi32>], vector<16xf32>,
      %add3A_2465 = arith.constant 70 : i32
      %add3A_2466 = vector.broadcast %add3A_2465 : i32 to vector<16xi32>
      %add3A_2467 = arith.addi %broadcast_in_dim3A_11, %add3A_2466 : vector<16xi32>
      %get3A_2468 = arith.constant 70 : i32
      %get3A_2469 = arith.index_cast %get3A_2468 : i32 to index
      %get3A_2470 = arith.constant 0 : index
      %get3A_2471 = tpu.vector_load %arg7[%get3A_2469, %get3A_2470] {strides = array<i32>} : memref<128x32xf32, #tpu.memory_space<vmem>>, vector<16xf32>,
      tpu.vector_store_idx %arg9[%add3A_7, %add3A_2467], %get3A_2471 : memref<32x131xf32, #tpu.memory_space<vmem>>[vector<16xi32>, vector<16xi32>], vector<16xf32>,
      %get3A_2472 = arith.constant 70 : i32
      %get3A_2473 = arith.index_cast %get3A_2472 : i32 to index
      %get3A_2474 = arith.constant 16 : index
      %get3A_2475 = tpu.vector_load %arg7[%get3A_2473, %get3A_2474] {strides = array<i32>} : memref<128x32xf32, #tpu.memory_space<vmem>>, vector<16xf32>,
      tpu.vector_store_idx %arg9[%add3A_10, %add3A_2467], %get3A_2475 : memref<32x131xf32, #tpu.memory_space<vmem>>[vector<16xi32>, vector<16xi32>], vector<16xf32>,
      %add3A_2476 = arith.constant 71 : i32
      %add3A_2477 = vector.broadcast %add3A_2476 : i32 to vector<16xi32>
      %add3A_2478 = arith.addi %broadcast_in_dim3A_11, %add3A_2477 : vector<16xi32>
      %get3A_2479 = arith.constant 71 : i32
      %get3A_2480 = arith.index_cast %get3A_2479 : i32 to index
      %get3A_2481 = arith.constant 0 : index
      %get3A_2482 = tpu.vector_load %arg7[%get3A_2480, %get3A_2481] {strides = array<i32>} : memref<128x32xf32, #tpu.memory_space<vmem>>, vector<16xf32>,
      tpu.vector_store_idx %arg9[%add3A_7, %add3A_2478], %get3A_2482 : memref<32x131xf32, #tpu.memory_space<vmem>>[vector<16xi32>, vector<16xi32>], vector<16xf32>,
      %get3A_2483 = arith.constant 71 : i32
      %get3A_2484 = arith.index_cast %get3A_2483 : i32 to index
      %get3A_2485 = arith.constant 16 : index
      %get3A_2486 = tpu.vector_load %arg7[%get3A_2484, %get3A_2485] {strides = array<i32>} : memref<128x32xf32, #tpu.memory_space<vmem>>, vector<16xf32>,
      tpu.vector_store_idx %arg9[%add3A_10, %add3A_2478], %get3A_2486 : memref<32x131xf32, #tpu.memory_space<vmem>>[vector<16xi32>, vector<16xi32>], vector<16xf32>,
      %add3A_2487 = arith.constant 72 : i32
      %add3A_2488 = vector.broadcast %add3A_2487 : i32 to vector<16xi32>
      %add3A_2489 = arith.addi %broadcast_in_dim3A_11, %add3A_2488 : vector<16xi32>
      %get3A_2490 = arith.constant 72 : i32
      %get3A_2491 = arith.index_cast %get3A_2490 : i32 to index
      %get3A_2492 = arith.constant 0 : index
      %get3A_2493 = tpu.vector_load %arg7[%get3A_2491, %get3A_2492] {strides = array<i32>} : memref<128x32xf32, #tpu.memory_space<vmem>>, vector<16xf32>,
      tpu.vector_store_idx %arg9[%add3A_7, %add3A_2489], %get3A_2493 : memref<32x131xf32, #tpu.memory_space<vmem>>[vector<16xi32>, vector<16xi32>], vector<16xf32>,
      %get3A_2494 = arith.constant 72 : i32
      %get3A_2495 = arith.index_cast %get3A_2494 : i32 to index
      %get3A_2496 = arith.constant 16 : index
      %get3A_2497 = tpu.vector_load %arg7[%get3A_2495, %get3A_2496] {strides = array<i32>} : memref<128x32xf32, #tpu.memory_space<vmem>>, vector<16xf32>,
      tpu.vector_store_idx %arg9[%add3A_10, %add3A_2489], %get3A_2497 : memref<32x131xf32, #tpu.memory_space<vmem>>[vector<16xi32>, vector<16xi32>], vector<16xf32>,
      %add3A_2498 = arith.constant 73 : i32
      %add3A_2499 = vector.broadcast %add3A_2498 : i32 to vector<16xi32>
      %add3A_2500 = arith.addi %broadcast_in_dim3A_11, %add3A_2499 : vector<16xi32>
      %get3A_2501 = arith.constant 73 : i32
      %get3A_2502 = arith.index_cast %get3A_2501 : i32 to index
      %get3A_2503 = arith.constant 0 : index
      %get3A_2504 = tpu.vector_load %arg7[%get3A_2502, %get3A_2503] {strides = array<i32>} : memref<128x32xf32, #tpu.memory_space<vmem>>, vector<16xf32>,
      tpu.vector_store_idx %arg9[%add3A_7, %add3A_2500], %get3A_2504 : memref<32x131xf32, #tpu.memory_space<vmem>>[vector<16xi32>, vector<16xi32>], vector<16xf32>,
      %get3A_2505 = arith.constant 73 : i32
      %get3A_2506 = arith.index_cast %get3A_2505 : i32 to index
      %get3A_2507 = arith.constant 16 : index
      %get3A_2508 = tpu.vector_load %arg7[%get3A_2506, %get3A_2507] {strides = array<i32>} : memref<128x32xf32, #tpu.memory_space<vmem>>, vector<16xf32>,
      tpu.vector_store_idx %arg9[%add3A_10, %add3A_2500], %get3A_2508 : memref<32x131xf32, #tpu.memory_space<vmem>>[vector<16xi32>, vector<16xi32>], vector<16xf32>,
      %add3A_2509 = arith.constant 74 : i32
      %add3A_2510 = vector.broadcast %add3A_2509 : i32 to vector<16xi32>
      %add3A_2511 = arith.addi %broadcast_in_dim3A_11, %add3A_2510 : vector<16xi32>
      %get3A_2512 = arith.constant 74 : i32
      %get3A_2513 = arith.index_cast %get3A_2512 : i32 to index
      %get3A_2514 = arith.constant 0 : index
      %get3A_2515 = tpu.vector_load %arg7[%get3A_2513, %get3A_2514] {strides = array<i32>} : memref<128x32xf32, #tpu.memory_space<vmem>>, vector<16xf32>,
      tpu.vector_store_idx %arg9[%add3A_7, %add3A_2511], %get3A_2515 : memref<32x131xf32, #tpu.memory_space<vmem>>[vector<16xi32>, vector<16xi32>], vector<16xf32>,
      %get3A_2516 = arith.constant 74 : i32
      %get3A_2517 = arith.index_cast %get3A_2516 : i32 to index
      %get3A_2518 = arith.constant 16 : index
      %get3A_2519 = tpu.vector_load %arg7[%get3A_2517, %get3A_2518] {strides = array<i32>} : memref<128x32xf32, #tpu.memory_space<vmem>>, vector<16xf32>,
      tpu.vector_store_idx %arg9[%add3A_10, %add3A_2511], %get3A_2519 : memref<32x131xf32, #tpu.memory_space<vmem>>[vector<16xi32>, vector<16xi32>], vector<16xf32>,
      %add3A_2520 = arith.constant 75 : i32
      %add3A_2521 = vector.broadcast %add3A_2520 : i32 to vector<16xi32>
      %add3A_2522 = arith.addi %broadcast_in_dim3A_11, %add3A_2521 : vector<16xi32>
      %get3A_2523 = arith.constant 75 : i32
      %get3A_2524 = arith.index_cast %get3A_2523 : i32 to index
      %get3A_2525 = arith.constant 0 : index
      %get3A_2526 = tpu.vector_load %arg7[%get3A_2524, %get3A_2525] {strides = array<i32>} : memref<128x32xf32, #tpu.memory_space<vmem>>, vector<16xf32>,
      tpu.vector_store_idx %arg9[%add3A_7, %add3A_2522], %get3A_2526 : memref<32x131xf32, #tpu.memory_space<vmem>>[vector<16xi32>, vector<16xi32>], vector<16xf32>,
      %get3A_2527 = arith.constant 75 : i32
      %get3A_2528 = arith.index_cast %get3A_2527 : i32 to index
      %get3A_2529 = arith.constant 16 : index
      %get3A_2530 = tpu.vector_load %arg7[%get3A_2528, %get3A_2529] {strides = array<i32>} : memref<128x32xf32, #tpu.memory_space<vmem>>, vector<16xf32>,
      tpu.vector_store_idx %arg9[%add3A_10, %add3A_2522], %get3A_2530 : memref<32x131xf32, #tpu.memory_space<vmem>>[vector<16xi32>, vector<16xi32>], vector<16xf32>,
      %add3A_2531 = arith.constant 76 : i32
      %add3A_2532 = vector.broadcast %add3A_2531 : i32 to vector<16xi32>
      %add3A_2533 = arith.addi %broadcast_in_dim3A_11, %add3A_2532 : vector<16xi32>
      %get3A_2534 = arith.constant 76 : i32
      %get3A_2535 = arith.index_cast %get3A_2534 : i32 to index
      %get3A_2536 = arith.constant 0 : index
      %get3A_2537 = tpu.vector_load %arg7[%get3A_2535, %get3A_2536] {strides = array<i32>} : memref<128x32xf32, #tpu.memory_space<vmem>>, vector<16xf32>,
      tpu.vector_store_idx %arg9[%add3A_7, %add3A_2533], %get3A_2537 : memref<32x131xf32, #tpu.memory_space<vmem>>[vector<16xi32>, vector<16xi32>], vector<16xf32>,
      %get3A_2538 = arith.constant 76 : i32
      %get3A_2539 = arith.index_cast %get3A_2538 : i32 to index
      %get3A_2540 = arith.constant 16 : index
      %get3A_2541 = tpu.vector_load %arg7[%get3A_2539, %get3A_2540] {strides = array<i32>} : memref<128x32xf32, #tpu.memory_space<vmem>>, vector<16xf32>,
      tpu.vector_store_idx %arg9[%add3A_10, %add3A_2533], %get3A_2541 : memref<32x131xf32, #tpu.memory_space<vmem>>[vector<16xi32>, vector<16xi32>], vector<16xf32>,
      %add3A_2542 = arith.constant 77 : i32
      %add3A_2543 = vector.broadcast %add3A_2542 : i32 to vector<16xi32>
      %add3A_2544 = arith.addi %broadcast_in_dim3A_11, %add3A_2543 : vector<16xi32>
      %get3A_2545 = arith.constant 77 : i32
      %get3A_2546 = arith.index_cast %get3A_2545 : i32 to index
      %get3A_2547 = arith.constant 0 : index
      %get3A_2548 = tpu.vector_load %arg7[%get3A_2546, %get3A_2547] {strides = array<i32>} : memref<128x32xf32, #tpu.memory_space<vmem>>, vector<16xf32>,
      tpu.vector_store_idx %arg9[%add3A_7, %add3A_2544], %get3A_2548 : memref<32x131xf32, #tpu.memory_space<vmem>>[vector<16xi32>, vector<16xi32>], vector<16xf32>,
      %get3A_2549 = arith.constant 77 : i32
      %get3A_2550 = arith.index_cast %get3A_2549 : i32 to index
      %get3A_2551 = arith.constant 16 : index
      %get3A_2552 = tpu.vector_load %arg7[%get3A_2550, %get3A_2551] {strides = array<i32>} : memref<128x32xf32, #tpu.memory_space<vmem>>, vector<16xf32>,
      tpu.vector_store_idx %arg9[%add3A_10, %add3A_2544], %get3A_2552 : memref<32x131xf32, #tpu.memory_space<vmem>>[vector<16xi32>, vector<16xi32>], vector<16xf32>,
      %add3A_2553 = arith.constant 78 : i32
      %add3A_2554 = vector.broadcast %add3A_2553 : i32 to vector<16xi32>
      %add3A_2555 = arith.addi %broadcast_in_dim3A_11, %add3A_2554 : vector<16xi32>
      %get3A_2556 = arith.constant 78 : i32
      %get3A_2557 = arith.index_cast %get3A_2556 : i32 to index
      %get3A_2558 = arith.constant 0 : index
      %get3A_2559 = tpu.vector_load %arg7[%get3A_2557, %get3A_2558] {strides = array<i32>} : memref<128x32xf32, #tpu.memory_space<vmem>>, vector<16xf32>,
      tpu.vector_store_idx %arg9[%add3A_7, %add3A_2555], %get3A_2559 : memref<32x131xf32, #tpu.memory_space<vmem>>[vector<16xi32>, vector<16xi32>], vector<16xf32>,
      %get3A_2560 = arith.constant 78 : i32
      %get3A_2561 = arith.index_cast %get3A_2560 : i32 to index
      %get3A_2562 = arith.constant 16 : index
      %get3A_2563 = tpu.vector_load %arg7[%get3A_2561, %get3A_2562] {strides = array<i32>} : memref<128x32xf32, #tpu.memory_space<vmem>>, vector<16xf32>,
      tpu.vector_store_idx %arg9[%add3A_10, %add3A_2555], %get3A_2563 : memref<32x131xf32, #tpu.memory_space<vmem>>[vector<16xi32>, vector<16xi32>], vector<16xf32>,
      %add3A_2564 = arith.constant 79 : i32
      %add3A_2565 = vector.broadcast %add3A_2564 : i32 to vector<16xi32>
      %add3A_2566 = arith.addi %broadcast_in_dim3A_11, %add3A_2565 : vector<16xi32>
      %get3A_2567 = arith.constant 79 : i32
      %get3A_2568 = arith.index_cast %get3A_2567 : i32 to index
      %get3A_2569 = arith.constant 0 : index
      %get3A_2570 = tpu.vector_load %arg7[%get3A_2568, %get3A_2569] {strides = array<i32>} : memref<128x32xf32, #tpu.memory_space<vmem>>, vector<16xf32>,
      tpu.vector_store_idx %arg9[%add3A_7, %add3A_2566], %get3A_2570 : memref<32x131xf32, #tpu.memory_space<vmem>>[vector<16xi32>, vector<16xi32>], vector<16xf32>,
      %get3A_2571 = arith.constant 79 : i32
      %get3A_2572 = arith.index_cast %get3A_2571 : i32 to index
      %get3A_2573 = arith.constant 16 : index
      %get3A_2574 = tpu.vector_load %arg7[%get3A_2572, %get3A_2573] {strides = array<i32>} : memref<128x32xf32, #tpu.memory_space<vmem>>, vector<16xf32>,
      tpu.vector_store_idx %arg9[%add3A_10, %add3A_2566], %get3A_2574 : memref<32x131xf32, #tpu.memory_space<vmem>>[vector<16xi32>, vector<16xi32>], vector<16xf32>,
      %add3A_2575 = arith.constant 80 : i32
      %add3A_2576 = vector.broadcast %add3A_2575 : i32 to vector<16xi32>
      %add3A_2577 = arith.addi %broadcast_in_dim3A_11, %add3A_2576 : vector<16xi32>
      %get3A_2578 = arith.constant 80 : i32
      %get3A_2579 = arith.index_cast %get3A_2578 : i32 to index
      %get3A_2580 = arith.constant 0 : index
      %get3A_2581 = tpu.vector_load %arg7[%get3A_2579, %get3A_2580] {strides = array<i32>} : memref<128x32xf32, #tpu.memory_space<vmem>>, vector<16xf32>,
      tpu.vector_store_idx %arg9[%add3A_7, %add3A_2577], %get3A_2581 : memref<32x131xf32, #tpu.memory_space<vmem>>[vector<16xi32>, vector<16xi32>], vector<16xf32>,
      %get3A_2582 = arith.constant 80 : i32
      %get3A_2583 = arith.index_cast %get3A_2582 : i32 to index
      %get3A_2584 = arith.constant 16 : index
      %get3A_2585 = tpu.vector_load %arg7[%get3A_2583, %get3A_2584] {strides = array<i32>} : memref<128x32xf32, #tpu.memory_space<vmem>>, vector<16xf32>,
      tpu.vector_store_idx %arg9[%add3A_10, %add3A_2577], %get3A_2585 : memref<32x131xf32, #tpu.memory_space<vmem>>[vector<16xi32>, vector<16xi32>], vector<16xf32>,
      %add3A_2586 = arith.constant 81 : i32
      %add3A_2587 = vector.broadcast %add3A_2586 : i32 to vector<16xi32>
      %add3A_2588 = arith.addi %broadcast_in_dim3A_11, %add3A_2587 : vector<16xi32>
      %get3A_2589 = arith.constant 81 : i32
      %get3A_2590 = arith.index_cast %get3A_2589 : i32 to index
      %get3A_2591 = arith.constant 0 : index
      %get3A_2592 = tpu.vector_load %arg7[%get3A_2590, %get3A_2591] {strides = array<i32>} : memref<128x32xf32, #tpu.memory_space<vmem>>, vector<16xf32>,
      tpu.vector_store_idx %arg9[%add3A_7, %add3A_2588], %get3A_2592 : memref<32x131xf32, #tpu.memory_space<vmem>>[vector<16xi32>, vector<16xi32>], vector<16xf32>,
      %get3A_2593 = arith.constant 81 : i32
      %get3A_2594 = arith.index_cast %get3A_2593 : i32 to index
      %get3A_2595 = arith.constant 16 : index
      %get3A_2596 = tpu.vector_load %arg7[%get3A_2594, %get3A_2595] {strides = array<i32>} : memref<128x32xf32, #tpu.memory_space<vmem>>, vector<16xf32>,
      tpu.vector_store_idx %arg9[%add3A_10, %add3A_2588], %get3A_2596 : memref<32x131xf32, #tpu.memory_space<vmem>>[vector<16xi32>, vector<16xi32>], vector<16xf32>,
      %add3A_2597 = arith.constant 82 : i32
      %add3A_2598 = vector.broadcast %add3A_2597 : i32 to vector<16xi32>
      %add3A_2599 = arith.addi %broadcast_in_dim3A_11, %add3A_2598 : vector<16xi32>
      %get3A_2600 = arith.constant 82 : i32
      %get3A_2601 = arith.index_cast %get3A_2600 : i32 to index
      %get3A_2602 = arith.constant 0 : index
      %get3A_2603 = tpu.vector_load %arg7[%get3A_2601, %get3A_2602] {strides = array<i32>} : memref<128x32xf32, #tpu.memory_space<vmem>>, vector<16xf32>,
      tpu.vector_store_idx %arg9[%add3A_7, %add3A_2599], %get3A_2603 : memref<32x131xf32, #tpu.memory_space<vmem>>[vector<16xi32>, vector<16xi32>], vector<16xf32>,
      %get3A_2604 = arith.constant 82 : i32
      %get3A_2605 = arith.index_cast %get3A_2604 : i32 to index
      %get3A_2606 = arith.constant 16 : index
      %get3A_2607 = tpu.vector_load %arg7[%get3A_2605, %get3A_2606] {strides = array<i32>} : memref<128x32xf32, #tpu.memory_space<vmem>>, vector<16xf32>,
      tpu.vector_store_idx %arg9[%add3A_10, %add3A_2599], %get3A_2607 : memref<32x131xf32, #tpu.memory_space<vmem>>[vector<16xi32>, vector<16xi32>], vector<16xf32>,
      %add3A_2608 = arith.constant 83 : i32
      %add3A_2609 = vector.broadcast %add3A_2608 : i32 to vector<16xi32>
      %add3A_2610 = arith.addi %broadcast_in_dim3A_11, %add3A_2609 : vector<16xi32>
      %get3A_2611 = arith.constant 83 : i32
      %get3A_2612 = arith.index_cast %get3A_2611 : i32 to index
      %get3A_2613 = arith.constant 0 : index
      %get3A_2614 = tpu.vector_load %arg7[%get3A_2612, %get3A_2613] {strides = array<i32>} : memref<128x32xf32, #tpu.memory_space<vmem>>, vector<16xf32>,
      tpu.vector_store_idx %arg9[%add3A_7, %add3A_2610], %get3A_2614 : memref<32x131xf32, #tpu.memory_space<vmem>>[vector<16xi32>, vector<16xi32>], vector<16xf32>,
      %get3A_2615 = arith.constant 83 : i32
      %get3A_2616 = arith.index_cast %get3A_2615 : i32 to index
      %get3A_2617 = arith.constant 16 : index
      %get3A_2618 = tpu.vector_load %arg7[%get3A_2616, %get3A_2617] {strides = array<i32>} : memref<128x32xf32, #tpu.memory_space<vmem>>, vector<16xf32>,
      tpu.vector_store_idx %arg9[%add3A_10, %add3A_2610], %get3A_2618 : memref<32x131xf32, #tpu.memory_space<vmem>>[vector<16xi32>, vector<16xi32>], vector<16xf32>,
      %add3A_2619 = arith.constant 84 : i32
      %add3A_2620 = vector.broadcast %add3A_2619 : i32 to vector<16xi32>
      %add3A_2621 = arith.addi %broadcast_in_dim3A_11, %add3A_2620 : vector<16xi32>
      %get3A_2622 = arith.constant 84 : i32
      %get3A_2623 = arith.index_cast %get3A_2622 : i32 to index
      %get3A_2624 = arith.constant 0 : index
      %get3A_2625 = tpu.vector_load %arg7[%get3A_2623, %get3A_2624] {strides = array<i32>} : memref<128x32xf32, #tpu.memory_space<vmem>>, vector<16xf32>,
      tpu.vector_store_idx %arg9[%add3A_7, %add3A_2621], %get3A_2625 : memref<32x131xf32, #tpu.memory_space<vmem>>[vector<16xi32>, vector<16xi32>], vector<16xf32>,
      %get3A_2626 = arith.constant 84 : i32
      %get3A_2627 = arith.index_cast %get3A_2626 : i32 to index
      %get3A_2628 = arith.constant 16 : index
      %get3A_2629 = tpu.vector_load %arg7[%get3A_2627, %get3A_2628] {strides = array<i32>} : memref<128x32xf32, #tpu.memory_space<vmem>>, vector<16xf32>,
      tpu.vector_store_idx %arg9[%add3A_10, %add3A_2621], %get3A_2629 : memref<32x131xf32, #tpu.memory_space<vmem>>[vector<16xi32>, vector<16xi32>], vector<16xf32>,
      %add3A_2630 = arith.constant 85 : i32
      %add3A_2631 = vector.broadcast %add3A_2630 : i32 to vector<16xi32>
      %add3A_2632 = arith.addi %broadcast_in_dim3A_11, %add3A_2631 : vector<16xi32>
      %get3A_2633 = arith.constant 85 : i32
      %get3A_2634 = arith.index_cast %get3A_2633 : i32 to index
      %get3A_2635 = arith.constant 0 : index
      %get3A_2636 = tpu.vector_load %arg7[%get3A_2634, %get3A_2635] {strides = array<i32>} : memref<128x32xf32, #tpu.memory_space<vmem>>, vector<16xf32>,
      tpu.vector_store_idx %arg9[%add3A_7, %add3A_2632], %get3A_2636 : memref<32x131xf32, #tpu.memory_space<vmem>>[vector<16xi32>, vector<16xi32>], vector<16xf32>,
      %get3A_2637 = arith.constant 85 : i32
      %get3A_2638 = arith.index_cast %get3A_2637 : i32 to index
      %get3A_2639 = arith.constant 16 : index
      %get3A_2640 = tpu.vector_load %arg7[%get3A_2638, %get3A_2639] {strides = array<i32>} : memref<128x32xf32, #tpu.memory_space<vmem>>, vector<16xf32>,
      tpu.vector_store_idx %arg9[%add3A_10, %add3A_2632], %get3A_2640 : memref<32x131xf32, #tpu.memory_space<vmem>>[vector<16xi32>, vector<16xi32>], vector<16xf32>,
      %add3A_2641 = arith.constant 86 : i32
      %add3A_2642 = vector.broadcast %add3A_2641 : i32 to vector<16xi32>
      %add3A_2643 = arith.addi %broadcast_in_dim3A_11, %add3A_2642 : vector<16xi32>
      %get3A_2644 = arith.constant 86 : i32
      %get3A_2645 = arith.index_cast %get3A_2644 : i32 to index
      %get3A_2646 = arith.constant 0 : index
      %get3A_2647 = tpu.vector_load %arg7[%get3A_2645, %get3A_2646] {strides = array<i32>} : memref<128x32xf32, #tpu.memory_space<vmem>>, vector<16xf32>,
      tpu.vector_store_idx %arg9[%add3A_7, %add3A_2643], %get3A_2647 : memref<32x131xf32, #tpu.memory_space<vmem>>[vector<16xi32>, vector<16xi32>], vector<16xf32>,
      %get3A_2648 = arith.constant 86 : i32
      %get3A_2649 = arith.index_cast %get3A_2648 : i32 to index
      %get3A_2650 = arith.constant 16 : index
      %get3A_2651 = tpu.vector_load %arg7[%get3A_2649, %get3A_2650] {strides = array<i32>} : memref<128x32xf32, #tpu.memory_space<vmem>>, vector<16xf32>,
      tpu.vector_store_idx %arg9[%add3A_10, %add3A_2643], %get3A_2651 : memref<32x131xf32, #tpu.memory_space<vmem>>[vector<16xi32>, vector<16xi32>], vector<16xf32>,
      %add3A_2652 = arith.constant 87 : i32
      %add3A_2653 = vector.broadcast %add3A_2652 : i32 to vector<16xi32>
      %add3A_2654 = arith.addi %broadcast_in_dim3A_11, %add3A_2653 : vector<16xi32>
      %get3A_2655 = arith.constant 87 : i32
      %get3A_2656 = arith.index_cast %get3A_2655 : i32 to index
      %get3A_2657 = arith.constant 0 : index
      %get3A_2658 = tpu.vector_load %arg7[%get3A_2656, %get3A_2657] {strides = array<i32>} : memref<128x32xf32, #tpu.memory_space<vmem>>, vector<16xf32>,
      tpu.vector_store_idx %arg9[%add3A_7, %add3A_2654], %get3A_2658 : memref<32x131xf32, #tpu.memory_space<vmem>>[vector<16xi32>, vector<16xi32>], vector<16xf32>,
      %get3A_2659 = arith.constant 87 : i32
      %get3A_2660 = arith.index_cast %get3A_2659 : i32 to index
      %get3A_2661 = arith.constant 16 : index
      %get3A_2662 = tpu.vector_load %arg7[%get3A_2660, %get3A_2661] {strides = array<i32>} : memref<128x32xf32, #tpu.memory_space<vmem>>, vector<16xf32>,
      tpu.vector_store_idx %arg9[%add3A_10, %add3A_2654], %get3A_2662 : memref<32x131xf32, #tpu.memory_space<vmem>>[vector<16xi32>, vector<16xi32>], vector<16xf32>,
      %add3A_2663 = arith.constant 88 : i32
      %add3A_2664 = vector.broadcast %add3A_2663 : i32 to vector<16xi32>
      %add3A_2665 = arith.addi %broadcast_in_dim3A_11, %add3A_2664 : vector<16xi32>
      %get3A_2666 = arith.constant 88 : i32
      %get3A_2667 = arith.index_cast %get3A_2666 : i32 to index
      %get3A_2668 = arith.constant 0 : index
      %get3A_2669 = tpu.vector_load %arg7[%get3A_2667, %get3A_2668] {strides = array<i32>} : memref<128x32xf32, #tpu.memory_space<vmem>>, vector<16xf32>,
      tpu.vector_store_idx %arg9[%add3A_7, %add3A_2665], %get3A_2669 : memref<32x131xf32, #tpu.memory_space<vmem>>[vector<16xi32>, vector<16xi32>], vector<16xf32>,
      %get3A_2670 = arith.constant 88 : i32
      %get3A_2671 = arith.index_cast %get3A_2670 : i32 to index
      %get3A_2672 = arith.constant 16 : index
      %get3A_2673 = tpu.vector_load %arg7[%get3A_2671, %get3A_2672] {strides = array<i32>} : memref<128x32xf32, #tpu.memory_space<vmem>>, vector<16xf32>,
      tpu.vector_store_idx %arg9[%add3A_10, %add3A_2665], %get3A_2673 : memref<32x131xf32, #tpu.memory_space<vmem>>[vector<16xi32>, vector<16xi32>], vector<16xf32>,
      %add3A_2674 = arith.constant 89 : i32
      %add3A_2675 = vector.broadcast %add3A_2674 : i32 to vector<16xi32>
      %add3A_2676 = arith.addi %broadcast_in_dim3A_11, %add3A_2675 : vector<16xi32>
      %get3A_2677 = arith.constant 89 : i32
      %get3A_2678 = arith.index_cast %get3A_2677 : i32 to index
      %get3A_2679 = arith.constant 0 : index
      %get3A_2680 = tpu.vector_load %arg7[%get3A_2678, %get3A_2679] {strides = array<i32>} : memref<128x32xf32, #tpu.memory_space<vmem>>, vector<16xf32>,
      tpu.vector_store_idx %arg9[%add3A_7, %add3A_2676], %get3A_2680 : memref<32x131xf32, #tpu.memory_space<vmem>>[vector<16xi32>, vector<16xi32>], vector<16xf32>,
      %get3A_2681 = arith.constant 89 : i32
      %get3A_2682 = arith.index_cast %get3A_2681 : i32 to index
      %get3A_2683 = arith.constant 16 : index
      %get3A_2684 = tpu.vector_load %arg7[%get3A_2682, %get3A_2683] {strides = array<i32>} : memref<128x32xf32, #tpu.memory_space<vmem>>, vector<16xf32>,
      tpu.vector_store_idx %arg9[%add3A_10, %add3A_2676], %get3A_2684 : memref<32x131xf32, #tpu.memory_space<vmem>>[vector<16xi32>, vector<16xi32>], vector<16xf32>,
      %add3A_2685 = arith.constant 90 : i32
      %add3A_2686 = vector.broadcast %add3A_2685 : i32 to vector<16xi32>
      %add3A_2687 = arith.addi %broadcast_in_dim3A_11, %add3A_2686 : vector<16xi32>
      %get3A_2688 = arith.constant 90 : i32
      %get3A_2689 = arith.index_cast %get3A_2688 : i32 to index
      %get3A_2690 = arith.constant 0 : index
      %get3A_2691 = tpu.vector_load %arg7[%get3A_2689, %get3A_2690] {strides = array<i32>} : memref<128x32xf32, #tpu.memory_space<vmem>>, vector<16xf32>,
      tpu.vector_store_idx %arg9[%add3A_7, %add3A_2687], %get3A_2691 : memref<32x131xf32, #tpu.memory_space<vmem>>[vector<16xi32>, vector<16xi32>], vector<16xf32>,
      %get3A_2692 = arith.constant 90 : i32
      %get3A_2693 = arith.index_cast %get3A_2692 : i32 to index
      %get3A_2694 = arith.constant 16 : index
      %get3A_2695 = tpu.vector_load %arg7[%get3A_2693, %get3A_2694] {strides = array<i32>} : memref<128x32xf32, #tpu.memory_space<vmem>>, vector<16xf32>,
      tpu.vector_store_idx %arg9[%add3A_10, %add3A_2687], %get3A_2695 : memref<32x131xf32, #tpu.memory_space<vmem>>[vector<16xi32>, vector<16xi32>], vector<16xf32>,
      %add3A_2696 = arith.constant 91 : i32
      %add3A_2697 = vector.broadcast %add3A_2696 : i32 to vector<16xi32>
      %add3A_2698 = arith.addi %broadcast_in_dim3A_11, %add3A_2697 : vector<16xi32>
      %get3A_2699 = arith.constant 91 : i32
      %get3A_2700 = arith.index_cast %get3A_2699 : i32 to index
      %get3A_2701 = arith.constant 0 : index
      %get3A_2702 = tpu.vector_load %arg7[%get3A_2700, %get3A_2701] {strides = array<i32>} : memref<128x32xf32, #tpu.memory_space<vmem>>, vector<16xf32>,
      tpu.vector_store_idx %arg9[%add3A_7, %add3A_2698], %get3A_2702 : memref<32x131xf32, #tpu.memory_space<vmem>>[vector<16xi32>, vector<16xi32>], vector<16xf32>,
      %get3A_2703 = arith.constant 91 : i32
      %get3A_2704 = arith.index_cast %get3A_2703 : i32 to index
      %get3A_2705 = arith.constant 16 : index
      %get3A_2706 = tpu.vector_load %arg7[%get3A_2704, %get3A_2705] {strides = array<i32>} : memref<128x32xf32, #tpu.memory_space<vmem>>, vector<16xf32>,
      tpu.vector_store_idx %arg9[%add3A_10, %add3A_2698], %get3A_2706 : memref<32x131xf32, #tpu.memory_space<vmem>>[vector<16xi32>, vector<16xi32>], vector<16xf32>,
      %add3A_2707 = arith.constant 92 : i32
      %add3A_2708 = vector.broadcast %add3A_2707 : i32 to vector<16xi32>
      %add3A_2709 = arith.addi %broadcast_in_dim3A_11, %add3A_2708 : vector<16xi32>
      %get3A_2710 = arith.constant 92 : i32
      %get3A_2711 = arith.index_cast %get3A_2710 : i32 to index
      %get3A_2712 = arith.constant 0 : index
      %get3A_2713 = tpu.vector_load %arg7[%get3A_2711, %get3A_2712] {strides = array<i32>} : memref<128x32xf32, #tpu.memory_space<vmem>>, vector<16xf32>,
      tpu.vector_store_idx %arg9[%add3A_7, %add3A_2709], %get3A_2713 : memref<32x131xf32, #tpu.memory_space<vmem>>[vector<16xi32>, vector<16xi32>], vector<16xf32>,
      %get3A_2714 = arith.constant 92 : i32
      %get3A_2715 = arith.index_cast %get3A_2714 : i32 to index
      %get3A_2716 = arith.constant 16 : index
      %get3A_2717 = tpu.vector_load %arg7[%get3A_2715, %get3A_2716] {strides = array<i32>} : memref<128x32xf32, #tpu.memory_space<vmem>>, vector<16xf32>,
      tpu.vector_store_idx %arg9[%add3A_10, %add3A_2709], %get3A_2717 : memref<32x131xf32, #tpu.memory_space<vmem>>[vector<16xi32>, vector<16xi32>], vector<16xf32>,
      %add3A_2718 = arith.constant 93 : i32
      %add3A_2719 = vector.broadcast %add3A_2718 : i32 to vector<16xi32>
      %add3A_2720 = arith.addi %broadcast_in_dim3A_11, %add3A_2719 : vector<16xi32>
      %get3A_2721 = arith.constant 93 : i32
      %get3A_2722 = arith.index_cast %get3A_2721 : i32 to index
      %get3A_2723 = arith.constant 0 : index
      %get3A_2724 = tpu.vector_load %arg7[%get3A_2722, %get3A_2723] {strides = array<i32>} : memref<128x32xf32, #tpu.memory_space<vmem>>, vector<16xf32>,
      tpu.vector_store_idx %arg9[%add3A_7, %add3A_2720], %get3A_2724 : memref<32x131xf32, #tpu.memory_space<vmem>>[vector<16xi32>, vector<16xi32>], vector<16xf32>,
      %get3A_2725 = arith.constant 93 : i32
      %get3A_2726 = arith.index_cast %get3A_2725 : i32 to index
      %get3A_2727 = arith.constant 16 : index
      %get3A_2728 = tpu.vector_load %arg7[%get3A_2726, %get3A_2727] {strides = array<i32>} : memref<128x32xf32, #tpu.memory_space<vmem>>, vector<16xf32>,
      tpu.vector_store_idx %arg9[%add3A_10, %add3A_2720], %get3A_2728 : memref<32x131xf32, #tpu.memory_space<vmem>>[vector<16xi32>, vector<16xi32>], vector<16xf32>,
      %add3A_2729 = arith.constant 94 : i32
      %add3A_2730 = vector.broadcast %add3A_2729 : i32 to vector<16xi32>
      %add3A_2731 = arith.addi %broadcast_in_dim3A_11, %add3A_2730 : vector<16xi32>
      %get3A_2732 = arith.constant 94 : i32
      %get3A_2733 = arith.index_cast %get3A_2732 : i32 to index
      %get3A_2734 = arith.constant 0 : index
      %get3A_2735 = tpu.vector_load %arg7[%get3A_2733, %get3A_2734] {strides = array<i32>} : memref<128x32xf32, #tpu.memory_space<vmem>>, vector<16xf32>,
      tpu.vector_store_idx %arg9[%add3A_7, %add3A_2731], %get3A_2735 : memref<32x131xf32, #tpu.memory_space<vmem>>[vector<16xi32>, vector<16xi32>], vector<16xf32>,
      %get3A_2736 = arith.constant 94 : i32
      %get3A_2737 = arith.index_cast %get3A_2736 : i32 to index
      %get3A_2738 = arith.constant 16 : index
      %get3A_2739 = tpu.vector_load %arg7[%get3A_2737, %get3A_2738] {strides = array<i32>} : memref<128x32xf32, #tpu.memory_space<vmem>>, vector<16xf32>,
      tpu.vector_store_idx %arg9[%add3A_10, %add3A_2731], %get3A_2739 : memref<32x131xf32, #tpu.memory_space<vmem>>[vector<16xi32>, vector<16xi32>], vector<16xf32>,
      %add3A_2740 = arith.constant 95 : i32
      %add3A_2741 = vector.broadcast %add3A_2740 : i32 to vector<16xi32>
      %add3A_2742 = arith.addi %broadcast_in_dim3A_11, %add3A_2741 : vector<16xi32>
      %get3A_2743 = arith.constant 95 : i32
      %get3A_2744 = arith.index_cast %get3A_2743 : i32 to index
      %get3A_2745 = arith.constant 0 : index
      %get3A_2746 = tpu.vector_load %arg7[%get3A_2744, %get3A_2745] {strides = array<i32>} : memref<128x32xf32, #tpu.memory_space<vmem>>, vector<16xf32>,
      tpu.vector_store_idx %arg9[%add3A_7, %add3A_2742], %get3A_2746 : memref<32x131xf32, #tpu.memory_space<vmem>>[vector<16xi32>, vector<16xi32>], vector<16xf32>,
      %get3A_2747 = arith.constant 95 : i32
      %get3A_2748 = arith.index_cast %get3A_2747 : i32 to index
      %get3A_2749 = arith.constant 16 : index
      %get3A_2750 = tpu.vector_load %arg7[%get3A_2748, %get3A_2749] {strides = array<i32>} : memref<128x32xf32, #tpu.memory_space<vmem>>, vector<16xf32>,
      tpu.vector_store_idx %arg9[%add3A_10, %add3A_2742], %get3A_2750 : memref<32x131xf32, #tpu.memory_space<vmem>>[vector<16xi32>, vector<16xi32>], vector<16xf32>,
      %add3A_2751 = arith.constant 96 : i32
      %add3A_2752 = vector.broadcast %add3A_2751 : i32 to vector<16xi32>
      %add3A_2753 = arith.addi %broadcast_in_dim3A_11, %add3A_2752 : vector<16xi32>
      %get3A_2754 = arith.constant 96 : i32
      %get3A_2755 = arith.index_cast %get3A_2754 : i32 to index
      %get3A_2756 = arith.constant 0 : index
      %get3A_2757 = tpu.vector_load %arg7[%get3A_2755, %get3A_2756] {strides = array<i32>} : memref<128x32xf32, #tpu.memory_space<vmem>>, vector<16xf32>,
      tpu.vector_store_idx %arg9[%add3A_7, %add3A_2753], %get3A_2757 : memref<32x131xf32, #tpu.memory_space<vmem>>[vector<16xi32>, vector<16xi32>], vector<16xf32>,
      %get3A_2758 = arith.constant 96 : i32
      %get3A_2759 = arith.index_cast %get3A_2758 : i32 to index
      %get3A_2760 = arith.constant 16 : index
      %get3A_2761 = tpu.vector_load %arg7[%get3A_2759, %get3A_2760] {strides = array<i32>} : memref<128x32xf32, #tpu.memory_space<vmem>>, vector<16xf32>,
      tpu.vector_store_idx %arg9[%add3A_10, %add3A_2753], %get3A_2761 : memref<32x131xf32, #tpu.memory_space<vmem>>[vector<16xi32>, vector<16xi32>], vector<16xf32>,
      %add3A_2762 = arith.constant 97 : i32
      %add3A_2763 = vector.broadcast %add3A_2762 : i32 to vector<16xi32>
      %add3A_2764 = arith.addi %broadcast_in_dim3A_11, %add3A_2763 : vector<16xi32>
      %get3A_2765 = arith.constant 97 : i32
      %get3A_2766 = arith.index_cast %get3A_2765 : i32 to index
      %get3A_2767 = arith.constant 0 : index
      %get3A_2768 = tpu.vector_load %arg7[%get3A_2766, %get3A_2767] {strides = array<i32>} : memref<128x32xf32, #tpu.memory_space<vmem>>, vector<16xf32>,
      tpu.vector_store_idx %arg9[%add3A_7, %add3A_2764], %get3A_2768 : memref<32x131xf32, #tpu.memory_space<vmem>>[vector<16xi32>, vector<16xi32>], vector<16xf32>,
      %get3A_2769 = arith.constant 97 : i32
      %get3A_2770 = arith.index_cast %get3A_2769 : i32 to index
      %get3A_2771 = arith.constant 16 : index
      %get3A_2772 = tpu.vector_load %arg7[%get3A_2770, %get3A_2771] {strides = array<i32>} : memref<128x32xf32, #tpu.memory_space<vmem>>, vector<16xf32>,
      tpu.vector_store_idx %arg9[%add3A_10, %add3A_2764], %get3A_2772 : memref<32x131xf32, #tpu.memory_space<vmem>>[vector<16xi32>, vector<16xi32>], vector<16xf32>,
      %add3A_2773 = arith.constant 98 : i32
      %add3A_2774 = vector.broadcast %add3A_2773 : i32 to vector<16xi32>
      %add3A_2775 = arith.addi %broadcast_in_dim3A_11, %add3A_2774 : vector<16xi32>
      %get3A_2776 = arith.constant 98 : i32
      %get3A_2777 = arith.index_cast %get3A_2776 : i32 to index
      %get3A_2778 = arith.constant 0 : index
      %get3A_2779 = tpu.vector_load %arg7[%get3A_2777, %get3A_2778] {strides = array<i32>} : memref<128x32xf32, #tpu.memory_space<vmem>>, vector<16xf32>,
      tpu.vector_store_idx %arg9[%add3A_7, %add3A_2775], %get3A_2779 : memref<32x131xf32, #tpu.memory_space<vmem>>[vector<16xi32>, vector<16xi32>], vector<16xf32>,
      %get3A_2780 = arith.constant 98 : i32
      %get3A_2781 = arith.index_cast %get3A_2780 : i32 to index
      %get3A_2782 = arith.constant 16 : index
      %get3A_2783 = tpu.vector_load %arg7[%get3A_2781, %get3A_2782] {strides = array<i32>} : memref<128x32xf32, #tpu.memory_space<vmem>>, vector<16xf32>,
      tpu.vector_store_idx %arg9[%add3A_10, %add3A_2775], %get3A_2783 : memref<32x131xf32, #tpu.memory_space<vmem>>[vector<16xi32>, vector<16xi32>], vector<16xf32>,
      %add3A_2784 = arith.constant 99 : i32
      %add3A_2785 = vector.broadcast %add3A_2784 : i32 to vector<16xi32>
      %add3A_2786 = arith.addi %broadcast_in_dim3A_11, %add3A_2785 : vector<16xi32>
      %get3A_2787 = arith.constant 99 : i32
      %get3A_2788 = arith.index_cast %get3A_2787 : i32 to index
      %get3A_2789 = arith.constant 0 : index
      %get3A_2790 = tpu.vector_load %arg7[%get3A_2788, %get3A_2789] {strides = array<i32>} : memref<128x32xf32, #tpu.memory_space<vmem>>, vector<16xf32>,
      tpu.vector_store_idx %arg9[%add3A_7, %add3A_2786], %get3A_2790 : memref<32x131xf32, #tpu.memory_space<vmem>>[vector<16xi32>, vector<16xi32>], vector<16xf32>,
      %get3A_2791 = arith.constant 99 : i32
      %get3A_2792 = arith.index_cast %get3A_2791 : i32 to index
      %get3A_2793 = arith.constant 16 : index
      %get3A_2794 = tpu.vector_load %arg7[%get3A_2792, %get3A_2793] {strides = array<i32>} : memref<128x32xf32, #tpu.memory_space<vmem>>, vector<16xf32>,
      tpu.vector_store_idx %arg9[%add3A_10, %add3A_2786], %get3A_2794 : memref<32x131xf32, #tpu.memory_space<vmem>>[vector<16xi32>, vector<16xi32>], vector<16xf32>,
      %add3A_2795 = arith.constant 100 : i32
      %add3A_2796 = vector.broadcast %add3A_2795 : i32 to vector<16xi32>
      %add3A_2797 = arith.addi %broadcast_in_dim3A_11, %add3A_2796 : vector<16xi32>
      %get3A_2798 = arith.constant 100 : i32
      %get3A_2799 = arith.index_cast %get3A_2798 : i32 to index
      %get3A_2800 = arith.constant 0 : index
      %get3A_2801 = tpu.vector_load %arg7[%get3A_2799, %get3A_2800] {strides = array<i32>} : memref<128x32xf32, #tpu.memory_space<vmem>>, vector<16xf32>,
      tpu.vector_store_idx %arg9[%add3A_7, %add3A_2797], %get3A_2801 : memref<32x131xf32, #tpu.memory_space<vmem>>[vector<16xi32>, vector<16xi32>], vector<16xf32>,
      %get3A_2802 = arith.constant 100 : i32
      %get3A_2803 = arith.index_cast %get3A_2802 : i32 to index
      %get3A_2804 = arith.constant 16 : index
      %get3A_2805 = tpu.vector_load %arg7[%get3A_2803, %get3A_2804] {strides = array<i32>} : memref<128x32xf32, #tpu.memory_space<vmem>>, vector<16xf32>,
      tpu.vector_store_idx %arg9[%add3A_10, %add3A_2797], %get3A_2805 : memref<32x131xf32, #tpu.memory_space<vmem>>[vector<16xi32>, vector<16xi32>], vector<16xf32>,
      %add3A_2806 = arith.constant 101 : i32
      %add3A_2807 = vector.broadcast %add3A_2806 : i32 to vector<16xi32>
      %add3A_2808 = arith.addi %broadcast_in_dim3A_11, %add3A_2807 : vector<16xi32>
      %get3A_2809 = arith.constant 101 : i32
      %get3A_2810 = arith.index_cast %get3A_2809 : i32 to index
      %get3A_2811 = arith.constant 0 : index
      %get3A_2812 = tpu.vector_load %arg7[%get3A_2810, %get3A_2811] {strides = array<i32>} : memref<128x32xf32, #tpu.memory_space<vmem>>, vector<16xf32>,
      tpu.vector_store_idx %arg9[%add3A_7, %add3A_2808], %get3A_2812 : memref<32x131xf32, #tpu.memory_space<vmem>>[vector<16xi32>, vector<16xi32>], vector<16xf32>,
      %get3A_2813 = arith.constant 101 : i32
      %get3A_2814 = arith.index_cast %get3A_2813 : i32 to index
      %get3A_2815 = arith.constant 16 : index
      %get3A_2816 = tpu.vector_load %arg7[%get3A_2814, %get3A_2815] {strides = array<i32>} : memref<128x32xf32, #tpu.memory_space<vmem>>, vector<16xf32>,
      tpu.vector_store_idx %arg9[%add3A_10, %add3A_2808], %get3A_2816 : memref<32x131xf32, #tpu.memory_space<vmem>>[vector<16xi32>, vector<16xi32>], vector<16xf32>,
      %add3A_2817 = arith.constant 102 : i32
      %add3A_2818 = vector.broadcast %add3A_2817 : i32 to vector<16xi32>
      %add3A_2819 = arith.addi %broadcast_in_dim3A_11, %add3A_2818 : vector<16xi32>
      %get3A_2820 = arith.constant 102 : i32
      %get3A_2821 = arith.index_cast %get3A_2820 : i32 to index
      %get3A_2822 = arith.constant 0 : index
      %get3A_2823 = tpu.vector_load %arg7[%get3A_2821, %get3A_2822] {strides = array<i32>} : memref<128x32xf32, #tpu.memory_space<vmem>>, vector<16xf32>,
      tpu.vector_store_idx %arg9[%add3A_7, %add3A_2819], %get3A_2823 : memref<32x131xf32, #tpu.memory_space<vmem>>[vector<16xi32>, vector<16xi32>], vector<16xf32>,
      %get3A_2824 = arith.constant 102 : i32
      %get3A_2825 = arith.index_cast %get3A_2824 : i32 to index
      %get3A_2826 = arith.constant 16 : index
      %get3A_2827 = tpu.vector_load %arg7[%get3A_2825, %get3A_2826] {strides = array<i32>} : memref<128x32xf32, #tpu.memory_space<vmem>>, vector<16xf32>,
      tpu.vector_store_idx %arg9[%add3A_10, %add3A_2819], %get3A_2827 : memref<32x131xf32, #tpu.memory_space<vmem>>[vector<16xi32>, vector<16xi32>], vector<16xf32>,
      %add3A_2828 = arith.constant 103 : i32
      %add3A_2829 = vector.broadcast %add3A_2828 : i32 to vector<16xi32>
      %add3A_2830 = arith.addi %broadcast_in_dim3A_11, %add3A_2829 : vector<16xi32>
      %get3A_2831 = arith.constant 103 : i32
      %get3A_2832 = arith.index_cast %get3A_2831 : i32 to index
      %get3A_2833 = arith.constant 0 : index
      %get3A_2834 = tpu.vector_load %arg7[%get3A_2832, %get3A_2833] {strides = array<i32>} : memref<128x32xf32, #tpu.memory_space<vmem>>, vector<16xf32>,
      tpu.vector_store_idx %arg9[%add3A_7, %add3A_2830], %get3A_2834 : memref<32x131xf32, #tpu.memory_space<vmem>>[vector<16xi32>, vector<16xi32>], vector<16xf32>,
      %get3A_2835 = arith.constant 103 : i32
      %get3A_2836 = arith.index_cast %get3A_2835 : i32 to index
      %get3A_2837 = arith.constant 16 : index
      %get3A_2838 = tpu.vector_load %arg7[%get3A_2836, %get3A_2837] {strides = array<i32>} : memref<128x32xf32, #tpu.memory_space<vmem>>, vector<16xf32>,
      tpu.vector_store_idx %arg9[%add3A_10, %add3A_2830], %get3A_2838 : memref<32x131xf32, #tpu.memory_space<vmem>>[vector<16xi32>, vector<16xi32>], vector<16xf32>,
      %add3A_2839 = arith.constant 104 : i32
      %add3A_2840 = vector.broadcast %add3A_2839 : i32 to vector<16xi32>
      %add3A_2841 = arith.addi %broadcast_in_dim3A_11, %add3A_2840 : vector<16xi32>
      %get3A_2842 = arith.constant 104 : i32
      %get3A_2843 = arith.index_cast %get3A_2842 : i32 to index
      %get3A_2844 = arith.constant 0 : index
      %get3A_2845 = tpu.vector_load %arg7[%get3A_2843, %get3A_2844] {strides = array<i32>} : memref<128x32xf32, #tpu.memory_space<vmem>>, vector<16xf32>,
      tpu.vector_store_idx %arg9[%add3A_7, %add3A_2841], %get3A_2845 : memref<32x131xf32, #tpu.memory_space<vmem>>[vector<16xi32>, vector<16xi32>], vector<16xf32>,
      %get3A_2846 = arith.constant 104 : i32
      %get3A_2847 = arith.index_cast %get3A_2846 : i32 to index
      %get3A_2848 = arith.constant 16 : index
      %get3A_2849 = tpu.vector_load %arg7[%get3A_2847, %get3A_2848] {strides = array<i32>} : memref<128x32xf32, #tpu.memory_space<vmem>>, vector<16xf32>,
      tpu.vector_store_idx %arg9[%add3A_10, %add3A_2841], %get3A_2849 : memref<32x131xf32, #tpu.memory_space<vmem>>[vector<16xi32>, vector<16xi32>], vector<16xf32>,
      %add3A_2850 = arith.constant 105 : i32
      %add3A_2851 = vector.broadcast %add3A_2850 : i32 to vector<16xi32>
      %add3A_2852 = arith.addi %broadcast_in_dim3A_11, %add3A_2851 : vector<16xi32>
      %get3A_2853 = arith.constant 105 : i32
      %get3A_2854 = arith.index_cast %get3A_2853 : i32 to index
      %get3A_2855 = arith.constant 0 : index
      %get3A_2856 = tpu.vector_load %arg7[%get3A_2854, %get3A_2855] {strides = array<i32>} : memref<128x32xf32, #tpu.memory_space<vmem>>, vector<16xf32>,
      tpu.vector_store_idx %arg9[%add3A_7, %add3A_2852], %get3A_2856 : memref<32x131xf32, #tpu.memory_space<vmem>>[vector<16xi32>, vector<16xi32>], vector<16xf32>,
      %get3A_2857 = arith.constant 105 : i32
      %get3A_2858 = arith.index_cast %get3A_2857 : i32 to index
      %get3A_2859 = arith.constant 16 : index
      %get3A_2860 = tpu.vector_load %arg7[%get3A_2858, %get3A_2859] {strides = array<i32>} : memref<128x32xf32, #tpu.memory_space<vmem>>, vector<16xf32>,
      tpu.vector_store_idx %arg9[%add3A_10, %add3A_2852], %get3A_2860 : memref<32x131xf32, #tpu.memory_space<vmem>>[vector<16xi32>, vector<16xi32>], vector<16xf32>,
      %add3A_2861 = arith.constant 106 : i32
      %add3A_2862 = vector.broadcast %add3A_2861 : i32 to vector<16xi32>
      %add3A_2863 = arith.addi %broadcast_in_dim3A_11, %add3A_2862 : vector<16xi32>
      %get3A_2864 = arith.constant 106 : i32
      %get3A_2865 = arith.index_cast %get3A_2864 : i32 to index
      %get3A_2866 = arith.constant 0 : index
      %get3A_2867 = tpu.vector_load %arg7[%get3A_2865, %get3A_2866] {strides = array<i32>} : memref<128x32xf32, #tpu.memory_space<vmem>>, vector<16xf32>,
      tpu.vector_store_idx %arg9[%add3A_7, %add3A_2863], %get3A_2867 : memref<32x131xf32, #tpu.memory_space<vmem>>[vector<16xi32>, vector<16xi32>], vector<16xf32>,
      %get3A_2868 = arith.constant 106 : i32
      %get3A_2869 = arith.index_cast %get3A_2868 : i32 to index
      %get3A_2870 = arith.constant 16 : index
      %get3A_2871 = tpu.vector_load %arg7[%get3A_2869, %get3A_2870] {strides = array<i32>} : memref<128x32xf32, #tpu.memory_space<vmem>>, vector<16xf32>,
      tpu.vector_store_idx %arg9[%add3A_10, %add3A_2863], %get3A_2871 : memref<32x131xf32, #tpu.memory_space<vmem>>[vector<16xi32>, vector<16xi32>], vector<16xf32>,
      %add3A_2872 = arith.constant 107 : i32
      %add3A_2873 = vector.broadcast %add3A_2872 : i32 to vector<16xi32>
      %add3A_2874 = arith.addi %broadcast_in_dim3A_11, %add3A_2873 : vector<16xi32>
      %get3A_2875 = arith.constant 107 : i32
      %get3A_2876 = arith.index_cast %get3A_2875 : i32 to index
      %get3A_2877 = arith.constant 0 : index
      %get3A_2878 = tpu.vector_load %arg7[%get3A_2876, %get3A_2877] {strides = array<i32>} : memref<128x32xf32, #tpu.memory_space<vmem>>, vector<16xf32>,
      tpu.vector_store_idx %arg9[%add3A_7, %add3A_2874], %get3A_2878 : memref<32x131xf32, #tpu.memory_space<vmem>>[vector<16xi32>, vector<16xi32>], vector<16xf32>,
      %get3A_2879 = arith.constant 107 : i32
      %get3A_2880 = arith.index_cast %get3A_2879 : i32 to index
      %get3A_2881 = arith.constant 16 : index
      %get3A_2882 = tpu.vector_load %arg7[%get3A_2880, %get3A_2881] {strides = array<i32>} : memref<128x32xf32, #tpu.memory_space<vmem>>, vector<16xf32>,
      tpu.vector_store_idx %arg9[%add3A_10, %add3A_2874], %get3A_2882 : memref<32x131xf32, #tpu.memory_space<vmem>>[vector<16xi32>, vector<16xi32>], vector<16xf32>,
      %add3A_2883 = arith.constant 108 : i32
      %add3A_2884 = vector.broadcast %add3A_2883 : i32 to vector<16xi32>
      %add3A_2885 = arith.addi %broadcast_in_dim3A_11, %add3A_2884 : vector<16xi32>
      %get3A_2886 = arith.constant 108 : i32
      %get3A_2887 = arith.index_cast %get3A_2886 : i32 to index
      %get3A_2888 = arith.constant 0 : index
      %get3A_2889 = tpu.vector_load %arg7[%get3A_2887, %get3A_2888] {strides = array<i32>} : memref<128x32xf32, #tpu.memory_space<vmem>>, vector<16xf32>,
      tpu.vector_store_idx %arg9[%add3A_7, %add3A_2885], %get3A_2889 : memref<32x131xf32, #tpu.memory_space<vmem>>[vector<16xi32>, vector<16xi32>], vector<16xf32>,
      %get3A_2890 = arith.constant 108 : i32
      %get3A_2891 = arith.index_cast %get3A_2890 : i32 to index
      %get3A_2892 = arith.constant 16 : index
      %get3A_2893 = tpu.vector_load %arg7[%get3A_2891, %get3A_2892] {strides = array<i32>} : memref<128x32xf32, #tpu.memory_space<vmem>>, vector<16xf32>,
      tpu.vector_store_idx %arg9[%add3A_10, %add3A_2885], %get3A_2893 : memref<32x131xf32, #tpu.memory_space<vmem>>[vector<16xi32>, vector<16xi32>], vector<16xf32>,
      %add3A_2894 = arith.constant 109 : i32
      %add3A_2895 = vector.broadcast %add3A_2894 : i32 to vector<16xi32>
      %add3A_2896 = arith.addi %broadcast_in_dim3A_11, %add3A_2895 : vector<16xi32>
      %get3A_2897 = arith.constant 109 : i32
      %get3A_2898 = arith.index_cast %get3A_2897 : i32 to index
      %get3A_2899 = arith.constant 0 : index
      %get3A_2900 = tpu.vector_load %arg7[%get3A_2898, %get3A_2899] {strides = array<i32>} : memref<128x32xf32, #tpu.memory_space<vmem>>, vector<16xf32>,
      tpu.vector_store_idx %arg9[%add3A_7, %add3A_2896], %get3A_2900 : memref<32x131xf32, #tpu.memory_space<vmem>>[vector<16xi32>, vector<16xi32>], vector<16xf32>,
      %get3A_2901 = arith.constant 109 : i32
      %get3A_2902 = arith.index_cast %get3A_2901 : i32 to index
      %get3A_2903 = arith.constant 16 : index
      %get3A_2904 = tpu.vector_load %arg7[%get3A_2902, %get3A_2903] {strides = array<i32>} : memref<128x32xf32, #tpu.memory_space<vmem>>, vector<16xf32>,
      tpu.vector_store_idx %arg9[%add3A_10, %add3A_2896], %get3A_2904 : memref<32x131xf32, #tpu.memory_space<vmem>>[vector<16xi32>, vector<16xi32>], vector<16xf32>,
      %add3A_2905 = arith.constant 110 : i32
      %add3A_2906 = vector.broadcast %add3A_2905 : i32 to vector<16xi32>
      %add3A_2907 = arith.addi %broadcast_in_dim3A_11, %add3A_2906 : vector<16xi32>
      %get3A_2908 = arith.constant 110 : i32
      %get3A_2909 = arith.index_cast %get3A_2908 : i32 to index
      %get3A_2910 = arith.constant 0 : index
      %get3A_2911 = tpu.vector_load %arg7[%get3A_2909, %get3A_2910] {strides = array<i32>} : memref<128x32xf32, #tpu.memory_space<vmem>>, vector<16xf32>,
      tpu.vector_store_idx %arg9[%add3A_7, %add3A_2907], %get3A_2911 : memref<32x131xf32, #tpu.memory_space<vmem>>[vector<16xi32>, vector<16xi32>], vector<16xf32>,
      %get3A_2912 = arith.constant 110 : i32
      %get3A_2913 = arith.index_cast %get3A_2912 : i32 to index
      %get3A_2914 = arith.constant 16 : index
      %get3A_2915 = tpu.vector_load %arg7[%get3A_2913, %get3A_2914] {strides = array<i32>} : memref<128x32xf32, #tpu.memory_space<vmem>>, vector<16xf32>,
      tpu.vector_store_idx %arg9[%add3A_10, %add3A_2907], %get3A_2915 : memref<32x131xf32, #tpu.memory_space<vmem>>[vector<16xi32>, vector<16xi32>], vector<16xf32>,
      %add3A_2916 = arith.constant 111 : i32
      %add3A_2917 = vector.broadcast %add3A_2916 : i32 to vector<16xi32>
      %add3A_2918 = arith.addi %broadcast_in_dim3A_11, %add3A_2917 : vector<16xi32>
      %get3A_2919 = arith.constant 111 : i32
      %get3A_2920 = arith.index_cast %get3A_2919 : i32 to index
      %get3A_2921 = arith.constant 0 : index
      %get3A_2922 = tpu.vector_load %arg7[%get3A_2920, %get3A_2921] {strides = array<i32>} : memref<128x32xf32, #tpu.memory_space<vmem>>, vector<16xf32>,
      tpu.vector_store_idx %arg9[%add3A_7, %add3A_2918], %get3A_2922 : memref<32x131xf32, #tpu.memory_space<vmem>>[vector<16xi32>, vector<16xi32>], vector<16xf32>,
      %get3A_2923 = arith.constant 111 : i32
      %get3A_2924 = arith.index_cast %get3A_2923 : i32 to index
      %get3A_2925 = arith.constant 16 : index
      %get3A_2926 = tpu.vector_load %arg7[%get3A_2924, %get3A_2925] {strides = array<i32>} : memref<128x32xf32, #tpu.memory_space<vmem>>, vector<16xf32>,
      tpu.vector_store_idx %arg9[%add3A_10, %add3A_2918], %get3A_2926 : memref<32x131xf32, #tpu.memory_space<vmem>>[vector<16xi32>, vector<16xi32>], vector<16xf32>,
      %add3A_2927 = arith.constant 112 : i32
      %add3A_2928 = vector.broadcast %add3A_2927 : i32 to vector<16xi32>
      %add3A_2929 = arith.addi %broadcast_in_dim3A_11, %add3A_2928 : vector<16xi32>
      %get3A_2930 = arith.constant 112 : i32
      %get3A_2931 = arith.index_cast %get3A_2930 : i32 to index
      %get3A_2932 = arith.constant 0 : index
      %get3A_2933 = tpu.vector_load %arg7[%get3A_2931, %get3A_2932] {strides = array<i32>} : memref<128x32xf32, #tpu.memory_space<vmem>>, vector<16xf32>,
      tpu.vector_store_idx %arg9[%add3A_7, %add3A_2929], %get3A_2933 : memref<32x131xf32, #tpu.memory_space<vmem>>[vector<16xi32>, vector<16xi32>], vector<16xf32>,
      %get3A_2934 = arith.constant 112 : i32
      %get3A_2935 = arith.index_cast %get3A_2934 : i32 to index
      %get3A_2936 = arith.constant 16 : index
      %get3A_2937 = tpu.vector_load %arg7[%get3A_2935, %get3A_2936] {strides = array<i32>} : memref<128x32xf32, #tpu.memory_space<vmem>>, vector<16xf32>,
      tpu.vector_store_idx %arg9[%add3A_10, %add3A_2929], %get3A_2937 : memref<32x131xf32, #tpu.memory_space<vmem>>[vector<16xi32>, vector<16xi32>], vector<16xf32>,
      %add3A_2938 = arith.constant 113 : i32
      %add3A_2939 = vector.broadcast %add3A_2938 : i32 to vector<16xi32>
      %add3A_2940 = arith.addi %broadcast_in_dim3A_11, %add3A_2939 : vector<16xi32>
      %get3A_2941 = arith.constant 113 : i32
      %get3A_2942 = arith.index_cast %get3A_2941 : i32 to index
      %get3A_2943 = arith.constant 0 : index
      %get3A_2944 = tpu.vector_load %arg7[%get3A_2942, %get3A_2943] {strides = array<i32>} : memref<128x32xf32, #tpu.memory_space<vmem>>, vector<16xf32>,
      tpu.vector_store_idx %arg9[%add3A_7, %add3A_2940], %get3A_2944 : memref<32x131xf32, #tpu.memory_space<vmem>>[vector<16xi32>, vector<16xi32>], vector<16xf32>,
      %get3A_2945 = arith.constant 113 : i32
      %get3A_2946 = arith.index_cast %get3A_2945 : i32 to index
      %get3A_2947 = arith.constant 16 : index
      %get3A_2948 = tpu.vector_load %arg7[%get3A_2946, %get3A_2947] {strides = array<i32>} : memref<128x32xf32, #tpu.memory_space<vmem>>, vector<16xf32>,
      tpu.vector_store_idx %arg9[%add3A_10, %add3A_2940], %get3A_2948 : memref<32x131xf32, #tpu.memory_space<vmem>>[vector<16xi32>, vector<16xi32>], vector<16xf32>,
      %add3A_2949 = arith.constant 114 : i32
      %add3A_2950 = vector.broadcast %add3A_2949 : i32 to vector<16xi32>
      %add3A_2951 = arith.addi %broadcast_in_dim3A_11, %add3A_2950 : vector<16xi32>
      %get3A_2952 = arith.constant 114 : i32
      %get3A_2953 = arith.index_cast %get3A_2952 : i32 to index
      %get3A_2954 = arith.constant 0 : index
      %get3A_2955 = tpu.vector_load %arg7[%get3A_2953, %get3A_2954] {strides = array<i32>} : memref<128x32xf32, #tpu.memory_space<vmem>>, vector<16xf32>,
      tpu.vector_store_idx %arg9[%add3A_7, %add3A_2951], %get3A_2955 : memref<32x131xf32, #tpu.memory_space<vmem>>[vector<16xi32>, vector<16xi32>], vector<16xf32>,
      %get3A_2956 = arith.constant 114 : i32
      %get3A_2957 = arith.index_cast %get3A_2956 : i32 to index
      %get3A_2958 = arith.constant 16 : index
      %get3A_2959 = tpu.vector_load %arg7[%get3A_2957, %get3A_2958] {strides = array<i32>} : memref<128x32xf32, #tpu.memory_space<vmem>>, vector<16xf32>,
      tpu.vector_store_idx %arg9[%add3A_10, %add3A_2951], %get3A_2959 : memref<32x131xf32, #tpu.memory_space<vmem>>[vector<16xi32>, vector<16xi32>], vector<16xf32>,
      %add3A_2960 = arith.constant 115 : i32
      %add3A_2961 = vector.broadcast %add3A_2960 : i32 to vector<16xi32>
      %add3A_2962 = arith.addi %broadcast_in_dim3A_11, %add3A_2961 : vector<16xi32>
      %get3A_2963 = arith.constant 115 : i32
      %get3A_2964 = arith.index_cast %get3A_2963 : i32 to index
      %get3A_2965 = arith.constant 0 : index
      %get3A_2966 = tpu.vector_load %arg7[%get3A_2964, %get3A_2965] {strides = array<i32>} : memref<128x32xf32, #tpu.memory_space<vmem>>, vector<16xf32>,
      tpu.vector_store_idx %arg9[%add3A_7, %add3A_2962], %get3A_2966 : memref<32x131xf32, #tpu.memory_space<vmem>>[vector<16xi32>, vector<16xi32>], vector<16xf32>,
      %get3A_2967 = arith.constant 115 : i32
      %get3A_2968 = arith.index_cast %get3A_2967 : i32 to index
      %get3A_2969 = arith.constant 16 : index
      %get3A_2970 = tpu.vector_load %arg7[%get3A_2968, %get3A_2969] {strides = array<i32>} : memref<128x32xf32, #tpu.memory_space<vmem>>, vector<16xf32>,
      tpu.vector_store_idx %arg9[%add3A_10, %add3A_2962], %get3A_2970 : memref<32x131xf32, #tpu.memory_space<vmem>>[vector<16xi32>, vector<16xi32>], vector<16xf32>,
      %add3A_2971 = arith.constant 116 : i32
      %add3A_2972 = vector.broadcast %add3A_2971 : i32 to vector<16xi32>
      %add3A_2973 = arith.addi %broadcast_in_dim3A_11, %add3A_2972 : vector<16xi32>
      %get3A_2974 = arith.constant 116 : i32
      %get3A_2975 = arith.index_cast %get3A_2974 : i32 to index
      %get3A_2976 = arith.constant 0 : index
      %get3A_2977 = tpu.vector_load %arg7[%get3A_2975, %get3A_2976] {strides = array<i32>} : memref<128x32xf32, #tpu.memory_space<vmem>>, vector<16xf32>,
      tpu.vector_store_idx %arg9[%add3A_7, %add3A_2973], %get3A_2977 : memref<32x131xf32, #tpu.memory_space<vmem>>[vector<16xi32>, vector<16xi32>], vector<16xf32>,
      %get3A_2978 = arith.constant 116 : i32
      %get3A_2979 = arith.index_cast %get3A_2978 : i32 to index
      %get3A_2980 = arith.constant 16 : index
      %get3A_2981 = tpu.vector_load %arg7[%get3A_2979, %get3A_2980] {strides = array<i32>} : memref<128x32xf32, #tpu.memory_space<vmem>>, vector<16xf32>,
      tpu.vector_store_idx %arg9[%add3A_10, %add3A_2973], %get3A_2981 : memref<32x131xf32, #tpu.memory_space<vmem>>[vector<16xi32>, vector<16xi32>], vector<16xf32>,
      %add3A_2982 = arith.constant 117 : i32
      %add3A_2983 = vector.broadcast %add3A_2982 : i32 to vector<16xi32>
      %add3A_2984 = arith.addi %broadcast_in_dim3A_11, %add3A_2983 : vector<16xi32>
      %get3A_2985 = arith.constant 117 : i32
      %get3A_2986 = arith.index_cast %get3A_2985 : i32 to index
      %get3A_2987 = arith.constant 0 : index
      %get3A_2988 = tpu.vector_load %arg7[%get3A_2986, %get3A_2987] {strides = array<i32>} : memref<128x32xf32, #tpu.memory_space<vmem>>, vector<16xf32>,
      tpu.vector_store_idx %arg9[%add3A_7, %add3A_2984], %get3A_2988 : memref<32x131xf32, #tpu.memory_space<vmem>>[vector<16xi32>, vector<16xi32>], vector<16xf32>,
      %get3A_2989 = arith.constant 117 : i32
      %get3A_2990 = arith.index_cast %get3A_2989 : i32 to index
      %get3A_2991 = arith.constant 16 : index
      %get3A_2992 = tpu.vector_load %arg7[%get3A_2990, %get3A_2991] {strides = array<i32>} : memref<128x32xf32, #tpu.memory_space<vmem>>, vector<16xf32>,
      tpu.vector_store_idx %arg9[%add3A_10, %add3A_2984], %get3A_2992 : memref<32x131xf32, #tpu.memory_space<vmem>>[vector<16xi32>, vector<16xi32>], vector<16xf32>,
      %add3A_2993 = arith.constant 118 : i32
      %add3A_2994 = vector.broadcast %add3A_2993 : i32 to vector<16xi32>
      %add3A_2995 = arith.addi %broadcast_in_dim3A_11, %add3A_2994 : vector<16xi32>
      %get3A_2996 = arith.constant 118 : i32
      %get3A_2997 = arith.index_cast %get3A_2996 : i32 to index
      %get3A_2998 = arith.constant 0 : index
      %get3A_2999 = tpu.vector_load %arg7[%get3A_2997, %get3A_2998] {strides = array<i32>} : memref<128x32xf32, #tpu.memory_space<vmem>>, vector<16xf32>,
      tpu.vector_store_idx %arg9[%add3A_7, %add3A_2995], %get3A_2999 : memref<32x131xf32, #tpu.memory_space<vmem>>[vector<16xi32>, vector<16xi32>], vector<16xf32>,
      %get3A_3000 = arith.constant 118 : i32
      %get3A_3001 = arith.index_cast %get3A_3000 : i32 to index
      %get3A_3002 = arith.constant 16 : index
      %get3A_3003 = tpu.vector_load %arg7[%get3A_3001, %get3A_3002] {strides = array<i32>} : memref<128x32xf32, #tpu.memory_space<vmem>>, vector<16xf32>,
      tpu.vector_store_idx %arg9[%add3A_10, %add3A_2995], %get3A_3003 : memref<32x131xf32, #tpu.memory_space<vmem>>[vector<16xi32>, vector<16xi32>], vector<16xf32>,
      %add3A_3004 = arith.constant 119 : i32
      %add3A_3005 = vector.broadcast %add3A_3004 : i32 to vector<16xi32>
      %add3A_3006 = arith.addi %broadcast_in_dim3A_11, %add3A_3005 : vector<16xi32>
      %get3A_3007 = arith.constant 119 : i32
      %get3A_3008 = arith.index_cast %get3A_3007 : i32 to index
      %get3A_3009 = arith.constant 0 : index
      %get3A_3010 = tpu.vector_load %arg7[%get3A_3008, %get3A_3009] {strides = array<i32>} : memref<128x32xf32, #tpu.memory_space<vmem>>, vector<16xf32>,
      tpu.vector_store_idx %arg9[%add3A_7, %add3A_3006], %get3A_3010 : memref<32x131xf32, #tpu.memory_space<vmem>>[vector<16xi32>, vector<16xi32>], vector<16xf32>,
      %get3A_3011 = arith.constant 119 : i32
      %get3A_3012 = arith.index_cast %get3A_3011 : i32 to index
      %get3A_3013 = arith.constant 16 : index
      %get3A_3014 = tpu.vector_load %arg7[%get3A_3012, %get3A_3013] {strides = array<i32>} : memref<128x32xf32, #tpu.memory_space<vmem>>, vector<16xf32>,
      tpu.vector_store_idx %arg9[%add3A_10, %add3A_3006], %get3A_3014 : memref<32x131xf32, #tpu.memory_space<vmem>>[vector<16xi32>, vector<16xi32>], vector<16xf32>,
      %add3A_3015 = arith.constant 120 : i32
      %add3A_3016 = vector.broadcast %add3A_3015 : i32 to vector<16xi32>
      %add3A_3017 = arith.addi %broadcast_in_dim3A_11, %add3A_3016 : vector<16xi32>
      %get3A_3018 = arith.constant 120 : i32
      %get3A_3019 = arith.index_cast %get3A_3018 : i32 to index
      %get3A_3020 = arith.constant 0 : index
      %get3A_3021 = tpu.vector_load %arg7[%get3A_3019, %get3A_3020] {strides = array<i32>} : memref<128x32xf32, #tpu.memory_space<vmem>>, vector<16xf32>,
      tpu.vector_store_idx %arg9[%add3A_7, %add3A_3017], %get3A_3021 : memref<32x131xf32, #tpu.memory_space<vmem>>[vector<16xi32>, vector<16xi32>], vector<16xf32>,
      %get3A_3022 = arith.constant 120 : i32
      %get3A_3023 = arith.index_cast %get3A_3022 : i32 to index
      %get3A_3024 = arith.constant 16 : index
      %get3A_3025 = tpu.vector_load %arg7[%get3A_3023, %get3A_3024] {strides = array<i32>} : memref<128x32xf32, #tpu.memory_space<vmem>>, vector<16xf32>,
      tpu.vector_store_idx %arg9[%add3A_10, %add3A_3017], %get3A_3025 : memref<32x131xf32, #tpu.memory_space<vmem>>[vector<16xi32>, vector<16xi32>], vector<16xf32>,
      %add3A_3026 = arith.constant 121 : i32
      %add3A_3027 = vector.broadcast %add3A_3026 : i32 to vector<16xi32>
      %add3A_3028 = arith.addi %broadcast_in_dim3A_11, %add3A_3027 : vector<16xi32>
      %get3A_3029 = arith.constant 121 : i32
      %get3A_3030 = arith.index_cast %get3A_3029 : i32 to index
      %get3A_3031 = arith.constant 0 : index
      %get3A_3032 = tpu.vector_load %arg7[%get3A_3030, %get3A_3031] {strides = array<i32>} : memref<128x32xf32, #tpu.memory_space<vmem>>, vector<16xf32>,
      tpu.vector_store_idx %arg9[%add3A_7, %add3A_3028], %get3A_3032 : memref<32x131xf32, #tpu.memory_space<vmem>>[vector<16xi32>, vector<16xi32>], vector<16xf32>,
      %get3A_3033 = arith.constant 121 : i32
      %get3A_3034 = arith.index_cast %get3A_3033 : i32 to index
      %get3A_3035 = arith.constant 16 : index
      %get3A_3036 = tpu.vector_load %arg7[%get3A_3034, %get3A_3035] {strides = array<i32>} : memref<128x32xf32, #tpu.memory_space<vmem>>, vector<16xf32>,
      tpu.vector_store_idx %arg9[%add3A_10, %add3A_3028], %get3A_3036 : memref<32x131xf32, #tpu.memory_space<vmem>>[vector<16xi32>, vector<16xi32>], vector<16xf32>,
      %add3A_3037 = arith.constant 122 : i32
      %add3A_3038 = vector.broadcast %add3A_3037 : i32 to vector<16xi32>
      %add3A_3039 = arith.addi %broadcast_in_dim3A_11, %add3A_3038 : vector<16xi32>
      %get3A_3040 = arith.constant 122 : i32
      %get3A_3041 = arith.index_cast %get3A_3040 : i32 to index
      %get3A_3042 = arith.constant 0 : index
      %get3A_3043 = tpu.vector_load %arg7[%get3A_3041, %get3A_3042] {strides = array<i32>} : memref<128x32xf32, #tpu.memory_space<vmem>>, vector<16xf32>,
      tpu.vector_store_idx %arg9[%add3A_7, %add3A_3039], %get3A_3043 : memref<32x131xf32, #tpu.memory_space<vmem>>[vector<16xi32>, vector<16xi32>], vector<16xf32>,
      %get3A_3044 = arith.constant 122 : i32
      %get3A_3045 = arith.index_cast %get3A_3044 : i32 to index
      %get3A_3046 = arith.constant 16 : index
      %get3A_3047 = tpu.vector_load %arg7[%get3A_3045, %get3A_3046] {strides = array<i32>} : memref<128x32xf32, #tpu.memory_space<vmem>>, vector<16xf32>,
      tpu.vector_store_idx %arg9[%add3A_10, %add3A_3039], %get3A_3047 : memref<32x131xf32, #tpu.memory_space<vmem>>[vector<16xi32>, vector<16xi32>], vector<16xf32>,
      %add3A_3048 = arith.constant 123 : i32
      %add3A_3049 = vector.broadcast %add3A_3048 : i32 to vector<16xi32>
      %add3A_3050 = arith.addi %broadcast_in_dim3A_11, %add3A_3049 : vector<16xi32>
      %get3A_3051 = arith.constant 123 : i32
      %get3A_3052 = arith.index_cast %get3A_3051 : i32 to index
      %get3A_3053 = arith.constant 0 : index
      %get3A_3054 = tpu.vector_load %arg7[%get3A_3052, %get3A_3053] {strides = array<i32>} : memref<128x32xf32, #tpu.memory_space<vmem>>, vector<16xf32>,
      tpu.vector_store_idx %arg9[%add3A_7, %add3A_3050], %get3A_3054 : memref<32x131xf32, #tpu.memory_space<vmem>>[vector<16xi32>, vector<16xi32>], vector<16xf32>,
      %get3A_3055 = arith.constant 123 : i32
      %get3A_3056 = arith.index_cast %get3A_3055 : i32 to index
      %get3A_3057 = arith.constant 16 : index
      %get3A_3058 = tpu.vector_load %arg7[%get3A_3056, %get3A_3057] {strides = array<i32>} : memref<128x32xf32, #tpu.memory_space<vmem>>, vector<16xf32>,
      tpu.vector_store_idx %arg9[%add3A_10, %add3A_3050], %get3A_3058 : memref<32x131xf32, #tpu.memory_space<vmem>>[vector<16xi32>, vector<16xi32>], vector<16xf32>,
      %add3A_3059 = arith.constant 124 : i32
      %add3A_3060 = vector.broadcast %add3A_3059 : i32 to vector<16xi32>
      %add3A_3061 = arith.addi %broadcast_in_dim3A_11, %add3A_3060 : vector<16xi32>
      %get3A_3062 = arith.constant 124 : i32
      %get3A_3063 = arith.index_cast %get3A_3062 : i32 to index
      %get3A_3064 = arith.constant 0 : index
      %get3A_3065 = tpu.vector_load %arg7[%get3A_3063, %get3A_3064] {strides = array<i32>} : memref<128x32xf32, #tpu.memory_space<vmem>>, vector<16xf32>,
      tpu.vector_store_idx %arg9[%add3A_7, %add3A_3061], %get3A_3065 : memref<32x131xf32, #tpu.memory_space<vmem>>[vector<16xi32>, vector<16xi32>], vector<16xf32>,
      %get3A_3066 = arith.constant 124 : i32
      %get3A_3067 = arith.index_cast %get3A_3066 : i32 to index
      %get3A_3068 = arith.constant 16 : index
      %get3A_3069 = tpu.vector_load %arg7[%get3A_3067, %get3A_3068] {strides = array<i32>} : memref<128x32xf32, #tpu.memory_space<vmem>>, vector<16xf32>,
      tpu.vector_store_idx %arg9[%add3A_10, %add3A_3061], %get3A_3069 : memref<32x131xf32, #tpu.memory_space<vmem>>[vector<16xi32>, vector<16xi32>], vector<16xf32>,
      %add3A_3070 = arith.constant 125 : i32
      %add3A_3071 = vector.broadcast %add3A_3070 : i32 to vector<16xi32>
      %add3A_3072 = arith.addi %broadcast_in_dim3A_11, %add3A_3071 : vector<16xi32>
      %get3A_3073 = arith.constant 125 : i32
      %get3A_3074 = arith.index_cast %get3A_3073 : i32 to index
      %get3A_3075 = arith.constant 0 : index
      %get3A_3076 = tpu.vector_load %arg7[%get3A_3074, %get3A_3075] {strides = array<i32>} : memref<128x32xf32, #tpu.memory_space<vmem>>, vector<16xf32>,
      tpu.vector_store_idx %arg9[%add3A_7, %add3A_3072], %get3A_3076 : memref<32x131xf32, #tpu.memory_space<vmem>>[vector<16xi32>, vector<16xi32>], vector<16xf32>,
      %get3A_3077 = arith.constant 125 : i32
      %get3A_3078 = arith.index_cast %get3A_3077 : i32 to index
      %get3A_3079 = arith.constant 16 : index
      %get3A_3080 = tpu.vector_load %arg7[%get3A_3078, %get3A_3079] {strides = array<i32>} : memref<128x32xf32, #tpu.memory_space<vmem>>, vector<16xf32>,
      tpu.vector_store_idx %arg9[%add3A_10, %add3A_3072], %get3A_3080 : memref<32x131xf32, #tpu.memory_space<vmem>>[vector<16xi32>, vector<16xi32>], vector<16xf32>,
      %add3A_3081 = arith.constant 126 : i32
      %add3A_3082 = vector.broadcast %add3A_3081 : i32 to vector<16xi32>
      %add3A_3083 = arith.addi %broadcast_in_dim3A_11, %add3A_3082 : vector<16xi32>
      %get3A_3084 = arith.constant 126 : i32
      %get3A_3085 = arith.index_cast %get3A_3084 : i32 to index
      %get3A_3086 = arith.constant 0 : index
      %get3A_3087 = tpu.vector_load %arg7[%get3A_3085, %get3A_3086] {strides = array<i32>} : memref<128x32xf32, #tpu.memory_space<vmem>>, vector<16xf32>,
      tpu.vector_store_idx %arg9[%add3A_7, %add3A_3083], %get3A_3087 : memref<32x131xf32, #tpu.memory_space<vmem>>[vector<16xi32>, vector<16xi32>], vector<16xf32>,
      %get3A_3088 = arith.constant 126 : i32
      %get3A_3089 = arith.index_cast %get3A_3088 : i32 to index
      %get3A_3090 = arith.constant 16 : index
      %get3A_3091 = tpu.vector_load %arg7[%get3A_3089, %get3A_3090] {strides = array<i32>} : memref<128x32xf32, #tpu.memory_space<vmem>>, vector<16xf32>,
      tpu.vector_store_idx %arg9[%add3A_10, %add3A_3083], %get3A_3091 : memref<32x131xf32, #tpu.memory_space<vmem>>[vector<16xi32>, vector<16xi32>], vector<16xf32>,
      %add3A_3092 = arith.constant 127 : i32
      %add3A_3093 = vector.broadcast %add3A_3092 : i32 to vector<16xi32>
      %add3A_3094 = arith.addi %broadcast_in_dim3A_11, %add3A_3093 : vector<16xi32>
      %get3A_3095 = arith.constant 127 : i32
      %get3A_3096 = arith.index_cast %get3A_3095 : i32 to index
      %get3A_3097 = arith.constant 0 : index
      %get3A_3098 = tpu.vector_load %arg7[%get3A_3096, %get3A_3097] {strides = array<i32>} : memref<128x32xf32, #tpu.memory_space<vmem>>, vector<16xf32>,
      tpu.vector_store_idx %arg9[%add3A_7, %add3A_3094], %get3A_3098 : memref<32x131xf32, #tpu.memory_space<vmem>>[vector<16xi32>, vector<16xi32>], vector<16xf32>,
      %get3A_3099 = arith.constant 127 : i32
      %get3A_3100 = arith.index_cast %get3A_3099 : i32 to index
      %get3A_3101 = arith.constant 16 : index
      %get3A_3102 = tpu.vector_load %arg7[%get3A_3100, %get3A_3101] {strides = array<i32>} : memref<128x32xf32, #tpu.memory_space<vmem>>, vector<16xf32>,
      tpu.vector_store_idx %arg9[%add3A_10, %add3A_3094], %get3A_3102 : memref<32x131xf32, #tpu.memory_space<vmem>>[vector<16xi32>, vector<16xi32>], vector<16xf32>,
      %add3A_3103 = arith.constant 2 : i32
      %add3A_3104 = arith.addi %add3A_1683, %add3A_3103 : i32
      %lt3A_3105 = arith.constant 200 : i32
      %lt3A_3106 = arith.cmpi slt, %add3A_3104, %lt3A_3105 : i32
      %convert_element_type3A_3107 = arith.extui %lt3A_3106 : i1 to i32
      %cond3A_3108 = arith.constant 0 : i32
      %cond3A_3109 = arith.cmpi ne, %convert_element_type3A_3107, %cond3A_3108 : i32
      scf.if %cond3A_3109 {
        %add3A_3212 = arith.constant 2 : i32
        %add3A_3213 = arith.addi %add3A_1683, %add3A_3212 : i32
        %mul3A_3214 = arith.constant 128 : i32
        %mul3A_3215 = arith.muli %add3A_3213, %mul3A_3214 : i32
        %dma_start3A_3216 = tpu.memref_slice %arg5[%mul3A_3215] : memref<25600xi32, #tpu.memory_space<vmem>> -> memref<128xi32, #tpu.memory_space<vmem>>
        %dma_start3A_3217 = arith.constant 0 : i32
        %dma_start3A_3218 = arith.constant 0 : i32
        %dma_start3A_3219 = tpu.memref_slice %arg3[%dma_start3A_3217, %dma_start3A_3218] : memref<4000000x32xf32, #tpu.memory_space<hbm>> -> memref<4000000x32xf32, #tpu.memory_space<hbm>>
        tpu.enqueue_indirect_dma source(%dma_start3A_3219 : memref<4000000x32xf32, #tpu.memory_space<hbm>>) target(%arg7 : memref<128x32xf32, #tpu.memory_space<vmem>>) offsets(%dma_start3A_3216 : memref<128xi32, #tpu.memory_space<vmem>>) semaphore(%arg11 : memref<!tpu.dma_semaphore, #tpu.memory_space<semaphore_mem>>)
      } else {
      }
      %add3A_3110 = arith.addi %mul3A_2, %add3A_1683 : i32
      %jit3A_3111 = arith.constant 32 : i32
      %div3A_3112 = arith.divsi %add3A_3110, %jit3A_3111 : i32
      %sign3A_3113 = arith.constant 0 : i32
      %sign3A_3114 = arith.cmpi sgt, %add3A_3110, %sign3A_3113 : i32
      %sign3A_3115 = arith.extui %sign3A_3114 : i1 to i32
      %sign3A_3116 = arith.constant 0 : i32
      %sign3A_3117 = arith.cmpi slt, %add3A_3110, %sign3A_3116 : i32
      %sign3A_3118 = arith.extui %sign3A_3117 : i1 to i32
      %sign3A_3119 = arith.subi %sign3A_3115, %sign3A_3118 : i32
      %sign3A_3120 = arith.constant 0 : i32
      %sign3A_3121 = arith.cmpi sgt, %jit3A_3111, %sign3A_3120 : i32
      %sign3A_3122 = arith.extui %sign3A_3121 : i1 to i32
      %sign3A_3123 = arith.constant 0 : i32
      %sign3A_3124 = arith.cmpi slt, %jit3A_3111, %sign3A_3123 : i32
      %sign3A_3125 = arith.extui %sign3A_3124 : i1 to i32
      %sign3A_3126 = arith.subi %sign3A_3122, %sign3A_3125 : i32
      %ne3A_3127 = arith.cmpi ne, %sign3A_3119, %sign3A_3126 : i32
      %rem3A_3128 = arith.remsi %add3A_3110, %jit3A_3111 : i32
      %ne3A_3129 = arith.constant 0 : i32
      %ne3A_3130 = arith.cmpi ne, %rem3A_3128, %ne3A_3129 : i32
      %and3A_3131 = arith.andi %ne3A_3127, %ne3A_3130 : i1
      %sub3A_3132 = arith.constant 1 : i32
      %sub3A_3133 = arith.subi %div3A_3112, %sub3A_3132 : i32
      %select_n3A_3134 = arith.select %and3A_3131, %sub3A_3133, %div3A_3112 : i32
      %add3A_3135 = arith.addi %mul3A_2, %add3A_1683 : i32
      %jit3A_3136 = arith.constant 32 : i32
      %eq3A_3137 = arith.constant 0 : i32
      %eq3A_3138 = arith.cmpi eq, %jit3A_3136, %eq3A_3137 : i32
      %jit3A_3139 = arith.constant 1 : i32
      %select_n3A_3140 = arith.select %eq3A_3138, %jit3A_3139, %jit3A_3136 : i32
      %rem3A_3141 = arith.remsi %add3A_3135, %select_n3A_3140 : i32
      %ne3A_3142 = arith.constant 0 : i32
      %ne3A_3143 = arith.cmpi ne, %rem3A_3141, %ne3A_3142 : i32
      %lt3A_3144 = arith.constant 0 : i32
      %lt3A_3145 = arith.cmpi slt, %rem3A_3141, %lt3A_3144 : i32
      %lt3A_3146 = arith.constant 0 : i32
      %lt3A_3147 = arith.cmpi slt, %select_n3A_3140, %lt3A_3146 : i32
      %ne3A_3148 = arith.xori %lt3A_3145, %lt3A_3147 : i1
      %and3A_3149 = arith.andi %ne3A_3148, %ne3A_3143 : i1
      %add3A_3150 = arith.addi %rem3A_3141, %select_n3A_3140 : i32
      %select_n3A_3151 = arith.select %and3A_3149, %add3A_3150, %rem3A_3141 : i32
      %dma_start3A_3152 = arith.constant 0 : i32
      %dma_start3A_3153 = arith.constant 0 : i32
      %dma_start3A_3154 = arith.constant 0 : i32
      %dma_start3A_3155 = tpu.memref_slice %arg9[%dma_start3A_3153, %dma_start3A_3154] : memref<32x131xf32, #tpu.memory_space<vmem>> -> memref<8x128xf32, #tpu.memory_space<vmem>>
      %dma_start3A_3156 = arith.constant 0 : i32
      %dma_start3A_3157 = arith.constant 0 : i32
      %dma_start3A_3158 = tpu.memref_slice %arg4[%select_n3A_3134, %dma_start3A_3152, %select_n3A_3151, %dma_start3A_3156, %dma_start3A_3157] : memref<200x4x32x8x128xf32, #tpu.memory_space<hbm>> -> memref<1x1x1x8x128xf32, #tpu.memory_space<hbm>>
      %dma_start3A_3159 = tpu.memref_squeeze %dma_start3A_3158 : memref<1x1x1x8x128xf32, #tpu.memory_space<hbm>> -> memref<8x128xf32, #tpu.memory_space<hbm>>
      %dma_start3A_3160 = arith.constant 0 : i32
      %dma_start3A_3161 = arith.constant 0 : i32
      %dma_start3A_3162 = tpu.memref_slice %arg4[%select_n3A_3134, %dma_start3A_3152, %select_n3A_3151, %dma_start3A_3160, %dma_start3A_3161] : memref<200x4x32x8x128xf32, #tpu.memory_space<hbm>> -> memref<1x1x1x8x128xf32, #tpu.memory_space<hbm>>
      %dma_start3A_3163 = tpu.memref_squeeze %dma_start3A_3162 : memref<1x1x1x8x128xf32, #tpu.memory_space<hbm>> -> memref<8x128xf32, #tpu.memory_space<hbm>>
      %dma_start3A_3164 = arith.constant 0 : i32
      %dma_start3A_3165 = arith.constant 0 : i32
      %dma_start3A_3166 = tpu.memref_slice %arg9[%dma_start3A_3164, %dma_start3A_3165] : memref<32x131xf32, #tpu.memory_space<vmem>> -> memref<8x128xf32, #tpu.memory_space<vmem>>
      tpu.enqueue_dma source(%dma_start3A_3166 : memref<8x128xf32, #tpu.memory_space<vmem>>) target(%dma_start3A_3163 : memref<8x128xf32, #tpu.memory_space<hbm>>) target_semaphore(%arg13 : memref<!tpu.dma_semaphore, #tpu.memory_space<semaphore_mem>>)
      %dma_start3A_3167 = arith.constant 1 : i32
      %dma_start3A_3168 = arith.constant 8 : i32
      %dma_start3A_3169 = arith.constant 0 : i32
      %dma_start3A_3170 = tpu.memref_slice %arg9[%dma_start3A_3168, %dma_start3A_3169] : memref<32x131xf32, #tpu.memory_space<vmem>> -> memref<8x128xf32, #tpu.memory_space<vmem>>
      %dma_start3A_3171 = arith.constant 0 : i32
      %dma_start3A_3172 = arith.constant 0 : i32
      %dma_start3A_3173 = tpu.memref_slice %arg4[%select_n3A_3134, %dma_start3A_3167, %select_n3A_3151, %dma_start3A_3171, %dma_start3A_3172] : memref<200x4x32x8x128xf32, #tpu.memory_space<hbm>> -> memref<1x1x1x8x128xf32, #tpu.memory_space<hbm>>
      %dma_start3A_3174 = tpu.memref_squeeze %dma_start3A_3173 : memref<1x1x1x8x128xf32, #tpu.memory_space<hbm>> -> memref<8x128xf32, #tpu.memory_space<hbm>>
      %dma_start3A_3175 = arith.constant 0 : i32
      %dma_start3A_3176 = arith.constant 0 : i32
      %dma_start3A_3177 = tpu.memref_slice %arg4[%select_n3A_3134, %dma_start3A_3167, %select_n3A_3151, %dma_start3A_3175, %dma_start3A_3176] : memref<200x4x32x8x128xf32, #tpu.memory_space<hbm>> -> memref<1x1x1x8x128xf32, #tpu.memory_space<hbm>>
      %dma_start3A_3178 = tpu.memref_squeeze %dma_start3A_3177 : memref<1x1x1x8x128xf32, #tpu.memory_space<hbm>> -> memref<8x128xf32, #tpu.memory_space<hbm>>
      %dma_start3A_3179 = arith.constant 8 : i32
      %dma_start3A_3180 = arith.constant 0 : i32
      %dma_start3A_3181 = tpu.memref_slice %arg9[%dma_start3A_3179, %dma_start3A_3180] : memref<32x131xf32, #tpu.memory_space<vmem>> -> memref<8x128xf32, #tpu.memory_space<vmem>>
      tpu.enqueue_dma source(%dma_start3A_3181 : memref<8x128xf32, #tpu.memory_space<vmem>>) target(%dma_start3A_3178 : memref<8x128xf32, #tpu.memory_space<hbm>>) target_semaphore(%arg13 : memref<!tpu.dma_semaphore, #tpu.memory_space<semaphore_mem>>)
      %dma_start3A_3182 = arith.constant 2 : i32
      %dma_start3A_3183 = arith.constant 16 : i32
      %dma_start3A_3184 = arith.constant 0 : i32
      %dma_start3A_3185 = tpu.memref_slice %arg9[%dma_start3A_3183, %dma_start3A_3184] : memref<32x131xf32, #tpu.memory_space<vmem>> -> memref<8x128xf32, #tpu.memory_space<vmem>>
      %dma_start3A_3186 = arith.constant 0 : i32
      %dma_start3A_3187 = arith.constant 0 : i32
      %dma_start3A_3188 = tpu.memref_slice %arg4[%select_n3A_3134, %dma_start3A_3182, %select_n3A_3151, %dma_start3A_3186, %dma_start3A_3187] : memref<200x4x32x8x128xf32, #tpu.memory_space<hbm>> -> memref<1x1x1x8x128xf32, #tpu.memory_space<hbm>>
      %dma_start3A_3189 = tpu.memref_squeeze %dma_start3A_3188 : memref<1x1x1x8x128xf32, #tpu.memory_space<hbm>> -> memref<8x128xf32, #tpu.memory_space<hbm>>
      %dma_start3A_3190 = arith.constant 0 : i32
      %dma_start3A_3191 = arith.constant 0 : i32
      %dma_start3A_3192 = tpu.memref_slice %arg4[%select_n3A_3134, %dma_start3A_3182, %select_n3A_3151, %dma_start3A_3190, %dma_start3A_3191] : memref<200x4x32x8x128xf32, #tpu.memory_space<hbm>> -> memref<1x1x1x8x128xf32, #tpu.memory_space<hbm>>
      %dma_start3A_3193 = tpu.memref_squeeze %dma_start3A_3192 : memref<1x1x1x8x128xf32, #tpu.memory_space<hbm>> -> memref<8x128xf32, #tpu.memory_space<hbm>>
      %dma_start3A_3194 = arith.constant 16 : i32
      %dma_start3A_3195 = arith.constant 0 : i32
      %dma_start3A_3196 = tpu.memref_slice %arg9[%dma_start3A_3194, %dma_start3A_3195] : memref<32x131xf32, #tpu.memory_space<vmem>> -> memref<8x128xf32, #tpu.memory_space<vmem>>
      tpu.enqueue_dma source(%dma_start3A_3196 : memref<8x128xf32, #tpu.memory_space<vmem>>) target(%dma_start3A_3193 : memref<8x128xf32, #tpu.memory_space<hbm>>) target_semaphore(%arg13 : memref<!tpu.dma_semaphore, #tpu.memory_space<semaphore_mem>>)
      %dma_start3A_3197 = arith.constant 3 : i32
      %dma_start3A_3198 = arith.constant 24 : i32
      %dma_start3A_3199 = arith.constant 0 : i32
      %dma_start3A_3200 = tpu.memref_slice %arg9[%dma_start3A_3198, %dma_start3A_3199] : memref<32x131xf32, #tpu.memory_space<vmem>> -> memref<8x128xf32, #tpu.memory_space<vmem>>
      %dma_start3A_3201 = arith.constant 0 : i32
      %dma_start3A_3202 = arith.constant 0 : i32
      %dma_start3A_3203 = tpu.memref_slice %arg4[%select_n3A_3134, %dma_start3A_3197, %select_n3A_3151, %dma_start3A_3201, %dma_start3A_3202] : memref<200x4x32x8x128xf32, #tpu.memory_space<hbm>> -> memref<1x1x1x8x128xf32, #tpu.memory_space<hbm>>
      %dma_start3A_3204 = tpu.memref_squeeze %dma_start3A_3203 : memref<1x1x1x8x128xf32, #tpu.memory_space<hbm>> -> memref<8x128xf32, #tpu.memory_space<hbm>>
      %dma_start3A_3205 = arith.constant 0 : i32
      %dma_start3A_3206 = arith.constant 0 : i32
      %dma_start3A_3207 = tpu.memref_slice %arg4[%select_n3A_3134, %dma_start3A_3197, %select_n3A_3151, %dma_start3A_3205, %dma_start3A_3206] : memref<200x4x32x8x128xf32, #tpu.memory_space<hbm>> -> memref<1x1x1x8x128xf32, #tpu.memory_space<hbm>>
      %dma_start3A_3208 = tpu.memref_squeeze %dma_start3A_3207 : memref<1x1x1x8x128xf32, #tpu.memory_space<hbm>> -> memref<8x128xf32, #tpu.memory_space<hbm>>
      %dma_start3A_3209 = arith.constant 24 : i32
      %dma_start3A_3210 = arith.constant 0 : i32
      %dma_start3A_3211 = tpu.memref_slice %arg9[%dma_start3A_3209, %dma_start3A_3210] : memref<32x131xf32, #tpu.memory_space<vmem>> -> memref<8x128xf32, #tpu.memory_space<vmem>>
      tpu.enqueue_dma source(%dma_start3A_3211 : memref<8x128xf32, #tpu.memory_space<vmem>>) target(%dma_start3A_3208 : memref<8x128xf32, #tpu.memory_space<hbm>>) target_semaphore(%arg13 : memref<!tpu.dma_semaphore, #tpu.memory_space<semaphore_mem>>)
    }
    %scan3A_25 = arith.constant 100 : i32
    %dma_wait3A = arith.constant 0 : i32
    %dma_wait3A_26 = arith.constant 0 : i32
    %dma_wait3A_27 = arith.constant 0 : i32
    %dma_wait3A_28 = arith.constant 0 : i32
    %dma_wait3A_29 = arith.constant 0 : i32
    %dma_wait3A_30 = tpu.memref_slice %arg8[%dma_wait3A_28, %dma_wait3A_29] : memref<32x131xf32, #tpu.memory_space<vmem>> -> memref<8x128xf32, #tpu.memory_space<vmem>>
    %dma_wait3A_31 = arith.constant 0 : i32
    %dma_wait3A_32 = arith.constant 0 : i32
    %dma_wait3A_33 = tpu.memref_slice %arg4[%dma_wait3A, %dma_wait3A_26, %dma_wait3A_27, %dma_wait3A_31, %dma_wait3A_32] : memref<200x4x32x8x128xf32, #tpu.memory_space<hbm>> -> memref<1x1x1x8x128xf32, #tpu.memory_space<hbm>>
    %dma_wait3A_34 = tpu.memref_squeeze %dma_wait3A_33 : memref<1x1x1x8x128xf32, #tpu.memory_space<hbm>> -> memref<8x128xf32, #tpu.memory_space<hbm>>
    %dma_wait3A_35 = arith.constant 0 : i32
    %dma_wait3A_36 = arith.constant 0 : i32
    %dma_wait3A_37 = tpu.memref_slice %arg4[%dma_wait3A, %dma_wait3A_26, %dma_wait3A_27, %dma_wait3A_35, %dma_wait3A_36] : memref<200x4x32x8x128xf32, #tpu.memory_space<hbm>> -> memref<1x1x1x8x128xf32, #tpu.memory_space<hbm>>
    %dma_wait3A_38 = tpu.memref_squeeze %dma_wait3A_37 : memref<1x1x1x8x128xf32, #tpu.memory_space<hbm>> -> memref<8x128xf32, #tpu.memory_space<hbm>>
    %dma_wait3A_39 = arith.constant 0 : i32
    %dma_wait3A_40 = arith.constant 0 : i32
    %dma_wait3A_41 = tpu.memref_slice %arg8[%dma_wait3A_39, %dma_wait3A_40] : memref<32x131xf32, #tpu.memory_space<vmem>> -> memref<8x128xf32, #tpu.memory_space<vmem>>
    tpu.wait_dma2 semaphore(%arg12 : memref<!tpu.dma_semaphore, #tpu.memory_space<semaphore_mem>>) src(%dma_wait3A_41 : memref<8x128xf32, #tpu.memory_space<vmem>>) dst(%dma_wait3A_38 : memref<8x128xf32, #tpu.memory_space<hbm>>)
    %dma_wait3A_42 = arith.constant 0 : i32
    %dma_wait3A_43 = arith.constant 1 : i32
    %dma_wait3A_44 = arith.constant 0 : i32
    %dma_wait3A_45 = arith.constant 8 : i32
    %dma_wait3A_46 = arith.constant 0 : i32
    %dma_wait3A_47 = tpu.memref_slice %arg8[%dma_wait3A_45, %dma_wait3A_46] : memref<32x131xf32, #tpu.memory_space<vmem>> -> memref<8x128xf32, #tpu.memory_space<vmem>>
    %dma_wait3A_48 = arith.constant 0 : i32
    %dma_wait3A_49 = arith.constant 0 : i32
    %dma_wait3A_50 = tpu.memref_slice %arg4[%dma_wait3A_42, %dma_wait3A_43, %dma_wait3A_44, %dma_wait3A_48, %dma_wait3A_49] : memref<200x4x32x8x128xf32, #tpu.memory_space<hbm>> -> memref<1x1x1x8x128xf32, #tpu.memory_space<hbm>>
    %dma_wait3A_51 = tpu.memref_squeeze %dma_wait3A_50 : memref<1x1x1x8x128xf32, #tpu.memory_space<hbm>> -> memref<8x128xf32, #tpu.memory_space<hbm>>
    %dma_wait3A_52 = arith.constant 0 : i32
    %dma_wait3A_53 = arith.constant 0 : i32
    %dma_wait3A_54 = tpu.memref_slice %arg4[%dma_wait3A_42, %dma_wait3A_43, %dma_wait3A_44, %dma_wait3A_52, %dma_wait3A_53] : memref<200x4x32x8x128xf32, #tpu.memory_space<hbm>> -> memref<1x1x1x8x128xf32, #tpu.memory_space<hbm>>
    %dma_wait3A_55 = tpu.memref_squeeze %dma_wait3A_54 : memref<1x1x1x8x128xf32, #tpu.memory_space<hbm>> -> memref<8x128xf32, #tpu.memory_space<hbm>>
    %dma_wait3A_56 = arith.constant 8 : i32
    %dma_wait3A_57 = arith.constant 0 : i32
    %dma_wait3A_58 = tpu.memref_slice %arg8[%dma_wait3A_56, %dma_wait3A_57] : memref<32x131xf32, #tpu.memory_space<vmem>> -> memref<8x128xf32, #tpu.memory_space<vmem>>
    tpu.wait_dma2 semaphore(%arg12 : memref<!tpu.dma_semaphore, #tpu.memory_space<semaphore_mem>>) src(%dma_wait3A_58 : memref<8x128xf32, #tpu.memory_space<vmem>>) dst(%dma_wait3A_55 : memref<8x128xf32, #tpu.memory_space<hbm>>)
    %dma_wait3A_59 = arith.constant 0 : i32
    %dma_wait3A_60 = arith.constant 2 : i32
    %dma_wait3A_61 = arith.constant 0 : i32
    %dma_wait3A_62 = arith.constant 16 : i32
    %dma_wait3A_63 = arith.constant 0 : i32
    %dma_wait3A_64 = tpu.memref_slice %arg8[%dma_wait3A_62, %dma_wait3A_63] : memref<32x131xf32, #tpu.memory_space<vmem>> -> memref<8x128xf32, #tpu.memory_space<vmem>>
    %dma_wait3A_65 = arith.constant 0 : i32
    %dma_wait3A_66 = arith.constant 0 : i32
    %dma_wait3A_67 = tpu.memref_slice %arg4[%dma_wait3A_59, %dma_wait3A_60, %dma_wait3A_61, %dma_wait3A_65, %dma_wait3A_66] : memref<200x4x32x8x128xf32, #tpu.memory_space<hbm>> -> memref<1x1x1x8x128xf32, #tpu.memory_space<hbm>>
    %dma_wait3A_68 = tpu.memref_squeeze %dma_wait3A_67 : memref<1x1x1x8x128xf32, #tpu.memory_space<hbm>> -> memref<8x128xf32, #tpu.memory_space<hbm>>
    %dma_wait3A_69 = arith.constant 0 : i32
    %dma_wait3A_70 = arith.constant 0 : i32
    %dma_wait3A_71 = tpu.memref_slice %arg4[%dma_wait3A_59, %dma_wait3A_60, %dma_wait3A_61, %dma_wait3A_69, %dma_wait3A_70] : memref<200x4x32x8x128xf32, #tpu.memory_space<hbm>> -> memref<1x1x1x8x128xf32, #tpu.memory_space<hbm>>
    %dma_wait3A_72 = tpu.memref_squeeze %dma_wait3A_71 : memref<1x1x1x8x128xf32, #tpu.memory_space<hbm>> -> memref<8x128xf32, #tpu.memory_space<hbm>>
    %dma_wait3A_73 = arith.constant 16 : i32
    %dma_wait3A_74 = arith.constant 0 : i32
    %dma_wait3A_75 = tpu.memref_slice %arg8[%dma_wait3A_73, %dma_wait3A_74] : memref<32x131xf32, #tpu.memory_space<vmem>> -> memref<8x128xf32, #tpu.memory_space<vmem>>
    tpu.wait_dma2 semaphore(%arg12 : memref<!tpu.dma_semaphore, #tpu.memory_space<semaphore_mem>>) src(%dma_wait3A_75 : memref<8x128xf32, #tpu.memory_space<vmem>>) dst(%dma_wait3A_72 : memref<8x128xf32, #tpu.memory_space<hbm>>)
    %dma_wait3A_76 = arith.constant 0 : i32
    %dma_wait3A_77 = arith.constant 3 : i32
    %dma_wait3A_78 = arith.constant 0 : i32
    %dma_wait3A_79 = arith.constant 24 : i32
    %dma_wait3A_80 = arith.constant 0 : i32
    %dma_wait3A_81 = tpu.memref_slice %arg8[%dma_wait3A_79, %dma_wait3A_80] : memref<32x131xf32, #tpu.memory_space<vmem>> -> memref<8x128xf32, #tpu.memory_space<vmem>>
    %dma_wait3A_82 = arith.constant 0 : i32
    %dma_wait3A_83 = arith.constant 0 : i32
    %dma_wait3A_84 = tpu.memref_slice %arg4[%dma_wait3A_76, %dma_wait3A_77, %dma_wait3A_78, %dma_wait3A_82, %dma_wait3A_83] : memref<200x4x32x8x128xf32, #tpu.memory_space<hbm>> -> memref<1x1x1x8x128xf32, #tpu.memory_space<hbm>>
    %dma_wait3A_85 = tpu.memref_squeeze %dma_wait3A_84 : memref<1x1x1x8x128xf32, #tpu.memory_space<hbm>> -> memref<8x128xf32, #tpu.memory_space<hbm>>
    %dma_wait3A_86 = arith.constant 0 : i32
    %dma_wait3A_87 = arith.constant 0 : i32
    %dma_wait3A_88 = tpu.memref_slice %arg4[%dma_wait3A_76, %dma_wait3A_77, %dma_wait3A_78, %dma_wait3A_86, %dma_wait3A_87] : memref<200x4x32x8x128xf32, #tpu.memory_space<hbm>> -> memref<1x1x1x8x128xf32, #tpu.memory_space<hbm>>
    %dma_wait3A_89 = tpu.memref_squeeze %dma_wait3A_88 : memref<1x1x1x8x128xf32, #tpu.memory_space<hbm>> -> memref<8x128xf32, #tpu.memory_space<hbm>>
    %dma_wait3A_90 = arith.constant 24 : i32
    %dma_wait3A_91 = arith.constant 0 : i32
    %dma_wait3A_92 = tpu.memref_slice %arg8[%dma_wait3A_90, %dma_wait3A_91] : memref<32x131xf32, #tpu.memory_space<vmem>> -> memref<8x128xf32, #tpu.memory_space<vmem>>
    tpu.wait_dma2 semaphore(%arg12 : memref<!tpu.dma_semaphore, #tpu.memory_space<semaphore_mem>>) src(%dma_wait3A_92 : memref<8x128xf32, #tpu.memory_space<vmem>>) dst(%dma_wait3A_89 : memref<8x128xf32, #tpu.memory_space<hbm>>)
    %dma_wait3A_93 = arith.constant 0 : i32
    %dma_wait3A_94 = arith.constant 0 : i32
    %dma_wait3A_95 = arith.constant 0 : i32
    %dma_wait3A_96 = arith.constant 0 : i32
    %dma_wait3A_97 = arith.constant 0 : i32
    %dma_wait3A_98 = tpu.memref_slice %arg9[%dma_wait3A_96, %dma_wait3A_97] : memref<32x131xf32, #tpu.memory_space<vmem>> -> memref<8x128xf32, #tpu.memory_space<vmem>>
    %dma_wait3A_99 = arith.constant 0 : i32
    %dma_wait3A_100 = arith.constant 0 : i32
    %dma_wait3A_101 = tpu.memref_slice %arg4[%dma_wait3A_93, %dma_wait3A_94, %dma_wait3A_95, %dma_wait3A_99, %dma_wait3A_100] : memref<200x4x32x8x128xf32, #tpu.memory_space<hbm>> -> memref<1x1x1x8x128xf32, #tpu.memory_space<hbm>>
    %dma_wait3A_102 = tpu.memref_squeeze %dma_wait3A_101 : memref<1x1x1x8x128xf32, #tpu.memory_space<hbm>> -> memref<8x128xf32, #tpu.memory_space<hbm>>
    %dma_wait3A_103 = arith.constant 0 : i32
    %dma_wait3A_104 = arith.constant 0 : i32
    %dma_wait3A_105 = tpu.memref_slice %arg4[%dma_wait3A_93, %dma_wait3A_94, %dma_wait3A_95, %dma_wait3A_103, %dma_wait3A_104] : memref<200x4x32x8x128xf32, #tpu.memory_space<hbm>> -> memref<1x1x1x8x128xf32, #tpu.memory_space<hbm>>
    %dma_wait3A_106 = tpu.memref_squeeze %dma_wait3A_105 : memref<1x1x1x8x128xf32, #tpu.memory_space<hbm>> -> memref<8x128xf32, #tpu.memory_space<hbm>>
    %dma_wait3A_107 = arith.constant 0 : i32
    %dma_wait3A_108 = arith.constant 0 : i32
    %dma_wait3A_109 = tpu.memref_slice %arg9[%dma_wait3A_107, %dma_wait3A_108] : memref<32x131xf32, #tpu.memory_space<vmem>> -> memref<8x128xf32, #tpu.memory_space<vmem>>
    tpu.wait_dma2 semaphore(%arg13 : memref<!tpu.dma_semaphore, #tpu.memory_space<semaphore_mem>>) src(%dma_wait3A_109 : memref<8x128xf32, #tpu.memory_space<vmem>>) dst(%dma_wait3A_106 : memref<8x128xf32, #tpu.memory_space<hbm>>)
    %dma_wait3A_110 = arith.constant 0 : i32
    %dma_wait3A_111 = arith.constant 1 : i32
    %dma_wait3A_112 = arith.constant 0 : i32
    %dma_wait3A_113 = arith.constant 8 : i32
    %dma_wait3A_114 = arith.constant 0 : i32
    %dma_wait3A_115 = tpu.memref_slice %arg9[%dma_wait3A_113, %dma_wait3A_114] : memref<32x131xf32, #tpu.memory_space<vmem>> -> memref<8x128xf32, #tpu.memory_space<vmem>>
    %dma_wait3A_116 = arith.constant 0 : i32
    %dma_wait3A_117 = arith.constant 0 : i32
    %dma_wait3A_118 = tpu.memref_slice %arg4[%dma_wait3A_110, %dma_wait3A_111, %dma_wait3A_112, %dma_wait3A_116, %dma_wait3A_117] : memref<200x4x32x8x128xf32, #tpu.memory_space<hbm>> -> memref<1x1x1x8x128xf32, #tpu.memory_space<hbm>>
    %dma_wait3A_119 = tpu.memref_squeeze %dma_wait3A_118 : memref<1x1x1x8x128xf32, #tpu.memory_space<hbm>> -> memref<8x128xf32, #tpu.memory_space<hbm>>
    %dma_wait3A_120 = arith.constant 0 : i32
    %dma_wait3A_121 = arith.constant 0 : i32
    %dma_wait3A_122 = tpu.memref_slice %arg4[%dma_wait3A_110, %dma_wait3A_111, %dma_wait3A_112, %dma_wait3A_120, %dma_wait3A_121] : memref<200x4x32x8x128xf32, #tpu.memory_space<hbm>> -> memref<1x1x1x8x128xf32, #tpu.memory_space<hbm>>
    %dma_wait3A_123 = tpu.memref_squeeze %dma_wait3A_122 : memref<1x1x1x8x128xf32, #tpu.memory_space<hbm>> -> memref<8x128xf32, #tpu.memory_space<hbm>>
    %dma_wait3A_124 = arith.constant 8 : i32
    %dma_wait3A_125 = arith.constant 0 : i32
    %dma_wait3A_126 = tpu.memref_slice %arg9[%dma_wait3A_124, %dma_wait3A_125] : memref<32x131xf32, #tpu.memory_space<vmem>> -> memref<8x128xf32, #tpu.memory_space<vmem>>
    tpu.wait_dma2 semaphore(%arg13 : memref<!tpu.dma_semaphore, #tpu.memory_space<semaphore_mem>>) src(%dma_wait3A_126 : memref<8x128xf32, #tpu.memory_space<vmem>>) dst(%dma_wait3A_123 : memref<8x128xf32, #tpu.memory_space<hbm>>)
    %dma_wait3A_127 = arith.constant 0 : i32
    %dma_wait3A_128 = arith.constant 2 : i32
    %dma_wait3A_129 = arith.constant 0 : i32
    %dma_wait3A_130 = arith.constant 16 : i32
    %dma_wait3A_131 = arith.constant 0 : i32
    %dma_wait3A_132 = tpu.memref_slice %arg9[%dma_wait3A_130, %dma_wait3A_131] : memref<32x131xf32, #tpu.memory_space<vmem>> -> memref<8x128xf32, #tpu.memory_space<vmem>>
    %dma_wait3A_133 = arith.constant 0 : i32
    %dma_wait3A_134 = arith.constant 0 : i32
    %dma_wait3A_135 = tpu.memref_slice %arg4[%dma_wait3A_127, %dma_wait3A_128, %dma_wait3A_129, %dma_wait3A_133, %dma_wait3A_134] : memref<200x4x32x8x128xf32, #tpu.memory_space<hbm>> -> memref<1x1x1x8x128xf32, #tpu.memory_space<hbm>>
    %dma_wait3A_136 = tpu.memref_squeeze %dma_wait3A_135 : memref<1x1x1x8x128xf32, #tpu.memory_space<hbm>> -> memref<8x128xf32, #tpu.memory_space<hbm>>
    %dma_wait3A_137 = arith.constant 0 : i32
    %dma_wait3A_138 = arith.constant 0 : i32
    %dma_wait3A_139 = tpu.memref_slice %arg4[%dma_wait3A_127, %dma_wait3A_128, %dma_wait3A_129, %dma_wait3A_137, %dma_wait3A_138] : memref<200x4x32x8x128xf32, #tpu.memory_space<hbm>> -> memref<1x1x1x8x128xf32, #tpu.memory_space<hbm>>
    %dma_wait3A_140 = tpu.memref_squeeze %dma_wait3A_139 : memref<1x1x1x8x128xf32, #tpu.memory_space<hbm>> -> memref<8x128xf32, #tpu.memory_space<hbm>>
    %dma_wait3A_141 = arith.constant 16 : i32
    %dma_wait3A_142 = arith.constant 0 : i32
    %dma_wait3A_143 = tpu.memref_slice %arg9[%dma_wait3A_141, %dma_wait3A_142] : memref<32x131xf32, #tpu.memory_space<vmem>> -> memref<8x128xf32, #tpu.memory_space<vmem>>
    tpu.wait_dma2 semaphore(%arg13 : memref<!tpu.dma_semaphore, #tpu.memory_space<semaphore_mem>>) src(%dma_wait3A_143 : memref<8x128xf32, #tpu.memory_space<vmem>>) dst(%dma_wait3A_140 : memref<8x128xf32, #tpu.memory_space<hbm>>)
    %dma_wait3A_144 = arith.constant 0 : i32
    %dma_wait3A_145 = arith.constant 3 : i32
    %dma_wait3A_146 = arith.constant 0 : i32
    %dma_wait3A_147 = arith.constant 24 : i32
    %dma_wait3A_148 = arith.constant 0 : i32
    %dma_wait3A_149 = tpu.memref_slice %arg9[%dma_wait3A_147, %dma_wait3A_148] : memref<32x131xf32, #tpu.memory_space<vmem>> -> memref<8x128xf32, #tpu.memory_space<vmem>>
    %dma_wait3A_150 = arith.constant 0 : i32
    %dma_wait3A_151 = arith.constant 0 : i32
    %dma_wait3A_152 = tpu.memref_slice %arg4[%dma_wait3A_144, %dma_wait3A_145, %dma_wait3A_146, %dma_wait3A_150, %dma_wait3A_151] : memref<200x4x32x8x128xf32, #tpu.memory_space<hbm>> -> memref<1x1x1x8x128xf32, #tpu.memory_space<hbm>>
    %dma_wait3A_153 = tpu.memref_squeeze %dma_wait3A_152 : memref<1x1x1x8x128xf32, #tpu.memory_space<hbm>> -> memref<8x128xf32, #tpu.memory_space<hbm>>
    %dma_wait3A_154 = arith.constant 0 : i32
    %dma_wait3A_155 = arith.constant 0 : i32
    %dma_wait3A_156 = tpu.memref_slice %arg4[%dma_wait3A_144, %dma_wait3A_145, %dma_wait3A_146, %dma_wait3A_154, %dma_wait3A_155] : memref<200x4x32x8x128xf32, #tpu.memory_space<hbm>> -> memref<1x1x1x8x128xf32, #tpu.memory_space<hbm>>
    %dma_wait3A_157 = tpu.memref_squeeze %dma_wait3A_156 : memref<1x1x1x8x128xf32, #tpu.memory_space<hbm>> -> memref<8x128xf32, #tpu.memory_space<hbm>>
    %dma_wait3A_158 = arith.constant 24 : i32
    %dma_wait3A_159 = arith.constant 0 : i32
    %dma_wait3A_160 = tpu.memref_slice %arg9[%dma_wait3A_158, %dma_wait3A_159] : memref<32x131xf32, #tpu.memory_space<vmem>> -> memref<8x128xf32, #tpu.memory_space<vmem>>
    tpu.wait_dma2 semaphore(%arg13 : memref<!tpu.dma_semaphore, #tpu.memory_space<semaphore_mem>>) src(%dma_wait3A_160 : memref<8x128xf32, #tpu.memory_space<vmem>>) dst(%dma_wait3A_157 : memref<8x128xf32, #tpu.memory_space<hbm>>)
    return
  }
}

</mosaic_0001>

<sc_bundles>
// kernel: _sc_gather.3.cloned.1.call-start
scs
__scs_entry_jumppad:
0x0: {  	(pc) =	sbr.rel $0x88, $3  }
0x1: {  	(tag) =	ssettag $0x0;
	lr =	simm.s32 $0x1  }
0x2: {  	[smem:$0x3F9F] =	sst lr;
	_ =	strace $0xD0000000  }
0x3: {  	_ = 	snop  }
0x4: {  	_ = 	snop  }
0x5: {  	_ = 	snop  }
0x6: {  	_ = 	snop  }
0x7: {  	_ = 	snop  }
__scs_overlays_trampoline_lowered:
0x8: {  	[smem:$0x3FAE] =	sst s0  }
0x9: {  	[smem:$0x3FAF] =	sst s1  }
0xa: {  	[smem:$0x3FB0] =	sst s2  }
0xb: {  	[smem:$0x3FB1] =	sst s3  }
0xc: {  	[smem:$0x3FB2] =	sst s4  }
0xd: {  	[smem:$0x3FB3] =	sst s5  }
0xe: {  	[smem:$0x3FB4] =	sst s6  }
0xf: {  	[smem:$0x3FB5] =	sst s7  }
0x10: {  	[smem:$0x3FB6] =	sst s8  }
0x11: {  	[smem:$0x3FB7] =	sst s9;
	s0 =	simm.s32 @!p0 $0x0  }
0x12: {  	s1 =	sld [smem:$0x3F9D];
	s0 =	simm.s32 @p0 $0x1  }
0x13: {  	[smem:$0x3FB8] =	sst s0;
	s0 =	simm.s32 @!p1 $0x0  }
0x14: {  	s2 =	sld [smem:$0x3F9C];
	s0 =	simm.s32 @p1 $0x1  }
0x15: {  	[smem:$0x3FB9] =	sst s0;
	s0 =	simm.s32 @!p2 $0x0  }
0x16: {  	s3 =	sld [smem:$0x3FDB];
	s0 =	simm.s32 @p2 $0x1  }
0x17: {  	s4 =	simm.s32 $0x1BF5;
	[smem:$0x3FBB] =	sst s0  }
0x18: {  	s0 =	sld [smem:$0x3F9E];
	_ =	swait.ge [sflag:s4], $0x0  }
0x19: {  	s7 =	sld [smem:$0x3F9F]  }
0x1a: {  	s8 =	sadd.s32 $0xFFFFE003, lr  }
0x1b: {  	s9 =	sadd.s32 $0xFFFFFEF7, lr;
	s5 =	simm.s32 $0xFFFFFFFF;
	p2 =	slt.u32 s8, $0xFFFFF086  }
0x1c: {  	p1 =	slt.u32 s9, $0xF7A;
	s5 =	simm.s32 @!p2 $0x0  }
0x1d: {  	s5 =	simm.s32 @p1 $0x1;
	p0 =	seq.s32 s7, s2  }
0x1e: {  	s7 =	smul.u32 @!p0 $0xF7A, s2;
	p2 =	seq.s32 @!p0 s5, $0x0  }
0x1f: {  	s9 =	smul.u32 $0xF7A, s1;
	s8 =	simm.s32 @!p0 $0x1BF5;
	p2 =	por !p2, p0  }
0x20: {  	[sflag:s8] =	ssyncset.s32 @!p0 $0xFFFFF086;
	s6 =	sadd.s32 @!p0 s3, s7;
	s7 =	simm.s32 @!p0 $0x108  }
0x21: {  	s3 =	sadd.s32 s3, s9;
	s6 =	sadd.s32 @!p0 $0x88, s6;
	s7 =	simm.s32 @p2 $0x1082  }
0x22: {  	[simem:s7], [sflag:s8] =	dma.local @!p0 [hbm:s6], $0xF7A  }
0x23: {  	s9 =	sor.u32 $0xD0000000, s2;
	s6 =	simm.s32 $0x108;
	_ =	swait.ge @!p0 [sflag:s8], $0x0  }
0x24: {  	s3 =	sadd.s32 $0x88, s3;
	s6 =	simm.s32 @!p1 $0x1082;
	[sflag:s4] =	ssyncset.s32 $0xFFFFF086  }
0x25: {  	[simem:s6], [sflag:s4] =	dma.local [hbm:s3], $0xF7A  }
0x26: {  	[smem:$0x3F9F] =	sst s1;
	(tag) =	ssettag s2;
	_ =	strace s9  }
0x27: {  	s1 =	sld [smem:$0x3FAF]  }
0x28: {  	s2 =	sld [smem:$0x3FB0]  }
0x29: {  	s4 =	sld [smem:$0x3FB2]  }
0x2a: {  	p0 =	seq.s32 s5, $0x0;
	s5 =	sld [smem:$0x3FB3]  }
0x2b: {  	s6 =	sld [smem:$0x3FB4]  }
0x2c: {  	s7 =	sld [smem:$0x3FB5]  }
0x2d: {  	s3 =	simm.s32 $0x108;
	s8 =	sld [smem:$0x3FB6]  }
0x2e: {  	s3 =	simm.s32 @!p0 $0x1082;
	s9 =	sld [smem:$0x3FB7]  }
0x2f: {  	lr =	sadd.s32 s0, s3;
	s0 =	sld [smem:$0x3FAE]  }
0x30: {  	s3 =	sld [smem:$0x3FB1]  }
0x31: {  	[smem:$0x3FBA] =	sst s10  }
0x32: {  	s10 =	sld [smem:$0x3FB8];
	_ =	sdelay $0x3  }
0x33: {  	p0 =	seq.s32 s10, $0x1;
	s10 =	sld [smem:$0x3FBA];
	_ =	sdelay $0x3  }
0x34: {  	[smem:$0x3FBA] =	sst s10  }
0x35: {  	s10 =	sld [smem:$0x3FB9];
	_ =	sdelay $0x3  }
0x36: {  	p1 =	seq.s32 s10, $0x1;
	s10 =	sld [smem:$0x3FBA];
	_ =	sdelay $0x3  }
0x37: {  	[smem:$0x3FBA] =	sst s10  }
0x38: {  	s10 =	sld [smem:$0x3FBB]  }
0x39: {  	_ = 	snop;
	(pc) =	sbr.ind lr, $3  }
0x3a: {  	_ = 	snop  }
0x3b: {  	_ = 	snop  }
0x3c: {  	p2 =	seq.s32 s10, $0x1;
	s10 =	sld [smem:$0x3FBA]  }
0x3d: {  	_ =	shalt  }
0x3e: {  	_ =	shalt  }
0x3f: {  	_ =	shalt  }
0x40: {  	_ =	shalt  }
0x41: {  	_ =	shalt  }
0x42: {  	_ =	shalt  }
0x43: {  	_ =	shalt  }
0x44: {  	_ =	shalt  }
0x45: {  	_ =	shalt  }
0x46: {  	_ =	shalt  }
0x47: {  	_ =	shalt  }
0x48: {  	_ =	shalt  }
0x49: {  	_ =	shalt  }
0x4a: {  	_ =	shalt  }
0x4b: {  	_ =	shalt  }
0x4c: {  	_ =	shalt  }
0x4d: {  	_ =	shalt  }
0x4e: {  	_ =	shalt  }
0x4f: {  	_ =	shalt  }
0x50: {  	_ =	shalt  }
0x51: {  	_ =	shalt  }
0x52: {  	_ =	shalt  }
0x53: {  	_ =	shalt  }
0x54: {  	_ =	shalt  }
0x55: {  	_ =	shalt  }
0x56: {  	_ =	shalt  }
0x57: {  	_ =	shalt  }
0x58: {  	_ =	shalt  }
0x59: {  	_ =	shalt  }
0x5a: {  	_ =	shalt  }
0x5b: {  	_ =	shalt  }
0x5c: {  	_ =	shalt  }
0x5d: {  	_ =	shalt  }
0x5e: {  	_ =	shalt  }
0x5f: {  	_ =	shalt  }
0x60: {  	_ =	shalt  }
0x61: {  	_ =	shalt  }
0x62: {  	_ =	shalt  }
0x63: {  	_ =	shalt  }
0x64: {  	_ =	shalt  }
0x65: {  	_ =	shalt  }
0x66: {  	_ =	shalt  }
0x67: {  	_ =	shalt  }
0x68: {  	_ =	shalt  }
0x69: {  	_ =	shalt  }
0x6a: {  	_ =	shalt  }
0x6b: {  	_ =	shalt  }
0x6c: {  	_ =	shalt  }
0x6d: {  	_ =	shalt  }
0x6e: {  	_ =	shalt  }
0x6f: {  	_ =	shalt  }
0x70: {  	_ =	shalt  }
0x71: {  	_ =	shalt  }
0x72: {  	_ =	shalt  }
0x73: {  	_ =	shalt  }
0x74: {  	_ =	shalt  }
0x75: {  	_ =	shalt  }
0x76: {  	_ =	shalt  }
0x77: {  	_ =	shalt  }
0x78: {  	_ =	shalt  }
0x79: {  	_ =	shalt  }
0x7a: {  	_ =	shalt  }
0x7b: {  	_ =	shalt  }
0x7c: {  	_ =	shalt  }
0x7d: {  	_ =	shalt  }
0x7e: {  	_ =	shalt  }
0x7f: {  	_ =	shalt  }
0x80: {  	_ =	shalt  }
0x81: {  	_ =	shalt  }
0x82: {  	_ =	shalt  }
0x83: {  	_ =	shalt  }
0x84: {  	_ =	shalt  }
0x85: {  	_ =	shalt  }
0x86: {  	_ =	shalt  }
0x87: {  	_ =	shalt  }
.Lfunc_end0:
.L_simem_size_0:
called_computation_lowered:
.L_overlay_start_0:
0x88: {  	s2 =	sld [smem:$0x3FD9]  }
0x89: {  	s3 =	sld [smem:$0x3FFE];
	_ =	sdelay $0x1  }
0x8a: {  	s1 =	srdreg.scid  }
0x8b: {  	s0 =	sand.u32 $0x1, s1  }
0x8c: {  	s17 =	sshll.u32 s0, $0xA;
	s2 =	sadd.s32 s3, s2  }
0x8d: {  	s2 =	sadd.s32 s2, s17  }
0x8e: {  	[smem:$0x3FC6] =	sst s2  }
0x8f: {  	_ = 	snop  }
0x90: {  	s2 =	sld [smem:$0x3FC9]  }
0x91: {  	s18 =	sld [smem:$0x3FD0];
	(tm) =	ssettm $0x1  }
0x92: {  	s4 =	sld [smem:$0x3FFB];
	_ =	sdelay $0x3  }
0x93: {  	_ =	strace s4  }
0x94: {  	s4 =	sld [smem:$0x3FFC];
	_ =	sdelay $0x3  }
0x95: {  	_ =	strace s4  }
0x96: {  	s4 =	sld [smem:$0x3FFD];
	_ =	sdelay $0x3  }
0x97: {  	_ =	strace s4  }
0x98: {  	_ =	strace $0x8FFFFFFF  }
0x99: {  	s19 =	sld [smem:$0x3FDB];
	_ =	sdelay $0x1  }
0x9a: {  	s5 =	simm.s32 $_scs_section_size  }
0x9b: {  	s6 =	simm.s32 $_size__tile_overlayer_lowered;
	s7 =	simm.s32 $_tile_overlayer_lowered  }
0x9c: {  	s22 =	simm.s32 $0x1BFF;
	s21 =	sshll.u32 s7, $0x1;
	s4 =	sadd.s32 s5, s19  }
0x9d: {  	s8 =	simm.s32 $0x0;
	s20 =	sshll.u32 s6, $0x1;
	s6 =	sadd.s32 s21, s4  }
0x9e: {  	[timem:s8], [sflag:s22] =	dma.local [hbm:s6], s20  }
0x9f: {  	_ =	swait.ge [sflag:s22], s20  }
0xa0: {  	s5 =	ssub.s32 $0x0, s20;
	[sflag:s22] =	ssyncset.done $0x0  }
0xa1: {  	[sflag:s22] =	ssyncadd.s32 s5;
	_ =	sdelay $0x1  }
0xa2: {  	s23 =	simm.s32 $0x1B8B  }
0xa3: {  	_ =	swait.ge [sflag:s23], $0x1  }
0xa4: {  	[sflag:s23] =	ssyncset.done $0x0  }
0xa5: {  	s25 =	simm.s32 $0x1B8E;
	s24 =	sld [smem:$0x3FFE];
	[sflag:s23] =	ssyncadd.s32 $0xFFFFFFFF  }
0xa6: {  	s26 =	simm.s32 $execute0_lowered;
	[smem:$0x3FD2] =	sst s25  }
0xa7: {  	s6 =	sshll.u32 s26, $0x1;
	_ =	strace $0x80000046;
	[dreg:$0x1] =	wrdreg $0xFFFFFFFF  }
0xa8: {  	s28 =	simm.s32 $_size_execute0_lowered;
	s4 =	sadd.s32 s4, s6;
	[dreg:$0x0] =	wrdreg $0x0  }
0xa9: {  	s6 =	sshll.u32 s28, $0x1;
	[dreg:$0x2] =	wrdreg s4  }
0xaa: {  	[dreg:$0x3] =	wrdreg s6  }
0xab: {  	[dreg:$0x4] =	wrdreg $0xC0  }
0xac: {  	_ =	task [dreg:s8], $0x5FFFF  }
0xad: {  	[dreg:$0x1] =	wrdreg $0xFFFFFFFF  }
0xae: {  	[dreg:$0x0] =	wrdreg $0x60  }
0xaf: {  	[dreg:$0x2] =	wrdreg s2  }
0xb0: {  	[dreg:$0x3] =	wrdreg s24  }
0xb1: {  	[dreg:$0x4] =	wrdreg s18  }
0xb2: {  	[dreg:$0x5] =	wrdreg $0x9  }
0xb3: {  	_ =	task.clear_ibuf [dreg:s8], $0x6FFFF;
	_ =	strace $0x90000046  }
0xb4: {  	s29 =	simm.s32 $0x9;
	_ =	strace $0x80000048  }
0xb5: {  	_ =	swait.ge [sflag:s29], $0x1  }
0xb6: {  	[sflag:s29] =	ssyncadd.s32 $0xFFFFFFFF  }
0xb7: {  	_ =	strace $0x90000048  }
0xb8: {  	_ =	sfence  }
0xb9: {  	s30 =	sld [smem:$0x0];
	_ =	sdelay $0x2  }
0xba: {  	s31 =	sshll.u32 s1, $0xD;
	s1 =	sshrl.u32 s1, $0x2  }
0xbb: {  	s3 =	sand.u32 $0x4000, s31;
	s1 =	sadd.s32 s1, s30  }
0xbc: {  	s0 =	sor.u32 s3, s0;
	s1 =	sshll.u32 s1, $0x11  }
0xbd: {  	s0 =	sor.u32 s1, s0  }
0xbe: {  	s0 =	sadd.s32 $0x8F2B, s0  }
0xbf: {  	[sflag:s0] =	ssyncadd.remote.s32 $0x1  }
0xc0: {  	_ =	sfence.sel $0xFFFF  }
0xc1: {  	[dreg:$0x0] =	wrdreg $0xFFFFFFFF;
	(pc) =	sbr.abs _section_cstart, $3  }
0xc2: {  	[dreg:$0x1] =	wrdreg $0xFFFFFFFF  }
0xc3: {  	_ =	task.clear_ibuf [dreg:s8], $0x2FFFF;
	_ =	strace $0x9FFFFFFF  }
0xc4: {  	(tm) =	ssettm $0x7FFFFFFF  }
0xc5: {  	_ =	shalt  }
tec
execute0_lowered:
.L_overlay_start_1:
0x0: {  	(tag) =	ssettag $0x1  }
0x1: {  	s5 =	rddreg [dreg:$0x0]  }
0x2: {  	s4 =	rddreg [dreg:$0x1]  }
0x3: {  	s2 =	rddreg [dreg:$0x2];
	s3 =	simm.s32 $0x0  }
0x4: {  	s21 =	simm.s32 $0x8488;
	[smem:$0x7FF] =	sst s3  }
0x5: {  	s22 =	simm.s32 $0x8510;
	_ =	strace $0x80000047;
	[dreg:$0x5] =	wrdreg s21  }
0x6: {  	s23 =	simm.s32 $0x8598;
	[dreg:$0x6] =	wrdreg s22  }
0x7: {  	s24 =	simm.s32 $0x8620;
	[dreg:$0x7] =	wrdreg s23  }
0x8: {  	s25 =	simm.s32 $0x86A8;
	[dreg:$0x8] =	wrdreg s24  }
0x9: {  	s26 =	simm.s32 $0x8730;
	[dreg:$0x9] =	wrdreg s25  }
0xa: {  	s28 =	simm.s32 $0x87B8;
	[dreg:$0xa] =	wrdreg s26  }
0xb: {  	s29 =	simm.s32 $0x8840;
	[dreg:$0xb] =	wrdreg s28  }
0xc: {  	s30 =	simm.s32 $0x88C8;
	[dreg:$0xc] =	wrdreg s29  }
0xd: {  	s1 =	srdreg.scid;
	s31 =	simm.s32 $0x8950;
	[dreg:$0xd] =	wrdreg s30  }
0xe: {  	s9 =	sand.u32 $0x1, s1;
	s1 =	simm.s32 $0x89D8;
	[dreg:$0xe] =	wrdreg s31  }
0xf: {  	s8 =	simm.s32 $0x8AE8;
	[dreg:$0xf] =	wrdreg s1  }
0x10: {  	s10 =	simm.s32 $0x8B70;
	[dreg:$0x11] =	wrdreg s8  }
0x11: {  	s11 =	simm.s32 $0x8BF8;
	[dreg:$0x12] =	wrdreg s10  }
0x12: {  	s12 =	simm.s32 $0x8C80;
	[dreg:$0x13] =	wrdreg s11  }
0x13: {  	s13 =	simm.s32 $0x8D08;
	[dreg:$0x14] =	wrdreg s12  }
0x14: {  	s14 =	simm.s32 $0x8D90;
	[dreg:$0x15] =	wrdreg s13  }
0x15: {  	s15 =	simm.s32 $0x8E18;
	[dreg:$0x16] =	wrdreg s14  }
0x16: {  	s16 =	simm.s32 $0x8EA0;
	[dreg:$0x17] =	wrdreg s15  }
0x17: {  	s17 =	simm.s32 $0x8F28;
	[dreg:$0x18] =	wrdreg s16  }
0x18: {  	s18 =	simm.s32 $0x8FB0;
	[dreg:$0x19] =	wrdreg s17  }
0x19: {  	s19 =	simm.s32 $0x9038;
	[dreg:$0x1a] =	wrdreg s18  }
0x1a: {  	s20 =	simm.s32 $0x90C0;
	[dreg:$0x1b] =	wrdreg s19  }
0x1b: {  	[dreg:$0x1c] =	wrdreg s20;
	s21 =	simm.s32 $0x9148  }
0x1c: {  	s22 =	simm.s32 $0x91D0;
	[dreg:$0x1d] =	wrdreg s21  }
0x1d: {  	s23 =	simm.s32 $0x9258;
	[dreg:$0x1e] =	wrdreg s22  }
0x1e: {  	s24 =	simm.s32 $0x92E0;
	[dreg:$0x1f] =	wrdreg s23  }
0x1f: {  	s25 =	simm.s32 $0x9368;
	[smem:$0x7DB] =	sst s24  }
0x20: {  	s26 =	simm.s32 $0x93F0;
	[smem:$0x7DC] =	sst s25  }
0x21: {  	s28 =	simm.s32 $0x9478;
	[smem:$0x7DD] =	sst s26  }
0x22: {  	s29 =	simm.s32 $0x9588;
	[smem:$0x7DE] =	sst s28  }
0x23: {  	s30 =	simm.s32 $0x9610;
	[smem:$0x7DF] =	sst s29  }
0x24: {  	s31 =	simm.s32 $0x9698;
	[smem:$0x7E0] =	sst s30  }
0x25: {  	s1 =	simm.s32 $0x9720;
	[smem:$0x7E1] =	sst s31  }
0x26: {  	s8 =	simm.s32 $0x9830;
	[smem:$0x7E2] =	sst s1  }
0x27: {  	s10 =	simm.s32 $0x98B8;
	[smem:$0x7E4] =	sst s8  }
0x28: {  	s11 =	simm.s32 $0x9940;
	[smem:$0x7E5] =	sst s10  }
0x29: {  	s12 =	simm.s32 $0x99C8;
	[smem:$0x7E6] =	sst s11  }
0x2a: {  	s13 =	simm.s32 $0x9A50;
	[smem:$0x7E7] =	sst s12  }
0x2b: {  	s14 =	simm.s32 $0x9AD8;
	[smem:$0x7E8] =	sst s13  }
0x2c: {  	s16 =	simm.s32 $0x9B60;
	[smem:$0x7E9] =	sst s14  }
0x2d: {  	s17 =	simm.s32 $0x9BE8;
	[smem:$0x7EA] =	sst s16  }
0x2e: {  	s0 =	stileid.u32;
	v0 =	vlaneseq.u32;
	s18 =	simm.s32 $0x9C70;
	[smem:$0x7EB] =	sst s17  }
0x2f: {  	s6 =	smul.u32 $0x32000, s0;
	v0 =	vmul.u32 $0x88, v0;
	s19 =	simm.s32 $0x9CF8;
	[smem:$0x7EC] =	sst s18  }
0x30: {  	s4 =	sadd.s32 $0x3D09400, s4;
	s20 =	simm.s32 $0x9D80;
	[smem:$0x7ED] =	sst s19  }
0x31: {  	s7 =	smul.u32 $0x19000, s9;
	v2 =	vadd.s32 $0x880, v0;
	v3 =	vor.u32 $0x1, v0;
	v4 =	vadd.s32 $0x881, v0;
	[smem:$0x7EE] =	sst s20;
	s21 =	simm.s32 $0x9E08  }
0x32: {  	s15 =	ssub.s32 $0x2, s9;
	v5 =	vor.u32 $0x2, v0;
	v6 =	vadd.s32 $0x882, v0;
	v7 =	vor.u32 $0x3, v0;
	s22 =	simm.s32 $0x9E90;
	[smem:$0x7EF] =	sst s21  }
0x33: {  	s8 =	sshrl.u32 s15, $0x1;
	v8 =	vadd.s32 $0x883, v0;
	v9 =	vor.u32 $0x4, v0;
	v10 =	vadd.s32 $0x884, v0;
	s23 =	simm.s32 $0x9F18;
	[smem:$0x7F0] =	sst s22  }
0x34: {  	s10 =	sshll.u32 s0, $0x1;
	v11 =	vor.u32 $0x5, v0;
	v12 =	vadd.s32 $0x885, v0;
	v13 =	vor.u32 $0x6, v0;
	s24 =	simm.s32 $0x9FA0;
	[smem:$0x7F1] =	sst s23  }
0x35: {  	v14 =	vadd.s32 $0x886, v0;
	v15 =	vor.u32 $0x7, v0;
	v16 =	vadd.s32 $0x887, v0;
	s25 =	simm.s32 $0xA028;
	s12 =	smul.u32 $0xC800, s0;
	[smem:$0x7F2] =	sst s24  }
0x36: {  	v17 =	vadd.s32 $0x8, v0;
	v18 =	vadd.s32 $0x888, v0;
	v19 =	vadd.s32 $0x9, v0;
	s26 =	simm.s32 $0xA0B0;
	s13 =	smul.u32 $0x6400, s9;
	[smem:$0x7F3] =	sst s25  }
0x37: {  	v20 =	vadd.s32 $0x889, v0;
	v21 =	vadd.s32 $0xA, v0;
	v22 =	vadd.s32 $0x88A, v0;
	s28 =	simm.s32 $0xA138;
	s29 =	simm.s32 $0xA1C0;
	[smem:$0x7F4] =	sst s26  }
0x38: {  	v23 =	vadd.s32 $0xB, v0;
	v24 =	vadd.s32 $0x88B, v0;
	v25 =	vadd.s32 $0xC, v0;
	s30 =	simm.s32 $0xA248;
	s31 =	simm.s32 $0xA2D0;
	[smem:$0x7F5] =	sst s28  }
0x39: {  	v26 =	vadd.s32 $0x88C, v0;
	v27 =	vadd.s32 $0xD, v0;
	v28 =	vadd.s32 $0x88D, v0;
	s14 =	simm.s32 $0xA358;
	s16 =	simm.s32 $0xA468;
	[smem:$0x7F6] =	sst s29  }
0x3a: {  	v29 =	vadd.s32 $0xE, v0;
	v30 =	vadd.s32 $0x88E, v0;
	v31 =	vadd.s32 $0xF, v0;
	s17 =	simm.s32 $0xA4F0;
	s19 =	simm.s32 $0xA578;
	[smem:$0x7F7] =	sst s30  }
0x3b: {  	v32 =	vadd.s32 $0x88F, v0;
	v33 =	vadd.s32 $0x10, v0;
	v34 =	vadd.s32 $0x890, v0;
	s18 =	simm.s32 $0x9500;
	s20 =	simm.s32 $0x4;
	[smem:$0x7F8] =	sst s31  }
0x3c: {  	v35 =	vadd.s32 $0x11, v0;
	v36 =	vadd.s32 $0x891, v0;
	v37 =	vadd.s32 $0x12, v0;
	s6 =	sadd.s32 s7, s6;
	s7 =	simm.s32 $0x8A60;
	[smem:$0x7F9] =	sst s14  }
0x3d: {  	v38 =	vadd.s32 $0x892, v0;
	v39 =	vadd.s32 $0x13, v0;
	v40 =	vadd.s32 $0x893, v0;
	s10 =	sor.u32 s9, s10;
	s11 =	ssub.s32 s15, s8;
	[smem:$0x7FB] =	sst s16  }
0x3e: {  	v41 =	vadd.s32 $0x14, v0;
	v42 =	vadd.s32 $0x894, v0;
	v43 =	vadd.s32 $0x15, v0;
	s8 =	sadd.s32 $0x3000, s2;
	s15 =	simm.s32 $0xA3E0;
	[smem:$0x7FC] =	sst s17  }
0x3f: {  	v44 =	vadd.s32 $0x895, v0;
	v45 =	vadd.s32 $0x16, v0;
	v46 =	vadd.s32 $0x896, v0;
	s14 =	simm.s32 $0x7400;
	s16 =	simm.s32 $0x8400;
	[smem:$0x7FD] =	sst s19  }
0x40: {  	v47 =	vadd.s32 $0x17, v0;
	v48 =	vadd.s32 $0x897, v0;
	v49 =	vadd.s32 $0x18, v0;
	s17 =	simm.s32 $0x2;
	s19 =	simm.s32 $0x3;
	[dreg:$0x4] =	wrdreg s6  }
0x41: {  	v50 =	vadd.s32 $0x898, v0;
	v51 =	vadd.s32 $0x19, v0;
	v52 =	vadd.s32 $0x899, v0;
	s21 =	simm.s32 $0x0;
	[dreg:$0x10] =	wrdreg s7;
	s7 =	simm.s32 $0x97A8  }
0x42: {  	v53 =	vadd.s32 $0x1A, v0;
	v54 =	vadd.s32 $0x89A, v0;
	v55 =	vadd.s32 $0x1B, v0;
	s10 =	smul.u32 $0xC80, s10;
	s6 =	sadd.s32 $0x1000, s2;
	s9 =	smax.u32 s11, $0x1  }
0x43: {  	v56 =	vadd.s32 $0x89B, v0;
	v57 =	vadd.s32 $0x1C, v0;
	v1 =	vadd.s32 $0x89F, v0;
	s11 =	simm.s32 $0x5;
	[smem:$0x7FA] =	sst s15;
	s15 =	simm.s32 $0x1  }
0x44: {  	v58 =	vadd.s32 $0x89C, v0;
	v59 =	vadd.s32 $0x1D, v0;
	v60 =	vadd.s32 $0x89D, v0;
	[tilespmem:$0x1FFE0] =	vst v1;
	[smem:$0x7E3] =	sst s7;
	s7 =	sadd.s32 $0x2000, s2;
	s5 =	sadd.s32 s5, s10  }
0x45: {  	v61 =	vadd.s32 $0x1E, v0;
	v62 =	vadd.s32 $0x89E, v0;
	v63 =	vadd.s32 $0x1F, v0;
	[tilespmem:$0x1FFF0] =	vst v2;
	s10 =	sadd.s32 s13, s12;
	s12 =	simm.s32 $0x80;
	s13 =	simm.s32 $0x6400  }
.LBB2_1:
0x46: {  	[tilespmem:s3], [sflag:$0x5] =	stream.linear.gather [hbm4b:s5+s3], $0x6400, $0x38;
	[tilespmem:$0xA600] =	vst v63  }
0x47: {  	_ =	swait.ge [sflag:s11], $0x6400  }
0x48: {  	[sflag:s11] =	ssyncset.done $0x0  }
0x49: {  	[sflag:s11] =	ssyncadd.s32 $0xFFFF9C00  }
0x4a: {  	[tilespmem:s13], [sflag:$0x1] =	stream.indirect.gather [hbm4b:s4+s12], $0x20, s3, s12, $0xb8;
	[tilespmem:$0xA600] =	vst v63  }
0x4b: {  	s22 =	smov.u32 s10;
	s23 =	simm.s32 $0x0  }
0x4c: {  	[tilespmem:s14], [sflag:$0x2] =	stream.indirect.gather [hbm4b:s4+s12], $0x20, s12, s12, $0xb8;
	[tilespmem:$0xA600] =	vst v63  }
.LBB2_2:
0x4d: {  	_ =	swait.ge [sflag:s15], $0x1000  }
0x4e: {  	p0 =	seq.s32 s23, $0x0;
	[sflag:s15] =	ssyncset.done $0x0  }
0x4f: {  	s24 =	simm.s32 @!p0 $0x3;
	[sflag:s15] =	ssyncadd.s32 $0xFFFFF000  }
0x50: {  	_ =	swait.ge @!p0 [sflag:s24], $0x400  }
0x51: {  	[sflag:s24] =	ssyncset.done @!p0 $0x0  }
0x52: {  	[sflag:s24] =	ssyncadd.s32 @!p0 $0xFFFFFC00  }
0x53: {  	_ =	swait.ge @!p0 [sflag:s24], $0x400  }
0x54: {  	[sflag:s24] =	ssyncset.done @!p0 $0x0  }
0x55: {  	[sflag:s24] =	ssyncadd.s32 @!p0 $0xFFFFFC00  }
0x56: {  	_ =	swait.ge @!p0 [sflag:s24], $0x400  }
0x57: {  	[sflag:s24] =	ssyncset.done @!p0 $0x0  }
0x58: {  	[sflag:s24] =	ssyncadd.s32 @!p0 $0xFFFFFC00  }
0x59: {  	_ =	swait.ge @!p0 [sflag:s24], $0x400  }
0x5a: {  	[sflag:s24] =	ssyncset.done @!p0 $0x0  }
0x5b: {  	[sflag:s24] =	ssyncadd.s32 @!p0 $0xFFFFFC00  }
0x5c: {  	v1 =	vld [tilespmem:$0x6400];
	_ =	sdelay $0x4  }
0x5d: {  	[tilespmem:v0+s16+$0x0] =	vst.idx.msk $0xffff, v1  }
0x5e: {  	v1 =	vld [tilespmem:$0x6410];
	_ =	sdelay $0x4  }
0x5f: {  	[tilespmem:v2+s16+$0x0] =	vst.idx.msk $0xffff, v1  }
0x60: {  	v1 =	vld [tilespmem:$0x6420];
	_ =	sdelay $0x4  }
0x61: {  	[tilespmem:v3+s16+$0x0] =	vst.idx.msk $0xffff, v1  }
0x62: {  	v1 =	vld [tilespmem:$0x6430];
	_ =	sdelay $0x4  }
0x63: {  	[tilespmem:v4+s16+$0x0] =	vst.idx.msk $0xffff, v1  }
0x64: {  	v1 =	vld [tilespmem:$0x6440];
	_ =	sdelay $0x4  }
0x65: {  	[tilespmem:v5+s16+$0x0] =	vst.idx.msk $0xffff, v1  }
0x66: {  	v1 =	vld [tilespmem:$0x6450];
	_ =	sdelay $0x4  }
0x67: {  	[tilespmem:v6+s16+$0x0] =	vst.idx.msk $0xffff, v1  }
0x68: {  	v1 =	vld [tilespmem:$0x6460];
	_ =	sdelay $0x4  }
0x69: {  	[tilespmem:v7+s16+$0x0] =	vst.idx.msk $0xffff, v1  }
0x6a: {  	v1 =	vld [tilespmem:$0x6470];
	_ =	sdelay $0x4  }
0x6b: {  	[tilespmem:v8+s16+$0x0] =	vst.idx.msk $0xffff, v1  }
0x6c: {  	v1 =	vld [tilespmem:$0x6480];
	_ =	sdelay $0x4  }
0x6d: {  	[tilespmem:v9+s16+$0x0] =	vst.idx.msk $0xffff, v1  }
0x6e: {  	v1 =	vld [tilespmem:$0x6490];
	_ =	sdelay $0x4  }
0x6f: {  	[tilespmem:v10+s16+$0x0] =	vst.idx.msk $0xffff, v1  }
0x70: {  	v1 =	vld [tilespmem:$0x64A0];
	_ =	sdelay $0x4  }
0x71: {  	[tilespmem:v11+s16+$0x0] =	vst.idx.msk $0xffff, v1  }
0x72: {  	v1 =	vld [tilespmem:$0x64B0];
	_ =	sdelay $0x4  }
0x73: {  	[tilespmem:v12+s16+$0x0] =	vst.idx.msk $0xffff, v1  }
0x74: {  	v1 =	vld [tilespmem:$0x64C0];
	_ =	sdelay $0x4  }
0x75: {  	[tilespmem:v13+s16+$0x0] =	vst.idx.msk $0xffff, v1  }
0x76: {  	v1 =	vld [tilespmem:$0x64D0];
	_ =	sdelay $0x4  }
0x77: {  	[tilespmem:v14+s16+$0x0] =	vst.idx.msk $0xffff, v1  }
0x78: {  	v1 =	vld [tilespmem:$0x64E0];
	_ =	sdelay $0x4  }
0x79: {  	[tilespmem:v15+s16+$0x0] =	vst.idx.msk $0xffff, v1  }
0x7a: {  	v1 =	vld [tilespmem:$0x64F0];
	_ =	sdelay $0x4  }
0x7b: {  	[tilespmem:v16+s16+$0x0] =	vst.idx.msk $0xffff, v1  }
0x7c: {  	v1 =	vld [tilespmem:$0x6500];
	_ =	sdelay $0x4  }
0x7d: {  	[tilespmem:v17+s16+$0x0] =	vst.idx.msk $0xffff, v1  }
0x7e: {  	v1 =	vld [tilespmem:$0x6510];
	_ =	sdelay $0x4  }
0x7f: {  	[tilespmem:v18+s16+$0x0] =	vst.idx.msk $0xffff, v1  }
0x80: {  	v1 =	vld [tilespmem:$0x6520];
	_ =	sdelay $0x4  }
0x81: {  	[tilespmem:v19+s16+$0x0] =	vst.idx.msk $0xffff, v1  }
0x82: {  	v1 =	vld [tilespmem:$0x6530];
	_ =	sdelay $0x4  }
0x83: {  	[tilespmem:v20+s16+$0x0] =	vst.idx.msk $0xffff, v1  }
0x84: {  	v1 =	vld [tilespmem:$0x6540];
	_ =	sdelay $0x4  }
0x85: {  	[tilespmem:v21+s16+$0x0] =	vst.idx.msk $0xffff, v1  }
0x86: {  	v1 =	vld [tilespmem:$0x6550];
	_ =	sdelay $0x4  }
0x87: {  	[tilespmem:v22+s16+$0x0] =	vst.idx.msk $0xffff, v1  }
0x88: {  	v1 =	vld [tilespmem:$0x6560];
	_ =	sdelay $0x4  }
0x89: {  	[tilespmem:v23+s16+$0x0] =	vst.idx.msk $0xffff, v1  }
0x8a: {  	v1 =	vld [tilespmem:$0x6570];
	_ =	sdelay $0x4  }
0x8b: {  	[tilespmem:v24+s16+$0x0] =	vst.idx.msk $0xffff, v1  }
0x8c: {  	v1 =	vld [tilespmem:$0x6580];
	_ =	sdelay $0x4  }
0x8d: {  	[tilespmem:v25+s16+$0x0] =	vst.idx.msk $0xffff, v1  }
0x8e: {  	v1 =	vld [tilespmem:$0x6590];
	_ =	sdelay $0x4  }
0x8f: {  	[tilespmem:v26+s16+$0x0] =	vst.idx.msk $0xffff, v1  }
0x90: {  	v1 =	vld [tilespmem:$0x65A0];
	_ =	sdelay $0x4  }
0x91: {  	[tilespmem:v27+s16+$0x0] =	vst.idx.msk $0xffff, v1  }
0x92: {  	v1 =	vld [tilespmem:$0x65B0];
	_ =	sdelay $0x4  }
0x93: {  	[tilespmem:v28+s16+$0x0] =	vst.idx.msk $0xffff, v1  }
0x94: {  	v1 =	vld [tilespmem:$0x65C0];
	_ =	sdelay $0x4  }
0x95: {  	[tilespmem:v29+s16+$0x0] =	vst.idx.msk $0xffff, v1  }
0x96: {  	v1 =	vld [tilespmem:$0x65D0];
	_ =	sdelay $0x4  }
0x97: {  	[tilespmem:v30+s16+$0x0] =	vst.idx.msk $0xffff, v1  }
0x98: {  	v1 =	vld [tilespmem:$0x65E0];
	_ =	sdelay $0x4  }
0x99: {  	[tilespmem:v31+s16+$0x0] =	vst.idx.msk $0xffff, v1  }
0x9a: {  	v1 =	vld [tilespmem:$0x65F0];
	_ =	sdelay $0x4  }
0x9b: {  	[tilespmem:v32+s16+$0x0] =	vst.idx.msk $0xffff, v1  }
0x9c: {  	v1 =	vld [tilespmem:$0x6600];
	_ =	sdelay $0x4  }
0x9d: {  	[tilespmem:v33+s16+$0x0] =	vst.idx.msk $0xffff, v1  }
0x9e: {  	v1 =	vld [tilespmem:$0x6610];
	_ =	sdelay $0x4  }
0x9f: {  	[tilespmem:v34+s16+$0x0] =	vst.idx.msk $0xffff, v1  }
0xa0: {  	v1 =	vld [tilespmem:$0x6620];
	_ =	sdelay $0x4  }
0xa1: {  	[tilespmem:v35+s16+$0x0] =	vst.idx.msk $0xffff, v1  }
0xa2: {  	v1 =	vld [tilespmem:$0x6630];
	_ =	sdelay $0x4  }
0xa3: {  	[tilespmem:v36+s16+$0x0] =	vst.idx.msk $0xffff, v1  }
0xa4: {  	v1 =	vld [tilespmem:$0x6640];
	_ =	sdelay $0x4  }
0xa5: {  	[tilespmem:v37+s16+$0x0] =	vst.idx.msk $0xffff, v1  }
0xa6: {  	v1 =	vld [tilespmem:$0x6650];
	_ =	sdelay $0x4  }
0xa7: {  	[tilespmem:v38+s16+$0x0] =	vst.idx.msk $0xffff, v1  }
0xa8: {  	v1 =	vld [tilespmem:$0x6660];
	_ =	sdelay $0x4  }
0xa9: {  	[tilespmem:v39+s16+$0x0] =	vst.idx.msk $0xffff, v1  }
0xaa: {  	v1 =	vld [tilespmem:$0x6670];
	_ =	sdelay $0x4  }
0xab: {  	[tilespmem:v40+s16+$0x0] =	vst.idx.msk $0xffff, v1  }
0xac: {  	v1 =	vld [tilespmem:$0x6680];
	_ =	sdelay $0x4  }
0xad: {  	[tilespmem:v41+s16+$0x0] =	vst.idx.msk $0xffff, v1  }
0xae: {  	v1 =	vld [tilespmem:$0x6690];
	_ =	sdelay $0x4  }
0xaf: {  	[tilespmem:v42+s16+$0x0] =	vst.idx.msk $0xffff, v1  }
0xb0: {  	v1 =	vld [tilespmem:$0x66A0];
	_ =	sdelay $0x4  }
0xb1: {  	[tilespmem:v43+s16+$0x0] =	vst.idx.msk $0xffff, v1  }
0xb2: {  	v1 =	vld [tilespmem:$0x66B0];
	_ =	sdelay $0x4  }
0xb3: {  	[tilespmem:v44+s16+$0x0] =	vst.idx.msk $0xffff, v1  }
0xb4: {  	v1 =	vld [tilespmem:$0x66C0];
	_ =	sdelay $0x4  }
0xb5: {  	[tilespmem:v45+s16+$0x0] =	vst.idx.msk $0xffff, v1  }
0xb6: {  	v1 =	vld [tilespmem:$0x66D0];
	_ =	sdelay $0x4  }
0xb7: {  	[tilespmem:v46+s16+$0x0] =	vst.idx.msk $0xffff, v1  }
0xb8: {  	v1 =	vld [tilespmem:$0x66E0];
	_ =	sdelay $0x4  }
0xb9: {  	[tilespmem:v47+s16+$0x0] =	vst.idx.msk $0xffff, v1  }
0xba: {  	v1 =	vld [tilespmem:$0x66F0];
	_ =	sdelay $0x4  }
0xbb: {  	[tilespmem:v48+s16+$0x0] =	vst.idx.msk $0xffff, v1  }
0xbc: {  	v1 =	vld [tilespmem:$0x6700];
	_ =	sdelay $0x4  }
0xbd: {  	[tilespmem:v49+s16+$0x0] =	vst.idx.msk $0xffff, v1  }
0xbe: {  	v1 =	vld [tilespmem:$0x6710];
	_ =	sdelay $0x4  }
0xbf: {  	[tilespmem:v50+s16+$0x0] =	vst.idx.msk $0xffff, v1  }
0xc0: {  	v1 =	vld [tilespmem:$0x6720];
	_ =	sdelay $0x4  }
0xc1: {  	[tilespmem:v51+s16+$0x0] =	vst.idx.msk $0xffff, v1  }
0xc2: {  	v1 =	vld [tilespmem:$0x6730];
	_ =	sdelay $0x4  }
0xc3: {  	[tilespmem:v52+s16+$0x0] =	vst.idx.msk $0xffff, v1  }
0xc4: {  	v1 =	vld [tilespmem:$0x6740];
	_ =	sdelay $0x4  }
0xc5: {  	[tilespmem:v53+s16+$0x0] =	vst.idx.msk $0xffff, v1  }
0xc6: {  	v1 =	vld [tilespmem:$0x6750];
	_ =	sdelay $0x4  }
0xc7: {  	[tilespmem:v54+s16+$0x0] =	vst.idx.msk $0xffff, v1  }
0xc8: {  	v1 =	vld [tilespmem:$0x6760];
	_ =	sdelay $0x4  }
0xc9: {  	[tilespmem:v55+s16+$0x0] =	vst.idx.msk $0xffff, v1  }
0xca: {  	v1 =	vld [tilespmem:$0x6770];
	_ =	sdelay $0x4  }
0xcb: {  	[tilespmem:v56+s16+$0x0] =	vst.idx.msk $0xffff, v1  }
0xcc: {  	v1 =	vld [tilespmem:$0x6780];
	_ =	sdelay $0x4  }
0xcd: {  	[tilespmem:v57+s16+$0x0] =	vst.idx.msk $0xffff, v1  }
0xce: {  	v1 =	vld [tilespmem:$0x6790];
	_ =	sdelay $0x4  }
0xcf: {  	[tilespmem:v58+s16+$0x0] =	vst.idx.msk $0xffff, v1  }
0xd0: {  	v1 =	vld [tilespmem:$0x67A0];
	_ =	sdelay $0x4  }
0xd1: {  	[tilespmem:v59+s16+$0x0] =	vst.idx.msk $0xffff, v1  }
0xd2: {  	v1 =	vld [tilespmem:$0x67B0];
	_ =	sdelay $0x4  }
0xd3: {  	[tilespmem:v60+s16+$0x0] =	vst.idx.msk $0xffff, v1  }
0xd4: {  	v1 =	vld [tilespmem:$0x67C0];
	_ =	sdelay $0x4  }
0xd5: {  	[tilespmem:v61+s16+$0x0] =	vst.idx.msk $0xffff, v1  }
0xd6: {  	v1 =	vld [tilespmem:$0x67D0];
	_ =	sdelay $0x4  }
0xd7: {  	[tilespmem:v62+s16+$0x0] =	vst.idx.msk $0xffff, v1  }
0xd8: {  	v1 =	vld [tilespmem:$0x67E0];
	_ =	sdelay $0x2  }
0xd9: {  	v2 =	vld [tilespmem:$0x1FFE0];
	_ =	sdelay $0x1  }
0xda: {  	[tilespmem:v63+s16+$0x0] =	vst.idx.msk $0xffff, v1  }
0xdb: {  	v1 =	vld [tilespmem:$0x67F0];
	_ =	sdelay $0x4  }
0xdc: {  	[tilespmem:v2+s16+$0x0] =	vst.idx.msk $0xffff, v1  }
0xdd: {  	v2 =	vadd.s32 $0x20, v0;
	v1 =	vld [tilespmem:$0x6800];
	_ =	sdelay $0x4  }
0xde: {  	[tilespmem:v2+s16+$0x0] =	vst.idx.msk $0xffff, v1  }
0xdf: {  	[tilespmem:$0x1F3E0] =	vst v2;
	v2 =	vadd.s32 $0x8A0, v0;
	v1 =	vld [tilespmem:$0x6810];
	_ =	sdelay $0x4  }
0xe0: {  	[tilespmem:v2+s16+$0x0] =	vst.idx.msk $0xffff, v1  }
0xe1: {  	[tilespmem:$0x1F3F0] =	vst v2;
	v2 =	vadd.s32 $0x21, v0;
	v1 =	vld [tilespmem:$0x6820];
	_ =	sdelay $0x4  }
0xe2: {  	[tilespmem:v2+s16+$0x0] =	vst.idx.msk $0xffff, v1  }
0xe3: {  	[tilespmem:$0x1F400] =	vst v2;
	v2 =	vadd.s32 $0x8A1, v0;
	v1 =	vld [tilespmem:$0x6830];
	_ =	sdelay $0x4  }
0xe4: {  	[tilespmem:v2+s16+$0x0] =	vst.idx.msk $0xffff, v1  }
0xe5: {  	[tilespmem:$0x1F410] =	vst v2;
	v2 =	vadd.s32 $0x22, v0;
	v1 =	vld [tilespmem:$0x6840];
	_ =	sdelay $0x4  }
0xe6: {  	[tilespmem:v2+s16+$0x0] =	vst.idx.msk $0xffff, v1  }
0xe7: {  	[tilespmem:$0x1F420] =	vst v2;
	v2 =	vadd.s32 $0x8A2, v0;
	v1 =	vld [tilespmem:$0x6850];
	_ =	sdelay $0x4  }
0xe8: {  	[tilespmem:v2+s16+$0x0] =	vst.idx.msk $0xffff, v1  }
0xe9: {  	[tilespmem:$0x1F430] =	vst v2;
	v2 =	vadd.s32 $0x23, v0;
	v1 =	vld [tilespmem:$0x6860];
	_ =	sdelay $0x4  }
0xea: {  	[tilespmem:v2+s16+$0x0] =	vst.idx.msk $0xffff, v1  }
0xeb: {  	[tilespmem:$0x1F440] =	vst v2;
	v2 =	vadd.s32 $0x8A3, v0;
	v1 =	vld [tilespmem:$0x6870];
	_ =	sdelay $0x4  }
0xec: {  	[tilespmem:v2+s16+$0x0] =	vst.idx.msk $0xffff, v1  }
0xed: {  	[tilespmem:$0x1F450] =	vst v2;
	v2 =	vadd.s32 $0x24, v0;
	v1 =	vld [tilespmem:$0x6880];
	_ =	sdelay $0x4  }
0xee: {  	[tilespmem:v2+s16+$0x0] =	vst.idx.msk $0xffff, v1  }
0xef: {  	[tilespmem:$0x1F460] =	vst v2;
	v2 =	vadd.s32 $0x8A4, v0;
	v1 =	vld [tilespmem:$0x6890];
	_ =	sdelay $0x4  }
0xf0: {  	[tilespmem:v2+s16+$0x0] =	vst.idx.msk $0xffff, v1  }
0xf1: {  	[tilespmem:$0x1F470] =	vst v2;
	v2 =	vadd.s32 $0x25, v0;
	v1 =	vld [tilespmem:$0x68A0];
	_ =	sdelay $0x4  }
0xf2: {  	[tilespmem:v2+s16+$0x0] =	vst.idx.msk $0xffff, v1  }
0xf3: {  	[tilespmem:$0x1F480] =	vst v2;
	v2 =	vadd.s32 $0x8A5, v0;
	v1 =	vld [tilespmem:$0x68B0];
	_ =	sdelay $0x4  }
0xf4: {  	[tilespmem:v2+s16+$0x0] =	vst.idx.msk $0xffff, v1  }
0xf5: {  	[tilespmem:$0x1F490] =	vst v2;
	v2 =	vadd.s32 $0x26, v0;
	v1 =	vld [tilespmem:$0x68C0];
	_ =	sdelay $0x4  }
0xf6: {  	[tilespmem:v2+s16+$0x0] =	vst.idx.msk $0xffff, v1  }
0xf7: {  	[tilespmem:$0x1F4A0] =	vst v2;
	v2 =	vadd.s32 $0x8A6, v0;
	v1 =	vld [tilespmem:$0x68D0];
	_ =	sdelay $0x4  }
0xf8: {  	[tilespmem:v2+s16+$0x0] =	vst.idx.msk $0xffff, v1  }
0xf9: {  	[tilespmem:$0x1F4B0] =	vst v2;
	v2 =	vadd.s32 $0x27, v0;
	v1 =	vld [tilespmem:$0x68E0];
	_ =	sdelay $0x4  }
0xfa: {  	[tilespmem:v2+s16+$0x0] =	vst.idx.msk $0xffff, v1  }
0xfb: {  	[tilespmem:$0x1F4C0] =	vst v2;
	v2 =	vadd.s32 $0x8A7, v0;
	v1 =	vld [tilespmem:$0x68F0];
	_ =	sdelay $0x4  }
0xfc: {  	[tilespmem:v2+s16+$0x0] =	vst.idx.msk $0xffff, v1  }
0xfd: {  	[tilespmem:$0x1F4D0] =	vst v2;
	v2 =	vadd.s32 $0x28, v0;
	v1 =	vld [tilespmem:$0x6900];
	_ =	sdelay $0x4  }
0xfe: {  	[tilespmem:v2+s16+$0x0] =	vst.idx.msk $0xffff, v1  }
0xff: {  	[tilespmem:$0x1F4E0] =	vst v2;
	v2 =	vadd.s32 $0x8A8, v0;
	v1 =	vld [tilespmem:$0x6910];
	_ =	sdelay $0x4  }
0x100: {  	[tilespmem:v2+s16+$0x0] =	vst.idx.msk $0xffff, v1  }
0x101: {  	[tilespmem:$0x1F4F0] =	vst v2;
	v2 =	vadd.s32 $0x29, v0;
	v1 =	vld [tilespmem:$0x6920];
	_ =	sdelay $0x4  }
0x102: {  	[tilespmem:v2+s16+$0x0] =	vst.idx.msk $0xffff, v1  }
0x103: {  	[tilespmem:$0x1F500] =	vst v2;
	v2 =	vadd.s32 $0x8A9, v0;
	v1 =	vld [tilespmem:$0x6930];
	_ =	sdelay $0x4  }
0x104: {  	[tilespmem:v2+s16+$0x0] =	vst.idx.msk $0xffff, v1  }
0x105: {  	[tilespmem:$0x1F510] =	vst v2;
	v2 =	vadd.s32 $0x2A, v0;
	v1 =	vld [tilespmem:$0x6940];
	_ =	sdelay $0x4  }
0x106: {  	[tilespmem:v2+s16+$0x0] =	vst.idx.msk $0xffff, v1  }
0x107: {  	[tilespmem:$0x1F520] =	vst v2;
	v2 =	vadd.s32 $0x8AA, v0;
	v1 =	vld [tilespmem:$0x6950];
	_ =	sdelay $0x4  }
0x108: {  	[tilespmem:v2+s16+$0x0] =	vst.idx.msk $0xffff, v1  }
0x109: {  	[tilespmem:$0x1F530] =	vst v2;
	v2 =	vadd.s32 $0x2B, v0;
	v1 =	vld [tilespmem:$0x6960];
	_ =	sdelay $0x4  }
0x10a: {  	[tilespmem:v2+s16+$0x0] =	vst.idx.msk $0xffff, v1  }
0x10b: {  	[tilespmem:$0x1F540] =	vst v2;
	v2 =	vadd.s32 $0x8AB, v0;
	v1 =	vld [tilespmem:$0x6970];
	_ =	sdelay $0x4  }
0x10c: {  	[tilespmem:v2+s16+$0x0] =	vst.idx.msk $0xffff, v1  }
0x10d: {  	[tilespmem:$0x1F550] =	vst v2;
	v2 =	vadd.s32 $0x2C, v0;
	v1 =	vld [tilespmem:$0x6980];
	_ =	sdelay $0x4  }
0x10e: {  	[tilespmem:v2+s16+$0x0] =	vst.idx.msk $0xffff, v1  }
0x10f: {  	[tilespmem:$0x1F560] =	vst v2;
	v2 =	vadd.s32 $0x8AC, v0;
	v1 =	vld [tilespmem:$0x6990];
	_ =	sdelay $0x4  }
0x110: {  	[tilespmem:v2+s16+$0x0] =	vst.idx.msk $0xffff, v1  }
0x111: {  	[tilespmem:$0x1F570] =	vst v2;
	v2 =	vadd.s32 $0x2D, v0;
	v1 =	vld [tilespmem:$0x69A0];
	_ =	sdelay $0x4  }
0x112: {  	[tilespmem:v2+s16+$0x0] =	vst.idx.msk $0xffff, v1  }
0x113: {  	[tilespmem:$0x1F580] =	vst v2;
	v2 =	vadd.s32 $0x8AD, v0;
	v1 =	vld [tilespmem:$0x69B0];
	_ =	sdelay $0x4  }
0x114: {  	[tilespmem:v2+s16+$0x0] =	vst.idx.msk $0xffff, v1  }
0x115: {  	[tilespmem:$0x1F590] =	vst v2;
	v2 =	vadd.s32 $0x2E, v0;
	v1 =	vld [tilespmem:$0x69C0];
	_ =	sdelay $0x4  }
0x116: {  	[tilespmem:v2+s16+$0x0] =	vst.idx.msk $0xffff, v1  }
0x117: {  	[tilespmem:$0x1F5A0] =	vst v2;
	v2 =	vadd.s32 $0x8AE, v0;
	v1 =	vld [tilespmem:$0x69D0];
	_ =	sdelay $0x4  }
0x118: {  	[tilespmem:v2+s16+$0x0] =	vst.idx.msk $0xffff, v1  }
0x119: {  	[tilespmem:$0x1F5B0] =	vst v2;
	v2 =	vadd.s32 $0x2F, v0;
	v1 =	vld [tilespmem:$0x69E0];
	_ =	sdelay $0x4  }
0x11a: {  	[tilespmem:v2+s16+$0x0] =	vst.idx.msk $0xffff, v1  }
0x11b: {  	[tilespmem:$0x1F5C0] =	vst v2;
	v2 =	vadd.s32 $0x8AF, v0;
	v1 =	vld [tilespmem:$0x69F0];
	_ =	sdelay $0x4  }
0x11c: {  	[tilespmem:v2+s16+$0x0] =	vst.idx.msk $0xffff, v1  }
0x11d: {  	[tilespmem:$0x1F5D0] =	vst v2;
	v2 =	vadd.s32 $0x30, v0;
	v1 =	vld [tilespmem:$0x6A00];
	_ =	sdelay $0x4  }
0x11e: {  	[tilespmem:v2+s16+$0x0] =	vst.idx.msk $0xffff, v1  }
0x11f: {  	[tilespmem:$0x1F5E0] =	vst v2;
	v2 =	vadd.s32 $0x8B0, v0;
	v1 =	vld [tilespmem:$0x6A10];
	_ =	sdelay $0x4  }
0x120: {  	[tilespmem:v2+s16+$0x0] =	vst.idx.msk $0xffff, v1  }
0x121: {  	[tilespmem:$0x1F5F0] =	vst v2;
	v2 =	vadd.s32 $0x31, v0;
	v1 =	vld [tilespmem:$0x6A20];
	_ =	sdelay $0x4  }
0x122: {  	[tilespmem:v2+s16+$0x0] =	vst.idx.msk $0xffff, v1  }
0x123: {  	[tilespmem:$0x1F600] =	vst v2;
	v2 =	vadd.s32 $0x8B1, v0;
	v1 =	vld [tilespmem:$0x6A30];
	_ =	sdelay $0x4  }
0x124: {  	[tilespmem:v2+s16+$0x0] =	vst.idx.msk $0xffff, v1  }
0x125: {  	[tilespmem:$0x1F610] =	vst v2;
	v2 =	vadd.s32 $0x32, v0;
	v1 =	vld [tilespmem:$0x6A40];
	_ =	sdelay $0x4  }
0x126: {  	[tilespmem:v2+s16+$0x0] =	vst.idx.msk $0xffff, v1  }
0x127: {  	[tilespmem:$0x1F620] =	vst v2;
	v2 =	vadd.s32 $0x8B2, v0;
	v1 =	vld [tilespmem:$0x6A50];
	_ =	sdelay $0x4  }
0x128: {  	[tilespmem:v2+s16+$0x0] =	vst.idx.msk $0xffff, v1  }
0x129: {  	[tilespmem:$0x1F630] =	vst v2;
	v2 =	vadd.s32 $0x33, v0;
	v1 =	vld [tilespmem:$0x6A60];
	_ =	sdelay $0x4  }
0x12a: {  	[tilespmem:v2+s16+$0x0] =	vst.idx.msk $0xffff, v1  }
0x12b: {  	[tilespmem:$0x1F640] =	vst v2;
	v2 =	vadd.s32 $0x8B3, v0;
	v1 =	vld [tilespmem:$0x6A70];
	_ =	sdelay $0x4  }
0x12c: {  	[tilespmem:v2+s16+$0x0] =	vst.idx.msk $0xffff, v1  }
0x12d: {  	[tilespmem:$0x1F650] =	vst v2;
	v2 =	vadd.s32 $0x34, v0;
	v1 =	vld [tilespmem:$0x6A80];
	_ =	sdelay $0x4  }
0x12e: {  	[tilespmem:v2+s16+$0x0] =	vst.idx.msk $0xffff, v1  }
0x12f: {  	[tilespmem:$0x1F660] =	vst v2;
	v2 =	vadd.s32 $0x8B4, v0;
	v1 =	vld [tilespmem:$0x6A90];
	_ =	sdelay $0x4  }
0x130: {  	[tilespmem:v2+s16+$0x0] =	vst.idx.msk $0xffff, v1  }
0x131: {  	[tilespmem:$0x1F670] =	vst v2;
	v2 =	vadd.s32 $0x35, v0;
	v1 =	vld [tilespmem:$0x6AA0];
	_ =	sdelay $0x4  }
0x132: {  	[tilespmem:v2+s16+$0x0] =	vst.idx.msk $0xffff, v1  }
0x133: {  	[tilespmem:$0x1F680] =	vst v2;
	v2 =	vadd.s32 $0x8B5, v0;
	v1 =	vld [tilespmem:$0x6AB0];
	_ =	sdelay $0x4  }
0x134: {  	[tilespmem:v2+s16+$0x0] =	vst.idx.msk $0xffff, v1  }
0x135: {  	[tilespmem:$0x1F690] =	vst v2;
	v2 =	vadd.s32 $0x36, v0;
	v1 =	vld [tilespmem:$0x6AC0];
	_ =	sdelay $0x4  }
0x136: {  	[tilespmem:v2+s16+$0x0] =	vst.idx.msk $0xffff, v1  }
0x137: {  	[tilespmem:$0x1F6A0] =	vst v2;
	v2 =	vadd.s32 $0x8B6, v0;
	v1 =	vld [tilespmem:$0x6AD0];
	_ =	sdelay $0x4  }
0x138: {  	[tilespmem:v2+s16+$0x0] =	vst.idx.msk $0xffff, v1  }
0x139: {  	[tilespmem:$0x1F6B0] =	vst v2;
	v2 =	vadd.s32 $0x37, v0;
	v1 =	vld [tilespmem:$0x6AE0];
	_ =	sdelay $0x4  }
0x13a: {  	[tilespmem:v2+s16+$0x0] =	vst.idx.msk $0xffff, v1  }
0x13b: {  	[tilespmem:$0x1F6C0] =	vst v2;
	v2 =	vadd.s32 $0x8B7, v0;
	v1 =	vld [tilespmem:$0x6AF0];
	_ =	sdelay $0x4  }
0x13c: {  	[tilespmem:v2+s16+$0x0] =	vst.idx.msk $0xffff, v1  }
0x13d: {  	[tilespmem:$0x1F6D0] =	vst v2;
	v2 =	vadd.s32 $0x38, v0;
	v1 =	vld [tilespmem:$0x6B00];
	_ =	sdelay $0x4  }
0x13e: {  	[tilespmem:v2+s16+$0x0] =	vst.idx.msk $0xffff, v1  }
0x13f: {  	[tilespmem:$0x1F6E0] =	vst v2;
	v2 =	vadd.s32 $0x8B8, v0;
	v1 =	vld [tilespmem:$0x6B10];
	_ =	sdelay $0x4  }
0x140: {  	[tilespmem:v2+s16+$0x0] =	vst.idx.msk $0xffff, v1  }
0x141: {  	[tilespmem:$0x1F6F0] =	vst v2;
	v2 =	vadd.s32 $0x39, v0;
	v1 =	vld [tilespmem:$0x6B20];
	_ =	sdelay $0x4  }
0x142: {  	[tilespmem:v2+s16+$0x0] =	vst.idx.msk $0xffff, v1  }
0x143: {  	[tilespmem:$0x1F700] =	vst v2;
	v2 =	vadd.s32 $0x8B9, v0;
	v1 =	vld [tilespmem:$0x6B30];
	_ =	sdelay $0x4  }
0x144: {  	[tilespmem:v2+s16+$0x0] =	vst.idx.msk $0xffff, v1  }
0x145: {  	[tilespmem:$0x1F710] =	vst v2;
	v2 =	vadd.s32 $0x3A, v0;
	v1 =	vld [tilespmem:$0x6B40];
	_ =	sdelay $0x4  }
0x146: {  	[tilespmem:v2+s16+$0x0] =	vst.idx.msk $0xffff, v1  }
0x147: {  	[tilespmem:$0x1F720] =	vst v2;
	v2 =	vadd.s32 $0x8BA, v0;
	v1 =	vld [tilespmem:$0x6B50];
	_ =	sdelay $0x4  }
0x148: {  	[tilespmem:v2+s16+$0x0] =	vst.idx.msk $0xffff, v1  }
0x149: {  	[tilespmem:$0x1F730] =	vst v2;
	v2 =	vadd.s32 $0x3B, v0;
	v1 =	vld [tilespmem:$0x6B60];
	_ =	sdelay $0x4  }
0x14a: {  	[tilespmem:v2+s16+$0x0] =	vst.idx.msk $0xffff, v1  }
0x14b: {  	[tilespmem:$0x1F740] =	vst v2;
	v2 =	vadd.s32 $0x8BB, v0;
	v1 =	vld [tilespmem:$0x6B70];
	_ =	sdelay $0x4  }
0x14c: {  	[tilespmem:v2+s16+$0x0] =	vst.idx.msk $0xffff, v1  }
0x14d: {  	[tilespmem:$0x1F750] =	vst v2;
	v2 =	vadd.s32 $0x3C, v0;
	v1 =	vld [tilespmem:$0x6B80];
	_ =	sdelay $0x4  }
0x14e: {  	[tilespmem:v2+s16+$0x0] =	vst.idx.msk $0xffff, v1  }
0x14f: {  	[tilespmem:$0x1F760] =	vst v2;
	v2 =	vadd.s32 $0x8BC, v0;
	v1 =	vld [tilespmem:$0x6B90];
	_ =	sdelay $0x4  }
0x150: {  	[tilespmem:v2+s16+$0x0] =	vst.idx.msk $0xffff, v1  }
0x151: {  	[tilespmem:$0x1F770] =	vst v2;
	v2 =	vadd.s32 $0x3D, v0;
	v1 =	vld [tilespmem:$0x6BA0];
	_ =	sdelay $0x4  }
0x152: {  	[tilespmem:v2+s16+$0x0] =	vst.idx.msk $0xffff, v1  }
0x153: {  	[tilespmem:$0x1F780] =	vst v2;
	v2 =	vadd.s32 $0x8BD, v0;
	v1 =	vld [tilespmem:$0x6BB0];
	_ =	sdelay $0x4  }
0x154: {  	[tilespmem:v2+s16+$0x0] =	vst.idx.msk $0xffff, v1  }
0x155: {  	[tilespmem:$0x1F790] =	vst v2;
	v2 =	vadd.s32 $0x3E, v0;
	v1 =	vld [tilespmem:$0x6BC0];
	_ =	sdelay $0x4  }
0x156: {  	[tilespmem:v2+s16+$0x0] =	vst.idx.msk $0xffff, v1  }
0x157: {  	[tilespmem:$0x1F7A0] =	vst v2;
	v2 =	vadd.s32 $0x8BE, v0;
	v1 =	vld [tilespmem:$0x6BD0];
	_ =	sdelay $0x4  }
0x158: {  	[tilespmem:v2+s16+$0x0] =	vst.idx.msk $0xffff, v1  }
0x159: {  	[tilespmem:$0x1F7B0] =	vst v2;
	v2 =	vadd.s32 $0x3F, v0;
	v1 =	vld [tilespmem:$0x6BE0];
	_ =	sdelay $0x4  }
0x15a: {  	[tilespmem:v2+s16+$0x0] =	vst.idx.msk $0xffff, v1  }
0x15b: {  	[tilespmem:$0x1F7C0] =	vst v2;
	v2 =	vadd.s32 $0x8BF, v0;
	v1 =	vld [tilespmem:$0x6BF0];
	_ =	sdelay $0x4  }
0x15c: {  	[tilespmem:v2+s16+$0x0] =	vst.idx.msk $0xffff, v1  }
0x15d: {  	[tilespmem:$0x1F7D0] =	vst v2;
	v2 =	vadd.s32 $0x40, v0;
	v1 =	vld [tilespmem:$0x6C00];
	_ =	sdelay $0x4  }
0x15e: {  	[tilespmem:v2+s16+$0x0] =	vst.idx.msk $0xffff, v1  }
0x15f: {  	[tilespmem:$0x1F7E0] =	vst v2;
	v2 =	vadd.s32 $0x8C0, v0;
	v1 =	vld [tilespmem:$0x6C10];
	_ =	sdelay $0x4  }
0x160: {  	[tilespmem:v2+s16+$0x0] =	vst.idx.msk $0xffff, v1  }
0x161: {  	[tilespmem:$0x1F7F0] =	vst v2;
	v2 =	vadd.s32 $0x41, v0;
	v1 =	vld [tilespmem:$0x6C20];
	_ =	sdelay $0x4  }
0x162: {  	[tilespmem:v2+s16+$0x0] =	vst.idx.msk $0xffff, v1  }
0x163: {  	[tilespmem:$0x1F800] =	vst v2;
	v2 =	vadd.s32 $0x8C1, v0;
	v1 =	vld [tilespmem:$0x6C30];
	_ =	sdelay $0x4  }
0x164: {  	[tilespmem:v2+s16+$0x0] =	vst.idx.msk $0xffff, v1  }
0x165: {  	[tilespmem:$0x1F810] =	vst v2;
	v2 =	vadd.s32 $0x42, v0;
	v1 =	vld [tilespmem:$0x6C40];
	_ =	sdelay $0x4  }
0x166: {  	[tilespmem:v2+s16+$0x0] =	vst.idx.msk $0xffff, v1  }
0x167: {  	[tilespmem:$0x1F820] =	vst v2;
	v2 =	vadd.s32 $0x8C2, v0;
	v1 =	vld [tilespmem:$0x6C50];
	_ =	sdelay $0x4  }
0x168: {  	[tilespmem:v2+s16+$0x0] =	vst.idx.msk $0xffff, v1  }
0x169: {  	[tilespmem:$0x1F830] =	vst v2;
	v2 =	vadd.s32 $0x43, v0;
	v1 =	vld [tilespmem:$0x6C60];
	_ =	sdelay $0x4  }
0x16a: {  	[tilespmem:v2+s16+$0x0] =	vst.idx.msk $0xffff, v1  }
0x16b: {  	[tilespmem:$0x1F840] =	vst v2;
	v2 =	vadd.s32 $0x8C3, v0;
	v1 =	vld [tilespmem:$0x6C70];
	_ =	sdelay $0x4  }
0x16c: {  	[tilespmem:v2+s16+$0x0] =	vst.idx.msk $0xffff, v1  }
0x16d: {  	[tilespmem:$0x1F850] =	vst v2;
	v2 =	vadd.s32 $0x44, v0;
	v1 =	vld [tilespmem:$0x6C80];
	_ =	sdelay $0x4  }
0x16e: {  	[tilespmem:v2+s16+$0x0] =	vst.idx.msk $0xffff, v1  }
0x16f: {  	[tilespmem:$0x1F860] =	vst v2;
	v2 =	vadd.s32 $0x8C4, v0;
	v1 =	vld [tilespmem:$0x6C90];
	_ =	sdelay $0x4  }
0x170: {  	[tilespmem:v2+s16+$0x0] =	vst.idx.msk $0xffff, v1  }
0x171: {  	[tilespmem:$0x1F870] =	vst v2;
	v2 =	vadd.s32 $0x45, v0;
	v1 =	vld [tilespmem:$0x6CA0];
	_ =	sdelay $0x4  }
0x172: {  	[tilespmem:v2+s16+$0x0] =	vst.idx.msk $0xffff, v1  }
0x173: {  	[tilespmem:$0x1F880] =	vst v2;
	v2 =	vadd.s32 $0x8C5, v0;
	v1 =	vld [tilespmem:$0x6CB0];
	_ =	sdelay $0x4  }
0x174: {  	[tilespmem:v2+s16+$0x0] =	vst.idx.msk $0xffff, v1  }
0x175: {  	[tilespmem:$0x1F890] =	vst v2;
	v2 =	vadd.s32 $0x46, v0;
	v1 =	vld [tilespmem:$0x6CC0];
	_ =	sdelay $0x4  }
0x176: {  	[tilespmem:v2+s16+$0x0] =	vst.idx.msk $0xffff, v1  }
0x177: {  	[tilespmem:$0x1F8A0] =	vst v2;
	v2 =	vadd.s32 $0x8C6, v0;
	v1 =	vld [tilespmem:$0x6CD0];
	_ =	sdelay $0x4  }
0x178: {  	[tilespmem:v2+s16+$0x0] =	vst.idx.msk $0xffff, v1  }
0x179: {  	[tilespmem:$0x1F8B0] =	vst v2;
	v2 =	vadd.s32 $0x47, v0;
	v1 =	vld [tilespmem:$0x6CE0];
	_ =	sdelay $0x4  }
0x17a: {  	[tilespmem:v2+s16+$0x0] =	vst.idx.msk $0xffff, v1  }
0x17b: {  	[tilespmem:$0x1F8C0] =	vst v2;
	v2 =	vadd.s32 $0x8C7, v0;
	v1 =	vld [tilespmem:$0x6CF0];
	_ =	sdelay $0x4  }
0x17c: {  	[tilespmem:v2+s16+$0x0] =	vst.idx.msk $0xffff, v1  }
0x17d: {  	[tilespmem:$0x1F8D0] =	vst v2;
	v2 =	vadd.s32 $0x48, v0;
	v1 =	vld [tilespmem:$0x6D00];
	_ =	sdelay $0x4  }
0x17e: {  	[tilespmem:v2+s16+$0x0] =	vst.idx.msk $0xffff, v1  }
0x17f: {  	[tilespmem:$0x1F8E0] =	vst v2;
	v2 =	vadd.s32 $0x8C8, v0;
	v1 =	vld [tilespmem:$0x6D10];
	_ =	sdelay $0x4  }
0x180: {  	[tilespmem:v2+s16+$0x0] =	vst.idx.msk $0xffff, v1  }
0x181: {  	[tilespmem:$0x1F8F0] =	vst v2;
	v2 =	vadd.s32 $0x49, v0;
	v1 =	vld [tilespmem:$0x6D20];
	_ =	sdelay $0x4  }
0x182: {  	[tilespmem:v2+s16+$0x0] =	vst.idx.msk $0xffff, v1  }
0x183: {  	[tilespmem:$0x1F900] =	vst v2;
	v2 =	vadd.s32 $0x8C9, v0;
	v1 =	vld [tilespmem:$0x6D30];
	_ =	sdelay $0x4  }
0x184: {  	[tilespmem:v2+s16+$0x0] =	vst.idx.msk $0xffff, v1  }
0x185: {  	[tilespmem:$0x1F910] =	vst v2;
	v2 =	vadd.s32 $0x4A, v0;
	v1 =	vld [tilespmem:$0x6D40];
	_ =	sdelay $0x4  }
0x186: {  	[tilespmem:v2+s16+$0x0] =	vst.idx.msk $0xffff, v1  }
0x187: {  	[tilespmem:$0x1F920] =	vst v2;
	v2 =	vadd.s32 $0x8CA, v0;
	v1 =	vld [tilespmem:$0x6D50];
	_ =	sdelay $0x4  }
0x188: {  	[tilespmem:v2+s16+$0x0] =	vst.idx.msk $0xffff, v1  }
0x189: {  	[tilespmem:$0x1F930] =	vst v2;
	v2 =	vadd.s32 $0x4B, v0;
	v1 =	vld [tilespmem:$0x6D60];
	_ =	sdelay $0x4  }
0x18a: {  	[tilespmem:v2+s16+$0x0] =	vst.idx.msk $0xffff, v1  }
0x18b: {  	[tilespmem:$0x1F940] =	vst v2;
	v2 =	vadd.s32 $0x8CB, v0;
	v1 =	vld [tilespmem:$0x6D70];
	_ =	sdelay $0x4  }
0x18c: {  	[tilespmem:v2+s16+$0x0] =	vst.idx.msk $0xffff, v1  }
0x18d: {  	[tilespmem:$0x1F950] =	vst v2;
	v2 =	vadd.s32 $0x4C, v0;
	v1 =	vld [tilespmem:$0x6D80];
	_ =	sdelay $0x4  }
0x18e: {  	[tilespmem:v2+s16+$0x0] =	vst.idx.msk $0xffff, v1  }
0x18f: {  	[tilespmem:$0x1F960] =	vst v2;
	v2 =	vadd.s32 $0x8CC, v0;
	v1 =	vld [tilespmem:$0x6D90];
	_ =	sdelay $0x4  }
0x190: {  	[tilespmem:v2+s16+$0x0] =	vst.idx.msk $0xffff, v1  }
0x191: {  	[tilespmem:$0x1F970] =	vst v2;
	v2 =	vadd.s32 $0x4D, v0;
	v1 =	vld [tilespmem:$0x6DA0];
	_ =	sdelay $0x4  }
0x192: {  	[tilespmem:v2+s16+$0x0] =	vst.idx.msk $0xffff, v1  }
0x193: {  	[tilespmem:$0x1F980] =	vst v2;
	v2 =	vadd.s32 $0x8CD, v0;
	v1 =	vld [tilespmem:$0x6DB0];
	_ =	sdelay $0x4  }
0x194: {  	[tilespmem:v2+s16+$0x0] =	vst.idx.msk $0xffff, v1  }
0x195: {  	[tilespmem:$0x1F990] =	vst v2;
	v2 =	vadd.s32 $0x4E, v0;
	v1 =	vld [tilespmem:$0x6DC0];
	_ =	sdelay $0x4  }
0x196: {  	[tilespmem:v2+s16+$0x0] =	vst.idx.msk $0xffff, v1  }
0x197: {  	[tilespmem:$0x1F9A0] =	vst v2;
	v2 =	vadd.s32 $0x8CE, v0;
	v1 =	vld [tilespmem:$0x6DD0];
	_ =	sdelay $0x4  }
0x198: {  	[tilespmem:v2+s16+$0x0] =	vst.idx.msk $0xffff, v1  }
0x199: {  	[tilespmem:$0x1F9B0] =	vst v2;
	v2 =	vadd.s32 $0x4F, v0;
	v1 =	vld [tilespmem:$0x6DE0];
	_ =	sdelay $0x4  }
0x19a: {  	[tilespmem:v2+s16+$0x0] =	vst.idx.msk $0xffff, v1  }
0x19b: {  	[tilespmem:$0x1F9C0] =	vst v2;
	v2 =	vadd.s32 $0x8CF, v0;
	v1 =	vld [tilespmem:$0x6DF0];
	_ =	sdelay $0x4  }
0x19c: {  	[tilespmem:v2+s16+$0x0] =	vst.idx.msk $0xffff, v1  }
0x19d: {  	[tilespmem:$0x1F9D0] =	vst v2;
	v2 =	vadd.s32 $0x50, v0;
	v1 =	vld [tilespmem:$0x6E00];
	_ =	sdelay $0x4  }
0x19e: {  	[tilespmem:v2+s16+$0x0] =	vst.idx.msk $0xffff, v1  }
0x19f: {  	[tilespmem:$0x1F9E0] =	vst v2;
	v2 =	vadd.s32 $0x8D0, v0;
	v1 =	vld [tilespmem:$0x6E10];
	_ =	sdelay $0x4  }
0x1a0: {  	[tilespmem:v2+s16+$0x0] =	vst.idx.msk $0xffff, v1  }
0x1a1: {  	[tilespmem:$0x1F9F0] =	vst v2;
	v2 =	vadd.s32 $0x51, v0;
	v1 =	vld [tilespmem:$0x6E20];
	_ =	sdelay $0x4  }
0x1a2: {  	[tilespmem:v2+s16+$0x0] =	vst.idx.msk $0xffff, v1  }
0x1a3: {  	[tilespmem:$0x1FA00] =	vst v2;
	v2 =	vadd.s32 $0x8D1, v0;
	v1 =	vld [tilespmem:$0x6E30];
	_ =	sdelay $0x4  }
0x1a4: {  	[tilespmem:v2+s16+$0x0] =	vst.idx.msk $0xffff, v1  }
0x1a5: {  	[tilespmem:$0x1FA10] =	vst v2;
	v2 =	vadd.s32 $0x52, v0;
	v1 =	vld [tilespmem:$0x6E40];
	_ =	sdelay $0x4  }
0x1a6: {  	[tilespmem:v2+s16+$0x0] =	vst.idx.msk $0xffff, v1  }
0x1a7: {  	[tilespmem:$0x1FA20] =	vst v2;
	v2 =	vadd.s32 $0x8D2, v0;
	v1 =	vld [tilespmem:$0x6E50];
	_ =	sdelay $0x4  }
0x1a8: {  	[tilespmem:v2+s16+$0x0] =	vst.idx.msk $0xffff, v1  }
0x1a9: {  	[tilespmem:$0x1FA30] =	vst v2;
	v2 =	vadd.s32 $0x53, v0;
	v1 =	vld [tilespmem:$0x6E60];
	_ =	sdelay $0x4  }
0x1aa: {  	[tilespmem:v2+s16+$0x0] =	vst.idx.msk $0xffff, v1  }
0x1ab: {  	[tilespmem:$0x1FA40] =	vst v2;
	v2 =	vadd.s32 $0x8D3, v0;
	v1 =	vld [tilespmem:$0x6E70];
	_ =	sdelay $0x4  }
0x1ac: {  	[tilespmem:v2+s16+$0x0] =	vst.idx.msk $0xffff, v1  }
0x1ad: {  	[tilespmem:$0x1FA50] =	vst v2;
	v2 =	vadd.s32 $0x54, v0;
	v1 =	vld [tilespmem:$0x6E80];
	_ =	sdelay $0x4  }
0x1ae: {  	[tilespmem:v2+s16+$0x0] =	vst.idx.msk $0xffff, v1  }
0x1af: {  	[tilespmem:$0x1FA60] =	vst v2;
	v2 =	vadd.s32 $0x8D4, v0;
	v1 =	vld [tilespmem:$0x6E90];
	_ =	sdelay $0x4  }
0x1b0: {  	[tilespmem:v2+s16+$0x0] =	vst.idx.msk $0xffff, v1  }
0x1b1: {  	[tilespmem:$0x1FA70] =	vst v2;
	v2 =	vadd.s32 $0x55, v0;
	v1 =	vld [tilespmem:$0x6EA0];
	_ =	sdelay $0x4  }
0x1b2: {  	[tilespmem:v2+s16+$0x0] =	vst.idx.msk $0xffff, v1  }
0x1b3: {  	[tilespmem:$0x1FA80] =	vst v2;
	v2 =	vadd.s32 $0x8D5, v0;
	v1 =	vld [tilespmem:$0x6EB0];
	_ =	sdelay $0x4  }
0x1b4: {  	[tilespmem:v2+s16+$0x0] =	vst.idx.msk $0xffff, v1  }
0x1b5: {  	[tilespmem:$0x1FA90] =	vst v2;
	v2 =	vadd.s32 $0x56, v0;
	v1 =	vld [tilespmem:$0x6EC0];
	_ =	sdelay $0x4  }
0x1b6: {  	[tilespmem:v2+s16+$0x0] =	vst.idx.msk $0xffff, v1  }
0x1b7: {  	[tilespmem:$0x1FAA0] =	vst v2;
	v2 =	vadd.s32 $0x8D6, v0;
	v1 =	vld [tilespmem:$0x6ED0];
	_ =	sdelay $0x4  }
0x1b8: {  	[tilespmem:v2+s16+$0x0] =	vst.idx.msk $0xffff, v1  }
0x1b9: {  	[tilespmem:$0x1FAB0] =	vst v2;
	v2 =	vadd.s32 $0x57, v0;
	v1 =	vld [tilespmem:$0x6EE0];
	_ =	sdelay $0x4  }
0x1ba: {  	[tilespmem:v2+s16+$0x0] =	vst.idx.msk $0xffff, v1  }
0x1bb: {  	[tilespmem:$0x1FAC0] =	vst v2;
	v2 =	vadd.s32 $0x8D7, v0;
	v1 =	vld [tilespmem:$0x6EF0];
	_ =	sdelay $0x4  }
0x1bc: {  	[tilespmem:v2+s16+$0x0] =	vst.idx.msk $0xffff, v1  }
0x1bd: {  	[tilespmem:$0x1FAD0] =	vst v2;
	v2 =	vadd.s32 $0x58, v0;
	v1 =	vld [tilespmem:$0x6F00];
	_ =	sdelay $0x4  }
0x1be: {  	[tilespmem:v2+s16+$0x0] =	vst.idx.msk $0xffff, v1  }
0x1bf: {  	[tilespmem:$0x1FAE0] =	vst v2;
	v2 =	vadd.s32 $0x8D8, v0;
	v1 =	vld [tilespmem:$0x6F10];
	_ =	sdelay $0x4  }
0x1c0: {  	[tilespmem:v2+s16+$0x0] =	vst.idx.msk $0xffff, v1  }
0x1c1: {  	[tilespmem:$0x1FAF0] =	vst v2;
	v2 =	vadd.s32 $0x59, v0;
	v1 =	vld [tilespmem:$0x6F20];
	_ =	sdelay $0x4  }
0x1c2: {  	[tilespmem:v2+s16+$0x0] =	vst.idx.msk $0xffff, v1  }
0x1c3: {  	[tilespmem:$0x1FB00] =	vst v2;
	v2 =	vadd.s32 $0x8D9, v0;
	v1 =	vld [tilespmem:$0x6F30];
	_ =	sdelay $0x4  }
0x1c4: {  	[tilespmem:v2+s16+$0x0] =	vst.idx.msk $0xffff, v1  }
0x1c5: {  	[tilespmem:$0x1FB10] =	vst v2;
	v2 =	vadd.s32 $0x5A, v0;
	v1 =	vld [tilespmem:$0x6F40];
	_ =	sdelay $0x4  }
0x1c6: {  	[tilespmem:v2+s16+$0x0] =	vst.idx.msk $0xffff, v1  }
0x1c7: {  	[tilespmem:$0x1FB20] =	vst v2;
	v2 =	vadd.s32 $0x8DA, v0;
	v1 =	vld [tilespmem:$0x6F50];
	_ =	sdelay $0x4  }
0x1c8: {  	[tilespmem:v2+s16+$0x0] =	vst.idx.msk $0xffff, v1  }
0x1c9: {  	[tilespmem:$0x1FB30] =	vst v2;
	v2 =	vadd.s32 $0x5B, v0;
	v1 =	vld [tilespmem:$0x6F60];
	_ =	sdelay $0x4  }
0x1ca: {  	[tilespmem:v2+s16+$0x0] =	vst.idx.msk $0xffff, v1  }
0x1cb: {  	[tilespmem:$0x1FB40] =	vst v2;
	v2 =	vadd.s32 $0x8DB, v0;
	v1 =	vld [tilespmem:$0x6F70];
	_ =	sdelay $0x4  }
0x1cc: {  	[tilespmem:v2+s16+$0x0] =	vst.idx.msk $0xffff, v1  }
0x1cd: {  	[tilespmem:$0x1FB50] =	vst v2;
	v2 =	vadd.s32 $0x5C, v0;
	v1 =	vld [tilespmem:$0x6F80];
	_ =	sdelay $0x4  }
0x1ce: {  	[tilespmem:v2+s16+$0x0] =	vst.idx.msk $0xffff, v1  }
0x1cf: {  	[tilespmem:$0x1FB60] =	vst v2;
	v2 =	vadd.s32 $0x8DC, v0;
	v1 =	vld [tilespmem:$0x6F90];
	_ =	sdelay $0x4  }
0x1d0: {  	[tilespmem:v2+s16+$0x0] =	vst.idx.msk $0xffff, v1  }
0x1d1: {  	[tilespmem:$0x1FB70] =	vst v2;
	v2 =	vadd.s32 $0x5D, v0;
	v1 =	vld [tilespmem:$0x6FA0];
	_ =	sdelay $0x4  }
0x1d2: {  	[tilespmem:v2+s16+$0x0] =	vst.idx.msk $0xffff, v1  }
0x1d3: {  	[tilespmem:$0x1FB80] =	vst v2;
	v2 =	vadd.s32 $0x8DD, v0;
	v1 =	vld [tilespmem:$0x6FB0];
	_ =	sdelay $0x4  }
0x1d4: {  	[tilespmem:v2+s16+$0x0] =	vst.idx.msk $0xffff, v1  }
0x1d5: {  	[tilespmem:$0x1FB90] =	vst v2;
	v2 =	vadd.s32 $0x5E, v0;
	v1 =	vld [tilespmem:$0x6FC0];
	_ =	sdelay $0x4  }
0x1d6: {  	[tilespmem:v2+s16+$0x0] =	vst.idx.msk $0xffff, v1  }
0x1d7: {  	[tilespmem:$0x1FBA0] =	vst v2;
	v2 =	vadd.s32 $0x8DE, v0;
	v1 =	vld [tilespmem:$0x6FD0];
	_ =	sdelay $0x4  }
0x1d8: {  	[tilespmem:v2+s16+$0x0] =	vst.idx.msk $0xffff, v1  }
0x1d9: {  	[tilespmem:$0x1FBB0] =	vst v2;
	v2 =	vadd.s32 $0x5F, v0;
	v1 =	vld [tilespmem:$0x6FE0];
	_ =	sdelay $0x4  }
0x1da: {  	[tilespmem:v2+s16+$0x0] =	vst.idx.msk $0xffff, v1  }
0x1db: {  	[tilespmem:$0x1FBC0] =	vst v2;
	v2 =	vadd.s32 $0x8DF, v0;
	v1 =	vld [tilespmem:$0x6FF0];
	_ =	sdelay $0x4  }
0x1dc: {  	[tilespmem:v2+s16+$0x0] =	vst.idx.msk $0xffff, v1  }
0x1dd: {  	[tilespmem:$0x1FBD0] =	vst v2;
	v2 =	vadd.s32 $0x60, v0;
	v1 =	vld [tilespmem:$0x7000];
	_ =	sdelay $0x4  }
0x1de: {  	[tilespmem:v2+s16+$0x0] =	vst.idx.msk $0xffff, v1  }
0x1df: {  	[tilespmem:$0x1FBE0] =	vst v2;
	v2 =	vadd.s32 $0x8E0, v0;
	v1 =	vld [tilespmem:$0x7010];
	_ =	sdelay $0x4  }
0x1e0: {  	[tilespmem:v2+s16+$0x0] =	vst.idx.msk $0xffff, v1  }
0x1e1: {  	[tilespmem:$0x1FBF0] =	vst v2;
	v2 =	vadd.s32 $0x61, v0;
	v1 =	vld [tilespmem:$0x7020];
	_ =	sdelay $0x4  }
0x1e2: {  	[tilespmem:v2+s16+$0x0] =	vst.idx.msk $0xffff, v1  }
0x1e3: {  	[tilespmem:$0x1FC00] =	vst v2;
	v2 =	vadd.s32 $0x8E1, v0;
	v1 =	vld [tilespmem:$0x7030];
	_ =	sdelay $0x4  }
0x1e4: {  	[tilespmem:v2+s16+$0x0] =	vst.idx.msk $0xffff, v1  }
0x1e5: {  	[tilespmem:$0x1FC10] =	vst v2;
	v2 =	vadd.s32 $0x62, v0;
	v1 =	vld [tilespmem:$0x7040];
	_ =	sdelay $0x4  }
0x1e6: {  	[tilespmem:v2+s16+$0x0] =	vst.idx.msk $0xffff, v1  }
0x1e7: {  	[tilespmem:$0x1FC20] =	vst v2;
	v2 =	vadd.s32 $0x8E2, v0;
	v1 =	vld [tilespmem:$0x7050];
	_ =	sdelay $0x4  }
0x1e8: {  	[tilespmem:v2+s16+$0x0] =	vst.idx.msk $0xffff, v1  }
0x1e9: {  	[tilespmem:$0x1FC30] =	vst v2;
	v2 =	vadd.s32 $0x63, v0;
	v1 =	vld [tilespmem:$0x7060];
	_ =	sdelay $0x4  }
0x1ea: {  	[tilespmem:v2+s16+$0x0] =	vst.idx.msk $0xffff, v1  }
0x1eb: {  	[tilespmem:$0x1FC40] =	vst v2;
	v2 =	vadd.s32 $0x8E3, v0;
	v1 =	vld [tilespmem:$0x7070];
	_ =	sdelay $0x4  }
0x1ec: {  	[tilespmem:v2+s16+$0x0] =	vst.idx.msk $0xffff, v1  }
0x1ed: {  	[tilespmem:$0x1FC50] =	vst v2;
	v2 =	vadd.s32 $0x64, v0;
	v1 =	vld [tilespmem:$0x7080];
	_ =	sdelay $0x4  }
0x1ee: {  	[tilespmem:v2+s16+$0x0] =	vst.idx.msk $0xffff, v1  }
0x1ef: {  	[tilespmem:$0x1FC60] =	vst v2;
	v2 =	vadd.s32 $0x8E4, v0;
	v1 =	vld [tilespmem:$0x7090];
	_ =	sdelay $0x4  }
0x1f0: {  	[tilespmem:v2+s16+$0x0] =	vst.idx.msk $0xffff, v1  }
0x1f1: {  	[tilespmem:$0x1FC70] =	vst v2;
	v2 =	vadd.s32 $0x65, v0;
	v1 =	vld [tilespmem:$0x70A0];
	_ =	sdelay $0x4  }
0x1f2: {  	[tilespmem:v2+s16+$0x0] =	vst.idx.msk $0xffff, v1  }
0x1f3: {  	[tilespmem:$0x1FC80] =	vst v2;
	v2 =	vadd.s32 $0x8E5, v0;
	v1 =	vld [tilespmem:$0x70B0];
	_ =	sdelay $0x4  }
0x1f4: {  	[tilespmem:v2+s16+$0x0] =	vst.idx.msk $0xffff, v1  }
0x1f5: {  	[tilespmem:$0x1FC90] =	vst v2;
	v2 =	vadd.s32 $0x66, v0;
	v1 =	vld [tilespmem:$0x70C0];
	_ =	sdelay $0x3  }
0x1f6: {  	[tilespmem:$0x1FCA0] =	vst v2  }
0x1f7: {  	[tilespmem:v2+s16+$0x0] =	vst.idx.msk $0xffff, v1  }
0x1f8: {  	v2 =	vadd.s32 $0x8E6, v0;
	v1 =	vld [tilespmem:$0x70D0];
	_ =	sdelay $0x4  }
0x1f9: {  	[tilespmem:v2+s16+$0x0] =	vst.idx.msk $0xffff, v1  }
0x1fa: {  	[tilespmem:$0x1FCB0] =	vst v2;
	v2 =	vadd.s32 $0x67, v0;
	v1 =	vld [tilespmem:$0x70E0];
	_ =	sdelay $0x4  }
0x1fb: {  	[tilespmem:v2+s16+$0x0] =	vst.idx.msk $0xffff, v1  }
0x1fc: {  	[tilespmem:$0x1FCC0] =	vst v2;
	v2 =	vadd.s32 $0x8E7, v0;
	v1 =	vld [tilespmem:$0x70F0];
	_ =	sdelay $0x4  }
0x1fd: {  	[tilespmem:v2+s16+$0x0] =	vst.idx.msk $0xffff, v1  }
0x1fe: {  	[tilespmem:$0x1FCD0] =	vst v2;
	v2 =	vadd.s32 $0x68, v0;
	v1 =	vld [tilespmem:$0x7100];
	_ =	sdelay $0x4  }
0x1ff: {  	[tilespmem:v2+s16+$0x0] =	vst.idx.msk $0xffff, v1  }
0x200: {  	[tilespmem:$0x1FCE0] =	vst v2;
	v2 =	vadd.s32 $0x8E8, v0;
	v1 =	vld [tilespmem:$0x7110];
	_ =	sdelay $0x4  }
0x201: {  	[tilespmem:v2+s16+$0x0] =	vst.idx.msk $0xffff, v1  }
0x202: {  	[tilespmem:$0x1FCF0] =	vst v2;
	v2 =	vadd.s32 $0x69, v0;
	v1 =	vld [tilespmem:$0x7120];
	_ =	sdelay $0x4  }
0x203: {  	[tilespmem:v2+s16+$0x0] =	vst.idx.msk $0xffff, v1  }
0x204: {  	[tilespmem:$0x1FD00] =	vst v2;
	v2 =	vadd.s32 $0x8E9, v0;
	v1 =	vld [tilespmem:$0x7130];
	_ =	sdelay $0x4  }
0x205: {  	[tilespmem:v2+s16+$0x0] =	vst.idx.msk $0xffff, v1  }
0x206: {  	[tilespmem:$0x1FD10] =	vst v2;
	v2 =	vadd.s32 $0x6A, v0;
	v1 =	vld [tilespmem:$0x7140];
	_ =	sdelay $0x4  }
0x207: {  	[tilespmem:v2+s16+$0x0] =	vst.idx.msk $0xffff, v1  }
0x208: {  	[tilespmem:$0x1FD20] =	vst v2;
	v2 =	vadd.s32 $0x8EA, v0;
	v1 =	vld [tilespmem:$0x7150];
	_ =	sdelay $0x4  }
0x209: {  	[tilespmem:v2+s16+$0x0] =	vst.idx.msk $0xffff, v1  }
0x20a: {  	[tilespmem:$0x1FD30] =	vst v2;
	v2 =	vadd.s32 $0x6B, v0;
	v1 =	vld [tilespmem:$0x7160];
	_ =	sdelay $0x4  }
0x20b: {  	[tilespmem:v2+s16+$0x0] =	vst.idx.msk $0xffff, v1  }
0x20c: {  	[tilespmem:$0x1FD40] =	vst v2;
	v2 =	vadd.s32 $0x8EB, v0;
	v1 =	vld [tilespmem:$0x7170];
	_ =	sdelay $0x4  }
0x20d: {  	[tilespmem:v2+s16+$0x0] =	vst.idx.msk $0xffff, v1  }
0x20e: {  	[tilespmem:$0x1FD50] =	vst v2;
	v2 =	vadd.s32 $0x6C, v0;
	v1 =	vld [tilespmem:$0x7180];
	_ =	sdelay $0x4  }
0x20f: {  	[tilespmem:v2+s16+$0x0] =	vst.idx.msk $0xffff, v1  }
0x210: {  	[tilespmem:$0x1FD60] =	vst v2;
	v2 =	vadd.s32 $0x8EC, v0;
	v1 =	vld [tilespmem:$0x7190];
	_ =	sdelay $0x4  }
0x211: {  	[tilespmem:v2+s16+$0x0] =	vst.idx.msk $0xffff, v1  }
0x212: {  	[tilespmem:$0x1FD70] =	vst v2;
	v2 =	vadd.s32 $0x6D, v0;
	v1 =	vld [tilespmem:$0x71A0];
	_ =	sdelay $0x4  }
0x213: {  	[tilespmem:v2+s16+$0x0] =	vst.idx.msk $0xffff, v1  }
0x214: {  	[tilespmem:$0x1FD80] =	vst v2;
	v2 =	vadd.s32 $0x8ED, v0;
	v1 =	vld [tilespmem:$0x71B0];
	_ =	sdelay $0x4  }
0x215: {  	[tilespmem:v2+s16+$0x0] =	vst.idx.msk $0xffff, v1  }
0x216: {  	[tilespmem:$0x1FD90] =	vst v2;
	v2 =	vadd.s32 $0x6E, v0;
	v1 =	vld [tilespmem:$0x71C0];
	_ =	sdelay $0x4  }
0x217: {  	[tilespmem:v2+s16+$0x0] =	vst.idx.msk $0xffff, v1  }
0x218: {  	[tilespmem:$0x1FDA0] =	vst v2;
	v2 =	vadd.s32 $0x8EE, v0;
	v1 =	vld [tilespmem:$0x71D0];
	_ =	sdelay $0x4  }
0x219: {  	[tilespmem:v2+s16+$0x0] =	vst.idx.msk $0xffff, v1  }
0x21a: {  	[tilespmem:$0x1FDB0] =	vst v2;
	v2 =	vadd.s32 $0x6F, v0;
	v1 =	vld [tilespmem:$0x71E0];
	_ =	sdelay $0x4  }
0x21b: {  	[tilespmem:v2+s16+$0x0] =	vst.idx.msk $0xffff, v1  }
0x21c: {  	[tilespmem:$0x1FDC0] =	vst v2;
	v2 =	vadd.s32 $0x8EF, v0;
	v1 =	vld [tilespmem:$0x71F0];
	_ =	sdelay $0x4  }
0x21d: {  	[tilespmem:v2+s16+$0x0] =	vst.idx.msk $0xffff, v1  }
0x21e: {  	[tilespmem:$0x1FDD0] =	vst v2;
	v2 =	vadd.s32 $0x70, v0;
	v1 =	vld [tilespmem:$0x7200];
	_ =	sdelay $0x4  }
0x21f: {  	[tilespmem:v2+s16+$0x0] =	vst.idx.msk $0xffff, v1  }
0x220: {  	[tilespmem:$0x1FDE0] =	vst v2;
	v2 =	vadd.s32 $0x8F0, v0;
	v1 =	vld [tilespmem:$0x7210];
	_ =	sdelay $0x4  }
0x221: {  	[tilespmem:v2+s16+$0x0] =	vst.idx.msk $0xffff, v1  }
0x222: {  	[tilespmem:$0x1FDF0] =	vst v2;
	v2 =	vadd.s32 $0x71, v0;
	v1 =	vld [tilespmem:$0x7220];
	_ =	sdelay $0x4  }
0x223: {  	[tilespmem:v2+s16+$0x0] =	vst.idx.msk $0xffff, v1  }
0x224: {  	[tilespmem:$0x1FE00] =	vst v2;
	v2 =	vadd.s32 $0x8F1, v0;
	v1 =	vld [tilespmem:$0x7230];
	_ =	sdelay $0x4  }
0x225: {  	[tilespmem:v2+s16+$0x0] =	vst.idx.msk $0xffff, v1  }
0x226: {  	[tilespmem:$0x1FE10] =	vst v2;
	v2 =	vadd.s32 $0x72, v0;
	v1 =	vld [tilespmem:$0x7240];
	_ =	sdelay $0x4  }
0x227: {  	[tilespmem:v2+s16+$0x0] =	vst.idx.msk $0xffff, v1  }
0x228: {  	[tilespmem:$0x1FE20] =	vst v2;
	v2 =	vadd.s32 $0x8F2, v0;
	v1 =	vld [tilespmem:$0x7250];
	_ =	sdelay $0x4  }
0x229: {  	[tilespmem:v2+s16+$0x0] =	vst.idx.msk $0xffff, v1  }
0x22a: {  	[tilespmem:$0x1FE30] =	vst v2;
	v2 =	vadd.s32 $0x73, v0;
	v1 =	vld [tilespmem:$0x7260];
	_ =	sdelay $0x4  }
0x22b: {  	[tilespmem:v2+s16+$0x0] =	vst.idx.msk $0xffff, v1  }
0x22c: {  	[tilespmem:$0x1FE40] =	vst v2;
	v2 =	vadd.s32 $0x8F3, v0;
	v1 =	vld [tilespmem:$0x7270];
	_ =	sdelay $0x4  }
0x22d: {  	[tilespmem:v2+s16+$0x0] =	vst.idx.msk $0xffff, v1  }
0x22e: {  	[tilespmem:$0x1FE50] =	vst v2;
	v2 =	vadd.s32 $0x74, v0;
	v1 =	vld [tilespmem:$0x7280];
	_ =	sdelay $0x4  }
0x22f: {  	[tilespmem:v2+s16+$0x0] =	vst.idx.msk $0xffff, v1  }
0x230: {  	[tilespmem:$0x1FE60] =	vst v2;
	v2 =	vadd.s32 $0x8F4, v0;
	v1 =	vld [tilespmem:$0x7290];
	_ =	sdelay $0x4  }
0x231: {  	[tilespmem:v2+s16+$0x0] =	vst.idx.msk $0xffff, v1  }
0x232: {  	[tilespmem:$0x1FE70] =	vst v2;
	v2 =	vadd.s32 $0x75, v0;
	v1 =	vld [tilespmem:$0x72A0];
	_ =	sdelay $0x4  }
0x233: {  	[tilespmem:v2+s16+$0x0] =	vst.idx.msk $0xffff, v1  }
0x234: {  	[tilespmem:$0x1FE80] =	vst v2;
	v2 =	vadd.s32 $0x8F5, v0;
	v1 =	vld [tilespmem:$0x72B0];
	_ =	sdelay $0x4  }
0x235: {  	[tilespmem:v2+s16+$0x0] =	vst.idx.msk $0xffff, v1  }
0x236: {  	[tilespmem:$0x1FE90] =	vst v2;
	v2 =	vadd.s32 $0x76, v0;
	v1 =	vld [tilespmem:$0x72C0];
	_ =	sdelay $0x4  }
0x237: {  	[tilespmem:v2+s16+$0x0] =	vst.idx.msk $0xffff, v1  }
0x238: {  	[tilespmem:$0x1FEA0] =	vst v2;
	v2 =	vadd.s32 $0x8F6, v0;
	v1 =	vld [tilespmem:$0x72D0];
	_ =	sdelay $0x4  }
0x239: {  	[tilespmem:v2+s16+$0x0] =	vst.idx.msk $0xffff, v1  }
0x23a: {  	[tilespmem:$0x1FEB0] =	vst v2;
	v2 =	vadd.s32 $0x77, v0;
	v1 =	vld [tilespmem:$0x72E0];
	_ =	sdelay $0x4  }
0x23b: {  	[tilespmem:v2+s16+$0x0] =	vst.idx.msk $0xffff, v1  }
0x23c: {  	[tilespmem:$0x1FEC0] =	vst v2;
	v2 =	vadd.s32 $0x8F7, v0;
	v1 =	vld [tilespmem:$0x72F0];
	_ =	sdelay $0x4  }
0x23d: {  	[tilespmem:v2+s16+$0x0] =	vst.idx.msk $0xffff, v1  }
0x23e: {  	[tilespmem:$0x1FED0] =	vst v2;
	v2 =	vadd.s32 $0x78, v0;
	v1 =	vld [tilespmem:$0x7300];
	_ =	sdelay $0x4  }
0x23f: {  	[tilespmem:v2+s16+$0x0] =	vst.idx.msk $0xffff, v1  }
0x240: {  	[tilespmem:$0x1FEE0] =	vst v2;
	v2 =	vadd.s32 $0x8F8, v0;
	v1 =	vld [tilespmem:$0x7310];
	_ =	sdelay $0x4  }
0x241: {  	[tilespmem:v2+s16+$0x0] =	vst.idx.msk $0xffff, v1  }
0x242: {  	[tilespmem:$0x1FEF0] =	vst v2;
	v2 =	vadd.s32 $0x79, v0;
	v1 =	vld [tilespmem:$0x7320];
	_ =	sdelay $0x4  }
0x243: {  	[tilespmem:v2+s16+$0x0] =	vst.idx.msk $0xffff, v1  }
0x244: {  	[tilespmem:$0x1FF00] =	vst v2;
	v2 =	vadd.s32 $0x8F9, v0;
	v1 =	vld [tilespmem:$0x7330];
	_ =	sdelay $0x4  }
0x245: {  	[tilespmem:v2+s16+$0x0] =	vst.idx.msk $0xffff, v1  }
0x246: {  	[tilespmem:$0x1FF10] =	vst v2;
	v2 =	vadd.s32 $0x7A, v0;
	v1 =	vld [tilespmem:$0x7340];
	_ =	sdelay $0x4  }
0x247: {  	[tilespmem:v2+s16+$0x0] =	vst.idx.msk $0xffff, v1  }
0x248: {  	[tilespmem:$0x1FF20] =	vst v2;
	v2 =	vadd.s32 $0x8FA, v0;
	v1 =	vld [tilespmem:$0x7350];
	_ =	sdelay $0x4  }
0x249: {  	[tilespmem:v2+s16+$0x0] =	vst.idx.msk $0xffff, v1  }
0x24a: {  	[tilespmem:$0x1FF30] =	vst v2;
	v2 =	vadd.s32 $0x7B, v0;
	v1 =	vld [tilespmem:$0x7360];
	_ =	sdelay $0x4  }
0x24b: {  	[tilespmem:v2+s16+$0x0] =	vst.idx.msk $0xffff, v1  }
0x24c: {  	[tilespmem:$0x1FF40] =	vst v2;
	v2 =	vadd.s32 $0x8FB, v0;
	v1 =	vld [tilespmem:$0x7370];
	_ =	sdelay $0x4  }
0x24d: {  	[tilespmem:v2+s16+$0x0] =	vst.idx.msk $0xffff, v1  }
0x24e: {  	[tilespmem:$0x1FF50] =	vst v2;
	v2 =	vadd.s32 $0x7C, v0;
	v1 =	vld [tilespmem:$0x7380];
	_ =	sdelay $0x4  }
0x24f: {  	[tilespmem:v2+s16+$0x0] =	vst.idx.msk $0xffff, v1  }
0x250: {  	[tilespmem:$0x1FF60] =	vst v2;
	v2 =	vadd.s32 $0x8FC, v0;
	v1 =	vld [tilespmem:$0x7390];
	_ =	sdelay $0x4  }
0x251: {  	[tilespmem:v2+s16+$0x0] =	vst.idx.msk $0xffff, v1  }
0x252: {  	[tilespmem:$0x1FF70] =	vst v2;
	v2 =	vadd.s32 $0x7D, v0;
	v1 =	vld [tilespmem:$0x73A0];
	_ =	sdelay $0x4  }
0x253: {  	[tilespmem:v2+s16+$0x0] =	vst.idx.msk $0xffff, v1  }
0x254: {  	[tilespmem:$0x1FF80] =	vst v2;
	v2 =	vadd.s32 $0x8FD, v0;
	v1 =	vld [tilespmem:$0x73B0];
	_ =	sdelay $0x4  }
0x255: {  	[tilespmem:v2+s16+$0x0] =	vst.idx.msk $0xffff, v1  }
0x256: {  	[tilespmem:$0x1FF90] =	vst v2;
	v2 =	vadd.s32 $0x7E, v0;
	v1 =	vld [tilespmem:$0x73C0];
	_ =	sdelay $0x4  }
0x257: {  	[tilespmem:v2+s16+$0x0] =	vst.idx.msk $0xffff, v1  }
0x258: {  	[tilespmem:$0x1FFA0] =	vst v2;
	v2 =	vadd.s32 $0x8FE, v0;
	v1 =	vld [tilespmem:$0x73D0];
	_ =	sdelay $0x4  }
0x259: {  	[tilespmem:v2+s16+$0x0] =	vst.idx.msk $0xffff, v1  }
0x25a: {  	[tilespmem:$0x1FFB0] =	vst v2;
	v2 =	vadd.s32 $0x7F, v0;
	v1 =	vld [tilespmem:$0x73E0];
	_ =	sdelay $0x4  }
0x25b: {  	[tilespmem:v2+s16+$0x0] =	vst.idx.msk $0xffff, v1  }
0x25c: {  	[tilespmem:$0x1FFC0] =	vst v2;
	v2 =	vadd.s32 $0x8FF, v0;
	v1 =	vld [tilespmem:$0x73F0];
	_ =	sdelay $0x2  }
0x25d: {  	p1 =	seq.s32 s23, $0x18C00;
	s1 =	sand.u32 $0xF00, s22;
	s26 =	rddreg [dreg:$0x4]  }
0x25e: {  	s25 =	simm.s32 @!p1 $0x80;
	s24 =	sshra.s32 @!p1 s23, $0x2;
	s26 =	sadd.s32 s23, s26  }
0x25f: {  	s29 =	simm.s32 @!p1 $0x6400;
	s28 =	sadd.s32 @!p1 $0x100, s24;
	s31 =	sand.u32 $0xFFFC000, s26;
	[tilespmem:v2+s16+$0x0] =	vst.idx.msk $0xffff, v1  }
0x260: {  	[tilespmem:s29], [sflag:$0x1] =	stream.indirect.gather @!p1 [hbm4b:s4+s25], $0x20, s28, s25, $0xb8;
	[tilespmem:$0xA600] =	vst v63  }
0x261: {  	s28 =	sor.u32 s1, s31  }
0x262: {  	s30 =	rddreg [dreg:$0x5];
	s29 =	sadd.s32 s2, s28  }
0x263: {  	[hbm4b:s29+s3] =	stream.linear.scatter [tilespmem:s16], [sflag:$0x3], $0x80, $0x38;
	[tilespmem:$0xA600] =	vst v63  }
0x264: {  	s1 =	rddreg [dreg:$0x6];
	s31 =	sadd.s32 $0x10, s29  }
0x265: {  	[hbm4b:s31+s3] =	stream.linear.scatter [tilespmem:s30], [sflag:$0x3], $0x80, $0x38;
	[tilespmem:$0xA600] =	vst v63  }
0x266: {  	s30 =	sadd.s32 $0x20, s29;
	s31 =	rddreg [dreg:$0x7]  }
0x267: {  	[hbm4b:s30+s3] =	stream.linear.scatter [tilespmem:s1], [sflag:$0x3], $0x80, $0x38;
	[tilespmem:$0xA600] =	vst v63  }
0x268: {  	s1 =	sadd.s32 $0x30, s29;
	s30 =	rddreg [dreg:$0x8]  }
0x269: {  	[hbm4b:s1+s3] =	stream.linear.scatter [tilespmem:s31], [sflag:$0x3], $0x80, $0x38;
	[tilespmem:$0xA600] =	vst v63  }
0x26a: {  	s1 =	sadd.s32 $0x40, s29;
	s31 =	rddreg [dreg:$0x9]  }
0x26b: {  	[hbm4b:s1+s3] =	stream.linear.scatter [tilespmem:s30], [sflag:$0x3], $0x80, $0x38;
	[tilespmem:$0xA600] =	vst v63  }
0x26c: {  	s1 =	sadd.s32 $0x50, s29;
	s30 =	rddreg [dreg:$0xa]  }
0x26d: {  	[hbm4b:s1+s3] =	stream.linear.scatter [tilespmem:s31], [sflag:$0x3], $0x80, $0x38;
	[tilespmem:$0xA600] =	vst v63  }
0x26e: {  	s1 =	sadd.s32 $0x60, s29;
	s31 =	rddreg [dreg:$0xb]  }
0x26f: {  	[hbm4b:s1+s3] =	stream.linear.scatter [tilespmem:s30], [sflag:$0x3], $0x80, $0x38;
	[tilespmem:$0xA600] =	vst v63  }
0x270: {  	s30 =	sadd.s32 $0x70, s29;
	s29 =	rddreg [dreg:$0xc]  }
0x271: {  	[hbm4b:s30+s3] =	stream.linear.scatter [tilespmem:s31], [sflag:$0x3], $0x80, $0x38;
	[tilespmem:$0xA600] =	vst v63  }
0x272: {  	s1 =	sadd.s32 s28, s6;
	s30 =	rddreg [dreg:$0xd]  }
0x273: {  	[hbm4b:s1+s3] =	stream.linear.scatter [tilespmem:s29], [sflag:$0x3], $0x80, $0x38;
	[tilespmem:$0xA600] =	vst v63  }
0x274: {  	s31 =	rddreg [dreg:$0xe];
	s29 =	sadd.s32 $0x10, s1  }
0x275: {  	[hbm4b:s29+s3] =	stream.linear.scatter [tilespmem:s30], [sflag:$0x3], $0x80, $0x38;
	[tilespmem:$0xA600] =	vst v63  }
0x276: {  	s29 =	sadd.s32 $0x20, s1;
	s30 =	rddreg [dreg:$0xf]  }
0x277: {  	[hbm4b:s29+s3] =	stream.linear.scatter [tilespmem:s31], [sflag:$0x3], $0x80, $0x38;
	[tilespmem:$0xA600] =	vst v63  }
0x278: {  	s29 =	sadd.s32 $0x30, s1;
	s31 =	rddreg [dreg:$0x10]  }
0x279: {  	[hbm4b:s29+s3] =	stream.linear.scatter [tilespmem:s30], [sflag:$0x3], $0x80, $0x38;
	[tilespmem:$0xA600] =	vst v63  }
0x27a: {  	s29 =	sadd.s32 $0x40, s1;
	s30 =	rddreg [dreg:$0x11]  }
0x27b: {  	[hbm4b:s29+s3] =	stream.linear.scatter [tilespmem:s31], [sflag:$0x3], $0x80, $0x38;
	[tilespmem:$0xA600] =	vst v63  }
0x27c: {  	s29 =	sadd.s32 $0x50, s1;
	s31 =	rddreg [dreg:$0x12]  }
0x27d: {  	[hbm4b:s29+s3] =	stream.linear.scatter [tilespmem:s30], [sflag:$0x3], $0x80, $0x38;
	[tilespmem:$0xA600] =	vst v63  }
0x27e: {  	s29 =	sadd.s32 $0x60, s1;
	s30 =	rddreg [dreg:$0x13]  }
0x27f: {  	[hbm4b:s29+s3] =	stream.linear.scatter [tilespmem:s31], [sflag:$0x3], $0x80, $0x38;
	[tilespmem:$0xA600] =	vst v63  }
0x280: {  	s1 =	sadd.s32 $0x70, s1;
	s31 =	rddreg [dreg:$0x14]  }
0x281: {  	[hbm4b:s1+s3] =	stream.linear.scatter [tilespmem:s30], [sflag:$0x3], $0x80, $0x38;
	[tilespmem:$0xA600] =	vst v63  }
0x282: {  	s1 =	sadd.s32 s28, s7;
	s30 =	rddreg [dreg:$0x15]  }
0x283: {  	[hbm4b:s1+s3] =	stream.linear.scatter [tilespmem:s31], [sflag:$0x3], $0x80, $0x38;
	[tilespmem:$0xA600] =	vst v63  }
0x284: {  	s29 =	sadd.s32 $0x10, s1;
	s31 =	rddreg [dreg:$0x16]  }
0x285: {  	[hbm4b:s29+s3] =	stream.linear.scatter [tilespmem:s30], [sflag:$0x3], $0x80, $0x38;
	[tilespmem:$0xA600] =	vst v63  }
0x286: {  	s29 =	sadd.s32 $0x20, s1;
	s30 =	rddreg [dreg:$0x17]  }
0x287: {  	[hbm4b:s29+s3] =	stream.linear.scatter [tilespmem:s31], [sflag:$0x3], $0x80, $0x38;
	[tilespmem:$0xA600] =	vst v63  }
0x288: {  	s29 =	sadd.s32 $0x30, s1;
	s31 =	rddreg [dreg:$0x18]  }
0x289: {  	[hbm4b:s29+s3] =	stream.linear.scatter [tilespmem:s30], [sflag:$0x3], $0x80, $0x38;
	[tilespmem:$0xA600] =	vst v63  }
0x28a: {  	s29 =	sadd.s32 $0x40, s1;
	s30 =	rddreg [dreg:$0x19]  }
0x28b: {  	[hbm4b:s29+s3] =	stream.linear.scatter [tilespmem:s31], [sflag:$0x3], $0x80, $0x38;
	[tilespmem:$0xA600] =	vst v63  }
0x28c: {  	s29 =	sadd.s32 $0x50, s1;
	s31 =	rddreg [dreg:$0x1a]  }
0x28d: {  	[hbm4b:s29+s3] =	stream.linear.scatter [tilespmem:s30], [sflag:$0x3], $0x80, $0x38;
	[tilespmem:$0xA600] =	vst v63  }
0x28e: {  	s29 =	sadd.s32 $0x60, s1;
	s30 =	rddreg [dreg:$0x1b]  }
0x28f: {  	[hbm4b:s29+s3] =	stream.linear.scatter [tilespmem:s31], [sflag:$0x3], $0x80, $0x38;
	[tilespmem:$0xA600] =	vst v63  }
0x290: {  	s1 =	sadd.s32 $0x70, s1;
	s31 =	rddreg [dreg:$0x1c]  }
0x291: {  	[hbm4b:s1+s3] =	stream.linear.scatter [tilespmem:s30], [sflag:$0x3], $0x80, $0x38;
	[tilespmem:$0xA600] =	vst v63  }
0x292: {  	s29 =	rddreg [dreg:$0x1f];
	s1 =	sadd.s32 s28, s8  }
0x293: {  	[hbm4b:s1+s3] =	stream.linear.scatter [tilespmem:s31], [sflag:$0x3], $0x80, $0x38;
	[tilespmem:$0xA600] =	vst v63  }
0x294: {  	s28 =	rddreg [dreg:$0x1d];
	s31 =	sadd.s32 $0x10, s1  }
0x295: {  	[hbm4b:s31+s3] =	stream.linear.scatter [tilespmem:s28], [sflag:$0x3], $0x80, $0x38;
	[tilespmem:$0xA600] =	vst v63  }
0x296: {  	s30 =	rddreg [dreg:$0x1e];
	s31 =	sadd.s32 $0x20, s1  }
0x297: {  	[hbm4b:s31+s3] =	stream.linear.scatter [tilespmem:s30], [sflag:$0x3], $0x80, $0x38;
	[tilespmem:$0xA600] =	vst v63  }
0x298: {  	s31 =	sadd.s32 $0x30, s1;
	s30 =	sld [smem:$0x7DB]  }
0x299: {  	[hbm4b:s31+s3] =	stream.linear.scatter [tilespmem:s29], [sflag:$0x3], $0x80, $0x38;
	[tilespmem:$0xA600] =	vst v63  }
0x29a: {  	s31 =	sadd.s32 $0x40, s1;
	s29 =	sld [smem:$0x7DC]  }
0x29b: {  	[hbm4b:s31+s3] =	stream.linear.scatter [tilespmem:s30], [sflag:$0x3], $0x80, $0x38;
	[tilespmem:$0xA600] =	vst v63  }
0x29c: {  	s31 =	sadd.s32 $0x50, s1;
	s30 =	sld [smem:$0x7DD]  }
0x29d: {  	[hbm4b:s31+s3] =	stream.linear.scatter [tilespmem:s29], [sflag:$0x3], $0x80, $0x38;
	[tilespmem:$0xA600] =	vst v63  }
0x29e: {  	s28 =	sadd.s32 $0x60, s1;
	s31 =	sld [smem:$0x7DE]  }
0x29f: {  	[hbm4b:s28+s3] =	stream.linear.scatter [tilespmem:s30], [sflag:$0x3], $0x80, $0x38;
	[tilespmem:$0xA600] =	vst v63  }
0x2a0: {  	[tilespmem:$0x1FFD0] =	vst v2;
	s1 =	sadd.s32 $0x70, s1  }
0x2a1: {  	[hbm4b:s1+s3] =	stream.linear.scatter [tilespmem:s31], [sflag:$0x3], $0x80, $0x38;
	[tilespmem:$0xA600] =	vst v63  }
0x2a2: {  	_ =	swait.ge [sflag:s17], $0x1000  }
0x2a3: {  	[sflag:s17] =	ssyncset.done $0x0  }
0x2a4: {  	s1 =	simm.s32 @!p0 $0x4;
	[sflag:s17] =	ssyncadd.s32 $0xFFFFF000  }
0x2a5: {  	_ =	swait.ge @!p0 [sflag:s1], $0x400  }
0x2a6: {  	[sflag:s1] =	ssyncset.done @!p0 $0x0  }
0x2a7: {  	[sflag:s1] =	ssyncadd.s32 @!p0 $0xFFFFFC00  }
0x2a8: {  	_ =	swait.ge @!p0 [sflag:s1], $0x400  }
0x2a9: {  	[sflag:s1] =	ssyncset.done @!p0 $0x0  }
0x2aa: {  	[sflag:s1] =	ssyncadd.s32 @!p0 $0xFFFFFC00  }
0x2ab: {  	_ =	swait.ge @!p0 [sflag:s1], $0x400  }
0x2ac: {  	[sflag:s1] =	ssyncset.done @!p0 $0x0  }
0x2ad: {  	[sflag:s1] =	ssyncadd.s32 @!p0 $0xFFFFFC00  }
0x2ae: {  	_ =	swait.ge @!p0 [sflag:s1], $0x400  }
0x2af: {  	[sflag:s1] =	ssyncset.done @!p0 $0x0  }
0x2b0: {  	[sflag:s1] =	ssyncadd.s32 @!p0 $0xFFFFFC00  }
0x2b1: {  	v1 =	vld [tilespmem:$0x7400];
	_ =	sdelay $0x2  }
0x2b2: {  	v2 =	vld [tilespmem:$0x1FFF0];
	_ =	sdelay $0x1  }
0x2b3: {  	[tilespmem:v0+s18+$0x0] =	vst.idx.msk $0xffff, v1  }
0x2b4: {  	v1 =	vld [tilespmem:$0x7410];
	_ =	sdelay $0x4  }
0x2b5: {  	[tilespmem:v2+s18+$0x0] =	vst.idx.msk $0xffff, v1  }
0x2b6: {  	v1 =	vld [tilespmem:$0x7420];
	_ =	sdelay $0x4  }
0x2b7: {  	[tilespmem:v3+s18+$0x0] =	vst.idx.msk $0xffff, v1  }
0x2b8: {  	v1 =	vld [tilespmem:$0x7430];
	_ =	sdelay $0x4  }
0x2b9: {  	[tilespmem:v4+s18+$0x0] =	vst.idx.msk $0xffff, v1  }
0x2ba: {  	v1 =	vld [tilespmem:$0x7440];
	_ =	sdelay $0x4  }
0x2bb: {  	[tilespmem:v5+s18+$0x0] =	vst.idx.msk $0xffff, v1  }
0x2bc: {  	v1 =	vld [tilespmem:$0x7450];
	_ =	sdelay $0x4  }
0x2bd: {  	[tilespmem:v6+s18+$0x0] =	vst.idx.msk $0xffff, v1  }
0x2be: {  	v1 =	vld [tilespmem:$0x7460];
	_ =	sdelay $0x4  }
0x2bf: {  	[tilespmem:v7+s18+$0x0] =	vst.idx.msk $0xffff, v1  }
0x2c0: {  	v1 =	vld [tilespmem:$0x7470];
	_ =	sdelay $0x4  }
0x2c1: {  	[tilespmem:v8+s18+$0x0] =	vst.idx.msk $0xffff, v1  }
0x2c2: {  	v1 =	vld [tilespmem:$0x7480];
	_ =	sdelay $0x4  }
0x2c3: {  	[tilespmem:v9+s18+$0x0] =	vst.idx.msk $0xffff, v1  }
0x2c4: {  	v1 =	vld [tilespmem:$0x7490];
	_ =	sdelay $0x4  }
0x2c5: {  	[tilespmem:v10+s18+$0x0] =	vst.idx.msk $0xffff, v1  }
0x2c6: {  	v1 =	vld [tilespmem:$0x74A0];
	_ =	sdelay $0x4  }
0x2c7: {  	[tilespmem:v11+s18+$0x0] =	vst.idx.msk $0xffff, v1  }
0x2c8: {  	v1 =	vld [tilespmem:$0x74B0];
	_ =	sdelay $0x4  }
0x2c9: {  	[tilespmem:v12+s18+$0x0] =	vst.idx.msk $0xffff, v1  }
0x2ca: {  	v1 =	vld [tilespmem:$0x74C0];
	_ =	sdelay $0x4  }
0x2cb: {  	[tilespmem:v13+s18+$0x0] =	vst.idx.msk $0xffff, v1  }
0x2cc: {  	v1 =	vld [tilespmem:$0x74D0];
	_ =	sdelay $0x4  }
0x2cd: {  	[tilespmem:v14+s18+$0x0] =	vst.idx.msk $0xffff, v1  }
0x2ce: {  	v1 =	vld [tilespmem:$0x74E0];
	_ =	sdelay $0x4  }
0x2cf: {  	[tilespmem:v15+s18+$0x0] =	vst.idx.msk $0xffff, v1  }
0x2d0: {  	v1 =	vld [tilespmem:$0x74F0];
	_ =	sdelay $0x4  }
0x2d1: {  	[tilespmem:v16+s18+$0x0] =	vst.idx.msk $0xffff, v1  }
0x2d2: {  	v1 =	vld [tilespmem:$0x7500];
	_ =	sdelay $0x4  }
0x2d3: {  	[tilespmem:v17+s18+$0x0] =	vst.idx.msk $0xffff, v1  }
0x2d4: {  	v1 =	vld [tilespmem:$0x7510];
	_ =	sdelay $0x4  }
0x2d5: {  	[tilespmem:v18+s18+$0x0] =	vst.idx.msk $0xffff, v1  }
0x2d6: {  	v1 =	vld [tilespmem:$0x7520];
	_ =	sdelay $0x4  }
0x2d7: {  	[tilespmem:v19+s18+$0x0] =	vst.idx.msk $0xffff, v1  }
0x2d8: {  	v1 =	vld [tilespmem:$0x7530];
	_ =	sdelay $0x4  }
0x2d9: {  	[tilespmem:v20+s18+$0x0] =	vst.idx.msk $0xffff, v1  }
0x2da: {  	v1 =	vld [tilespmem:$0x7540];
	_ =	sdelay $0x4  }
0x2db: {  	[tilespmem:v21+s18+$0x0] =	vst.idx.msk $0xffff, v1  }
0x2dc: {  	v1 =	vld [tilespmem:$0x7550];
	_ =	sdelay $0x4  }
0x2dd: {  	[tilespmem:v22+s18+$0x0] =	vst.idx.msk $0xffff, v1  }
0x2de: {  	v1 =	vld [tilespmem:$0x7560];
	_ =	sdelay $0x4  }
0x2df: {  	[tilespmem:v23+s18+$0x0] =	vst.idx.msk $0xffff, v1  }
0x2e0: {  	v1 =	vld [tilespmem:$0x7570];
	_ =	sdelay $0x4  }
0x2e1: {  	[tilespmem:v24+s18+$0x0] =	vst.idx.msk $0xffff, v1  }
0x2e2: {  	v1 =	vld [tilespmem:$0x7580];
	_ =	sdelay $0x4  }
0x2e3: {  	[tilespmem:v25+s18+$0x0] =	vst.idx.msk $0xffff, v1  }
0x2e4: {  	v1 =	vld [tilespmem:$0x7590];
	_ =	sdelay $0x4  }
0x2e5: {  	[tilespmem:v26+s18+$0x0] =	vst.idx.msk $0xffff, v1  }
0x2e6: {  	v1 =	vld [tilespmem:$0x75A0];
	_ =	sdelay $0x4  }
0x2e7: {  	[tilespmem:v27+s18+$0x0] =	vst.idx.msk $0xffff, v1  }
0x2e8: {  	v1 =	vld [tilespmem:$0x75B0];
	_ =	sdelay $0x4  }
0x2e9: {  	[tilespmem:v28+s18+$0x0] =	vst.idx.msk $0xffff, v1  }
0x2ea: {  	v1 =	vld [tilespmem:$0x75C0];
	_ =	sdelay $0x4  }
0x2eb: {  	[tilespmem:v29+s18+$0x0] =	vst.idx.msk $0xffff, v1  }
0x2ec: {  	v1 =	vld [tilespmem:$0x75D0];
	_ =	sdelay $0x4  }
0x2ed: {  	[tilespmem:v30+s18+$0x0] =	vst.idx.msk $0xffff, v1  }
0x2ee: {  	v1 =	vld [tilespmem:$0x75E0];
	_ =	sdelay $0x4  }
0x2ef: {  	[tilespmem:v31+s18+$0x0] =	vst.idx.msk $0xffff, v1  }
0x2f0: {  	v1 =	vld [tilespmem:$0x75F0];
	_ =	sdelay $0x4  }
0x2f1: {  	[tilespmem:v32+s18+$0x0] =	vst.idx.msk $0xffff, v1  }
0x2f2: {  	v1 =	vld [tilespmem:$0x7600];
	_ =	sdelay $0x4  }
0x2f3: {  	[tilespmem:v33+s18+$0x0] =	vst.idx.msk $0xffff, v1  }
0x2f4: {  	v1 =	vld [tilespmem:$0x7610];
	_ =	sdelay $0x4  }
0x2f5: {  	[tilespmem:v34+s18+$0x0] =	vst.idx.msk $0xffff, v1  }
0x2f6: {  	v1 =	vld [tilespmem:$0x7620];
	_ =	sdelay $0x4  }
0x2f7: {  	[tilespmem:v35+s18+$0x0] =	vst.idx.msk $0xffff, v1  }
0x2f8: {  	v1 =	vld [tilespmem:$0x7630];
	_ =	sdelay $0x4  }
0x2f9: {  	[tilespmem:v36+s18+$0x0] =	vst.idx.msk $0xffff, v1  }
0x2fa: {  	v1 =	vld [tilespmem:$0x7640];
	_ =	sdelay $0x4  }
0x2fb: {  	[tilespmem:v37+s18+$0x0] =	vst.idx.msk $0xffff, v1  }
0x2fc: {  	v1 =	vld [tilespmem:$0x7650];
	_ =	sdelay $0x4  }
0x2fd: {  	[tilespmem:v38+s18+$0x0] =	vst.idx.msk $0xffff, v1  }
0x2fe: {  	v1 =	vld [tilespmem:$0x7660];
	_ =	sdelay $0x4  }
0x2ff: {  	[tilespmem:v39+s18+$0x0] =	vst.idx.msk $0xffff, v1  }
0x300: {  	v1 =	vld [tilespmem:$0x7670];
	_ =	sdelay $0x4  }
0x301: {  	[tilespmem:v40+s18+$0x0] =	vst.idx.msk $0xffff, v1  }
0x302: {  	v1 =	vld [tilespmem:$0x7680];
	_ =	sdelay $0x4  }
0x303: {  	[tilespmem:v41+s18+$0x0] =	vst.idx.msk $0xffff, v1  }
0x304: {  	v1 =	vld [tilespmem:$0x7690];
	_ =	sdelay $0x4  }
0x305: {  	[tilespmem:v42+s18+$0x0] =	vst.idx.msk $0xffff, v1  }
0x306: {  	v1 =	vld [tilespmem:$0x76A0];
	_ =	sdelay $0x4  }
0x307: {  	[tilespmem:v43+s18+$0x0] =	vst.idx.msk $0xffff, v1  }
0x308: {  	v1 =	vld [tilespmem:$0x76B0];
	_ =	sdelay $0x4  }
0x309: {  	[tilespmem:v44+s18+$0x0] =	vst.idx.msk $0xffff, v1  }
0x30a: {  	v1 =	vld [tilespmem:$0x76C0];
	_ =	sdelay $0x4  }
0x30b: {  	[tilespmem:v45+s18+$0x0] =	vst.idx.msk $0xffff, v1  }
0x30c: {  	v1 =	vld [tilespmem:$0x76D0];
	_ =	sdelay $0x4  }
0x30d: {  	[tilespmem:v46+s18+$0x0] =	vst.idx.msk $0xffff, v1  }
0x30e: {  	v1 =	vld [tilespmem:$0x76E0];
	_ =	sdelay $0x4  }
0x30f: {  	[tilespmem:v47+s18+$0x0] =	vst.idx.msk $0xffff, v1  }
0x310: {  	v1 =	vld [tilespmem:$0x76F0];
	_ =	sdelay $0x4  }
0x311: {  	[tilespmem:v48+s18+$0x0] =	vst.idx.msk $0xffff, v1  }
0x312: {  	v1 =	vld [tilespmem:$0x7700];
	_ =	sdelay $0x4  }
0x313: {  	[tilespmem:v49+s18+$0x0] =	vst.idx.msk $0xffff, v1  }
0x314: {  	v1 =	vld [tilespmem:$0x7710];
	_ =	sdelay $0x4  }
0x315: {  	[tilespmem:v50+s18+$0x0] =	vst.idx.msk $0xffff, v1  }
0x316: {  	v1 =	vld [tilespmem:$0x7720];
	_ =	sdelay $0x4  }
0x317: {  	[tilespmem:v51+s18+$0x0] =	vst.idx.msk $0xffff, v1  }
0x318: {  	v1 =	vld [tilespmem:$0x7730];
	_ =	sdelay $0x4  }
0x319: {  	[tilespmem:v52+s18+$0x0] =	vst.idx.msk $0xffff, v1  }
0x31a: {  	v1 =	vld [tilespmem:$0x7740];
	_ =	sdelay $0x4  }
0x31b: {  	[tilespmem:v53+s18+$0x0] =	vst.idx.msk $0xffff, v1  }
0x31c: {  	v1 =	vld [tilespmem:$0x7750];
	_ =	sdelay $0x4  }
0x31d: {  	[tilespmem:v54+s18+$0x0] =	vst.idx.msk $0xffff, v1  }
0x31e: {  	v1 =	vld [tilespmem:$0x7760];
	_ =	sdelay $0x4  }
0x31f: {  	[tilespmem:v55+s18+$0x0] =	vst.idx.msk $0xffff, v1  }
0x320: {  	v1 =	vld [tilespmem:$0x7770];
	_ =	sdelay $0x4  }
0x321: {  	[tilespmem:v56+s18+$0x0] =	vst.idx.msk $0xffff, v1  }
0x322: {  	v1 =	vld [tilespmem:$0x7780];
	_ =	sdelay $0x4  }
0x323: {  	[tilespmem:v57+s18+$0x0] =	vst.idx.msk $0xffff, v1  }
0x324: {  	v1 =	vld [tilespmem:$0x7790];
	_ =	sdelay $0x4  }
0x325: {  	[tilespmem:v58+s18+$0x0] =	vst.idx.msk $0xffff, v1  }
0x326: {  	v1 =	vld [tilespmem:$0x77A0];
	_ =	sdelay $0x4  }
0x327: {  	[tilespmem:v59+s18+$0x0] =	vst.idx.msk $0xffff, v1  }
0x328: {  	v1 =	vld [tilespmem:$0x77B0];
	_ =	sdelay $0x4  }
0x329: {  	[tilespmem:v60+s18+$0x0] =	vst.idx.msk $0xffff, v1  }
0x32a: {  	v1 =	vld [tilespmem:$0x77C0];
	_ =	sdelay $0x4  }
0x32b: {  	[tilespmem:v61+s18+$0x0] =	vst.idx.msk $0xffff, v1  }
0x32c: {  	v1 =	vld [tilespmem:$0x77D0];
	_ =	sdelay $0x4  }
0x32d: {  	[tilespmem:v62+s18+$0x0] =	vst.idx.msk $0xffff, v1  }
0x32e: {  	v1 =	vld [tilespmem:$0x77E0];
	_ =	sdelay $0x2  }
0x32f: {  	v2 =	vld [tilespmem:$0x1FFE0];
	_ =	sdelay $0x1  }
0x330: {  	[tilespmem:v63+s18+$0x0] =	vst.idx.msk $0xffff, v1  }
0x331: {  	v1 =	vld [tilespmem:$0x77F0];
	_ =	sdelay $0x4  }
0x332: {  	[tilespmem:v2+s18+$0x0] =	vst.idx.msk $0xffff, v1;
	v2 =	vld [tilespmem:$0x1F3E0];
	_ =	sdelay $0x2  }
0x333: {  	v1 =	vld [tilespmem:$0x7800];
	_ =	sdelay $0x4  }
0x334: {  	[tilespmem:v2+s18+$0x0] =	vst.idx.msk $0xffff, v1;
	v2 =	vld [tilespmem:$0x1F3F0];
	_ =	sdelay $0x2  }
0x335: {  	v1 =	vld [tilespmem:$0x7810];
	_ =	sdelay $0x4  }
0x336: {  	[tilespmem:v2+s18+$0x0] =	vst.idx.msk $0xffff, v1;
	v2 =	vld [tilespmem:$0x1F400];
	_ =	sdelay $0x2  }
0x337: {  	v1 =	vld [tilespmem:$0x7820];
	_ =	sdelay $0x4  }
0x338: {  	[tilespmem:v2+s18+$0x0] =	vst.idx.msk $0xffff, v1;
	v2 =	vld [tilespmem:$0x1F410];
	_ =	sdelay $0x2  }
0x339: {  	v1 =	vld [tilespmem:$0x7830];
	_ =	sdelay $0x4  }
0x33a: {  	[tilespmem:v2+s18+$0x0] =	vst.idx.msk $0xffff, v1;
	v2 =	vld [tilespmem:$0x1F420];
	_ =	sdelay $0x2  }
0x33b: {  	v1 =	vld [tilespmem:$0x7840];
	_ =	sdelay $0x4  }
0x33c: {  	[tilespmem:v2+s18+$0x0] =	vst.idx.msk $0xffff, v1;
	v2 =	vld [tilespmem:$0x1F430];
	_ =	sdelay $0x2  }
0x33d: {  	v1 =	vld [tilespmem:$0x7850];
	_ =	sdelay $0x4  }
0x33e: {  	[tilespmem:v2+s18+$0x0] =	vst.idx.msk $0xffff, v1;
	v2 =	vld [tilespmem:$0x1F440];
	_ =	sdelay $0x2  }
0x33f: {  	v1 =	vld [tilespmem:$0x7860];
	_ =	sdelay $0x4  }
0x340: {  	[tilespmem:v2+s18+$0x0] =	vst.idx.msk $0xffff, v1;
	v2 =	vld [tilespmem:$0x1F450];
	_ =	sdelay $0x2  }
0x341: {  	v1 =	vld [tilespmem:$0x7870];
	_ =	sdelay $0x4  }
0x342: {  	[tilespmem:v2+s18+$0x0] =	vst.idx.msk $0xffff, v1;
	v2 =	vld [tilespmem:$0x1F460];
	_ =	sdelay $0x2  }
0x343: {  	v1 =	vld [tilespmem:$0x7880];
	_ =	sdelay $0x4  }
0x344: {  	[tilespmem:v2+s18+$0x0] =	vst.idx.msk $0xffff, v1;
	v2 =	vld [tilespmem:$0x1F470];
	_ =	sdelay $0x2  }
0x345: {  	v1 =	vld [tilespmem:$0x7890];
	_ =	sdelay $0x4  }
0x346: {  	[tilespmem:v2+s18+$0x0] =	vst.idx.msk $0xffff, v1;
	v2 =	vld [tilespmem:$0x1F480];
	_ =	sdelay $0x2  }
0x347: {  	v1 =	vld [tilespmem:$0x78A0];
	_ =	sdelay $0x4  }
0x348: {  	[tilespmem:v2+s18+$0x0] =	vst.idx.msk $0xffff, v1;
	v2 =	vld [tilespmem:$0x1F490];
	_ =	sdelay $0x2  }
0x349: {  	v1 =	vld [tilespmem:$0x78B0];
	_ =	sdelay $0x4  }
0x34a: {  	[tilespmem:v2+s18+$0x0] =	vst.idx.msk $0xffff, v1;
	v2 =	vld [tilespmem:$0x1F4A0];
	_ =	sdelay $0x2  }
0x34b: {  	v1 =	vld [tilespmem:$0x78C0];
	_ =	sdelay $0x4  }
0x34c: {  	[tilespmem:v2+s18+$0x0] =	vst.idx.msk $0xffff, v1;
	v2 =	vld [tilespmem:$0x1F4B0];
	_ =	sdelay $0x2  }
0x34d: {  	v1 =	vld [tilespmem:$0x78D0];
	_ =	sdelay $0x4  }
0x34e: {  	[tilespmem:v2+s18+$0x0] =	vst.idx.msk $0xffff, v1;
	v2 =	vld [tilespmem:$0x1F4C0];
	_ =	sdelay $0x2  }
0x34f: {  	v1 =	vld [tilespmem:$0x78E0];
	_ =	sdelay $0x4  }
0x350: {  	[tilespmem:v2+s18+$0x0] =	vst.idx.msk $0xffff, v1;
	v2 =	vld [tilespmem:$0x1F4D0];
	_ =	sdelay $0x2  }
0x351: {  	v1 =	vld [tilespmem:$0x78F0];
	_ =	sdelay $0x4  }
0x352: {  	[tilespmem:v2+s18+$0x0] =	vst.idx.msk $0xffff, v1;
	v2 =	vld [tilespmem:$0x1F4E0];
	_ =	sdelay $0x2  }
0x353: {  	v1 =	vld [tilespmem:$0x7900];
	_ =	sdelay $0x4  }
0x354: {  	[tilespmem:v2+s18+$0x0] =	vst.idx.msk $0xffff, v1;
	v2 =	vld [tilespmem:$0x1F4F0];
	_ =	sdelay $0x2  }
0x355: {  	v1 =	vld [tilespmem:$0x7910];
	_ =	sdelay $0x4  }
0x356: {  	[tilespmem:v2+s18+$0x0] =	vst.idx.msk $0xffff, v1;
	v2 =	vld [tilespmem:$0x1F500];
	_ =	sdelay $0x2  }
0x357: {  	v1 =	vld [tilespmem:$0x7920];
	_ =	sdelay $0x4  }
0x358: {  	[tilespmem:v2+s18+$0x0] =	vst.idx.msk $0xffff, v1;
	v2 =	vld [tilespmem:$0x1F510];
	_ =	sdelay $0x2  }
0x359: {  	v1 =	vld [tilespmem:$0x7930];
	_ =	sdelay $0x4  }
0x35a: {  	[tilespmem:v2+s18+$0x0] =	vst.idx.msk $0xffff, v1;
	v2 =	vld [tilespmem:$0x1F520];
	_ =	sdelay $0x2  }
0x35b: {  	v1 =	vld [tilespmem:$0x7940];
	_ =	sdelay $0x4  }
0x35c: {  	[tilespmem:v2+s18+$0x0] =	vst.idx.msk $0xffff, v1;
	v2 =	vld [tilespmem:$0x1F530];
	_ =	sdelay $0x2  }
0x35d: {  	v1 =	vld [tilespmem:$0x7950];
	_ =	sdelay $0x4  }
0x35e: {  	[tilespmem:v2+s18+$0x0] =	vst.idx.msk $0xffff, v1;
	v2 =	vld [tilespmem:$0x1F540];
	_ =	sdelay $0x2  }
0x35f: {  	v1 =	vld [tilespmem:$0x7960];
	_ =	sdelay $0x4  }
0x360: {  	[tilespmem:v2+s18+$0x0] =	vst.idx.msk $0xffff, v1;
	v2 =	vld [tilespmem:$0x1F550];
	_ =	sdelay $0x2  }
0x361: {  	v1 =	vld [tilespmem:$0x7970];
	_ =	sdelay $0x4  }
0x362: {  	[tilespmem:v2+s18+$0x0] =	vst.idx.msk $0xffff, v1;
	v2 =	vld [tilespmem:$0x1F560];
	_ =	sdelay $0x2  }
0x363: {  	v1 =	vld [tilespmem:$0x7980];
	_ =	sdelay $0x4  }
0x364: {  	[tilespmem:v2+s18+$0x0] =	vst.idx.msk $0xffff, v1;
	v2 =	vld [tilespmem:$0x1F570];
	_ =	sdelay $0x2  }
0x365: {  	v1 =	vld [tilespmem:$0x7990];
	_ =	sdelay $0x4  }
0x366: {  	[tilespmem:v2+s18+$0x0] =	vst.idx.msk $0xffff, v1;
	v2 =	vld [tilespmem:$0x1F580];
	_ =	sdelay $0x2  }
0x367: {  	v1 =	vld [tilespmem:$0x79A0];
	_ =	sdelay $0x4  }
0x368: {  	[tilespmem:v2+s18+$0x0] =	vst.idx.msk $0xffff, v1;
	v2 =	vld [tilespmem:$0x1F590];
	_ =	sdelay $0x2  }
0x369: {  	v1 =	vld [tilespmem:$0x79B0];
	_ =	sdelay $0x4  }
0x36a: {  	[tilespmem:v2+s18+$0x0] =	vst.idx.msk $0xffff, v1;
	v2 =	vld [tilespmem:$0x1F5A0];
	_ =	sdelay $0x2  }
0x36b: {  	v1 =	vld [tilespmem:$0x79C0];
	_ =	sdelay $0x4  }
0x36c: {  	[tilespmem:v2+s18+$0x0] =	vst.idx.msk $0xffff, v1;
	v2 =	vld [tilespmem:$0x1F5B0];
	_ =	sdelay $0x2  }
0x36d: {  	v1 =	vld [tilespmem:$0x79D0];
	_ =	sdelay $0x4  }
0x36e: {  	[tilespmem:v2+s18+$0x0] =	vst.idx.msk $0xffff, v1;
	v2 =	vld [tilespmem:$0x1F5C0];
	_ =	sdelay $0x2  }
0x36f: {  	v1 =	vld [tilespmem:$0x79E0];
	_ =	sdelay $0x4  }
0x370: {  	[tilespmem:v2+s18+$0x0] =	vst.idx.msk $0xffff, v1;
	v2 =	vld [tilespmem:$0x1F5D0];
	_ =	sdelay $0x2  }
0x371: {  	v1 =	vld [tilespmem:$0x79F0];
	_ =	sdelay $0x4  }
0x372: {  	[tilespmem:v2+s18+$0x0] =	vst.idx.msk $0xffff, v1;
	v2 =	vld [tilespmem:$0x1F5E0];
	_ =	sdelay $0x2  }
0x373: {  	v1 =	vld [tilespmem:$0x7A00];
	_ =	sdelay $0x4  }
0x374: {  	[tilespmem:v2+s18+$0x0] =	vst.idx.msk $0xffff, v1;
	v2 =	vld [tilespmem:$0x1F5F0];
	_ =	sdelay $0x2  }
0x375: {  	v1 =	vld [tilespmem:$0x7A10];
	_ =	sdelay $0x4  }
0x376: {  	[tilespmem:v2+s18+$0x0] =	vst.idx.msk $0xffff, v1;
	v2 =	vld [tilespmem:$0x1F600];
	_ =	sdelay $0x2  }
0x377: {  	v1 =	vld [tilespmem:$0x7A20];
	_ =	sdelay $0x4  }
0x378: {  	[tilespmem:v2+s18+$0x0] =	vst.idx.msk $0xffff, v1;
	v2 =	vld [tilespmem:$0x1F610];
	_ =	sdelay $0x2  }
0x379: {  	v1 =	vld [tilespmem:$0x7A30];
	_ =	sdelay $0x4  }
0x37a: {  	[tilespmem:v2+s18+$0x0] =	vst.idx.msk $0xffff, v1;
	v2 =	vld [tilespmem:$0x1F620];
	_ =	sdelay $0x2  }
0x37b: {  	v1 =	vld [tilespmem:$0x7A40];
	_ =	sdelay $0x4  }
0x37c: {  	[tilespmem:v2+s18+$0x0] =	vst.idx.msk $0xffff, v1;
	v2 =	vld [tilespmem:$0x1F630];
	_ =	sdelay $0x2  }
0x37d: {  	v1 =	vld [tilespmem:$0x7A50];
	_ =	sdelay $0x4  }
0x37e: {  	[tilespmem:v2+s18+$0x0] =	vst.idx.msk $0xffff, v1;
	v2 =	vld [tilespmem:$0x1F640];
	_ =	sdelay $0x2  }
0x37f: {  	v1 =	vld [tilespmem:$0x7A60];
	_ =	sdelay $0x4  }
0x380: {  	[tilespmem:v2+s18+$0x0] =	vst.idx.msk $0xffff, v1;
	v2 =	vld [tilespmem:$0x1F650];
	_ =	sdelay $0x2  }
0x381: {  	v1 =	vld [tilespmem:$0x7A70];
	_ =	sdelay $0x4  }
0x382: {  	[tilespmem:v2+s18+$0x0] =	vst.idx.msk $0xffff, v1;
	v2 =	vld [tilespmem:$0x1F660];
	_ =	sdelay $0x2  }
0x383: {  	v1 =	vld [tilespmem:$0x7A80];
	_ =	sdelay $0x4  }
0x384: {  	[tilespmem:v2+s18+$0x0] =	vst.idx.msk $0xffff, v1;
	v2 =	vld [tilespmem:$0x1F670];
	_ =	sdelay $0x2  }
0x385: {  	v1 =	vld [tilespmem:$0x7A90];
	_ =	sdelay $0x4  }
0x386: {  	[tilespmem:v2+s18+$0x0] =	vst.idx.msk $0xffff, v1;
	v2 =	vld [tilespmem:$0x1F680];
	_ =	sdelay $0x2  }
0x387: {  	v1 =	vld [tilespmem:$0x7AA0];
	_ =	sdelay $0x4  }
0x388: {  	[tilespmem:v2+s18+$0x0] =	vst.idx.msk $0xffff, v1;
	v2 =	vld [tilespmem:$0x1F690];
	_ =	sdelay $0x2  }
0x389: {  	v1 =	vld [tilespmem:$0x7AB0];
	_ =	sdelay $0x4  }
0x38a: {  	[tilespmem:v2+s18+$0x0] =	vst.idx.msk $0xffff, v1;
	v2 =	vld [tilespmem:$0x1F6A0];
	_ =	sdelay $0x2  }
0x38b: {  	v1 =	vld [tilespmem:$0x7AC0];
	_ =	sdelay $0x4  }
0x38c: {  	[tilespmem:v2+s18+$0x0] =	vst.idx.msk $0xffff, v1;
	v2 =	vld [tilespmem:$0x1F6B0];
	_ =	sdelay $0x2  }
0x38d: {  	v1 =	vld [tilespmem:$0x7AD0];
	_ =	sdelay $0x4  }
0x38e: {  	[tilespmem:v2+s18+$0x0] =	vst.idx.msk $0xffff, v1;
	v2 =	vld [tilespmem:$0x1F6C0];
	_ =	sdelay $0x2  }
0x38f: {  	v1 =	vld [tilespmem:$0x7AE0];
	_ =	sdelay $0x4  }
0x390: {  	[tilespmem:v2+s18+$0x0] =	vst.idx.msk $0xffff, v1  }
0x391: {  	v1 =	vld [tilespmem:$0x7AF0]  }
0x392: {  	v2 =	vld [tilespmem:$0x1F6D0];
	_ =	sdelay $0x7  }
0x393: {  	[tilespmem:v2+s18+$0x0] =	vst.idx.msk $0xffff, v1;
	v2 =	vld [tilespmem:$0x1F6E0];
	_ =	sdelay $0x2  }
0x394: {  	v1 =	vld [tilespmem:$0x7B00];
	_ =	sdelay $0x4  }
0x395: {  	[tilespmem:v2+s18+$0x0] =	vst.idx.msk $0xffff, v1;
	v2 =	vld [tilespmem:$0x1F6F0];
	_ =	sdelay $0x2  }
0x396: {  	v1 =	vld [tilespmem:$0x7B10];
	_ =	sdelay $0x4  }
0x397: {  	[tilespmem:v2+s18+$0x0] =	vst.idx.msk $0xffff, v1;
	v2 =	vld [tilespmem:$0x1F700];
	_ =	sdelay $0x2  }
0x398: {  	v1 =	vld [tilespmem:$0x7B20];
	_ =	sdelay $0x4  }
0x399: {  	[tilespmem:v2+s18+$0x0] =	vst.idx.msk $0xffff, v1;
	v2 =	vld [tilespmem:$0x1F710];
	_ =	sdelay $0x2  }
0x39a: {  	v1 =	vld [tilespmem:$0x7B30];
	_ =	sdelay $0x4  }
0x39b: {  	[tilespmem:v2+s18+$0x0] =	vst.idx.msk $0xffff, v1;
	v2 =	vld [tilespmem:$0x1F720];
	_ =	sdelay $0x2  }
0x39c: {  	v1 =	vld [tilespmem:$0x7B40];
	_ =	sdelay $0x4  }
0x39d: {  	[tilespmem:v2+s18+$0x0] =	vst.idx.msk $0xffff, v1;
	v2 =	vld [tilespmem:$0x1F730];
	_ =	sdelay $0x2  }
0x39e: {  	v1 =	vld [tilespmem:$0x7B50];
	_ =	sdelay $0x4  }
0x39f: {  	[tilespmem:v2+s18+$0x0] =	vst.idx.msk $0xffff, v1;
	v2 =	vld [tilespmem:$0x1F740];
	_ =	sdelay $0x2  }
0x3a0: {  	v1 =	vld [tilespmem:$0x7B60];
	_ =	sdelay $0x4  }
0x3a1: {  	[tilespmem:v2+s18+$0x0] =	vst.idx.msk $0xffff, v1;
	v2 =	vld [tilespmem:$0x1F750];
	_ =	sdelay $0x2  }
0x3a2: {  	v1 =	vld [tilespmem:$0x7B70];
	_ =	sdelay $0x4  }
0x3a3: {  	[tilespmem:v2+s18+$0x0] =	vst.idx.msk $0xffff, v1;
	v2 =	vld [tilespmem:$0x1F760];
	_ =	sdelay $0x2  }
0x3a4: {  	v1 =	vld [tilespmem:$0x7B80];
	_ =	sdelay $0x4  }
0x3a5: {  	[tilespmem:v2+s18+$0x0] =	vst.idx.msk $0xffff, v1;
	v2 =	vld [tilespmem:$0x1F770];
	_ =	sdelay $0x2  }
0x3a6: {  	v1 =	vld [tilespmem:$0x7B90];
	_ =	sdelay $0x4  }
0x3a7: {  	[tilespmem:v2+s18+$0x0] =	vst.idx.msk $0xffff, v1;
	v2 =	vld [tilespmem:$0x1F780];
	_ =	sdelay $0x2  }
0x3a8: {  	v1 =	vld [tilespmem:$0x7BA0];
	_ =	sdelay $0x4  }
0x3a9: {  	[tilespmem:v2+s18+$0x0] =	vst.idx.msk $0xffff, v1;
	v2 =	vld [tilespmem:$0x1F790];
	_ =	sdelay $0x2  }
0x3aa: {  	v1 =	vld [tilespmem:$0x7BB0];
	_ =	sdelay $0x4  }
0x3ab: {  	[tilespmem:v2+s18+$0x0] =	vst.idx.msk $0xffff, v1;
	v2 =	vld [tilespmem:$0x1F7A0];
	_ =	sdelay $0x2  }
0x3ac: {  	v1 =	vld [tilespmem:$0x7BC0];
	_ =	sdelay $0x4  }
0x3ad: {  	[tilespmem:v2+s18+$0x0] =	vst.idx.msk $0xffff, v1;
	v2 =	vld [tilespmem:$0x1F7B0];
	_ =	sdelay $0x2  }
0x3ae: {  	v1 =	vld [tilespmem:$0x7BD0];
	_ =	sdelay $0x4  }
0x3af: {  	[tilespmem:v2+s18+$0x0] =	vst.idx.msk $0xffff, v1;
	v2 =	vld [tilespmem:$0x1F7C0];
	_ =	sdelay $0x2  }
0x3b0: {  	v1 =	vld [tilespmem:$0x7BE0];
	_ =	sdelay $0x4  }
0x3b1: {  	[tilespmem:v2+s18+$0x0] =	vst.idx.msk $0xffff, v1;
	v2 =	vld [tilespmem:$0x1F7D0];
	_ =	sdelay $0x2  }
0x3b2: {  	v1 =	vld [tilespmem:$0x7BF0];
	_ =	sdelay $0x4  }
0x3b3: {  	[tilespmem:v2+s18+$0x0] =	vst.idx.msk $0xffff, v1;
	v2 =	vld [tilespmem:$0x1F7E0];
	_ =	sdelay $0x2  }
0x3b4: {  	v1 =	vld [tilespmem:$0x7C00];
	_ =	sdelay $0x4  }
0x3b5: {  	[tilespmem:v2+s18+$0x0] =	vst.idx.msk $0xffff, v1;
	v2 =	vld [tilespmem:$0x1F7F0];
	_ =	sdelay $0x2  }
0x3b6: {  	v1 =	vld [tilespmem:$0x7C10];
	_ =	sdelay $0x4  }
0x3b7: {  	[tilespmem:v2+s18+$0x0] =	vst.idx.msk $0xffff, v1;
	v2 =	vld [tilespmem:$0x1F800];
	_ =	sdelay $0x2  }
0x3b8: {  	v1 =	vld [tilespmem:$0x7C20];
	_ =	sdelay $0x4  }
0x3b9: {  	[tilespmem:v2+s18+$0x0] =	vst.idx.msk $0xffff, v1;
	v2 =	vld [tilespmem:$0x1F810];
	_ =	sdelay $0x2  }
0x3ba: {  	v1 =	vld [tilespmem:$0x7C30];
	_ =	sdelay $0x4  }
0x3bb: {  	[tilespmem:v2+s18+$0x0] =	vst.idx.msk $0xffff, v1;
	v2 =	vld [tilespmem:$0x1F820];
	_ =	sdelay $0x2  }
0x3bc: {  	v1 =	vld [tilespmem:$0x7C40];
	_ =	sdelay $0x4  }
0x3bd: {  	[tilespmem:v2+s18+$0x0] =	vst.idx.msk $0xffff, v1;
	v2 =	vld [tilespmem:$0x1F830];
	_ =	sdelay $0x2  }
0x3be: {  	v1 =	vld [tilespmem:$0x7C50];
	_ =	sdelay $0x4  }
0x3bf: {  	[tilespmem:v2+s18+$0x0] =	vst.idx.msk $0xffff, v1;
	v2 =	vld [tilespmem:$0x1F840];
	_ =	sdelay $0x2  }
0x3c0: {  	v1 =	vld [tilespmem:$0x7C60];
	_ =	sdelay $0x4  }
0x3c1: {  	[tilespmem:v2+s18+$0x0] =	vst.idx.msk $0xffff, v1;
	v2 =	vld [tilespmem:$0x1F850];
	_ =	sdelay $0x2  }
0x3c2: {  	v1 =	vld [tilespmem:$0x7C70];
	_ =	sdelay $0x4  }
0x3c3: {  	[tilespmem:v2+s18+$0x0] =	vst.idx.msk $0xffff, v1;
	v2 =	vld [tilespmem:$0x1F860];
	_ =	sdelay $0x2  }
0x3c4: {  	v1 =	vld [tilespmem:$0x7C80];
	_ =	sdelay $0x4  }
0x3c5: {  	[tilespmem:v2+s18+$0x0] =	vst.idx.msk $0xffff, v1;
	v2 =	vld [tilespmem:$0x1F870];
	_ =	sdelay $0x2  }
0x3c6: {  	v1 =	vld [tilespmem:$0x7C90];
	_ =	sdelay $0x4  }
0x3c7: {  	[tilespmem:v2+s18+$0x0] =	vst.idx.msk $0xffff, v1;
	v2 =	vld [tilespmem:$0x1F880];
	_ =	sdelay $0x2  }
0x3c8: {  	v1 =	vld [tilespmem:$0x7CA0];
	_ =	sdelay $0x4  }
0x3c9: {  	[tilespmem:v2+s18+$0x0] =	vst.idx.msk $0xffff, v1;
	v2 =	vld [tilespmem:$0x1F890];
	_ =	sdelay $0x2  }
0x3ca: {  	v1 =	vld [tilespmem:$0x7CB0];
	_ =	sdelay $0x4  }
0x3cb: {  	[tilespmem:v2+s18+$0x0] =	vst.idx.msk $0xffff, v1;
	v2 =	vld [tilespmem:$0x1F8A0];
	_ =	sdelay $0x2  }
0x3cc: {  	v1 =	vld [tilespmem:$0x7CC0];
	_ =	sdelay $0x4  }
0x3cd: {  	[tilespmem:v2+s18+$0x0] =	vst.idx.msk $0xffff, v1;
	v2 =	vld [tilespmem:$0x1F8B0];
	_ =	sdelay $0x2  }
0x3ce: {  	v1 =	vld [tilespmem:$0x7CD0];
	_ =	sdelay $0x4  }
0x3cf: {  	[tilespmem:v2+s18+$0x0] =	vst.idx.msk $0xffff, v1;
	v2 =	vld [tilespmem:$0x1F8C0];
	_ =	sdelay $0x2  }
0x3d0: {  	v1 =	vld [tilespmem:$0x7CE0];
	_ =	sdelay $0x4  }
0x3d1: {  	[tilespmem:v2+s18+$0x0] =	vst.idx.msk $0xffff, v1;
	v2 =	vld [tilespmem:$0x1F8D0];
	_ =	sdelay $0x2  }
0x3d2: {  	v1 =	vld [tilespmem:$0x7CF0];
	_ =	sdelay $0x4  }
0x3d3: {  	[tilespmem:v2+s18+$0x0] =	vst.idx.msk $0xffff, v1;
	v2 =	vld [tilespmem:$0x1F8E0];
	_ =	sdelay $0x2  }
0x3d4: {  	v1 =	vld [tilespmem:$0x7D00];
	_ =	sdelay $0x4  }
0x3d5: {  	[tilespmem:v2+s18+$0x0] =	vst.idx.msk $0xffff, v1;
	v2 =	vld [tilespmem:$0x1F8F0];
	_ =	sdelay $0x2  }
0x3d6: {  	v1 =	vld [tilespmem:$0x7D10];
	_ =	sdelay $0x4  }
0x3d7: {  	[tilespmem:v2+s18+$0x0] =	vst.idx.msk $0xffff, v1;
	v2 =	vld [tilespmem:$0x1F900];
	_ =	sdelay $0x2  }
0x3d8: {  	v1 =	vld [tilespmem:$0x7D20];
	_ =	sdelay $0x4  }
0x3d9: {  	[tilespmem:v2+s18+$0x0] =	vst.idx.msk $0xffff, v1;
	v2 =	vld [tilespmem:$0x1F910];
	_ =	sdelay $0x2  }
0x3da: {  	v1 =	vld [tilespmem:$0x7D30];
	_ =	sdelay $0x4  }
0x3db: {  	[tilespmem:v2+s18+$0x0] =	vst.idx.msk $0xffff, v1;
	v2 =	vld [tilespmem:$0x1F920];
	_ =	sdelay $0x2  }
0x3dc: {  	v1 =	vld [tilespmem:$0x7D40];
	_ =	sdelay $0x4  }
0x3dd: {  	[tilespmem:v2+s18+$0x0] =	vst.idx.msk $0xffff, v1;
	v2 =	vld [tilespmem:$0x1F930];
	_ =	sdelay $0x2  }
0x3de: {  	v1 =	vld [tilespmem:$0x7D50];
	_ =	sdelay $0x4  }
0x3df: {  	[tilespmem:v2+s18+$0x0] =	vst.idx.msk $0xffff, v1;
	v2 =	vld [tilespmem:$0x1F940];
	_ =	sdelay $0x2  }
0x3e0: {  	v1 =	vld [tilespmem:$0x7D60];
	_ =	sdelay $0x4  }
0x3e1: {  	[tilespmem:v2+s18+$0x0] =	vst.idx.msk $0xffff, v1;
	v2 =	vld [tilespmem:$0x1F950];
	_ =	sdelay $0x2  }
0x3e2: {  	v1 =	vld [tilespmem:$0x7D70];
	_ =	sdelay $0x4  }
0x3e3: {  	[tilespmem:v2+s18+$0x0] =	vst.idx.msk $0xffff, v1;
	v2 =	vld [tilespmem:$0x1F960];
	_ =	sdelay $0x2  }
0x3e4: {  	v1 =	vld [tilespmem:$0x7D80];
	_ =	sdelay $0x4  }
0x3e5: {  	[tilespmem:v2+s18+$0x0] =	vst.idx.msk $0xffff, v1;
	v2 =	vld [tilespmem:$0x1F970];
	_ =	sdelay $0x2  }
0x3e6: {  	v1 =	vld [tilespmem:$0x7D90];
	_ =	sdelay $0x4  }
0x3e7: {  	[tilespmem:v2+s18+$0x0] =	vst.idx.msk $0xffff, v1;
	v2 =	vld [tilespmem:$0x1F980];
	_ =	sdelay $0x2  }
0x3e8: {  	v1 =	vld [tilespmem:$0x7DA0];
	_ =	sdelay $0x4  }
0x3e9: {  	[tilespmem:v2+s18+$0x0] =	vst.idx.msk $0xffff, v1;
	v2 =	vld [tilespmem:$0x1F990];
	_ =	sdelay $0x2  }
0x3ea: {  	v1 =	vld [tilespmem:$0x7DB0];
	_ =	sdelay $0x4  }
0x3eb: {  	[tilespmem:v2+s18+$0x0] =	vst.idx.msk $0xffff, v1;
	v2 =	vld [tilespmem:$0x1F9A0];
	_ =	sdelay $0x2  }
0x3ec: {  	v1 =	vld [tilespmem:$0x7DC0];
	_ =	sdelay $0x4  }
0x3ed: {  	[tilespmem:v2+s18+$0x0] =	vst.idx.msk $0xffff, v1;
	v2 =	vld [tilespmem:$0x1F9B0];
	_ =	sdelay $0x2  }
0x3ee: {  	v1 =	vld [tilespmem:$0x7DD0];
	_ =	sdelay $0x4  }
0x3ef: {  	[tilespmem:v2+s18+$0x0] =	vst.idx.msk $0xffff, v1;
	v2 =	vld [tilespmem:$0x1F9C0];
	_ =	sdelay $0x2  }
0x3f0: {  	v1 =	vld [tilespmem:$0x7DE0];
	_ =	sdelay $0x4  }
0x3f1: {  	[tilespmem:v2+s18+$0x0] =	vst.idx.msk $0xffff, v1;
	v2 =	vld [tilespmem:$0x1F9D0];
	_ =	sdelay $0x2  }
0x3f2: {  	v1 =	vld [tilespmem:$0x7DF0];
	_ =	sdelay $0x4  }
0x3f3: {  	[tilespmem:v2+s18+$0x0] =	vst.idx.msk $0xffff, v1;
	v2 =	vld [tilespmem:$0x1F9E0];
	_ =	sdelay $0x2  }
0x3f4: {  	v1 =	vld [tilespmem:$0x7E00];
	_ =	sdelay $0x4  }
0x3f5: {  	[tilespmem:v2+s18+$0x0] =	vst.idx.msk $0xffff, v1;
	v2 =	vld [tilespmem:$0x1F9F0];
	_ =	sdelay $0x2  }
0x3f6: {  	v1 =	vld [tilespmem:$0x7E10];
	_ =	sdelay $0x4  }
0x3f7: {  	[tilespmem:v2+s18+$0x0] =	vst.idx.msk $0xffff, v1;
	v2 =	vld [tilespmem:$0x1FA00];
	_ =	sdelay $0x2  }
0x3f8: {  	v1 =	vld [tilespmem:$0x7E20];
	_ =	sdelay $0x4  }
0x3f9: {  	[tilespmem:v2+s18+$0x0] =	vst.idx.msk $0xffff, v1;
	v2 =	vld [tilespmem:$0x1FA10];
	_ =	sdelay $0x2  }
0x3fa: {  	v1 =	vld [tilespmem:$0x7E30];
	_ =	sdelay $0x4  }
0x3fb: {  	[tilespmem:v2+s18+$0x0] =	vst.idx.msk $0xffff, v1;
	v2 =	vld [tilespmem:$0x1FA20];
	_ =	sdelay $0x2  }
0x3fc: {  	v1 =	vld [tilespmem:$0x7E40];
	_ =	sdelay $0x4  }
0x3fd: {  	[tilespmem:v2+s18+$0x0] =	vst.idx.msk $0xffff, v1;
	v2 =	vld [tilespmem:$0x1FA30];
	_ =	sdelay $0x2  }
0x3fe: {  	v1 =	vld [tilespmem:$0x7E50];
	_ =	sdelay $0x4  }
0x3ff: {  	[tilespmem:v2+s18+$0x0] =	vst.idx.msk $0xffff, v1;
	v2 =	vld [tilespmem:$0x1FA40];
	_ =	sdelay $0x2  }
0x400: {  	v1 =	vld [tilespmem:$0x7E60];
	_ =	sdelay $0x4  }
0x401: {  	[tilespmem:v2+s18+$0x0] =	vst.idx.msk $0xffff, v1;
	v2 =	vld [tilespmem:$0x1FA50];
	_ =	sdelay $0x2  }
0x402: {  	v1 =	vld [tilespmem:$0x7E70];
	_ =	sdelay $0x4  }
0x403: {  	[tilespmem:v2+s18+$0x0] =	vst.idx.msk $0xffff, v1;
	v2 =	vld [tilespmem:$0x1FA60];
	_ =	sdelay $0x2  }
0x404: {  	v1 =	vld [tilespmem:$0x7E80];
	_ =	sdelay $0x4  }
0x405: {  	[tilespmem:v2+s18+$0x0] =	vst.idx.msk $0xffff, v1;
	v2 =	vld [tilespmem:$0x1FA70];
	_ =	sdelay $0x2  }
0x406: {  	v1 =	vld [tilespmem:$0x7E90];
	_ =	sdelay $0x4  }
0x407: {  	[tilespmem:v2+s18+$0x0] =	vst.idx.msk $0xffff, v1;
	v2 =	vld [tilespmem:$0x1FA80];
	_ =	sdelay $0x2  }
0x408: {  	v1 =	vld [tilespmem:$0x7EA0];
	_ =	sdelay $0x4  }
0x409: {  	[tilespmem:v2+s18+$0x0] =	vst.idx.msk $0xffff, v1;
	v2 =	vld [tilespmem:$0x1FA90];
	_ =	sdelay $0x2  }
0x40a: {  	v1 =	vld [tilespmem:$0x7EB0];
	_ =	sdelay $0x4  }
0x40b: {  	[tilespmem:v2+s18+$0x0] =	vst.idx.msk $0xffff, v1;
	v2 =	vld [tilespmem:$0x1FAA0];
	_ =	sdelay $0x2  }
0x40c: {  	v1 =	vld [tilespmem:$0x7EC0];
	_ =	sdelay $0x4  }
0x40d: {  	[tilespmem:v2+s18+$0x0] =	vst.idx.msk $0xffff, v1;
	v2 =	vld [tilespmem:$0x1FAB0];
	_ =	sdelay $0x2  }
0x40e: {  	v1 =	vld [tilespmem:$0x7ED0];
	_ =	sdelay $0x4  }
0x40f: {  	[tilespmem:v2+s18+$0x0] =	vst.idx.msk $0xffff, v1;
	v2 =	vld [tilespmem:$0x1FAC0];
	_ =	sdelay $0x2  }
0x410: {  	v1 =	vld [tilespmem:$0x7EE0];
	_ =	sdelay $0x4  }
0x411: {  	[tilespmem:v2+s18+$0x0] =	vst.idx.msk $0xffff, v1;
	v2 =	vld [tilespmem:$0x1FAD0];
	_ =	sdelay $0x2  }
0x412: {  	v1 =	vld [tilespmem:$0x7EF0];
	_ =	sdelay $0x4  }
0x413: {  	[tilespmem:v2+s18+$0x0] =	vst.idx.msk $0xffff, v1;
	v2 =	vld [tilespmem:$0x1FAE0];
	_ =	sdelay $0x2  }
0x414: {  	v1 =	vld [tilespmem:$0x7F00];
	_ =	sdelay $0x4  }
0x415: {  	[tilespmem:v2+s18+$0x0] =	vst.idx.msk $0xffff, v1;
	v2 =	vld [tilespmem:$0x1FAF0];
	_ =	sdelay $0x2  }
0x416: {  	v1 =	vld [tilespmem:$0x7F10];
	_ =	sdelay $0x4  }
0x417: {  	[tilespmem:v2+s18+$0x0] =	vst.idx.msk $0xffff, v1;
	v2 =	vld [tilespmem:$0x1FB00];
	_ =	sdelay $0x2  }
0x418: {  	v1 =	vld [tilespmem:$0x7F20];
	_ =	sdelay $0x4  }
0x419: {  	[tilespmem:v2+s18+$0x0] =	vst.idx.msk $0xffff, v1;
	v2 =	vld [tilespmem:$0x1FB10];
	_ =	sdelay $0x2  }
0x41a: {  	v1 =	vld [tilespmem:$0x7F30];
	_ =	sdelay $0x4  }
0x41b: {  	[tilespmem:v2+s18+$0x0] =	vst.idx.msk $0xffff, v1;
	v2 =	vld [tilespmem:$0x1FB20];
	_ =	sdelay $0x2  }
0x41c: {  	v1 =	vld [tilespmem:$0x7F40];
	_ =	sdelay $0x4  }
0x41d: {  	[tilespmem:v2+s18+$0x0] =	vst.idx.msk $0xffff, v1;
	v2 =	vld [tilespmem:$0x1FB30];
	_ =	sdelay $0x2  }
0x41e: {  	v1 =	vld [tilespmem:$0x7F50];
	_ =	sdelay $0x4  }
0x41f: {  	[tilespmem:v2+s18+$0x0] =	vst.idx.msk $0xffff, v1;
	v2 =	vld [tilespmem:$0x1FB40];
	_ =	sdelay $0x2  }
0x420: {  	v1 =	vld [tilespmem:$0x7F60];
	_ =	sdelay $0x4  }
0x421: {  	[tilespmem:v2+s18+$0x0] =	vst.idx.msk $0xffff, v1;
	v2 =	vld [tilespmem:$0x1FB50];
	_ =	sdelay $0x2  }
0x422: {  	v1 =	vld [tilespmem:$0x7F70];
	_ =	sdelay $0x4  }
0x423: {  	[tilespmem:v2+s18+$0x0] =	vst.idx.msk $0xffff, v1;
	v2 =	vld [tilespmem:$0x1FB60];
	_ =	sdelay $0x2  }
0x424: {  	v1 =	vld [tilespmem:$0x7F80];
	_ =	sdelay $0x4  }
0x425: {  	[tilespmem:v2+s18+$0x0] =	vst.idx.msk $0xffff, v1;
	v2 =	vld [tilespmem:$0x1FB70];
	_ =	sdelay $0x2  }
0x426: {  	v1 =	vld [tilespmem:$0x7F90];
	_ =	sdelay $0x4  }
0x427: {  	[tilespmem:v2+s18+$0x0] =	vst.idx.msk $0xffff, v1;
	v2 =	vld [tilespmem:$0x1FB80];
	_ =	sdelay $0x2  }
0x428: {  	v1 =	vld [tilespmem:$0x7FA0];
	_ =	sdelay $0x4  }
0x429: {  	[tilespmem:v2+s18+$0x0] =	vst.idx.msk $0xffff, v1;
	v2 =	vld [tilespmem:$0x1FB90];
	_ =	sdelay $0x2  }
0x42a: {  	v1 =	vld [tilespmem:$0x7FB0];
	_ =	sdelay $0x4  }
0x42b: {  	[tilespmem:v2+s18+$0x0] =	vst.idx.msk $0xffff, v1;
	v2 =	vld [tilespmem:$0x1FBA0];
	_ =	sdelay $0x2  }
0x42c: {  	v1 =	vld [tilespmem:$0x7FC0];
	_ =	sdelay $0x4  }
0x42d: {  	[tilespmem:v2+s18+$0x0] =	vst.idx.msk $0xffff, v1;
	v2 =	vld [tilespmem:$0x1FBB0];
	_ =	sdelay $0x2  }
0x42e: {  	v1 =	vld [tilespmem:$0x7FD0];
	_ =	sdelay $0x4  }
0x42f: {  	[tilespmem:v2+s18+$0x0] =	vst.idx.msk $0xffff, v1;
	v2 =	vld [tilespmem:$0x1FBC0];
	_ =	sdelay $0x2  }
0x430: {  	v1 =	vld [tilespmem:$0x7FE0];
	_ =	sdelay $0x4  }
0x431: {  	[tilespmem:v2+s18+$0x0] =	vst.idx.msk $0xffff, v1;
	v2 =	vld [tilespmem:$0x1FBD0];
	_ =	sdelay $0x2  }
0x432: {  	v1 =	vld [tilespmem:$0x7FF0];
	_ =	sdelay $0x4  }
0x433: {  	[tilespmem:v2+s18+$0x0] =	vst.idx.msk $0xffff, v1;
	v2 =	vld [tilespmem:$0x1FBE0];
	_ =	sdelay $0x2  }
0x434: {  	v1 =	vld [tilespmem:$0x8000];
	_ =	sdelay $0x4  }
0x435: {  	[tilespmem:v2+s18+$0x0] =	vst.idx.msk $0xffff, v1;
	v2 =	vld [tilespmem:$0x1FBF0];
	_ =	sdelay $0x2  }
0x436: {  	v1 =	vld [tilespmem:$0x8010];
	_ =	sdelay $0x4  }
0x437: {  	[tilespmem:v2+s18+$0x0] =	vst.idx.msk $0xffff, v1;
	v2 =	vld [tilespmem:$0x1FC00];
	_ =	sdelay $0x2  }
0x438: {  	v1 =	vld [tilespmem:$0x8020];
	_ =	sdelay $0x4  }
0x439: {  	[tilespmem:v2+s18+$0x0] =	vst.idx.msk $0xffff, v1;
	v2 =	vld [tilespmem:$0x1FC10];
	_ =	sdelay $0x2  }
0x43a: {  	v1 =	vld [tilespmem:$0x8030];
	_ =	sdelay $0x4  }
0x43b: {  	[tilespmem:v2+s18+$0x0] =	vst.idx.msk $0xffff, v1;
	v2 =	vld [tilespmem:$0x1FC20];
	_ =	sdelay $0x2  }
0x43c: {  	v1 =	vld [tilespmem:$0x8040];
	_ =	sdelay $0x4  }
0x43d: {  	[tilespmem:v2+s18+$0x0] =	vst.idx.msk $0xffff, v1;
	v2 =	vld [tilespmem:$0x1FC30];
	_ =	sdelay $0x2  }
0x43e: {  	v1 =	vld [tilespmem:$0x8050];
	_ =	sdelay $0x4  }
0x43f: {  	[tilespmem:v2+s18+$0x0] =	vst.idx.msk $0xffff, v1;
	v2 =	vld [tilespmem:$0x1FC40];
	_ =	sdelay $0x2  }
0x440: {  	v1 =	vld [tilespmem:$0x8060];
	_ =	sdelay $0x4  }
0x441: {  	[tilespmem:v2+s18+$0x0] =	vst.idx.msk $0xffff, v1;
	v2 =	vld [tilespmem:$0x1FC50];
	_ =	sdelay $0x2  }
0x442: {  	v1 =	vld [tilespmem:$0x8070];
	_ =	sdelay $0x4  }
0x443: {  	[tilespmem:v2+s18+$0x0] =	vst.idx.msk $0xffff, v1;
	v2 =	vld [tilespmem:$0x1FC60];
	_ =	sdelay $0x2  }
0x444: {  	v1 =	vld [tilespmem:$0x8080];
	_ =	sdelay $0x4  }
0x445: {  	[tilespmem:v2+s18+$0x0] =	vst.idx.msk $0xffff, v1;
	v2 =	vld [tilespmem:$0x1FC70];
	_ =	sdelay $0x2  }
0x446: {  	v1 =	vld [tilespmem:$0x8090];
	_ =	sdelay $0x4  }
0x447: {  	[tilespmem:v2+s18+$0x0] =	vst.idx.msk $0xffff, v1;
	v2 =	vld [tilespmem:$0x1FC80];
	_ =	sdelay $0x2  }
0x448: {  	v1 =	vld [tilespmem:$0x80A0];
	_ =	sdelay $0x4  }
0x449: {  	[tilespmem:v2+s18+$0x0] =	vst.idx.msk $0xffff, v1;
	v2 =	vld [tilespmem:$0x1FC90];
	_ =	sdelay $0x2  }
0x44a: {  	v1 =	vld [tilespmem:$0x80B0];
	_ =	sdelay $0x4  }
0x44b: {  	[tilespmem:v2+s18+$0x0] =	vst.idx.msk $0xffff, v1;
	v2 =	vld [tilespmem:$0x1FCA0];
	_ =	sdelay $0x2  }
0x44c: {  	v1 =	vld [tilespmem:$0x80C0];
	_ =	sdelay $0x4  }
0x44d: {  	[tilespmem:v2+s18+$0x0] =	vst.idx.msk $0xffff, v1;
	v2 =	vld [tilespmem:$0x1FCB0];
	_ =	sdelay $0x2  }
0x44e: {  	v1 =	vld [tilespmem:$0x80D0];
	_ =	sdelay $0x4  }
0x44f: {  	[tilespmem:v2+s18+$0x0] =	vst.idx.msk $0xffff, v1;
	v2 =	vld [tilespmem:$0x1FCC0];
	_ =	sdelay $0x2  }
0x450: {  	v1 =	vld [tilespmem:$0x80E0];
	_ =	sdelay $0x4  }
0x451: {  	[tilespmem:v2+s18+$0x0] =	vst.idx.msk $0xffff, v1;
	v2 =	vld [tilespmem:$0x1FCD0];
	_ =	sdelay $0x2  }
0x452: {  	v1 =	vld [tilespmem:$0x80F0];
	_ =	sdelay $0x4  }
0x453: {  	[tilespmem:v2+s18+$0x0] =	vst.idx.msk $0xffff, v1;
	v2 =	vld [tilespmem:$0x1FCE0];
	_ =	sdelay $0x2  }
0x454: {  	v1 =	vld [tilespmem:$0x8100];
	_ =	sdelay $0x4  }
0x455: {  	[tilespmem:v2+s18+$0x0] =	vst.idx.msk $0xffff, v1;
	v2 =	vld [tilespmem:$0x1FCF0];
	_ =	sdelay $0x2  }
0x456: {  	v1 =	vld [tilespmem:$0x8110];
	_ =	sdelay $0x4  }
0x457: {  	[tilespmem:v2+s18+$0x0] =	vst.idx.msk $0xffff, v1;
	v2 =	vld [tilespmem:$0x1FD00];
	_ =	sdelay $0x2  }
0x458: {  	v1 =	vld [tilespmem:$0x8120];
	_ =	sdelay $0x4  }
0x459: {  	[tilespmem:v2+s18+$0x0] =	vst.idx.msk $0xffff, v1;
	v2 =	vld [tilespmem:$0x1FD10];
	_ =	sdelay $0x2  }
0x45a: {  	v1 =	vld [tilespmem:$0x8130];
	_ =	sdelay $0x4  }
0x45b: {  	[tilespmem:v2+s18+$0x0] =	vst.idx.msk $0xffff, v1;
	v2 =	vld [tilespmem:$0x1FD20];
	_ =	sdelay $0x2  }
0x45c: {  	v1 =	vld [tilespmem:$0x8140];
	_ =	sdelay $0x4  }
0x45d: {  	[tilespmem:v2+s18+$0x0] =	vst.idx.msk $0xffff, v1;
	v2 =	vld [tilespmem:$0x1FD30];
	_ =	sdelay $0x2  }
0x45e: {  	v1 =	vld [tilespmem:$0x8150];
	_ =	sdelay $0x4  }
0x45f: {  	[tilespmem:v2+s18+$0x0] =	vst.idx.msk $0xffff, v1;
	v2 =	vld [tilespmem:$0x1FD40];
	_ =	sdelay $0x2  }
0x460: {  	v1 =	vld [tilespmem:$0x8160];
	_ =	sdelay $0x4  }
0x461: {  	[tilespmem:v2+s18+$0x0] =	vst.idx.msk $0xffff, v1;
	v2 =	vld [tilespmem:$0x1FD50];
	_ =	sdelay $0x2  }
0x462: {  	v1 =	vld [tilespmem:$0x8170];
	_ =	sdelay $0x4  }
0x463: {  	[tilespmem:v2+s18+$0x0] =	vst.idx.msk $0xffff, v1;
	v2 =	vld [tilespmem:$0x1FD60];
	_ =	sdelay $0x2  }
0x464: {  	v1 =	vld [tilespmem:$0x8180];
	_ =	sdelay $0x4  }
0x465: {  	[tilespmem:v2+s18+$0x0] =	vst.idx.msk $0xffff, v1;
	v2 =	vld [tilespmem:$0x1FD70];
	_ =	sdelay $0x2  }
0x466: {  	v1 =	vld [tilespmem:$0x8190];
	_ =	sdelay $0x4  }
0x467: {  	[tilespmem:v2+s18+$0x0] =	vst.idx.msk $0xffff, v1;
	v2 =	vld [tilespmem:$0x1FD80];
	_ =	sdelay $0x2  }
0x468: {  	v1 =	vld [tilespmem:$0x81A0];
	_ =	sdelay $0x4  }
0x469: {  	[tilespmem:v2+s18+$0x0] =	vst.idx.msk $0xffff, v1;
	v2 =	vld [tilespmem:$0x1FD90];
	_ =	sdelay $0x2  }
0x46a: {  	v1 =	vld [tilespmem:$0x81B0];
	_ =	sdelay $0x4  }
0x46b: {  	[tilespmem:v2+s18+$0x0] =	vst.idx.msk $0xffff, v1;
	v2 =	vld [tilespmem:$0x1FDA0];
	_ =	sdelay $0x2  }
0x46c: {  	v1 =	vld [tilespmem:$0x81C0];
	_ =	sdelay $0x4  }
0x46d: {  	[tilespmem:v2+s18+$0x0] =	vst.idx.msk $0xffff, v1;
	v2 =	vld [tilespmem:$0x1FDB0];
	_ =	sdelay $0x2  }
0x46e: {  	v1 =	vld [tilespmem:$0x81D0];
	_ =	sdelay $0x4  }
0x46f: {  	[tilespmem:v2+s18+$0x0] =	vst.idx.msk $0xffff, v1;
	v2 =	vld [tilespmem:$0x1FDC0];
	_ =	sdelay $0x2  }
0x470: {  	v1 =	vld [tilespmem:$0x81E0];
	_ =	sdelay $0x4  }
0x471: {  	[tilespmem:v2+s18+$0x0] =	vst.idx.msk $0xffff, v1;
	v2 =	vld [tilespmem:$0x1FDD0];
	_ =	sdelay $0x2  }
0x472: {  	v1 =	vld [tilespmem:$0x81F0];
	_ =	sdelay $0x4  }
0x473: {  	[tilespmem:v2+s18+$0x0] =	vst.idx.msk $0xffff, v1;
	v2 =	vld [tilespmem:$0x1FDE0];
	_ =	sdelay $0x2  }
0x474: {  	v1 =	vld [tilespmem:$0x8200];
	_ =	sdelay $0x4  }
0x475: {  	[tilespmem:v2+s18+$0x0] =	vst.idx.msk $0xffff, v1;
	v2 =	vld [tilespmem:$0x1FDF0];
	_ =	sdelay $0x2  }
0x476: {  	v1 =	vld [tilespmem:$0x8210];
	_ =	sdelay $0x4  }
0x477: {  	[tilespmem:v2+s18+$0x0] =	vst.idx.msk $0xffff, v1;
	v2 =	vld [tilespmem:$0x1FE00];
	_ =	sdelay $0x2  }
0x478: {  	v1 =	vld [tilespmem:$0x8220];
	_ =	sdelay $0x4  }
0x479: {  	[tilespmem:v2+s18+$0x0] =	vst.idx.msk $0xffff, v1;
	v2 =	vld [tilespmem:$0x1FE10];
	_ =	sdelay $0x2  }
0x47a: {  	v1 =	vld [tilespmem:$0x8230];
	_ =	sdelay $0x4  }
0x47b: {  	[tilespmem:v2+s18+$0x0] =	vst.idx.msk $0xffff, v1;
	v2 =	vld [tilespmem:$0x1FE20];
	_ =	sdelay $0x2  }
0x47c: {  	v1 =	vld [tilespmem:$0x8240];
	_ =	sdelay $0x4  }
0x47d: {  	[tilespmem:v2+s18+$0x0] =	vst.idx.msk $0xffff, v1;
	v2 =	vld [tilespmem:$0x1FE30];
	_ =	sdelay $0x2  }
0x47e: {  	v1 =	vld [tilespmem:$0x8250];
	_ =	sdelay $0x4  }
0x47f: {  	[tilespmem:v2+s18+$0x0] =	vst.idx.msk $0xffff, v1;
	v2 =	vld [tilespmem:$0x1FE40];
	_ =	sdelay $0x2  }
0x480: {  	v1 =	vld [tilespmem:$0x8260];
	_ =	sdelay $0x4  }
0x481: {  	[tilespmem:v2+s18+$0x0] =	vst.idx.msk $0xffff, v1;
	v2 =	vld [tilespmem:$0x1FE50];
	_ =	sdelay $0x2  }
0x482: {  	v1 =	vld [tilespmem:$0x8270];
	_ =	sdelay $0x4  }
0x483: {  	[tilespmem:v2+s18+$0x0] =	vst.idx.msk $0xffff, v1;
	v2 =	vld [tilespmem:$0x1FE60];
	_ =	sdelay $0x2  }
0x484: {  	v1 =	vld [tilespmem:$0x8280];
	_ =	sdelay $0x4  }
0x485: {  	[tilespmem:v2+s18+$0x0] =	vst.idx.msk $0xffff, v1;
	v2 =	vld [tilespmem:$0x1FE70];
	_ =	sdelay $0x2  }
0x486: {  	v1 =	vld [tilespmem:$0x8290];
	_ =	sdelay $0x4  }
0x487: {  	[tilespmem:v2+s18+$0x0] =	vst.idx.msk $0xffff, v1;
	v2 =	vld [tilespmem:$0x1FE80];
	_ =	sdelay $0x2  }
0x488: {  	v1 =	vld [tilespmem:$0x82A0];
	_ =	sdelay $0x4  }
0x489: {  	[tilespmem:v2+s18+$0x0] =	vst.idx.msk $0xffff, v1;
	v2 =	vld [tilespmem:$0x1FE90];
	_ =	sdelay $0x2  }
0x48a: {  	v1 =	vld [tilespmem:$0x82B0];
	_ =	sdelay $0x4  }
0x48b: {  	[tilespmem:v2+s18+$0x0] =	vst.idx.msk $0xffff, v1;
	v2 =	vld [tilespmem:$0x1FEA0];
	_ =	sdelay $0x2  }
0x48c: {  	v1 =	vld [tilespmem:$0x82C0];
	_ =	sdelay $0x4  }
0x48d: {  	[tilespmem:v2+s18+$0x0] =	vst.idx.msk $0xffff, v1;
	v2 =	vld [tilespmem:$0x1FEB0];
	_ =	sdelay $0x2  }
0x48e: {  	v1 =	vld [tilespmem:$0x82D0];
	_ =	sdelay $0x4  }
0x48f: {  	[tilespmem:v2+s18+$0x0] =	vst.idx.msk $0xffff, v1;
	v2 =	vld [tilespmem:$0x1FEC0];
	_ =	sdelay $0x2  }
0x490: {  	v1 =	vld [tilespmem:$0x82E0];
	_ =	sdelay $0x4  }
0x491: {  	[tilespmem:v2+s18+$0x0] =	vst.idx.msk $0xffff, v1;
	v2 =	vld [tilespmem:$0x1FED0];
	_ =	sdelay $0x2  }
0x492: {  	v1 =	vld [tilespmem:$0x82F0];
	_ =	sdelay $0x4  }
0x493: {  	[tilespmem:v2+s18+$0x0] =	vst.idx.msk $0xffff, v1;
	v2 =	vld [tilespmem:$0x1FEE0];
	_ =	sdelay $0x2  }
0x494: {  	v1 =	vld [tilespmem:$0x8300];
	_ =	sdelay $0x4  }
0x495: {  	[tilespmem:v2+s18+$0x0] =	vst.idx.msk $0xffff, v1;
	v2 =	vld [tilespmem:$0x1FEF0];
	_ =	sdelay $0x2  }
0x496: {  	v1 =	vld [tilespmem:$0x8310];
	_ =	sdelay $0x4  }
0x497: {  	[tilespmem:v2+s18+$0x0] =	vst.idx.msk $0xffff, v1;
	v2 =	vld [tilespmem:$0x1FF00];
	_ =	sdelay $0x2  }
0x498: {  	v1 =	vld [tilespmem:$0x8320];
	_ =	sdelay $0x4  }
0x499: {  	[tilespmem:v2+s18+$0x0] =	vst.idx.msk $0xffff, v1;
	v2 =	vld [tilespmem:$0x1FF10];
	_ =	sdelay $0x2  }
0x49a: {  	v1 =	vld [tilespmem:$0x8330];
	_ =	sdelay $0x4  }
0x49b: {  	[tilespmem:v2+s18+$0x0] =	vst.idx.msk $0xffff, v1;
	v2 =	vld [tilespmem:$0x1FF20];
	_ =	sdelay $0x2  }
0x49c: {  	v1 =	vld [tilespmem:$0x8340];
	_ =	sdelay $0x4  }
0x49d: {  	[tilespmem:v2+s18+$0x0] =	vst.idx.msk $0xffff, v1;
	v2 =	vld [tilespmem:$0x1FF30];
	_ =	sdelay $0x2  }
0x49e: {  	v1 =	vld [tilespmem:$0x8350];
	_ =	sdelay $0x4  }
0x49f: {  	[tilespmem:v2+s18+$0x0] =	vst.idx.msk $0xffff, v1;
	v2 =	vld [tilespmem:$0x1FF40];
	_ =	sdelay $0x2  }
0x4a0: {  	v1 =	vld [tilespmem:$0x8360];
	_ =	sdelay $0x4  }
0x4a1: {  	[tilespmem:v2+s18+$0x0] =	vst.idx.msk $0xffff, v1;
	v2 =	vld [tilespmem:$0x1FF50];
	_ =	sdelay $0x2  }
0x4a2: {  	v1 =	vld [tilespmem:$0x8370];
	_ =	sdelay $0x4  }
0x4a3: {  	[tilespmem:v2+s18+$0x0] =	vst.idx.msk $0xffff, v1;
	v2 =	vld [tilespmem:$0x1FF60];
	_ =	sdelay $0x2  }
0x4a4: {  	v1 =	vld [tilespmem:$0x8380];
	_ =	sdelay $0x4  }
0x4a5: {  	[tilespmem:v2+s18+$0x0] =	vst.idx.msk $0xffff, v1;
	v2 =	vld [tilespmem:$0x1FF70];
	_ =	sdelay $0x2  }
0x4a6: {  	v1 =	vld [tilespmem:$0x8390];
	_ =	sdelay $0x4  }
0x4a7: {  	[tilespmem:v2+s18+$0x0] =	vst.idx.msk $0xffff, v1;
	v2 =	vld [tilespmem:$0x1FF80];
	_ =	sdelay $0x2  }
0x4a8: {  	v1 =	vld [tilespmem:$0x83A0];
	_ =	sdelay $0x4  }
0x4a9: {  	[tilespmem:v2+s18+$0x0] =	vst.idx.msk $0xffff, v1;
	v2 =	vld [tilespmem:$0x1FF90];
	_ =	sdelay $0x2  }
0x4aa: {  	v1 =	vld [tilespmem:$0x83B0];
	_ =	sdelay $0x4  }
0x4ab: {  	[tilespmem:v2+s18+$0x0] =	vst.idx.msk $0xffff, v1;
	v2 =	vld [tilespmem:$0x1FFA0];
	_ =	sdelay $0x2  }
0x4ac: {  	v1 =	vld [tilespmem:$0x83C0];
	_ =	sdelay $0x4  }
0x4ad: {  	[tilespmem:v2+s18+$0x0] =	vst.idx.msk $0xffff, v1;
	v2 =	vld [tilespmem:$0x1FFB0];
	_ =	sdelay $0x2  }
0x4ae: {  	v1 =	vld [tilespmem:$0x83D0];
	_ =	sdelay $0x4  }
0x4af: {  	[tilespmem:v2+s18+$0x0] =	vst.idx.msk $0xffff, v1;
	v2 =	vld [tilespmem:$0x1FFC0];
	_ =	sdelay $0x2  }
0x4b0: {  	v1 =	vld [tilespmem:$0x83E0];
	_ =	sdelay $0x4  }
0x4b1: {  	[tilespmem:v2+s18+$0x0] =	vst.idx.msk $0xffff, v1;
	v2 =	vld [tilespmem:$0x1FFD0];
	_ =	sdelay $0x2  }
0x4b2: {  	v1 =	vld [tilespmem:$0x83F0];
	_ =	sdelay $0x3  }
0x4b3: {  	s26 =	sadd.s32 $0x200, s26  }
0x4b4: {  	s28 =	sadd.s32 $0x80, s22;
	s1 =	sadd.s32 @!p1 $0x180, s24;
	s24 =	simm.s32 @!p1 $0x7400;
	[tilespmem:v2+s18+$0x0] =	vst.idx.msk $0xffff, v1  }
0x4b5: {  	[tilespmem:s24], [sflag:$0x2] =	stream.indirect.gather @!p1 [hbm4b:s4+s25], $0x20, s1, s25, $0xb8;
	[tilespmem:$0xA600] =	vst v63  }
0x4b6: {  	s1 =	sand.u32 $0xFFFC000, s26;
	s24 =	sand.u32 $0xF80, s28  }
0x4b7: {  	s24 =	sor.u32 s24, s1  }
0x4b8: {  	s29 =	sld [smem:$0x7DF];
	s1 =	sadd.s32 s2, s24  }
0x4b9: {  	[hbm4b:s1+s3] =	stream.linear.scatter [tilespmem:s18], [sflag:$0x4], $0x80, $0x38;
	[tilespmem:$0xA600] =	vst v63  }
0x4ba: {  	s31 =	sld [smem:$0x7E0];
	s30 =	sadd.s32 $0x10, s1  }
0x4bb: {  	[hbm4b:s30+s3] =	stream.linear.scatter [tilespmem:s29], [sflag:$0x4], $0x80, $0x38;
	[tilespmem:$0xA600] =	vst v63  }
0x4bc: {  	s26 =	sadd.s32 $0x20, s1;
	s29 =	sld [smem:$0x7E1]  }
0x4bd: {  	[hbm4b:s26+s3] =	stream.linear.scatter [tilespmem:s31], [sflag:$0x4], $0x80, $0x38;
	[tilespmem:$0xA600] =	vst v63  }
0x4be: {  	s30 =	sadd.s32 $0x30, s1;
	s31 =	sld [smem:$0x7E2]  }
0x4bf: {  	[hbm4b:s30+s3] =	stream.linear.scatter [tilespmem:s29], [sflag:$0x4], $0x80, $0x38;
	[tilespmem:$0xA600] =	vst v63  }
0x4c0: {  	s29 =	sadd.s32 $0x40, s1;
	s30 =	sld [smem:$0x7E3]  }
0x4c1: {  	[hbm4b:s29+s3] =	stream.linear.scatter [tilespmem:s31], [sflag:$0x4], $0x80, $0x38;
	[tilespmem:$0xA600] =	vst v63  }
0x4c2: {  	s31 =	sadd.s32 $0x50, s1;
	s29 =	sld [smem:$0x7E4]  }
0x4c3: {  	[hbm4b:s31+s3] =	stream.linear.scatter [tilespmem:s30], [sflag:$0x4], $0x80, $0x38;
	[tilespmem:$0xA600] =	vst v63  }
0x4c4: {  	s30 =	sadd.s32 $0x60, s1;
	s31 =	sld [smem:$0x7E5]  }
0x4c5: {  	[hbm4b:s30+s3] =	stream.linear.scatter [tilespmem:s29], [sflag:$0x4], $0x80, $0x38;
	[tilespmem:$0xA600] =	vst v63  }
0x4c6: {  	s28 =	sld [smem:$0x7E6];
	s1 =	sadd.s32 $0x70, s1  }
0x4c7: {  	[hbm4b:s1+s3] =	stream.linear.scatter [tilespmem:s31], [sflag:$0x4], $0x80, $0x38;
	[tilespmem:$0xA600] =	vst v63  }
0x4c8: {  	s29 =	sld [smem:$0x7E7];
	s1 =	sadd.s32 s24, s6  }
0x4c9: {  	[hbm4b:s1+s3] =	stream.linear.scatter [tilespmem:s28], [sflag:$0x4], $0x80, $0x38;
	[tilespmem:$0xA600] =	vst v63  }
0x4ca: {  	s31 =	sld [smem:$0x7E8];
	s30 =	sadd.s32 $0x10, s1  }
0x4cb: {  	[hbm4b:s30+s3] =	stream.linear.scatter [tilespmem:s29], [sflag:$0x4], $0x80, $0x38;
	[tilespmem:$0xA600] =	vst v63  }
0x4cc: {  	s26 =	sadd.s32 $0x20, s1;
	s29 =	sld [smem:$0x7E9]  }
0x4cd: {  	[hbm4b:s26+s3] =	stream.linear.scatter [tilespmem:s31], [sflag:$0x4], $0x80, $0x38;
	[tilespmem:$0xA600] =	vst v63  }
0x4ce: {  	s30 =	sadd.s32 $0x30, s1;
	s31 =	sld [smem:$0x7EA]  }
0x4cf: {  	[hbm4b:s30+s3] =	stream.linear.scatter [tilespmem:s29], [sflag:$0x4], $0x80, $0x38;
	[tilespmem:$0xA600] =	vst v63  }
0x4d0: {  	s29 =	sadd.s32 $0x40, s1;
	s30 =	sld [smem:$0x7EB]  }
0x4d1: {  	[hbm4b:s29+s3] =	stream.linear.scatter [tilespmem:s31], [sflag:$0x4], $0x80, $0x38;
	[tilespmem:$0xA600] =	vst v63  }
0x4d2: {  	s31 =	sadd.s32 $0x50, s1;
	s29 =	sld [smem:$0x7EC]  }
0x4d3: {  	[hbm4b:s31+s3] =	stream.linear.scatter [tilespmem:s30], [sflag:$0x4], $0x80, $0x38;
	[tilespmem:$0xA600] =	vst v63  }
0x4d4: {  	s30 =	sadd.s32 $0x60, s1;
	s31 =	sld [smem:$0x7ED]  }
0x4d5: {  	[hbm4b:s30+s3] =	stream.linear.scatter [tilespmem:s29], [sflag:$0x4], $0x80, $0x38;
	[tilespmem:$0xA600] =	vst v63  }
0x4d6: {  	s28 =	sld [smem:$0x7EE];
	s1 =	sadd.s32 $0x70, s1  }
0x4d7: {  	[hbm4b:s1+s3] =	stream.linear.scatter [tilespmem:s31], [sflag:$0x4], $0x80, $0x38;
	[tilespmem:$0xA600] =	vst v63  }
0x4d8: {  	s29 =	sld [smem:$0x7EF];
	s1 =	sadd.s32 s24, s7  }
0x4d9: {  	[hbm4b:s1+s3] =	stream.linear.scatter [tilespmem:s28], [sflag:$0x4], $0x80, $0x38;
	[tilespmem:$0xA600] =	vst v63  }
0x4da: {  	s31 =	sld [smem:$0x7F0];
	s30 =	sadd.s32 $0x10, s1  }
0x4db: {  	[hbm4b:s30+s3] =	stream.linear.scatter [tilespmem:s29], [sflag:$0x4], $0x80, $0x38;
	[tilespmem:$0xA600] =	vst v63  }
0x4dc: {  	s26 =	sadd.s32 $0x20, s1;
	s29 =	sld [smem:$0x7F1]  }
0x4dd: {  	[hbm4b:s26+s3] =	stream.linear.scatter [tilespmem:s31], [sflag:$0x4], $0x80, $0x38;
	[tilespmem:$0xA600] =	vst v63  }
0x4de: {  	s30 =	sadd.s32 $0x30, s1;
	s31 =	sld [smem:$0x7F2]  }
0x4df: {  	[hbm4b:s30+s3] =	stream.linear.scatter [tilespmem:s29], [sflag:$0x4], $0x80, $0x38;
	[tilespmem:$0xA600] =	vst v63  }
0x4e0: {  	s26 =	sadd.s32 $0x40, s1;
	s29 =	sld [smem:$0x7F3]  }
0x4e1: {  	[hbm4b:s26+s3] =	stream.linear.scatter [tilespmem:s31], [sflag:$0x4], $0x80, $0x38;
	[tilespmem:$0xA600] =	vst v63  }
0x4e2: {  	s30 =	sadd.s32 $0x50, s1;
	s31 =	sld [smem:$0x7F4]  }
0x4e3: {  	[hbm4b:s30+s3] =	stream.linear.scatter [tilespmem:s29], [sflag:$0x4], $0x80, $0x38;
	[tilespmem:$0xA600] =	vst v63  }
0x4e4: {  	s29 =	sadd.s32 $0x60, s1;
	s30 =	sld [smem:$0x7F5]  }
0x4e5: {  	[hbm4b:s29+s3] =	stream.linear.scatter [tilespmem:s31], [sflag:$0x4], $0x80, $0x38;
	[tilespmem:$0xA600] =	vst v63  }
0x4e6: {  	s1 =	sadd.s32 $0x70, s1;
	s31 =	sld [smem:$0x7F6]  }
0x4e7: {  	[hbm4b:s1+s3] =	stream.linear.scatter [tilespmem:s30], [sflag:$0x4], $0x80, $0x38;
	[tilespmem:$0xA600] =	vst v63  }
0x4e8: {  	s26 =	sld [smem:$0x7F7];
	s1 =	sadd.s32 s24, s8  }
0x4e9: {  	[hbm4b:s1+s3] =	stream.linear.scatter [tilespmem:s31], [sflag:$0x4], $0x80, $0x38;
	[tilespmem:$0xA600] =	vst v63  }
0x4ea: {  	s29 =	sld [smem:$0x7F8];
	s28 =	sadd.s32 $0x10, s1  }
0x4eb: {  	[hbm4b:s28+s3] =	stream.linear.scatter [tilespmem:s26], [sflag:$0x4], $0x80, $0x38;
	[tilespmem:$0xA600] =	vst v63  }
0x4ec: {  	s30 =	sadd.s32 $0x20, s1;
	s31 =	sld [smem:$0x7F9]  }
0x4ed: {  	[hbm4b:s30+s3] =	stream.linear.scatter [tilespmem:s29], [sflag:$0x4], $0x80, $0x38;
	[tilespmem:$0xA600] =	vst v63  }
0x4ee: {  	s28 =	sadd.s32 $0x30, s1;
	s29 =	sld [smem:$0x7FA]  }
0x4ef: {  	[hbm4b:s28+s3] =	stream.linear.scatter [tilespmem:s31], [sflag:$0x4], $0x80, $0x38;
	[tilespmem:$0xA600] =	vst v63  }
0x4f0: {  	s23 =	sadd.s32 $0x400, s23;
	s30 =	sadd.s32 $0x40, s1;
	s31 =	sld [smem:$0x7FB]  }
0x4f1: {  	[hbm4b:s30+s3] =	stream.linear.scatter [tilespmem:s29], [sflag:$0x4], $0x80, $0x38;
	[tilespmem:$0xA600] =	vst v63  }
0x4f2: {  	p0 =	sne.s32 s23, $0x19000;
	s28 =	sadd.s32 $0x50, s1;
	s29 =	sld [smem:$0x7FC]  }
0x4f3: {  	[hbm4b:s28+s3] =	stream.linear.scatter [tilespmem:s31], [sflag:$0x4], $0x80, $0x38;
	[tilespmem:$0xA600] =	vst v63  }
.Ltmp0:
0x4f4: {  	_ = 	snop;
	(pc) =	sbr.rel @p0 .LBB2_2-.Ltmp0, $4  }
0x4f5: {  	s30 =	sadd.s32 $0x60, s1;
	s31 =	sld [smem:$0x7FD]  }
0x4f6: {  	[hbm4b:s30+s3] =	stream.linear.scatter [tilespmem:s29], [sflag:$0x4], $0x80, $0x38;
	[tilespmem:$0xA600] =	vst v63  }
0x4f7: {  	s22 =	sadd.s32 $0x100, s22;
	s1 =	sadd.s32 $0x70, s1  }
0x4f8: {  	v2 =	vld [tilespmem:$0x1FFF0];
	[hbm4b:s1+s3] =	stream.linear.scatter [tilespmem:s31], [sflag:$0x4], $0x80, $0x38  }
0x4f9: {  	_ =	swait.ge [sflag:s19], $0x400  }
0x4fa: {  	[sflag:s19] =	ssyncset.done $0x0  }
0x4fb: {  	[sflag:s19] =	ssyncadd.s32 $0xFFFFFC00  }
0x4fc: {  	_ =	swait.ge [sflag:s19], $0x400  }
0x4fd: {  	[sflag:s19] =	ssyncset.done $0x0  }
0x4fe: {  	[sflag:s19] =	ssyncadd.s32 $0xFFFFFC00  }
0x4ff: {  	_ =	swait.ge [sflag:s19], $0x400  }
0x500: {  	[sflag:s19] =	ssyncset.done $0x0  }
0x501: {  	[sflag:s19] =	ssyncadd.s32 $0xFFFFFC00  }
0x502: {  	_ =	swait.ge [sflag:s19], $0x400  }
0x503: {  	[sflag:s19] =	ssyncset.done $0x0  }
0x504: {  	[sflag:s19] =	ssyncadd.s32 $0xFFFFFC00  }
0x505: {  	_ =	swait.ge [sflag:s20], $0x400  }
0x506: {  	[sflag:s20] =	ssyncset.done $0x0  }
0x507: {  	[sflag:s20] =	ssyncadd.s32 $0xFFFFFC00  }
0x508: {  	_ =	swait.ge [sflag:s20], $0x400  }
0x509: {  	[sflag:s20] =	ssyncset.done $0x0  }
0x50a: {  	s21 =	sadd.s32 $0x1, s21;
	[sflag:s20] =	ssyncadd.s32 $0xFFFFFC00  }
0x50b: {  	p0 =	sne.s32 s21, s9;
	_ =	swait.ge [sflag:s20], $0x400  }
.Ltmp1:
0x50c: {  	[sflag:s20] =	ssyncset.done $0x0;
	(pc) =	sbr.rel @p0 .LBB2_1-.Ltmp1, $4  }
0x50d: {  	[sflag:s20] =	ssyncadd.s32 $0xFFFFFC00  }
0x50e: {  	_ =	swait.ge [sflag:s20], $0x400  }
0x50f: {  	[sflag:s20] =	ssyncset.done $0x0  }
0x510: {  	[sflag:s20] =	ssyncadd.s32 $0xFFFFFC00  }
0x511: {  	_ =	sfence.sel $0x180000  }
0x512: {  	[bflag:$0x0] =	sbarrier.arrive $0xFFFF  }
0x513: {  	_ =	strace $0x90000047  }
0x514: {  	[bflag:$0x2] =	sbarrier.arrive $0xFFFF  }
0x515: {  	p0 =	sne.s32 s0, $0x0;
	s0 =	rddreg [dreg:$0x3]  }
0x516: {  	s0 =	sadd.s32 @!p0 $0x100000, s0  }
0x517: {  	[sflag:s0] =	ssyncadd.tile.s32 @!p0 $0x1;
	_ =	shalt  }
.Lfunc_end2:
_tile_overlayer_lowered:
.L_overlay_start_2:
0x518: {  	(tag) =	ssettag $0x2  }
0x519: {  	s0 =	rddreg [dreg:$0x0];
	s2 =	stileid.u32  }
0x51a: {  	s1 =	rddreg [dreg:$0x1];
	p0 =	sne.s32 s2, $0x0  }
0x51b: {  	s3 =	rddreg [dreg:$0x2];
	[bflag:$0x3] =	sbarrier.arrive $0xFFFF;
	s2 =	simm.s32 @!p0 $0x1C05  }
0x51c: {  	[timem:s3], [sflag:s2] =	dma.local @!p0 [hbm:s0], s1  }
0x51d: {  	s0 =	simm.s32 @!p0 $0x5  }
0x51e: {  	_ =	swait.ge @!p0 [sflag:s0], s1  }
0x51f: {  	s1 =	ssub.s32 @!p0 $0x0, s1;
	[sflag:s0] =	ssyncset.done @!p0 $0x0  }
0x520: {  	[sflag:s0] =	ssyncadd.s32 @!p0 s1  }
0x521: {  	[bflag:$0x3] =	sbarrier.arrive $0xFFFF  }
0x522: {  	_ =	shalt  }

</sc_bundles>
